<compile_context>
chip_gen: v7x
topology: tpu7x:2x2x1
jax: 0.10.2.dev20260603
libtpu: 0.0.44.dev20260713+nightly
codegen_flags: <defaults>
</compile_context>

<pallas_src>
import jax
import jax.numpy as jnp
from jax import lax
from jax.experimental import pallas as pl
from jax.experimental.pallas import tpu as pltpu
from jax.experimental.pallas import tpu_sc as plsc

_N = 10000
_E = 320000
_R = 8
_B = 4
_D = 128
_C = 16
_NCHUNK = _D // _C
_RN = _R * _N

_NCORE = 2
_NSUB = 16
_PASSES = _NCHUNK // _NCORE
_W = 128
_NWIN = 160
_EPAD = _NSUB * _NWIN * _W
_NB = 4
_WPB = 1
_RPT = _RN // _NSUB
_ZROWS = 40


def _sc_body(xt, srch, dsth, typh, aggo, cnto,
             agg_s, buf_r, gidx, gbs, zb3, sems, ssems):
    core = lax.axis_index("c")
    sub = lax.axis_index("s")

    pltpu.sync_copy(dsth.at[sub], buf_r)
    pltpu.sync_copy(typh.at[sub], gidx)

    def _mk_ridx(w, carry):
        for j in range(_W // 16):
            t16 = gidx[w, pl.ds(j * 16, 16)]
            d16 = buf_r[w, pl.ds(j * 16, 16)]
            buf_r[w, pl.ds(j * 16, 16)] = t16 * _N + d16
        return carry
    lax.fori_loop(0, _NWIN, _mk_ridx, 0)
    pltpu.sync_copy(srch.at[sub], gidx)

    z16 = jnp.zeros((16,), jnp.float32)

    def _fill_zb3(i, carry):
        zb3[i, :] = z16
        return carry
    lax.fori_loop(0, _ZROWS, _fill_zb3, 0)

    one16 = jnp.ones((16,), jnp.float32)

    def _fill_ones(i, carry):
        gbs[0, i, :] = one16
        return carry
    lax.fori_loop(0, _W, _fill_ones, 0)

    def _zero_agg():
        def _z(z, c2):
            pltpu.sync_copy(zb3, agg_s.at[pl.ds(sub * _RPT + z * _ZROWS, _ZROWS)])
            return c2
        lax.fori_loop(0, _RPT // _ZROWS, _z, 0)

    _zero_agg()
    plsc.subcore_barrier()
    halfw = _NWIN // 2
    w0 = core * halfw

    def _cnt_win(w, carry):
        pltpu.sync_copy(gbs.at[0], agg_s.at[buf_r.at[w0 + w]], add=True)
        return carry
    lax.fori_loop(0, halfw, _cnt_win, 0)
    plsc.subcore_barrier()
    pltpu.sync_copy(agg_s.at[pl.ds(sub * _RPT, _RPT)],
                    cnto.at[core, pl.ds(sub * _RPT, _RPT), :])

    for p in range(_PASSES):
        if p == 0:
            def _mk_gidx(w, carry):
                for j in range(_W // 16):
                    s16 = gidx[w, pl.ds(j * 16, 16)]
                    gidx[w, pl.ds(j * 16, 16)] = s16 * _NCHUNK + core * _PASSES
                return carry
        else:
            def _mk_gidx(w, carry):
                for j in range(_W // 16):
                    s16 = gidx[w, pl.ds(j * 16, 16)]
                    gidx[w, pl.ds(j * 16, 16)] = s16 + 1
                return carry
        lax.fori_loop(0, _NWIN, _mk_gidx, 0)

        _zero_agg()
        plsc.subcore_barrier()

        def _group(i, carry):
            wbase = i * _NB * _WPB
            descs = [
                pltpu.async_copy(
                    xt.at[gidx.at[wbase + b]], gbs.at[b], sems.at[b])
                for b in range(_NB)
            ]
            sdescs = []
            for b in range(_NB):
                descs[b].wait()
                sdescs.append(pltpu.async_copy(
                    gbs.at[b], agg_s.at[buf_r.at[wbase + b]],
                    ssems.at[b], add=True))
            for d in sdescs:
                d.wait()
            return carry
        lax.fori_loop(0, _NWIN // (_NB * _WPB), _group, 0)
        plsc.subcore_barrier()

        pltpu.sync_copy(
            agg_s.at[pl.ds(sub * _RPT, _RPT)],
            aggo.at[pl.ds(sub * _RPT, _RPT), pl.ds((core * _PASSES + p) * _C, _C)])


_sc_call = pl.kernel(
    _sc_body,
    out_type=(
        jax.ShapeDtypeStruct((_RN, _D), jnp.float32),
        jax.ShapeDtypeStruct((_NCORE, _RN, _C), jnp.float32),
    ),
    mesh=plsc.VectorSubcoreMesh(core_axis_name="c", subcore_axis_name="s"),
    compiler_params=pltpu.CompilerParams(use_tc_tiling_on_sc=False),
    scratch_types=[
        pltpu.VMEM_SHARED((_RN + _W, _C), jnp.float32),
        pltpu.VMEM((_NWIN, _W), jnp.int32),
        pltpu.VMEM((_NWIN, _W), jnp.int32),
        pltpu.VMEM((_NB, _WPB * _W, _C), jnp.float32),
        pltpu.VMEM((_ZROWS, _C), jnp.float32),
        pltpu.SemaphoreType.DMA((_NB,)),
        pltpu.SemaphoreType.DMA((_NB,)),
    ],
)

_BN = 1000


def _tc_body(x_ref, agg_ref, cnt_ref, w_ref, wc_ref, lw_ref, b_ref, o_ref):
    cnt = cnt_ref[0, :, :, 0] + cnt_ref[1, :, :, 0]
    recip = 1.0 / jnp.maximum(cnt, 1.0)
    acc = jnp.dot(x_ref[...], lw_ref[...], preferred_element_type=jnp.float32)
    g = [None] * _B
    for r in range(_R):
        a = agg_ref[r] * recip[r][:, None]
        for b in range(_B):
            contrib = wc_ref[r, b] * a
            g[b] = contrib if g[b] is None else g[b] + contrib
    for b in range(_B):
        acc = acc + jnp.dot(g[b], w_ref[b], preferred_element_type=jnp.float32)
    o_ref[...] = acc + b_ref[...]


_tc_call = pl.pallas_call(
    _tc_body,
    grid=(_N // _BN,),
    in_specs=[
        pl.BlockSpec((_BN, _D), lambda i: (i, 0)),
        pl.BlockSpec((_R, _BN, _D), lambda i: (0, i, 0)),
        pl.BlockSpec((_NCORE, _R, _BN, _C), lambda i: (0, 0, i, 0)),
        pl.BlockSpec((_B, _D, _D), lambda i: (0, 0, 0)),
        pl.BlockSpec(memory_space=pltpu.SMEM),
        pl.BlockSpec((_D, _D), lambda i: (0, 0)),
        pl.BlockSpec((1, _D), lambda i: (0, 0)),
    ],
    out_specs=pl.BlockSpec((_BN, _D), lambda i: (i, 0)),
    out_shape=jax.ShapeDtypeStruct((_N, _D), jnp.float32),
)


def kernel(x, edge_index, edge_type, weight, w_comp, loop_weight, h_bias):
    npad = _EPAD - _E
    pi = jnp.arange(npad, dtype=jnp.int32)
    src = jnp.concatenate([edge_index[0], pi % _N]).reshape(_NSUB, _NWIN, _W)
    dst = jnp.concatenate([edge_index[1], pi % _W]).reshape(_NSUB, _NWIN, _W)
    typ = jnp.concatenate(
        [edge_type, jnp.full((npad,), _R, jnp.int32)]).reshape(_NSUB, _NWIN, _W)
    xt = x.reshape(_N * _NCHUNK, _C)
    agg, cnt = _sc_call(xt, src, dst, typ)
    aggv = agg.reshape(_R, _N, _D)
    cntv = cnt.reshape(_NCORE, _R, _N, _C)
    return _tc_call(x, aggv, cntv, weight, w_comp, loop_weight,
                    h_bias.reshape(1, _D))

# --- scband reference (transcript-rebuilt; emitter-appended) ---
"""Pipeline reference for scband-rel-graph-conv-hetero-25890062860614 (READ-ONLY COPY).

The authoritative reference and input builder live on the scoring server;
editing this copy changes nothing except your own understanding.
"""

import jax, jax.numpy as jnp
import numpy as np

N = 10000
E = 320000
R = 8
B = 4
D_IN = 128
D_OUT = 128


def setup_inputs(seed: int = 0) -> dict:
    key = jax.random.key(seed)
    ks = jax.random.split(key, 7)
    x = jax.random.normal(ks[0], (N, D_IN), dtype=jnp.float32)
    edge_index = jax.random.randint(ks[1], (2, E), 0, N, dtype=jnp.int32)
    edge_type = jax.random.randint(ks[2], (E,), 0, R, dtype=jnp.int32)
    # basis-decomposed relation weights (xavier-ish scale)
    weight = jax.random.normal(ks[3], (B, D_IN, D_OUT), dtype=jnp.float32) * (2.0 / (D_IN + D_OUT)) ** 0.5
    w_comp = jax.random.normal(ks[4], (R, B), dtype=jnp.float32) * (2.0 / (R + B)) ** 0.5
    loop_weight = jax.random.normal(ks[5], (D_IN, D_OUT), dtype=jnp.float32) * (2.0 / (D_IN + D_OUT)) ** 0.5
    h_bias = jnp.zeros((D_OUT,), dtype=jnp.float32)
    return {"x": x, "edge_index": edge_index, "edge_type": edge_type,
            "weight": weight, "w_comp": w_comp, "loop_weight": loop_weight, "h_bias": h_bias}


def reference(x, edge_index, edge_type, weight, w_comp, loop_weight, h_bias):
    # basis_weight(): num_bases < num_rels -> compose per-relation weights
    ws = jnp.matmul(w_comp, weight.reshape(B, D_IN * D_OUT)).reshape(R, D_IN, D_OUT)
    # per-relation transformed source features (h%d = x @ ws[rel])
    h_all = jnp.einsum('ni,rio->rno', x, ws)  # [R, N, D_OUT]
    src = edge_index[0]
    dst = edge_index[1]
    # copy_u message per edge, typed by its relation
    msg = h_all[edge_type, src]  # [E, D_OUT]
    # per-(relation, dst) mean reduce, then 'sum' across relations
    cnt = jnp.zeros((R, N), dtype=jnp.float32).at[edge_type, dst].add(1.0)
    denom = jnp.maximum(cnt[edge_type, dst], 1.0)
    msg = msg / denom[:, None]
    h = jnp.zeros((N, D_OUT), dtype=jnp.float32).at[dst].add(msg)
    # self loop + bias (activation=None, dropout=0.0)
    h = h + jnp.matmul(x, loop_weight)
    h = h + h_bias
    return h

if __name__ == "__main__":
    import jax
    _d = setup_inputs()
    print(jax.jit(kernel)(*tuple(_d.values())))

</pallas_src>

<mosaic_0001>
#map = affine_map<(d0, d1) -> (0, 0)>
#map1 = affine_map<(d0, d1) -> (0, 0, 0)>
module attributes {stable_mosaic.version = 14 : i64} {
  func.func @_sc_body(%arg0: i32, %arg1: i32, %arg2: memref<80000x16xf32, #tpu.memory_space<hbm>>, %arg3: memref<16x160x128xi32, #tpu.memory_space<hbm>>, %arg4: memref<16x160x128xi32, #tpu.memory_space<hbm>>, %arg5: memref<16x160x128xi32, #tpu.memory_space<hbm>>, %arg6: memref<80000x128xf32, #tpu.memory_space<hbm>>, %arg7: memref<2x80000x16xf32, #tpu.memory_space<hbm>>, %arg8: memref<80128x16xf32, #tpu.memory_space<vmem_shared>>, %arg9: memref<160x128xi32, #tpu.memory_space<vmem>>, %arg10: memref<160x128xi32, #tpu.memory_space<vmem>>, %arg11: memref<4x128x16xf32, #tpu.memory_space<vmem>>, %arg12: memref<40x16xf32, #tpu.memory_space<vmem>>, %arg13: memref<4x!tpu.dma_semaphore, #tpu.memory_space<semaphore_mem>>, %arg14: memref<4x!tpu.dma_semaphore, #tpu.memory_space<semaphore_mem>>) attributes {dimension_semantics = [#tpu.dimension_semantics<core_parallel>, #tpu.dimension_semantics<subcore_parallel>], iteration_bounds = array<i64: 2, 16>, scalar_prefetch = 0 : i64, scratch_operands = 7 : i64, tpu.core_type = #tpu.core_type<sc_vector_subcore>, window_params = [{transform_indices = #map}, {transform_indices = #map1}, {transform_indices = #map1}, {transform_indices = #map1}, {transform_indices = #map}, {transform_indices = #map1}]} {
    "tpu.region"() ({
      %run_scoped3A = tpu.sem_alloc : memref<!tpu.dma_semaphore, #tpu.memory_space<semaphore_mem>>
      %dma_start3A = arith.constant 0 : i32
      %dma_start3A_157 = arith.constant 0 : i32
      %dma_start3A_158 = tpu.memref_slice %arg4[%arg1, %dma_start3A, %dma_start3A_157] : memref<16x160x128xi32, #tpu.memory_space<hbm>> -> memref<1x160x128xi32, #tpu.memory_space<hbm>>
      %dma_start3A_159 = tpu.memref_squeeze %dma_start3A_158 : memref<1x160x128xi32, #tpu.memory_space<hbm>> -> memref<160x128xi32, #tpu.memory_space<hbm>>
      %dma_start3A_160 = arith.constant 0 : i32
      %dma_start3A_161 = arith.constant 0 : i32
      %dma_start3A_162 = tpu.memref_slice %arg4[%arg1, %dma_start3A_160, %dma_start3A_161] : memref<16x160x128xi32, #tpu.memory_space<hbm>> -> memref<1x160x128xi32, #tpu.memory_space<hbm>>
      %dma_start3A_163 = tpu.memref_squeeze %dma_start3A_162 : memref<1x160x128xi32, #tpu.memory_space<hbm>> -> memref<160x128xi32, #tpu.memory_space<hbm>>
      tpu.enqueue_dma source(%dma_start3A_163 : memref<160x128xi32, #tpu.memory_space<hbm>>) target(%arg9 : memref<160x128xi32, #tpu.memory_space<vmem>>) target_semaphore(%run_scoped3A : memref<!tpu.dma_semaphore, #tpu.memory_space<semaphore_mem>>)
      %dma_wait3A = arith.constant 0 : i32
      %dma_wait3A_164 = arith.constant 0 : i32
      %dma_wait3A_165 = tpu.memref_slice %arg4[%arg1, %dma_wait3A, %dma_wait3A_164] : memref<16x160x128xi32, #tpu.memory_space<hbm>> -> memref<1x160x128xi32, #tpu.memory_space<hbm>>
      %dma_wait3A_166 = tpu.memref_squeeze %dma_wait3A_165 : memref<1x160x128xi32, #tpu.memory_space<hbm>> -> memref<160x128xi32, #tpu.memory_space<hbm>>
      %dma_wait3A_167 = arith.constant 0 : i32
      %dma_wait3A_168 = arith.constant 0 : i32
      %dma_wait3A_169 = tpu.memref_slice %arg4[%arg1, %dma_wait3A_167, %dma_wait3A_168] : memref<16x160x128xi32, #tpu.memory_space<hbm>> -> memref<1x160x128xi32, #tpu.memory_space<hbm>>
      %dma_wait3A_170 = tpu.memref_squeeze %dma_wait3A_169 : memref<1x160x128xi32, #tpu.memory_space<hbm>> -> memref<160x128xi32, #tpu.memory_space<hbm>>
      tpu.wait_dma2 semaphore(%run_scoped3A : memref<!tpu.dma_semaphore, #tpu.memory_space<semaphore_mem>>) src(%dma_wait3A_170 : memref<160x128xi32, #tpu.memory_space<hbm>>) dst(%arg9 : memref<160x128xi32, #tpu.memory_space<vmem>>)
      tpu.yield
    }) : () -> ()
    "tpu.region"() ({
      %run_scoped3A = tpu.sem_alloc : memref<!tpu.dma_semaphore, #tpu.memory_space<semaphore_mem>>
      %dma_start3A = arith.constant 0 : i32
      %dma_start3A_157 = arith.constant 0 : i32
      %dma_start3A_158 = tpu.memref_slice %arg5[%arg1, %dma_start3A, %dma_start3A_157] : memref<16x160x128xi32, #tpu.memory_space<hbm>> -> memref<1x160x128xi32, #tpu.memory_space<hbm>>
      %dma_start3A_159 = tpu.memref_squeeze %dma_start3A_158 : memref<1x160x128xi32, #tpu.memory_space<hbm>> -> memref<160x128xi32, #tpu.memory_space<hbm>>
      %dma_start3A_160 = arith.constant 0 : i32
      %dma_start3A_161 = arith.constant 0 : i32
      %dma_start3A_162 = tpu.memref_slice %arg5[%arg1, %dma_start3A_160, %dma_start3A_161] : memref<16x160x128xi32, #tpu.memory_space<hbm>> -> memref<1x160x128xi32, #tpu.memory_space<hbm>>
      %dma_start3A_163 = tpu.memref_squeeze %dma_start3A_162 : memref<1x160x128xi32, #tpu.memory_space<hbm>> -> memref<160x128xi32, #tpu.memory_space<hbm>>
      tpu.enqueue_dma source(%dma_start3A_163 : memref<160x128xi32, #tpu.memory_space<hbm>>) target(%arg10 : memref<160x128xi32, #tpu.memory_space<vmem>>) target_semaphore(%run_scoped3A : memref<!tpu.dma_semaphore, #tpu.memory_space<semaphore_mem>>)
      %dma_wait3A = arith.constant 0 : i32
      %dma_wait3A_164 = arith.constant 0 : i32
      %dma_wait3A_165 = tpu.memref_slice %arg5[%arg1, %dma_wait3A, %dma_wait3A_164] : memref<16x160x128xi32, #tpu.memory_space<hbm>> -> memref<1x160x128xi32, #tpu.memory_space<hbm>>
      %dma_wait3A_166 = tpu.memref_squeeze %dma_wait3A_165 : memref<1x160x128xi32, #tpu.memory_space<hbm>> -> memref<160x128xi32, #tpu.memory_space<hbm>>
      %dma_wait3A_167 = arith.constant 0 : i32
      %dma_wait3A_168 = arith.constant 0 : i32
      %dma_wait3A_169 = tpu.memref_slice %arg5[%arg1, %dma_wait3A_167, %dma_wait3A_168] : memref<16x160x128xi32, #tpu.memory_space<hbm>> -> memref<1x160x128xi32, #tpu.memory_space<hbm>>
      %dma_wait3A_170 = tpu.memref_squeeze %dma_wait3A_169 : memref<1x160x128xi32, #tpu.memory_space<hbm>> -> memref<160x128xi32, #tpu.memory_space<hbm>>
      tpu.wait_dma2 semaphore(%run_scoped3A : memref<!tpu.dma_semaphore, #tpu.memory_space<semaphore_mem>>) src(%dma_wait3A_170 : memref<160x128xi32, #tpu.memory_space<hbm>>) dst(%arg10 : memref<160x128xi32, #tpu.memory_space<vmem>>)
      tpu.yield
    }) : () -> ()
    %scan3A = arith.constant 0 : i32
    %scan3A_0 = arith.constant 0 : i32
    %scan3A_1 = arith.constant 160 : i32
    %scan3A_2 = arith.addi %scan3A_0, %scan3A_1 : i32
    %scan3A_3 = arith.constant 1 : i32
    scf.for %scan3A_157 = %scan3A_0 to %scan3A_2 step %scan3A_3  : i32 {
      %get3A = arith.index_cast %scan3A_157 : i32 to index
      %get3A_158 = arith.constant 0 : index
      %get3A_159 = tpu.vector_load %arg10[%get3A, %get3A_158] {strides = array<i32>} : memref<160x128xi32, #tpu.memory_space<vmem>>, vector<1x16xi32>,
      %get3A_160 = vector.shape_cast %get3A_159 : vector<1x16xi32> to vector<16xi32>
      %get3A_161 = arith.index_cast %scan3A_157 : i32 to index
      %get3A_162 = arith.constant 0 : index
      %get3A_163 = tpu.vector_load %arg9[%get3A_161, %get3A_162] {strides = array<i32>} : memref<160x128xi32, #tpu.memory_space<vmem>>, vector<1x16xi32>,
      %get3A_164 = vector.shape_cast %get3A_163 : vector<1x16xi32> to vector<16xi32>
      %mul3A_165 = arith.constant 10000 : i32
      %mul3A_166 = vector.broadcast %mul3A_165 : i32 to vector<16xi32>
      %mul3A_167 = arith.muli %get3A_160, %mul3A_166 : vector<16xi32>
      %add3A_168 = arith.addi %mul3A_167, %get3A_164 : vector<16xi32>
      %swap3A = arith.index_cast %scan3A_157 : i32 to index
      %swap3A_169 = arith.constant 0 : index
      %swap3A_170 = tpu.vector_load %arg9[%swap3A, %swap3A_169] {strides = array<i32>} : memref<160x128xi32, #tpu.memory_space<vmem>>, vector<1x16xi32>,
      %swap3A_171 = vector.shape_cast %swap3A_170 : vector<1x16xi32> to vector<16xi32>
      %swap3A_172 = vector.shape_cast %add3A_168 : vector<16xi32> to vector<1x16xi32>
      tpu.vector_store %arg9[%swap3A, %swap3A_169], %swap3A_172 {strides = array<i32>} : memref<160x128xi32, #tpu.memory_space<vmem>>, vector<1x16xi32>,
      %get3A_173 = arith.index_cast %scan3A_157 : i32 to index
      %get3A_174 = arith.constant 16 : index
      %get3A_175 = tpu.vector_load %arg10[%get3A_173, %get3A_174] {strides = array<i32>} : memref<160x128xi32, #tpu.memory_space<vmem>>, vector<1x16xi32>,
      %get3A_176 = vector.shape_cast %get3A_175 : vector<1x16xi32> to vector<16xi32>
      %get3A_177 = arith.index_cast %scan3A_157 : i32 to index
      %get3A_178 = arith.constant 16 : index
      %get3A_179 = tpu.vector_load %arg9[%get3A_177, %get3A_178] {strides = array<i32>} : memref<160x128xi32, #tpu.memory_space<vmem>>, vector<1x16xi32>,
      %get3A_180 = vector.shape_cast %get3A_179 : vector<1x16xi32> to vector<16xi32>
      %mul3A_181 = arith.constant 10000 : i32
      %mul3A_182 = vector.broadcast %mul3A_181 : i32 to vector<16xi32>
      %mul3A_183 = arith.muli %get3A_176, %mul3A_182 : vector<16xi32>
      %add3A_184 = arith.addi %mul3A_183, %get3A_180 : vector<16xi32>
      %swap3A_185 = arith.index_cast %scan3A_157 : i32 to index
      %swap3A_186 = arith.constant 16 : index
      %swap3A_187 = tpu.vector_load %arg9[%swap3A_185, %swap3A_186] {strides = array<i32>} : memref<160x128xi32, #tpu.memory_space<vmem>>, vector<1x16xi32>,
      %swap3A_188 = vector.shape_cast %swap3A_187 : vector<1x16xi32> to vector<16xi32>
      %swap3A_189 = vector.shape_cast %add3A_184 : vector<16xi32> to vector<1x16xi32>
      tpu.vector_store %arg9[%swap3A_185, %swap3A_186], %swap3A_189 {strides = array<i32>} : memref<160x128xi32, #tpu.memory_space<vmem>>, vector<1x16xi32>,
      %get3A_190 = arith.index_cast %scan3A_157 : i32 to index
      %get3A_191 = arith.constant 32 : index
      %get3A_192 = tpu.vector_load %arg10[%get3A_190, %get3A_191] {strides = array<i32>} : memref<160x128xi32, #tpu.memory_space<vmem>>, vector<1x16xi32>,
      %get3A_193 = vector.shape_cast %get3A_192 : vector<1x16xi32> to vector<16xi32>
      %get3A_194 = arith.index_cast %scan3A_157 : i32 to index
      %get3A_195 = arith.constant 32 : index
      %get3A_196 = tpu.vector_load %arg9[%get3A_194, %get3A_195] {strides = array<i32>} : memref<160x128xi32, #tpu.memory_space<vmem>>, vector<1x16xi32>,
      %get3A_197 = vector.shape_cast %get3A_196 : vector<1x16xi32> to vector<16xi32>
      %mul3A_198 = arith.constant 10000 : i32
      %mul3A_199 = vector.broadcast %mul3A_198 : i32 to vector<16xi32>
      %mul3A_200 = arith.muli %get3A_193, %mul3A_199 : vector<16xi32>
      %add3A_201 = arith.addi %mul3A_200, %get3A_197 : vector<16xi32>
      %swap3A_202 = arith.index_cast %scan3A_157 : i32 to index
      %swap3A_203 = arith.constant 32 : index
      %swap3A_204 = tpu.vector_load %arg9[%swap3A_202, %swap3A_203] {strides = array<i32>} : memref<160x128xi32, #tpu.memory_space<vmem>>, vector<1x16xi32>,
      %swap3A_205 = vector.shape_cast %swap3A_204 : vector<1x16xi32> to vector<16xi32>
      %swap3A_206 = vector.shape_cast %add3A_201 : vector<16xi32> to vector<1x16xi32>
      tpu.vector_store %arg9[%swap3A_202, %swap3A_203], %swap3A_206 {strides = array<i32>} : memref<160x128xi32, #tpu.memory_space<vmem>>, vector<1x16xi32>,
      %get3A_207 = arith.index_cast %scan3A_157 : i32 to index
      %get3A_208 = arith.constant 48 : index
      %get3A_209 = tpu.vector_load %arg10[%get3A_207, %get3A_208] {strides = array<i32>} : memref<160x128xi32, #tpu.memory_space<vmem>>, vector<1x16xi32>,
      %get3A_210 = vector.shape_cast %get3A_209 : vector<1x16xi32> to vector<16xi32>
      %get3A_211 = arith.index_cast %scan3A_157 : i32 to index
      %get3A_212 = arith.constant 48 : index
      %get3A_213 = tpu.vector_load %arg9[%get3A_211, %get3A_212] {strides = array<i32>} : memref<160x128xi32, #tpu.memory_space<vmem>>, vector<1x16xi32>,
      %get3A_214 = vector.shape_cast %get3A_213 : vector<1x16xi32> to vector<16xi32>
      %mul3A_215 = arith.constant 10000 : i32
      %mul3A_216 = vector.broadcast %mul3A_215 : i32 to vector<16xi32>
      %mul3A_217 = arith.muli %get3A_210, %mul3A_216 : vector<16xi32>
      %add3A_218 = arith.addi %mul3A_217, %get3A_214 : vector<16xi32>
      %swap3A_219 = arith.index_cast %scan3A_157 : i32 to index
      %swap3A_220 = arith.constant 48 : index
      %swap3A_221 = tpu.vector_load %arg9[%swap3A_219, %swap3A_220] {strides = array<i32>} : memref<160x128xi32, #tpu.memory_space<vmem>>, vector<1x16xi32>,
      %swap3A_222 = vector.shape_cast %swap3A_221 : vector<1x16xi32> to vector<16xi32>
      %swap3A_223 = vector.shape_cast %add3A_218 : vector<16xi32> to vector<1x16xi32>
      tpu.vector_store %arg9[%swap3A_219, %swap3A_220], %swap3A_223 {strides = array<i32>} : memref<160x128xi32, #tpu.memory_space<vmem>>, vector<1x16xi32>,
      %get3A_224 = arith.index_cast %scan3A_157 : i32 to index
      %get3A_225 = arith.constant 64 : index
      %get3A_226 = tpu.vector_load %arg10[%get3A_224, %get3A_225] {strides = array<i32>} : memref<160x128xi32, #tpu.memory_space<vmem>>, vector<1x16xi32>,
      %get3A_227 = vector.shape_cast %get3A_226 : vector<1x16xi32> to vector<16xi32>
      %get3A_228 = arith.index_cast %scan3A_157 : i32 to index
      %get3A_229 = arith.constant 64 : index
      %get3A_230 = tpu.vector_load %arg9[%get3A_228, %get3A_229] {strides = array<i32>} : memref<160x128xi32, #tpu.memory_space<vmem>>, vector<1x16xi32>,
      %get3A_231 = vector.shape_cast %get3A_230 : vector<1x16xi32> to vector<16xi32>
      %mul3A_232 = arith.constant 10000 : i32
      %mul3A_233 = vector.broadcast %mul3A_232 : i32 to vector<16xi32>
      %mul3A_234 = arith.muli %get3A_227, %mul3A_233 : vector<16xi32>
      %add3A_235 = arith.addi %mul3A_234, %get3A_231 : vector<16xi32>
      %swap3A_236 = arith.index_cast %scan3A_157 : i32 to index
      %swap3A_237 = arith.constant 64 : index
      %swap3A_238 = tpu.vector_load %arg9[%swap3A_236, %swap3A_237] {strides = array<i32>} : memref<160x128xi32, #tpu.memory_space<vmem>>, vector<1x16xi32>,
      %swap3A_239 = vector.shape_cast %swap3A_238 : vector<1x16xi32> to vector<16xi32>
      %swap3A_240 = vector.shape_cast %add3A_235 : vector<16xi32> to vector<1x16xi32>
      tpu.vector_store %arg9[%swap3A_236, %swap3A_237], %swap3A_240 {strides = array<i32>} : memref<160x128xi32, #tpu.memory_space<vmem>>, vector<1x16xi32>,
      %get3A_241 = arith.index_cast %scan3A_157 : i32 to index
      %get3A_242 = arith.constant 80 : index
      %get3A_243 = tpu.vector_load %arg10[%get3A_241, %get3A_242] {strides = array<i32>} : memref<160x128xi32, #tpu.memory_space<vmem>>, vector<1x16xi32>,
      %get3A_244 = vector.shape_cast %get3A_243 : vector<1x16xi32> to vector<16xi32>
      %get3A_245 = arith.index_cast %scan3A_157 : i32 to index
      %get3A_246 = arith.constant 80 : index
      %get3A_247 = tpu.vector_load %arg9[%get3A_245, %get3A_246] {strides = array<i32>} : memref<160x128xi32, #tpu.memory_space<vmem>>, vector<1x16xi32>,
      %get3A_248 = vector.shape_cast %get3A_247 : vector<1x16xi32> to vector<16xi32>
      %mul3A_249 = arith.constant 10000 : i32
      %mul3A_250 = vector.broadcast %mul3A_249 : i32 to vector<16xi32>
      %mul3A_251 = arith.muli %get3A_244, %mul3A_250 : vector<16xi32>
      %add3A_252 = arith.addi %mul3A_251, %get3A_248 : vector<16xi32>
      %swap3A_253 = arith.index_cast %scan3A_157 : i32 to index
      %swap3A_254 = arith.constant 80 : index
      %swap3A_255 = tpu.vector_load %arg9[%swap3A_253, %swap3A_254] {strides = array<i32>} : memref<160x128xi32, #tpu.memory_space<vmem>>, vector<1x16xi32>,
      %swap3A_256 = vector.shape_cast %swap3A_255 : vector<1x16xi32> to vector<16xi32>
      %swap3A_257 = vector.shape_cast %add3A_252 : vector<16xi32> to vector<1x16xi32>
      tpu.vector_store %arg9[%swap3A_253, %swap3A_254], %swap3A_257 {strides = array<i32>} : memref<160x128xi32, #tpu.memory_space<vmem>>, vector<1x16xi32>,
      %get3A_258 = arith.index_cast %scan3A_157 : i32 to index
      %get3A_259 = arith.constant 96 : index
      %get3A_260 = tpu.vector_load %arg10[%get3A_258, %get3A_259] {strides = array<i32>} : memref<160x128xi32, #tpu.memory_space<vmem>>, vector<1x16xi32>,
      %get3A_261 = vector.shape_cast %get3A_260 : vector<1x16xi32> to vector<16xi32>
      %get3A_262 = arith.index_cast %scan3A_157 : i32 to index
      %get3A_263 = arith.constant 96 : index
      %get3A_264 = tpu.vector_load %arg9[%get3A_262, %get3A_263] {strides = array<i32>} : memref<160x128xi32, #tpu.memory_space<vmem>>, vector<1x16xi32>,
      %get3A_265 = vector.shape_cast %get3A_264 : vector<1x16xi32> to vector<16xi32>
      %mul3A_266 = arith.constant 10000 : i32
      %mul3A_267 = vector.broadcast %mul3A_266 : i32 to vector<16xi32>
      %mul3A_268 = arith.muli %get3A_261, %mul3A_267 : vector<16xi32>
      %add3A_269 = arith.addi %mul3A_268, %get3A_265 : vector<16xi32>
      %swap3A_270 = arith.index_cast %scan3A_157 : i32 to index
      %swap3A_271 = arith.constant 96 : index
      %swap3A_272 = tpu.vector_load %arg9[%swap3A_270, %swap3A_271] {strides = array<i32>} : memref<160x128xi32, #tpu.memory_space<vmem>>, vector<1x16xi32>,
      %swap3A_273 = vector.shape_cast %swap3A_272 : vector<1x16xi32> to vector<16xi32>
      %swap3A_274 = vector.shape_cast %add3A_269 : vector<16xi32> to vector<1x16xi32>
      tpu.vector_store %arg9[%swap3A_270, %swap3A_271], %swap3A_274 {strides = array<i32>} : memref<160x128xi32, #tpu.memory_space<vmem>>, vector<1x16xi32>,
      %get3A_275 = arith.index_cast %scan3A_157 : i32 to index
      %get3A_276 = arith.constant 112 : index
      %get3A_277 = tpu.vector_load %arg10[%get3A_275, %get3A_276] {strides = array<i32>} : memref<160x128xi32, #tpu.memory_space<vmem>>, vector<1x16xi32>,
      %get3A_278 = vector.shape_cast %get3A_277 : vector<1x16xi32> to vector<16xi32>
      %get3A_279 = arith.index_cast %scan3A_157 : i32 to index
      %get3A_280 = arith.constant 112 : index
      %get3A_281 = tpu.vector_load %arg9[%get3A_279, %get3A_280] {strides = array<i32>} : memref<160x128xi32, #tpu.memory_space<vmem>>, vector<1x16xi32>,
      %get3A_282 = vector.shape_cast %get3A_281 : vector<1x16xi32> to vector<16xi32>
      %mul3A_283 = arith.constant 10000 : i32
      %mul3A_284 = vector.broadcast %mul3A_283 : i32 to vector<16xi32>
      %mul3A_285 = arith.muli %get3A_278, %mul3A_284 : vector<16xi32>
      %add3A_286 = arith.addi %mul3A_285, %get3A_282 : vector<16xi32>
      %swap3A_287 = arith.index_cast %scan3A_157 : i32 to index
      %swap3A_288 = arith.constant 112 : index
      %swap3A_289 = tpu.vector_load %arg9[%swap3A_287, %swap3A_288] {strides = array<i32>} : memref<160x128xi32, #tpu.memory_space<vmem>>, vector<1x16xi32>,
      %swap3A_290 = vector.shape_cast %swap3A_289 : vector<1x16xi32> to vector<16xi32>
      %swap3A_291 = vector.shape_cast %add3A_286 : vector<16xi32> to vector<1x16xi32>
      tpu.vector_store %arg9[%swap3A_287, %swap3A_288], %swap3A_291 {strides = array<i32>} : memref<160x128xi32, #tpu.memory_space<vmem>>, vector<1x16xi32>,
    }
    %scan3A_4 = arith.constant 160 : i32
    "tpu.region"() ({
      %run_scoped3A = tpu.sem_alloc : memref<!tpu.dma_semaphore, #tpu.memory_space<semaphore_mem>>
      %dma_start3A = arith.constant 0 : i32
      %dma_start3A_157 = arith.constant 0 : i32
      %dma_start3A_158 = tpu.memref_slice %arg3[%arg1, %dma_start3A, %dma_start3A_157] : memref<16x160x128xi32, #tpu.memory_space<hbm>> -> memref<1x160x128xi32, #tpu.memory_space<hbm>>
      %dma_start3A_159 = tpu.memref_squeeze %dma_start3A_158 : memref<1x160x128xi32, #tpu.memory_space<hbm>> -> memref<160x128xi32, #tpu.memory_space<hbm>>
      %dma_start3A_160 = arith.constant 0 : i32
      %dma_start3A_161 = arith.constant 0 : i32
      %dma_start3A_162 = tpu.memref_slice %arg3[%arg1, %dma_start3A_160, %dma_start3A_161] : memref<16x160x128xi32, #tpu.memory_space<hbm>> -> memref<1x160x128xi32, #tpu.memory_space<hbm>>
      %dma_start3A_163 = tpu.memref_squeeze %dma_start3A_162 : memref<1x160x128xi32, #tpu.memory_space<hbm>> -> memref<160x128xi32, #tpu.memory_space<hbm>>
      tpu.enqueue_dma source(%dma_start3A_163 : memref<160x128xi32, #tpu.memory_space<hbm>>) target(%arg10 : memref<160x128xi32, #tpu.memory_space<vmem>>) target_semaphore(%run_scoped3A : memref<!tpu.dma_semaphore, #tpu.memory_space<semaphore_mem>>)
      %dma_wait3A = arith.constant 0 : i32
      %dma_wait3A_164 = arith.constant 0 : i32
      %dma_wait3A_165 = tpu.memref_slice %arg3[%arg1, %dma_wait3A, %dma_wait3A_164] : memref<16x160x128xi32, #tpu.memory_space<hbm>> -> memref<1x160x128xi32, #tpu.memory_space<hbm>>
      %dma_wait3A_166 = tpu.memref_squeeze %dma_wait3A_165 : memref<1x160x128xi32, #tpu.memory_space<hbm>> -> memref<160x128xi32, #tpu.memory_space<hbm>>
      %dma_wait3A_167 = arith.constant 0 : i32
      %dma_wait3A_168 = arith.constant 0 : i32
      %dma_wait3A_169 = tpu.memref_slice %arg3[%arg1, %dma_wait3A_167, %dma_wait3A_168] : memref<16x160x128xi32, #tpu.memory_space<hbm>> -> memref<1x160x128xi32, #tpu.memory_space<hbm>>
      %dma_wait3A_170 = tpu.memref_squeeze %dma_wait3A_169 : memref<1x160x128xi32, #tpu.memory_space<hbm>> -> memref<160x128xi32, #tpu.memory_space<hbm>>
      tpu.wait_dma2 semaphore(%run_scoped3A : memref<!tpu.dma_semaphore, #tpu.memory_space<semaphore_mem>>) src(%dma_wait3A_170 : memref<160x128xi32, #tpu.memory_space<hbm>>) dst(%arg10 : memref<160x128xi32, #tpu.memory_space<vmem>>)
      tpu.yield
    }) : () -> ()
    %broadcast_in_dim3A = arith.constant 0.000000e+00 : f32
    %broadcast_in_dim3A_5 = vector.broadcast %broadcast_in_dim3A : f32 to vector<16xf32>
    %scan3A_6 = arith.constant 0 : i32
    %scan3A_7 = arith.constant 0 : i32
    %scan3A_8 = arith.constant 40 : i32
    %scan3A_9 = arith.addi %scan3A_7, %scan3A_8 : i32
    %scan3A_10 = arith.constant 1 : i32
    scf.for %scan3A_157 = %scan3A_7 to %scan3A_9 step %scan3A_10  : i32 {
      %swap3A = arith.index_cast %scan3A_157 : i32 to index
      %swap3A_158 = arith.constant 0 : index
      %swap3A_159 = tpu.vector_load %arg12[%swap3A, %swap3A_158] {strides = array<i32>} : memref<40x16xf32, #tpu.memory_space<vmem>>, vector<1x16xf32>,
      %swap3A_160 = vector.shape_cast %swap3A_159 : vector<1x16xf32> to vector<16xf32>
      %swap3A_161 = vector.shape_cast %broadcast_in_dim3A_5 : vector<16xf32> to vector<1x16xf32>
      tpu.vector_store %arg12[%swap3A, %swap3A_158], %swap3A_161 {strides = array<i32>} : memref<40x16xf32, #tpu.memory_space<vmem>>, vector<1x16xf32>,
    }
    %scan3A_11 = arith.constant 40 : i32
    %broadcast_in_dim3A_12 = arith.constant 1.000000e+00 : f32
    %broadcast_in_dim3A_13 = vector.broadcast %broadcast_in_dim3A_12 : f32 to vector<16xf32>
    %scan3A_14 = arith.constant 0 : i32
    %scan3A_15 = arith.constant 0 : i32
    %scan3A_16 = arith.constant 128 : i32
    %scan3A_17 = arith.addi %scan3A_15, %scan3A_16 : i32
    %scan3A_18 = arith.constant 1 : i32
    scf.for %scan3A_157 = %scan3A_15 to %scan3A_17 step %scan3A_18  : i32 {
      %swap3A = arith.constant 0 : i32
      %swap3A_158 = arith.index_cast %swap3A : i32 to index
      %swap3A_159 = arith.index_cast %scan3A_157 : i32 to index
      %swap3A_160 = arith.constant 0 : index
      %swap3A_161 = tpu.vector_load %arg11[%swap3A_158, %swap3A_159, %swap3A_160] {strides = array<i32>} : memref<4x128x16xf32, #tpu.memory_space<vmem>>, vector<1x1x16xf32>,
      %swap3A_162 = vector.shape_cast %swap3A_161 : vector<1x1x16xf32> to vector<16xf32>
      %swap3A_163 = vector.shape_cast %broadcast_in_dim3A_13 : vector<16xf32> to vector<1x1x16xf32>
      tpu.vector_store %arg11[%swap3A_158, %swap3A_159, %swap3A_160], %swap3A_163 {strides = array<i32>} : memref<4x128x16xf32, #tpu.memory_space<vmem>>, vector<1x1x16xf32>,
    }
    %scan3A_19 = arith.constant 128 : i32
    %scan3A_20 = arith.constant 0 : i32
    %scan3A_21 = arith.constant 0 : i32
    %scan3A_22 = arith.constant 125 : i32
    %scan3A_23 = arith.addi %scan3A_21, %scan3A_22 : i32
    %scan3A_24 = arith.constant 1 : i32
    scf.for %scan3A_157 = %scan3A_21 to %scan3A_23 step %scan3A_24  : i32 {
      %mul3A_158 = arith.constant 5000 : i32
      %mul3A_159 = arith.muli %arg1, %mul3A_158 : i32
      %mul3A_160 = arith.constant 40 : i32
      %mul3A_161 = arith.muli %scan3A_157, %mul3A_160 : i32
      %add3A_162 = arith.addi %mul3A_159, %mul3A_161 : i32
      "tpu.region"() ({
        %run_scoped3A = tpu.sem_alloc : memref<!tpu.dma_semaphore, #tpu.memory_space<semaphore_mem>>
        %dma_start3A = arith.constant 0 : i32
        %dma_start3A_163 = tpu.memref_slice %arg8[%add3A_162, %dma_start3A] : memref<80128x16xf32, #tpu.memory_space<vmem_shared>> -> memref<40x16xf32, #tpu.memory_space<vmem_shared>>
        %dma_start3A_164 = arith.constant 0 : i32
        %dma_start3A_165 = tpu.memref_slice %arg8[%add3A_162, %dma_start3A_164] : memref<80128x16xf32, #tpu.memory_space<vmem_shared>> -> memref<40x16xf32, #tpu.memory_space<vmem_shared>>
        tpu.enqueue_dma source(%arg12 : memref<40x16xf32, #tpu.memory_space<vmem>>) target(%dma_start3A_165 : memref<40x16xf32, #tpu.memory_space<vmem_shared>>) target_semaphore(%run_scoped3A : memref<!tpu.dma_semaphore, #tpu.memory_space<semaphore_mem>>)
        %dma_wait3A = arith.constant 0 : i32
        %dma_wait3A_166 = tpu.memref_slice %arg8[%add3A_162, %dma_wait3A] : memref<80128x16xf32, #tpu.memory_space<vmem_shared>> -> memref<40x16xf32, #tpu.memory_space<vmem_shared>>
        %dma_wait3A_167 = arith.constant 0 : i32
        %dma_wait3A_168 = tpu.memref_slice %arg8[%add3A_162, %dma_wait3A_167] : memref<80128x16xf32, #tpu.memory_space<vmem_shared>> -> memref<40x16xf32, #tpu.memory_space<vmem_shared>>
        tpu.wait_dma2 semaphore(%run_scoped3A : memref<!tpu.dma_semaphore, #tpu.memory_space<semaphore_mem>>) src(%arg12 : memref<40x16xf32, #tpu.memory_space<vmem>>) dst(%dma_wait3A_168 : memref<40x16xf32, #tpu.memory_space<vmem_shared>>)
        tpu.yield
      }) : () -> ()
    }
    %scan3A_25 = arith.constant 125 : i32
    %barrier3A = arith.constant 0 : index
    tpu.barrier barrier_id(%barrier3A)
    %mul3A = arith.constant 80 : i32
    %mul3A_26 = arith.muli %arg0, %mul3A : i32
    %scan3A_27 = arith.constant 0 : i32
    %scan3A_28 = arith.constant 0 : i32
    %scan3A_29 = arith.constant 80 : i32
    %scan3A_30 = arith.addi %scan3A_28, %scan3A_29 : i32
    %scan3A_31 = arith.constant 1 : i32
    scf.for %scan3A_157 = %scan3A_28 to %scan3A_30 step %scan3A_31  : i32 {
      %add3A_158 = arith.addi %mul3A_26, %scan3A_157 : i32
      %run_scoped3A = arith.constant 0 : i32
      "tpu.region"() ({
        %run_scoped3A_159 = tpu.sem_alloc : memref<!tpu.dma_semaphore, #tpu.memory_space<semaphore_mem>>
        %dma_start3A = arith.constant 0 : i32
        %dma_start3A_160 = arith.constant 0 : i32
        %dma_start3A_161 = tpu.memref_slice %arg11[%run_scoped3A, %dma_start3A, %dma_start3A_160] : memref<4x128x16xf32, #tpu.memory_space<vmem>> -> memref<1x128x16xf32, #tpu.memory_space<vmem>>
        %dma_start3A_162 = tpu.memref_squeeze %dma_start3A_161 : memref<1x128x16xf32, #tpu.memory_space<vmem>> -> memref<128x16xf32, #tpu.memory_space<vmem>>
        %dma_start3A_163 = arith.constant 0 : i32
        %dma_start3A_164 = tpu.memref_slice %arg9[%add3A_158, %dma_start3A_163] : memref<160x128xi32, #tpu.memory_space<vmem>> -> memref<1x128xi32, #tpu.memory_space<vmem>>
        %dma_start3A_165 = tpu.memref_squeeze %dma_start3A_164 : memref<1x128xi32, #tpu.memory_space<vmem>> -> memref<128xi32, #tpu.memory_space<vmem>>
        %dma_start3A_166 = arith.constant 0 : i32
        %dma_start3A_167 = arith.constant 0 : i32
        %dma_start3A_168 = tpu.memref_slice %arg8[%dma_start3A_166, %dma_start3A_167] : memref<80128x16xf32, #tpu.memory_space<vmem_shared>> -> memref<80128x16xf32, #tpu.memory_space<vmem_shared>>
        tpu.enqueue_indirect_dma source(%dma_start3A_162 : memref<128x16xf32, #tpu.memory_space<vmem>>) target(%dma_start3A_168 : memref<80128x16xf32, #tpu.memory_space<vmem_shared>>) offsets(%dma_start3A_165 : memref<128xi32, #tpu.memory_space<vmem>>) semaphore(%run_scoped3A_159 : memref<!tpu.dma_semaphore, #tpu.memory_space<semaphore_mem>>) {add = true}
        %dma_wait3A = arith.constant 0 : i32
        %dma_wait3A_169 = arith.constant 0 : i32
        %dma_wait3A_170 = tpu.memref_slice %arg11[%run_scoped3A, %dma_wait3A, %dma_wait3A_169] : memref<4x128x16xf32, #tpu.memory_space<vmem>> -> memref<1x128x16xf32, #tpu.memory_space<vmem>>
        %dma_wait3A_171 = tpu.memref_squeeze %dma_wait3A_170 : memref<1x128x16xf32, #tpu.memory_space<vmem>> -> memref<128x16xf32, #tpu.memory_space<vmem>>
        %dma_wait3A_172 = arith.constant 0 : i32
        %dma_wait3A_173 = tpu.memref_slice %arg9[%add3A_158, %dma_wait3A_172] : memref<160x128xi32, #tpu.memory_space<vmem>> -> memref<1x128xi32, #tpu.memory_space<vmem>>
        %dma_wait3A_174 = tpu.memref_squeeze %dma_wait3A_173 : memref<1x128xi32, #tpu.memory_space<vmem>> -> memref<128xi32, #tpu.memory_space<vmem>>
        %dma_wait3A_175 = arith.constant 0 : i32
        %dma_wait3A_176 = arith.constant 0 : i32
        %dma_wait3A_177 = tpu.memref_slice %arg8[%dma_wait3A_175, %dma_wait3A_176] : memref<80128x16xf32, #tpu.memory_space<vmem_shared>> -> memref<80128x16xf32, #tpu.memory_space<vmem_shared>>
        tpu.wait_indirect_dma semaphore(%run_scoped3A_159 : memref<!tpu.dma_semaphore, #tpu.memory_space<semaphore_mem>>) src(%dma_wait3A_171 : memref<128x16xf32, #tpu.memory_space<vmem>>) dst(%dma_wait3A_177 : memref<80128x16xf32, #tpu.memory_space<vmem_shared>>)
        tpu.yield
      }) : () -> ()
    }
    %scan3A_32 = arith.constant 80 : i32
    %barrier3A_33 = arith.constant 0 : index
    tpu.barrier barrier_id(%barrier3A_33)
    %mul3A_34 = arith.constant 5000 : i32
    %mul3A_35 = arith.muli %arg1, %mul3A_34 : i32
    %mul3A_36 = arith.constant 5000 : i32
    %mul3A_37 = arith.muli %arg1, %mul3A_36 : i32
    "tpu.region"() ({
      %run_scoped3A = tpu.sem_alloc : memref<!tpu.dma_semaphore, #tpu.memory_space<semaphore_mem>>
      %dma_start3A = arith.constant 0 : i32
      %dma_start3A_157 = tpu.memref_slice %arg7[%arg0, %mul3A_37, %dma_start3A] : memref<2x80000x16xf32, #tpu.memory_space<hbm>> -> memref<1x5000x16xf32, #tpu.memory_space<hbm>>
      %dma_start3A_158 = tpu.memref_squeeze %dma_start3A_157 : memref<1x5000x16xf32, #tpu.memory_space<hbm>> -> memref<5000x16xf32, #tpu.memory_space<hbm>>
      %dma_start3A_159 = arith.constant 0 : i32
      %dma_start3A_160 = tpu.memref_slice %arg8[%mul3A_35, %dma_start3A_159] : memref<80128x16xf32, #tpu.memory_space<vmem_shared>> -> memref<5000x16xf32, #tpu.memory_space<vmem_shared>>
      tpu.enqueue_dma source(%dma_start3A_160 : memref<5000x16xf32, #tpu.memory_space<vmem_shared>>) target(%dma_start3A_158 : memref<5000x16xf32, #tpu.memory_space<hbm>>) target_semaphore(%run_scoped3A : memref<!tpu.dma_semaphore, #tpu.memory_space<semaphore_mem>>)
      %dma_wait3A = arith.constant 0 : i32
      %dma_wait3A_161 = tpu.memref_slice %arg7[%arg0, %mul3A_37, %dma_wait3A] : memref<2x80000x16xf32, #tpu.memory_space<hbm>> -> memref<1x5000x16xf32, #tpu.memory_space<hbm>>
      %dma_wait3A_162 = tpu.memref_squeeze %dma_wait3A_161 : memref<1x5000x16xf32, #tpu.memory_space<hbm>> -> memref<5000x16xf32, #tpu.memory_space<hbm>>
      %dma_wait3A_163 = arith.constant 0 : i32
      %dma_wait3A_164 = tpu.memref_slice %arg8[%mul3A_35, %dma_wait3A_163] : memref<80128x16xf32, #tpu.memory_space<vmem_shared>> -> memref<5000x16xf32, #tpu.memory_space<vmem_shared>>
      tpu.wait_dma2 semaphore(%run_scoped3A : memref<!tpu.dma_semaphore, #tpu.memory_space<semaphore_mem>>) src(%dma_wait3A_164 : memref<5000x16xf32, #tpu.memory_space<vmem_shared>>) dst(%dma_wait3A_162 : memref<5000x16xf32, #tpu.memory_space<hbm>>)
      tpu.yield
    }) : () -> ()
    %scan3A_38 = arith.constant 0 : i32
    %scan3A_39 = arith.constant 0 : i32
    %scan3A_40 = arith.constant 160 : i32
    %scan3A_41 = arith.addi %scan3A_39, %scan3A_40 : i32
    %scan3A_42 = arith.constant 1 : i32
    scf.for %scan3A_157 = %scan3A_39 to %scan3A_41 step %scan3A_42  : i32 {
      %get3A = arith.index_cast %scan3A_157 : i32 to index
      %get3A_158 = arith.constant 0 : index
      %get3A_159 = tpu.vector_load %arg10[%get3A, %get3A_158] {strides = array<i32>} : memref<160x128xi32, #tpu.memory_space<vmem>>, vector<1x16xi32>,
      %get3A_160 = vector.shape_cast %get3A_159 : vector<1x16xi32> to vector<16xi32>
      %mul3A_161 = arith.constant 8 : i32
      %mul3A_162 = vector.broadcast %mul3A_161 : i32 to vector<16xi32>
      %mul3A_163 = arith.muli %get3A_160, %mul3A_162 : vector<16xi32>
      %mul3A_164 = arith.constant 4 : i32
      %mul3A_165 = arith.muli %arg0, %mul3A_164 : i32
      %add3A_166 = vector.broadcast %mul3A_165 : i32 to vector<16xi32>
      %add3A_167 = arith.addi %mul3A_163, %add3A_166 : vector<16xi32>
      %swap3A = arith.index_cast %scan3A_157 : i32 to index
      %swap3A_168 = arith.constant 0 : index
      %swap3A_169 = tpu.vector_load %arg10[%swap3A, %swap3A_168] {strides = array<i32>} : memref<160x128xi32, #tpu.memory_space<vmem>>, vector<1x16xi32>,
      %swap3A_170 = vector.shape_cast %swap3A_169 : vector<1x16xi32> to vector<16xi32>
      %swap3A_171 = vector.shape_cast %add3A_167 : vector<16xi32> to vector<1x16xi32>
      tpu.vector_store %arg10[%swap3A, %swap3A_168], %swap3A_171 {strides = array<i32>} : memref<160x128xi32, #tpu.memory_space<vmem>>, vector<1x16xi32>,
      %get3A_172 = arith.index_cast %scan3A_157 : i32 to index
      %get3A_173 = arith.constant 16 : index
      %get3A_174 = tpu.vector_load %arg10[%get3A_172, %get3A_173] {strides = array<i32>} : memref<160x128xi32, #tpu.memory_space<vmem>>, vector<1x16xi32>,
      %get3A_175 = vector.shape_cast %get3A_174 : vector<1x16xi32> to vector<16xi32>
      %mul3A_176 = arith.constant 8 : i32
      %mul3A_177 = vector.broadcast %mul3A_176 : i32 to vector<16xi32>
      %mul3A_178 = arith.muli %get3A_175, %mul3A_177 : vector<16xi32>
      %mul3A_179 = arith.constant 4 : i32
      %mul3A_180 = arith.muli %arg0, %mul3A_179 : i32
      %add3A_181 = vector.broadcast %mul3A_180 : i32 to vector<16xi32>
      %add3A_182 = arith.addi %mul3A_178, %add3A_181 : vector<16xi32>
      %swap3A_183 = arith.index_cast %scan3A_157 : i32 to index
      %swap3A_184 = arith.constant 16 : index
      %swap3A_185 = tpu.vector_load %arg10[%swap3A_183, %swap3A_184] {strides = array<i32>} : memref<160x128xi32, #tpu.memory_space<vmem>>, vector<1x16xi32>,
      %swap3A_186 = vector.shape_cast %swap3A_185 : vector<1x16xi32> to vector<16xi32>
      %swap3A_187 = vector.shape_cast %add3A_182 : vector<16xi32> to vector<1x16xi32>
      tpu.vector_store %arg10[%swap3A_183, %swap3A_184], %swap3A_187 {strides = array<i32>} : memref<160x128xi32, #tpu.memory_space<vmem>>, vector<1x16xi32>,
      %get3A_188 = arith.index_cast %scan3A_157 : i32 to index
      %get3A_189 = arith.constant 32 : index
      %get3A_190 = tpu.vector_load %arg10[%get3A_188, %get3A_189] {strides = array<i32>} : memref<160x128xi32, #tpu.memory_space<vmem>>, vector<1x16xi32>,
      %get3A_191 = vector.shape_cast %get3A_190 : vector<1x16xi32> to vector<16xi32>
      %mul3A_192 = arith.constant 8 : i32
      %mul3A_193 = vector.broadcast %mul3A_192 : i32 to vector<16xi32>
      %mul3A_194 = arith.muli %get3A_191, %mul3A_193 : vector<16xi32>
      %mul3A_195 = arith.constant 4 : i32
      %mul3A_196 = arith.muli %arg0, %mul3A_195 : i32
      %add3A_197 = vector.broadcast %mul3A_196 : i32 to vector<16xi32>
      %add3A_198 = arith.addi %mul3A_194, %add3A_197 : vector<16xi32>
      %swap3A_199 = arith.index_cast %scan3A_157 : i32 to index
      %swap3A_200 = arith.constant 32 : index
      %swap3A_201 = tpu.vector_load %arg10[%swap3A_199, %swap3A_200] {strides = array<i32>} : memref<160x128xi32, #tpu.memory_space<vmem>>, vector<1x16xi32>,
      %swap3A_202 = vector.shape_cast %swap3A_201 : vector<1x16xi32> to vector<16xi32>
      %swap3A_203 = vector.shape_cast %add3A_198 : vector<16xi32> to vector<1x16xi32>
      tpu.vector_store %arg10[%swap3A_199, %swap3A_200], %swap3A_203 {strides = array<i32>} : memref<160x128xi32, #tpu.memory_space<vmem>>, vector<1x16xi32>,
      %get3A_204 = arith.index_cast %scan3A_157 : i32 to index
      %get3A_205 = arith.constant 48 : index
      %get3A_206 = tpu.vector_load %arg10[%get3A_204, %get3A_205] {strides = array<i32>} : memref<160x128xi32, #tpu.memory_space<vmem>>, vector<1x16xi32>,
      %get3A_207 = vector.shape_cast %get3A_206 : vector<1x16xi32> to vector<16xi32>
      %mul3A_208 = arith.constant 8 : i32
      %mul3A_209 = vector.broadcast %mul3A_208 : i32 to vector<16xi32>
      %mul3A_210 = arith.muli %get3A_207, %mul3A_209 : vector<16xi32>
      %mul3A_211 = arith.constant 4 : i32
      %mul3A_212 = arith.muli %arg0, %mul3A_211 : i32
      %add3A_213 = vector.broadcast %mul3A_212 : i32 to vector<16xi32>
      %add3A_214 = arith.addi %mul3A_210, %add3A_213 : vector<16xi32>
      %swap3A_215 = arith.index_cast %scan3A_157 : i32 to index
      %swap3A_216 = arith.constant 48 : index
      %swap3A_217 = tpu.vector_load %arg10[%swap3A_215, %swap3A_216] {strides = array<i32>} : memref<160x128xi32, #tpu.memory_space<vmem>>, vector<1x16xi32>,
      %swap3A_218 = vector.shape_cast %swap3A_217 : vector<1x16xi32> to vector<16xi32>
      %swap3A_219 = vector.shape_cast %add3A_214 : vector<16xi32> to vector<1x16xi32>
      tpu.vector_store %arg10[%swap3A_215, %swap3A_216], %swap3A_219 {strides = array<i32>} : memref<160x128xi32, #tpu.memory_space<vmem>>, vector<1x16xi32>,
      %get3A_220 = arith.index_cast %scan3A_157 : i32 to index
      %get3A_221 = arith.constant 64 : index
      %get3A_222 = tpu.vector_load %arg10[%get3A_220, %get3A_221] {strides = array<i32>} : memref<160x128xi32, #tpu.memory_space<vmem>>, vector<1x16xi32>,
      %get3A_223 = vector.shape_cast %get3A_222 : vector<1x16xi32> to vector<16xi32>
      %mul3A_224 = arith.constant 8 : i32
      %mul3A_225 = vector.broadcast %mul3A_224 : i32 to vector<16xi32>
      %mul3A_226 = arith.muli %get3A_223, %mul3A_225 : vector<16xi32>
      %mul3A_227 = arith.constant 4 : i32
      %mul3A_228 = arith.muli %arg0, %mul3A_227 : i32
      %add3A_229 = vector.broadcast %mul3A_228 : i32 to vector<16xi32>
      %add3A_230 = arith.addi %mul3A_226, %add3A_229 : vector<16xi32>
      %swap3A_231 = arith.index_cast %scan3A_157 : i32 to index
      %swap3A_232 = arith.constant 64 : index
      %swap3A_233 = tpu.vector_load %arg10[%swap3A_231, %swap3A_232] {strides = array<i32>} : memref<160x128xi32, #tpu.memory_space<vmem>>, vector<1x16xi32>,
      %swap3A_234 = vector.shape_cast %swap3A_233 : vector<1x16xi32> to vector<16xi32>
      %swap3A_235 = vector.shape_cast %add3A_230 : vector<16xi32> to vector<1x16xi32>
      tpu.vector_store %arg10[%swap3A_231, %swap3A_232], %swap3A_235 {strides = array<i32>} : memref<160x128xi32, #tpu.memory_space<vmem>>, vector<1x16xi32>,
      %get3A_236 = arith.index_cast %scan3A_157 : i32 to index
      %get3A_237 = arith.constant 80 : index
      %get3A_238 = tpu.vector_load %arg10[%get3A_236, %get3A_237] {strides = array<i32>} : memref<160x128xi32, #tpu.memory_space<vmem>>, vector<1x16xi32>,
      %get3A_239 = vector.shape_cast %get3A_238 : vector<1x16xi32> to vector<16xi32>
      %mul3A_240 = arith.constant 8 : i32
      %mul3A_241 = vector.broadcast %mul3A_240 : i32 to vector<16xi32>
      %mul3A_242 = arith.muli %get3A_239, %mul3A_241 : vector<16xi32>
      %mul3A_243 = arith.constant 4 : i32
      %mul3A_244 = arith.muli %arg0, %mul3A_243 : i32
      %add3A_245 = vector.broadcast %mul3A_244 : i32 to vector<16xi32>
      %add3A_246 = arith.addi %mul3A_242, %add3A_245 : vector<16xi32>
      %swap3A_247 = arith.index_cast %scan3A_157 : i32 to index
      %swap3A_248 = arith.constant 80 : index
      %swap3A_249 = tpu.vector_load %arg10[%swap3A_247, %swap3A_248] {strides = array<i32>} : memref<160x128xi32, #tpu.memory_space<vmem>>, vector<1x16xi32>,
      %swap3A_250 = vector.shape_cast %swap3A_249 : vector<1x16xi32> to vector<16xi32>
      %swap3A_251 = vector.shape_cast %add3A_246 : vector<16xi32> to vector<1x16xi32>
      tpu.vector_store %arg10[%swap3A_247, %swap3A_248], %swap3A_251 {strides = array<i32>} : memref<160x128xi32, #tpu.memory_space<vmem>>, vector<1x16xi32>,
      %get3A_252 = arith.index_cast %scan3A_157 : i32 to index
      %get3A_253 = arith.constant 96 : index
      %get3A_254 = tpu.vector_load %arg10[%get3A_252, %get3A_253] {strides = array<i32>} : memref<160x128xi32, #tpu.memory_space<vmem>>, vector<1x16xi32>,
      %get3A_255 = vector.shape_cast %get3A_254 : vector<1x16xi32> to vector<16xi32>
      %mul3A_256 = arith.constant 8 : i32
      %mul3A_257 = vector.broadcast %mul3A_256 : i32 to vector<16xi32>
      %mul3A_258 = arith.muli %get3A_255, %mul3A_257 : vector<16xi32>
      %mul3A_259 = arith.constant 4 : i32
      %mul3A_260 = arith.muli %arg0, %mul3A_259 : i32
      %add3A_261 = vector.broadcast %mul3A_260 : i32 to vector<16xi32>
      %add3A_262 = arith.addi %mul3A_258, %add3A_261 : vector<16xi32>
      %swap3A_263 = arith.index_cast %scan3A_157 : i32 to index
      %swap3A_264 = arith.constant 96 : index
      %swap3A_265 = tpu.vector_load %arg10[%swap3A_263, %swap3A_264] {strides = array<i32>} : memref<160x128xi32, #tpu.memory_space<vmem>>, vector<1x16xi32>,
      %swap3A_266 = vector.shape_cast %swap3A_265 : vector<1x16xi32> to vector<16xi32>
      %swap3A_267 = vector.shape_cast %add3A_262 : vector<16xi32> to vector<1x16xi32>
      tpu.vector_store %arg10[%swap3A_263, %swap3A_264], %swap3A_267 {strides = array<i32>} : memref<160x128xi32, #tpu.memory_space<vmem>>, vector<1x16xi32>,
      %get3A_268 = arith.index_cast %scan3A_157 : i32 to index
      %get3A_269 = arith.constant 112 : index
      %get3A_270 = tpu.vector_load %arg10[%get3A_268, %get3A_269] {strides = array<i32>} : memref<160x128xi32, #tpu.memory_space<vmem>>, vector<1x16xi32>,
      %get3A_271 = vector.shape_cast %get3A_270 : vector<1x16xi32> to vector<16xi32>
      %mul3A_272 = arith.constant 8 : i32
      %mul3A_273 = vector.broadcast %mul3A_272 : i32 to vector<16xi32>
      %mul3A_274 = arith.muli %get3A_271, %mul3A_273 : vector<16xi32>
      %mul3A_275 = arith.constant 4 : i32
      %mul3A_276 = arith.muli %arg0, %mul3A_275 : i32
      %add3A_277 = vector.broadcast %mul3A_276 : i32 to vector<16xi32>
      %add3A_278 = arith.addi %mul3A_274, %add3A_277 : vector<16xi32>
      %swap3A_279 = arith.index_cast %scan3A_157 : i32 to index
      %swap3A_280 = arith.constant 112 : index
      %swap3A_281 = tpu.vector_load %arg10[%swap3A_279, %swap3A_280] {strides = array<i32>} : memref<160x128xi32, #tpu.memory_space<vmem>>, vector<1x16xi32>,
      %swap3A_282 = vector.shape_cast %swap3A_281 : vector<1x16xi32> to vector<16xi32>
      %swap3A_283 = vector.shape_cast %add3A_278 : vector<16xi32> to vector<1x16xi32>
      tpu.vector_store %arg10[%swap3A_279, %swap3A_280], %swap3A_283 {strides = array<i32>} : memref<160x128xi32, #tpu.memory_space<vmem>>, vector<1x16xi32>,
    }
    %scan3A_43 = arith.constant 160 : i32
    %scan3A_44 = arith.constant 0 : i32
    %scan3A_45 = arith.constant 0 : i32
    %scan3A_46 = arith.constant 125 : i32
    %scan3A_47 = arith.addi %scan3A_45, %scan3A_46 : i32
    %scan3A_48 = arith.constant 1 : i32
    scf.for %scan3A_157 = %scan3A_45 to %scan3A_47 step %scan3A_48  : i32 {
      %mul3A_158 = arith.constant 5000 : i32
      %mul3A_159 = arith.muli %arg1, %mul3A_158 : i32
      %mul3A_160 = arith.constant 40 : i32
      %mul3A_161 = arith.muli %scan3A_157, %mul3A_160 : i32
      %add3A_162 = arith.addi %mul3A_159, %mul3A_161 : i32
      "tpu.region"() ({
        %run_scoped3A = tpu.sem_alloc : memref<!tpu.dma_semaphore, #tpu.memory_space<semaphore_mem>>
        %dma_start3A = arith.constant 0 : i32
        %dma_start3A_163 = tpu.memref_slice %arg8[%add3A_162, %dma_start3A] : memref<80128x16xf32, #tpu.memory_space<vmem_shared>> -> memref<40x16xf32, #tpu.memory_space<vmem_shared>>
        %dma_start3A_164 = arith.constant 0 : i32
        %dma_start3A_165 = tpu.memref_slice %arg8[%add3A_162, %dma_start3A_164] : memref<80128x16xf32, #tpu.memory_space<vmem_shared>> -> memref<40x16xf32, #tpu.memory_space<vmem_shared>>
        tpu.enqueue_dma source(%arg12 : memref<40x16xf32, #tpu.memory_space<vmem>>) target(%dma_start3A_165 : memref<40x16xf32, #tpu.memory_space<vmem_shared>>) target_semaphore(%run_scoped3A : memref<!tpu.dma_semaphore, #tpu.memory_space<semaphore_mem>>)
        %dma_wait3A = arith.constant 0 : i32
        %dma_wait3A_166 = tpu.memref_slice %arg8[%add3A_162, %dma_wait3A] : memref<80128x16xf32, #tpu.memory_space<vmem_shared>> -> memref<40x16xf32, #tpu.memory_space<vmem_shared>>
        %dma_wait3A_167 = arith.constant 0 : i32
        %dma_wait3A_168 = tpu.memref_slice %arg8[%add3A_162, %dma_wait3A_167] : memref<80128x16xf32, #tpu.memory_space<vmem_shared>> -> memref<40x16xf32, #tpu.memory_space<vmem_shared>>
        tpu.wait_dma2 semaphore(%run_scoped3A : memref<!tpu.dma_semaphore, #tpu.memory_space<semaphore_mem>>) src(%arg12 : memref<40x16xf32, #tpu.memory_space<vmem>>) dst(%dma_wait3A_168 : memref<40x16xf32, #tpu.memory_space<vmem_shared>>)
        tpu.yield
      }) : () -> ()
    }
    %scan3A_49 = arith.constant 125 : i32
    %barrier3A_50 = arith.constant 0 : index
    tpu.barrier barrier_id(%barrier3A_50)
    %scan3A_51 = arith.constant 0 : i32
    %scan3A_52 = arith.constant 0 : i32
    %scan3A_53 = arith.constant 40 : i32
    %scan3A_54 = arith.addi %scan3A_52, %scan3A_53 : i32
    %scan3A_55 = arith.constant 1 : i32
    scf.for %scan3A_157 = %scan3A_52 to %scan3A_54 step %scan3A_55  : i32 {
      %mul3A_158 = arith.constant 4 : i32
      %mul3A_159 = arith.muli %scan3A_157, %mul3A_158 : i32
      %mul3A_160 = arith.constant 1 : i32
      %mul3A_161 = arith.muli %mul3A_159, %mul3A_160 : i32
      %add3A_162 = arith.constant 0 : i32
      %add3A_163 = arith.addi %mul3A_161, %add3A_162 : i32
      %dma_start3A = arith.constant 0 : i32
      %dma_start3A_164 = arith.constant 0 : i32
      %dma_start3A_165 = arith.constant 0 : i32
      %dma_start3A_166 = arith.constant 0 : i32
      %dma_start3A_167 = tpu.memref_slice %arg11[%dma_start3A, %dma_start3A_165, %dma_start3A_166] : memref<4x128x16xf32, #tpu.memory_space<vmem>> -> memref<1x128x16xf32, #tpu.memory_space<vmem>>
      %dma_start3A_168 = tpu.memref_squeeze %dma_start3A_167 : memref<1x128x16xf32, #tpu.memory_space<vmem>> -> memref<128x16xf32, #tpu.memory_space<vmem>>
      %dma_start3A_169 = arith.constant 0 : i32
      %dma_start3A_170 = tpu.memref_slice %arg10[%add3A_163, %dma_start3A_169] : memref<160x128xi32, #tpu.memory_space<vmem>> -> memref<1x128xi32, #tpu.memory_space<vmem>>
      %dma_start3A_171 = tpu.memref_squeeze %dma_start3A_170 : memref<1x128xi32, #tpu.memory_space<vmem>> -> memref<128xi32, #tpu.memory_space<vmem>>
      %dma_start3A_172 = arith.constant 0 : i32
      %dma_start3A_173 = arith.constant 0 : i32
      %dma_start3A_174 = tpu.memref_slice %arg2[%dma_start3A_172, %dma_start3A_173] : memref<80000x16xf32, #tpu.memory_space<hbm>> -> memref<80000x16xf32, #tpu.memory_space<hbm>>
      %dma_start3A_175 = tpu.memref_slice %arg13[%dma_start3A_164] : memref<4x!tpu.dma_semaphore, #tpu.memory_space<semaphore_mem>> -> memref<1x!tpu.dma_semaphore, #tpu.memory_space<semaphore_mem>>
      %dma_start3A_176 = tpu.memref_squeeze %dma_start3A_175 : memref<1x!tpu.dma_semaphore, #tpu.memory_space<semaphore_mem>> -> memref<!tpu.dma_semaphore, #tpu.memory_space<semaphore_mem>>
      tpu.enqueue_indirect_dma source(%dma_start3A_174 : memref<80000x16xf32, #tpu.memory_space<hbm>>) target(%dma_start3A_168 : memref<128x16xf32, #tpu.memory_space<vmem>>) offsets(%dma_start3A_171 : memref<128xi32, #tpu.memory_space<vmem>>) semaphore(%dma_start3A_176 : memref<!tpu.dma_semaphore, #tpu.memory_space<semaphore_mem>>)
      %add3A_177 = arith.constant 1 : i32
      %add3A_178 = arith.addi %mul3A_161, %add3A_177 : i32
      %dma_start3A_179 = arith.constant 1 : i32
      %dma_start3A_180 = arith.constant 1 : i32
      %dma_start3A_181 = arith.constant 0 : i32
      %dma_start3A_182 = arith.constant 0 : i32
      %dma_start3A_183 = tpu.memref_slice %arg11[%dma_start3A_179, %dma_start3A_181, %dma_start3A_182] : memref<4x128x16xf32, #tpu.memory_space<vmem>> -> memref<1x128x16xf32, #tpu.memory_space<vmem>>
      %dma_start3A_184 = tpu.memref_squeeze %dma_start3A_183 : memref<1x128x16xf32, #tpu.memory_space<vmem>> -> memref<128x16xf32, #tpu.memory_space<vmem>>
      %dma_start3A_185 = arith.constant 0 : i32
      %dma_start3A_186 = tpu.memref_slice %arg10[%add3A_178, %dma_start3A_185] : memref<160x128xi32, #tpu.memory_space<vmem>> -> memref<1x128xi32, #tpu.memory_space<vmem>>
      %dma_start3A_187 = tpu.memref_squeeze %dma_start3A_186 : memref<1x128xi32, #tpu.memory_space<vmem>> -> memref<128xi32, #tpu.memory_space<vmem>>
      %dma_start3A_188 = arith.constant 0 : i32
      %dma_start3A_189 = arith.constant 0 : i32
      %dma_start3A_190 = tpu.memref_slice %arg2[%dma_start3A_188, %dma_start3A_189] : memref<80000x16xf32, #tpu.memory_space<hbm>> -> memref<80000x16xf32, #tpu.memory_space<hbm>>
      %dma_start3A_191 = tpu.memref_slice %arg13[%dma_start3A_180] : memref<4x!tpu.dma_semaphore, #tpu.memory_space<semaphore_mem>> -> memref<1x!tpu.dma_semaphore, #tpu.memory_space<semaphore_mem>>
      %dma_start3A_192 = tpu.memref_squeeze %dma_start3A_191 : memref<1x!tpu.dma_semaphore, #tpu.memory_space<semaphore_mem>> -> memref<!tpu.dma_semaphore, #tpu.memory_space<semaphore_mem>>
      tpu.enqueue_indirect_dma source(%dma_start3A_190 : memref<80000x16xf32, #tpu.memory_space<hbm>>) target(%dma_start3A_184 : memref<128x16xf32, #tpu.memory_space<vmem>>) offsets(%dma_start3A_187 : memref<128xi32, #tpu.memory_space<vmem>>) semaphore(%dma_start3A_192 : memref<!tpu.dma_semaphore, #tpu.memory_space<semaphore_mem>>)
      %add3A_193 = arith.constant 2 : i32
      %add3A_194 = arith.addi %mul3A_161, %add3A_193 : i32
      %dma_start3A_195 = arith.constant 2 : i32
      %dma_start3A_196 = arith.constant 2 : i32
      %dma_start3A_197 = arith.constant 0 : i32
      %dma_start3A_198 = arith.constant 0 : i32
      %dma_start3A_199 = tpu.memref_slice %arg11[%dma_start3A_195, %dma_start3A_197, %dma_start3A_198] : memref<4x128x16xf32, #tpu.memory_space<vmem>> -> memref<1x128x16xf32, #tpu.memory_space<vmem>>
      %dma_start3A_200 = tpu.memref_squeeze %dma_start3A_199 : memref<1x128x16xf32, #tpu.memory_space<vmem>> -> memref<128x16xf32, #tpu.memory_space<vmem>>
      %dma_start3A_201 = arith.constant 0 : i32
      %dma_start3A_202 = tpu.memref_slice %arg10[%add3A_194, %dma_start3A_201] : memref<160x128xi32, #tpu.memory_space<vmem>> -> memref<1x128xi32, #tpu.memory_space<vmem>>
      %dma_start3A_203 = tpu.memref_squeeze %dma_start3A_202 : memref<1x128xi32, #tpu.memory_space<vmem>> -> memref<128xi32, #tpu.memory_space<vmem>>
      %dma_start3A_204 = arith.constant 0 : i32
      %dma_start3A_205 = arith.constant 0 : i32
      %dma_start3A_206 = tpu.memref_slice %arg2[%dma_start3A_204, %dma_start3A_205] : memref<80000x16xf32, #tpu.memory_space<hbm>> -> memref<80000x16xf32, #tpu.memory_space<hbm>>
      %dma_start3A_207 = tpu.memref_slice %arg13[%dma_start3A_196] : memref<4x!tpu.dma_semaphore, #tpu.memory_space<semaphore_mem>> -> memref<1x!tpu.dma_semaphore, #tpu.memory_space<semaphore_mem>>
      %dma_start3A_208 = tpu.memref_squeeze %dma_start3A_207 : memref<1x!tpu.dma_semaphore, #tpu.memory_space<semaphore_mem>> -> memref<!tpu.dma_semaphore, #tpu.memory_space<semaphore_mem>>
      tpu.enqueue_indirect_dma source(%dma_start3A_206 : memref<80000x16xf32, #tpu.memory_space<hbm>>) target(%dma_start3A_200 : memref<128x16xf32, #tpu.memory_space<vmem>>) offsets(%dma_start3A_203 : memref<128xi32, #tpu.memory_space<vmem>>) semaphore(%dma_start3A_208 : memref<!tpu.dma_semaphore, #tpu.memory_space<semaphore_mem>>)
      %add3A_209 = arith.constant 3 : i32
      %add3A_210 = arith.addi %mul3A_161, %add3A_209 : i32
      %dma_start3A_211 = arith.constant 3 : i32
      %dma_start3A_212 = arith.constant 3 : i32
      %dma_start3A_213 = arith.constant 0 : i32
      %dma_start3A_214 = arith.constant 0 : i32
      %dma_start3A_215 = tpu.memref_slice %arg11[%dma_start3A_211, %dma_start3A_213, %dma_start3A_214] : memref<4x128x16xf32, #tpu.memory_space<vmem>> -> memref<1x128x16xf32, #tpu.memory_space<vmem>>
      %dma_start3A_216 = tpu.memref_squeeze %dma_start3A_215 : memref<1x128x16xf32, #tpu.memory_space<vmem>> -> memref<128x16xf32, #tpu.memory_space<vmem>>
      %dma_start3A_217 = arith.constant 0 : i32
      %dma_start3A_218 = tpu.memref_slice %arg10[%add3A_210, %dma_start3A_217] : memref<160x128xi32, #tpu.memory_space<vmem>> -> memref<1x128xi32, #tpu.memory_space<vmem>>
      %dma_start3A_219 = tpu.memref_squeeze %dma_start3A_218 : memref<1x128xi32, #tpu.memory_space<vmem>> -> memref<128xi32, #tpu.memory_space<vmem>>
      %dma_start3A_220 = arith.constant 0 : i32
      %dma_start3A_221 = arith.constant 0 : i32
      %dma_start3A_222 = tpu.memref_slice %arg2[%dma_start3A_220, %dma_start3A_221] : memref<80000x16xf32, #tpu.memory_space<hbm>> -> memref<80000x16xf32, #tpu.memory_space<hbm>>
      %dma_start3A_223 = tpu.memref_slice %arg13[%dma_start3A_212] : memref<4x!tpu.dma_semaphore, #tpu.memory_space<semaphore_mem>> -> memref<1x!tpu.dma_semaphore, #tpu.memory_space<semaphore_mem>>
      %dma_start3A_224 = tpu.memref_squeeze %dma_start3A_223 : memref<1x!tpu.dma_semaphore, #tpu.memory_space<semaphore_mem>> -> memref<!tpu.dma_semaphore, #tpu.memory_space<semaphore_mem>>
      tpu.enqueue_indirect_dma source(%dma_start3A_222 : memref<80000x16xf32, #tpu.memory_space<hbm>>) target(%dma_start3A_216 : memref<128x16xf32, #tpu.memory_space<vmem>>) offsets(%dma_start3A_219 : memref<128xi32, #tpu.memory_space<vmem>>) semaphore(%dma_start3A_224 : memref<!tpu.dma_semaphore, #tpu.memory_space<semaphore_mem>>)
      %dma_wait3A = arith.constant 0 : i32
      %dma_wait3A_225 = arith.constant 0 : i32
      %dma_wait3A_226 = arith.constant 0 : i32
      %dma_wait3A_227 = arith.constant 0 : i32
      %dma_wait3A_228 = tpu.memref_slice %arg11[%dma_wait3A, %dma_wait3A_226, %dma_wait3A_227] : memref<4x128x16xf32, #tpu.memory_space<vmem>> -> memref<1x128x16xf32, #tpu.memory_space<vmem>>
      %dma_wait3A_229 = tpu.memref_squeeze %dma_wait3A_228 : memref<1x128x16xf32, #tpu.memory_space<vmem>> -> memref<128x16xf32, #tpu.memory_space<vmem>>
      %dma_wait3A_230 = arith.constant 0 : i32
      %dma_wait3A_231 = tpu.memref_slice %arg10[%add3A_163, %dma_wait3A_230] : memref<160x128xi32, #tpu.memory_space<vmem>> -> memref<1x128xi32, #tpu.memory_space<vmem>>
      %dma_wait3A_232 = tpu.memref_squeeze %dma_wait3A_231 : memref<1x128xi32, #tpu.memory_space<vmem>> -> memref<128xi32, #tpu.memory_space<vmem>>
      %dma_wait3A_233 = arith.constant 0 : i32
      %dma_wait3A_234 = arith.constant 0 : i32
      %dma_wait3A_235 = tpu.memref_slice %arg2[%dma_wait3A_233, %dma_wait3A_234] : memref<80000x16xf32, #tpu.memory_space<hbm>> -> memref<80000x16xf32, #tpu.memory_space<hbm>>
      %dma_wait3A_236 = tpu.memref_slice %arg13[%dma_wait3A_225] : memref<4x!tpu.dma_semaphore, #tpu.memory_space<semaphore_mem>> -> memref<1x!tpu.dma_semaphore, #tpu.memory_space<semaphore_mem>>
      %dma_wait3A_237 = tpu.memref_squeeze %dma_wait3A_236 : memref<1x!tpu.dma_semaphore, #tpu.memory_space<semaphore_mem>> -> memref<!tpu.dma_semaphore, #tpu.memory_space<semaphore_mem>>
      tpu.wait_indirect_dma semaphore(%dma_wait3A_237 : memref<!tpu.dma_semaphore, #tpu.memory_space<semaphore_mem>>) src(%dma_wait3A_235 : memref<80000x16xf32, #tpu.memory_space<hbm>>) dst(%dma_wait3A_229 : memref<128x16xf32, #tpu.memory_space<vmem>>)
      %add3A_238 = arith.constant 0 : i32
      %add3A_239 = arith.addi %mul3A_161, %add3A_238 : i32
      %dma_start3A_240 = arith.constant 0 : i32
      %dma_start3A_241 = arith.constant 0 : i32
      %dma_start3A_242 = arith.constant 0 : i32
      %dma_start3A_243 = arith.constant 0 : i32
      %dma_start3A_244 = tpu.memref_slice %arg11[%dma_start3A_240, %dma_start3A_242, %dma_start3A_243] : memref<4x128x16xf32, #tpu.memory_space<vmem>> -> memref<1x128x16xf32, #tpu.memory_space<vmem>>
      %dma_start3A_245 = tpu.memref_squeeze %dma_start3A_244 : memref<1x128x16xf32, #tpu.memory_space<vmem>> -> memref<128x16xf32, #tpu.memory_space<vmem>>
      %dma_start3A_246 = arith.constant 0 : i32
      %dma_start3A_247 = tpu.memref_slice %arg9[%add3A_239, %dma_start3A_246] : memref<160x128xi32, #tpu.memory_space<vmem>> -> memref<1x128xi32, #tpu.memory_space<vmem>>
      %dma_start3A_248 = tpu.memref_squeeze %dma_start3A_247 : memref<1x128xi32, #tpu.memory_space<vmem>> -> memref<128xi32, #tpu.memory_space<vmem>>
      %dma_start3A_249 = arith.constant 0 : i32
      %dma_start3A_250 = arith.constant 0 : i32
      %dma_start3A_251 = tpu.memref_slice %arg8[%dma_start3A_249, %dma_start3A_250] : memref<80128x16xf32, #tpu.memory_space<vmem_shared>> -> memref<80128x16xf32, #tpu.memory_space<vmem_shared>>
      %dma_start3A_252 = tpu.memref_slice %arg14[%dma_start3A_241] : memref<4x!tpu.dma_semaphore, #tpu.memory_space<semaphore_mem>> -> memref<1x!tpu.dma_semaphore, #tpu.memory_space<semaphore_mem>>
      %dma_start3A_253 = tpu.memref_squeeze %dma_start3A_252 : memref<1x!tpu.dma_semaphore, #tpu.memory_space<semaphore_mem>> -> memref<!tpu.dma_semaphore, #tpu.memory_space<semaphore_mem>>
      tpu.enqueue_indirect_dma source(%dma_start3A_245 : memref<128x16xf32, #tpu.memory_space<vmem>>) target(%dma_start3A_251 : memref<80128x16xf32, #tpu.memory_space<vmem_shared>>) offsets(%dma_start3A_248 : memref<128xi32, #tpu.memory_space<vmem>>) semaphore(%dma_start3A_253 : memref<!tpu.dma_semaphore, #tpu.memory_space<semaphore_mem>>) {add = true}
      %dma_wait3A_254 = arith.constant 1 : i32
      %dma_wait3A_255 = arith.constant 1 : i32
      %dma_wait3A_256 = arith.constant 0 : i32
      %dma_wait3A_257 = arith.constant 0 : i32
      %dma_wait3A_258 = tpu.memref_slice %arg11[%dma_wait3A_254, %dma_wait3A_256, %dma_wait3A_257] : memref<4x128x16xf32, #tpu.memory_space<vmem>> -> memref<1x128x16xf32, #tpu.memory_space<vmem>>
      %dma_wait3A_259 = tpu.memref_squeeze %dma_wait3A_258 : memref<1x128x16xf32, #tpu.memory_space<vmem>> -> memref<128x16xf32, #tpu.memory_space<vmem>>
      %dma_wait3A_260 = arith.constant 0 : i32
      %dma_wait3A_261 = tpu.memref_slice %arg10[%add3A_178, %dma_wait3A_260] : memref<160x128xi32, #tpu.memory_space<vmem>> -> memref<1x128xi32, #tpu.memory_space<vmem>>
      %dma_wait3A_262 = tpu.memref_squeeze %dma_wait3A_261 : memref<1x128xi32, #tpu.memory_space<vmem>> -> memref<128xi32, #tpu.memory_space<vmem>>
      %dma_wait3A_263 = arith.constant 0 : i32
      %dma_wait3A_264 = arith.constant 0 : i32
      %dma_wait3A_265 = tpu.memref_slice %arg2[%dma_wait3A_263, %dma_wait3A_264] : memref<80000x16xf32, #tpu.memory_space<hbm>> -> memref<80000x16xf32, #tpu.memory_space<hbm>>
      %dma_wait3A_266 = tpu.memref_slice %arg13[%dma_wait3A_255] : memref<4x!tpu.dma_semaphore, #tpu.memory_space<semaphore_mem>> -> memref<1x!tpu.dma_semaphore, #tpu.memory_space<semaphore_mem>>
      %dma_wait3A_267 = tpu.memref_squeeze %dma_wait3A_266 : memref<1x!tpu.dma_semaphore, #tpu.memory_space<semaphore_mem>> -> memref<!tpu.dma_semaphore, #tpu.memory_space<semaphore_mem>>
      tpu.wait_indirect_dma semaphore(%dma_wait3A_267 : memref<!tpu.dma_semaphore, #tpu.memory_space<semaphore_mem>>) src(%dma_wait3A_265 : memref<80000x16xf32, #tpu.memory_space<hbm>>) dst(%dma_wait3A_259 : memref<128x16xf32, #tpu.memory_space<vmem>>)
      %add3A_268 = arith.constant 1 : i32
      %add3A_269 = arith.addi %mul3A_161, %add3A_268 : i32
      %dma_start3A_270 = arith.constant 1 : i32
      %dma_start3A_271 = arith.constant 1 : i32
      %dma_start3A_272 = arith.constant 0 : i32
      %dma_start3A_273 = arith.constant 0 : i32
      %dma_start3A_274 = tpu.memref_slice %arg11[%dma_start3A_270, %dma_start3A_272, %dma_start3A_273] : memref<4x128x16xf32, #tpu.memory_space<vmem>> -> memref<1x128x16xf32, #tpu.memory_space<vmem>>
      %dma_start3A_275 = tpu.memref_squeeze %dma_start3A_274 : memref<1x128x16xf32, #tpu.memory_space<vmem>> -> memref<128x16xf32, #tpu.memory_space<vmem>>
      %dma_start3A_276 = arith.constant 0 : i32
      %dma_start3A_277 = tpu.memref_slice %arg9[%add3A_269, %dma_start3A_276] : memref<160x128xi32, #tpu.memory_space<vmem>> -> memref<1x128xi32, #tpu.memory_space<vmem>>
      %dma_start3A_278 = tpu.memref_squeeze %dma_start3A_277 : memref<1x128xi32, #tpu.memory_space<vmem>> -> memref<128xi32, #tpu.memory_space<vmem>>
      %dma_start3A_279 = arith.constant 0 : i32
      %dma_start3A_280 = arith.constant 0 : i32
      %dma_start3A_281 = tpu.memref_slice %arg8[%dma_start3A_279, %dma_start3A_280] : memref<80128x16xf32, #tpu.memory_space<vmem_shared>> -> memref<80128x16xf32, #tpu.memory_space<vmem_shared>>
      %dma_start3A_282 = tpu.memref_slice %arg14[%dma_start3A_271] : memref<4x!tpu.dma_semaphore, #tpu.memory_space<semaphore_mem>> -> memref<1x!tpu.dma_semaphore, #tpu.memory_space<semaphore_mem>>
      %dma_start3A_283 = tpu.memref_squeeze %dma_start3A_282 : memref<1x!tpu.dma_semaphore, #tpu.memory_space<semaphore_mem>> -> memref<!tpu.dma_semaphore, #tpu.memory_space<semaphore_mem>>
      tpu.enqueue_indirect_dma source(%dma_start3A_275 : memref<128x16xf32, #tpu.memory_space<vmem>>) target(%dma_start3A_281 : memref<80128x16xf32, #tpu.memory_space<vmem_shared>>) offsets(%dma_start3A_278 : memref<128xi32, #tpu.memory_space<vmem>>) semaphore(%dma_start3A_283 : memref<!tpu.dma_semaphore, #tpu.memory_space<semaphore_mem>>) {add = true}
      %dma_wait3A_284 = arith.constant 2 : i32
      %dma_wait3A_285 = arith.constant 2 : i32
      %dma_wait3A_286 = arith.constant 0 : i32
      %dma_wait3A_287 = arith.constant 0 : i32
      %dma_wait3A_288 = tpu.memref_slice %arg11[%dma_wait3A_284, %dma_wait3A_286, %dma_wait3A_287] : memref<4x128x16xf32, #tpu.memory_space<vmem>> -> memref<1x128x16xf32, #tpu.memory_space<vmem>>
      %dma_wait3A_289 = tpu.memref_squeeze %dma_wait3A_288 : memref<1x128x16xf32, #tpu.memory_space<vmem>> -> memref<128x16xf32, #tpu.memory_space<vmem>>
      %dma_wait3A_290 = arith.constant 0 : i32
      %dma_wait3A_291 = tpu.memref_slice %arg10[%add3A_194, %dma_wait3A_290] : memref<160x128xi32, #tpu.memory_space<vmem>> -> memref<1x128xi32, #tpu.memory_space<vmem>>
      %dma_wait3A_292 = tpu.memref_squeeze %dma_wait3A_291 : memref<1x128xi32, #tpu.memory_space<vmem>> -> memref<128xi32, #tpu.memory_space<vmem>>
      %dma_wait3A_293 = arith.constant 0 : i32
      %dma_wait3A_294 = arith.constant 0 : i32
      %dma_wait3A_295 = tpu.memref_slice %arg2[%dma_wait3A_293, %dma_wait3A_294] : memref<80000x16xf32, #tpu.memory_space<hbm>> -> memref<80000x16xf32, #tpu.memory_space<hbm>>
      %dma_wait3A_296 = tpu.memref_slice %arg13[%dma_wait3A_285] : memref<4x!tpu.dma_semaphore, #tpu.memory_space<semaphore_mem>> -> memref<1x!tpu.dma_semaphore, #tpu.memory_space<semaphore_mem>>
      %dma_wait3A_297 = tpu.memref_squeeze %dma_wait3A_296 : memref<1x!tpu.dma_semaphore, #tpu.memory_space<semaphore_mem>> -> memref<!tpu.dma_semaphore, #tpu.memory_space<semaphore_mem>>
      tpu.wait_indirect_dma semaphore(%dma_wait3A_297 : memref<!tpu.dma_semaphore, #tpu.memory_space<semaphore_mem>>) src(%dma_wait3A_295 : memref<80000x16xf32, #tpu.memory_space<hbm>>) dst(%dma_wait3A_289 : memref<128x16xf32, #tpu.memory_space<vmem>>)
      %add3A_298 = arith.constant 2 : i32
      %add3A_299 = arith.addi %mul3A_161, %add3A_298 : i32
      %dma_start3A_300 = arith.constant 2 : i32
      %dma_start3A_301 = arith.constant 2 : i32
      %dma_start3A_302 = arith.constant 0 : i32
      %dma_start3A_303 = arith.constant 0 : i32
      %dma_start3A_304 = tpu.memref_slice %arg11[%dma_start3A_300, %dma_start3A_302, %dma_start3A_303] : memref<4x128x16xf32, #tpu.memory_space<vmem>> -> memref<1x128x16xf32, #tpu.memory_space<vmem>>
      %dma_start3A_305 = tpu.memref_squeeze %dma_start3A_304 : memref<1x128x16xf32, #tpu.memory_space<vmem>> -> memref<128x16xf32, #tpu.memory_space<vmem>>
      %dma_start3A_306 = arith.constant 0 : i32
      %dma_start3A_307 = tpu.memref_slice %arg9[%add3A_299, %dma_start3A_306] : memref<160x128xi32, #tpu.memory_space<vmem>> -> memref<1x128xi32, #tpu.memory_space<vmem>>
      %dma_start3A_308 = tpu.memref_squeeze %dma_start3A_307 : memref<1x128xi32, #tpu.memory_space<vmem>> -> memref<128xi32, #tpu.memory_space<vmem>>
      %dma_start3A_309 = arith.constant 0 : i32
      %dma_start3A_310 = arith.constant 0 : i32
      %dma_start3A_311 = tpu.memref_slice %arg8[%dma_start3A_309, %dma_start3A_310] : memref<80128x16xf32, #tpu.memory_space<vmem_shared>> -> memref<80128x16xf32, #tpu.memory_space<vmem_shared>>
      %dma_start3A_312 = tpu.memref_slice %arg14[%dma_start3A_301] : memref<4x!tpu.dma_semaphore, #tpu.memory_space<semaphore_mem>> -> memref<1x!tpu.dma_semaphore, #tpu.memory_space<semaphore_mem>>
      %dma_start3A_313 = tpu.memref_squeeze %dma_start3A_312 : memref<1x!tpu.dma_semaphore, #tpu.memory_space<semaphore_mem>> -> memref<!tpu.dma_semaphore, #tpu.memory_space<semaphore_mem>>
      tpu.enqueue_indirect_dma source(%dma_start3A_305 : memref<128x16xf32, #tpu.memory_space<vmem>>) target(%dma_start3A_311 : memref<80128x16xf32, #tpu.memory_space<vmem_shared>>) offsets(%dma_start3A_308 : memref<128xi32, #tpu.memory_space<vmem>>) semaphore(%dma_start3A_313 : memref<!tpu.dma_semaphore, #tpu.memory_space<semaphore_mem>>) {add = true}
      %dma_wait3A_314 = arith.constant 3 : i32
      %dma_wait3A_315 = arith.constant 3 : i32
      %dma_wait3A_316 = arith.constant 0 : i32
      %dma_wait3A_317 = arith.constant 0 : i32
      %dma_wait3A_318 = tpu.memref_slice %arg11[%dma_wait3A_314, %dma_wait3A_316, %dma_wait3A_317] : memref<4x128x16xf32, #tpu.memory_space<vmem>> -> memref<1x128x16xf32, #tpu.memory_space<vmem>>
      %dma_wait3A_319 = tpu.memref_squeeze %dma_wait3A_318 : memref<1x128x16xf32, #tpu.memory_space<vmem>> -> memref<128x16xf32, #tpu.memory_space<vmem>>
      %dma_wait3A_320 = arith.constant 0 : i32
      %dma_wait3A_321 = tpu.memref_slice %arg10[%add3A_210, %dma_wait3A_320] : memref<160x128xi32, #tpu.memory_space<vmem>> -> memref<1x128xi32, #tpu.memory_space<vmem>>
      %dma_wait3A_322 = tpu.memref_squeeze %dma_wait3A_321 : memref<1x128xi32, #tpu.memory_space<vmem>> -> memref<128xi32, #tpu.memory_space<vmem>>
      %dma_wait3A_323 = arith.constant 0 : i32
      %dma_wait3A_324 = arith.constant 0 : i32
      %dma_wait3A_325 = tpu.memref_slice %arg2[%dma_wait3A_323, %dma_wait3A_324] : memref<80000x16xf32, #tpu.memory_space<hbm>> -> memref<80000x16xf32, #tpu.memory_space<hbm>>
      %dma_wait3A_326 = tpu.memref_slice %arg13[%dma_wait3A_315] : memref<4x!tpu.dma_semaphore, #tpu.memory_space<semaphore_mem>> -> memref<1x!tpu.dma_semaphore, #tpu.memory_space<semaphore_mem>>
      %dma_wait3A_327 = tpu.memref_squeeze %dma_wait3A_326 : memref<1x!tpu.dma_semaphore, #tpu.memory_space<semaphore_mem>> -> memref<!tpu.dma_semaphore, #tpu.memory_space<semaphore_mem>>
      tpu.wait_indirect_dma semaphore(%dma_wait3A_327 : memref<!tpu.dma_semaphore, #tpu.memory_space<semaphore_mem>>) src(%dma_wait3A_325 : memref<80000x16xf32, #tpu.memory_space<hbm>>) dst(%dma_wait3A_319 : memref<128x16xf32, #tpu.memory_space<vmem>>)
      %add3A_328 = arith.constant 3 : i32
      %add3A_329 = arith.addi %mul3A_161, %add3A_328 : i32
      %dma_start3A_330 = arith.constant 3 : i32
      %dma_start3A_331 = arith.constant 3 : i32
      %dma_start3A_332 = arith.constant 0 : i32
      %dma_start3A_333 = arith.constant 0 : i32
      %dma_start3A_334 = tpu.memref_slice %arg11[%dma_start3A_330, %dma_start3A_332, %dma_start3A_333] : memref<4x128x16xf32, #tpu.memory_space<vmem>> -> memref<1x128x16xf32, #tpu.memory_space<vmem>>
      %dma_start3A_335 = tpu.memref_squeeze %dma_start3A_334 : memref<1x128x16xf32, #tpu.memory_space<vmem>> -> memref<128x16xf32, #tpu.memory_space<vmem>>
      %dma_start3A_336 = arith.constant 0 : i32
      %dma_start3A_337 = tpu.memref_slice %arg9[%add3A_329, %dma_start3A_336] : memref<160x128xi32, #tpu.memory_space<vmem>> -> memref<1x128xi32, #tpu.memory_space<vmem>>
      %dma_start3A_338 = tpu.memref_squeeze %dma_start3A_337 : memref<1x128xi32, #tpu.memory_space<vmem>> -> memref<128xi32, #tpu.memory_space<vmem>>
      %dma_start3A_339 = arith.constant 0 : i32
      %dma_start3A_340 = arith.constant 0 : i32
      %dma_start3A_341 = tpu.memref_slice %arg8[%dma_start3A_339, %dma_start3A_340] : memref<80128x16xf32, #tpu.memory_space<vmem_shared>> -> memref<80128x16xf32, #tpu.memory_space<vmem_shared>>
      %dma_start3A_342 = tpu.memref_slice %arg14[%dma_start3A_331] : memref<4x!tpu.dma_semaphore, #tpu.memory_space<semaphore_mem>> -> memref<1x!tpu.dma_semaphore, #tpu.memory_space<semaphore_mem>>
      %dma_start3A_343 = tpu.memref_squeeze %dma_start3A_342 : memref<1x!tpu.dma_semaphore, #tpu.memory_space<semaphore_mem>> -> memref<!tpu.dma_semaphore, #tpu.memory_space<semaphore_mem>>
      tpu.enqueue_indirect_dma source(%dma_start3A_335 : memref<128x16xf32, #tpu.memory_space<vmem>>) target(%dma_start3A_341 : memref<80128x16xf32, #tpu.memory_space<vmem_shared>>) offsets(%dma_start3A_338 : memref<128xi32, #tpu.memory_space<vmem>>) semaphore(%dma_start3A_343 : memref<!tpu.dma_semaphore, #tpu.memory_space<semaphore_mem>>) {add = true}
      %dma_wait3A_344 = arith.constant 0 : i32
      %dma_wait3A_345 = arith.constant 0 : i32
      %dma_wait3A_346 = arith.constant 0 : i32
      %dma_wait3A_347 = arith.constant 0 : i32
      %dma_wait3A_348 = tpu.memref_slice %arg11[%dma_wait3A_344, %dma_wait3A_346, %dma_wait3A_347] : memref<4x128x16xf32, #tpu.memory_space<vmem>> -> memref<1x128x16xf32, #tpu.memory_space<vmem>>
      %dma_wait3A_349 = tpu.memref_squeeze %dma_wait3A_348 : memref<1x128x16xf32, #tpu.memory_space<vmem>> -> memref<128x16xf32, #tpu.memory_space<vmem>>
      %dma_wait3A_350 = arith.constant 0 : i32
      %dma_wait3A_351 = tpu.memref_slice %arg9[%add3A_239, %dma_wait3A_350] : memref<160x128xi32, #tpu.memory_space<vmem>> -> memref<1x128xi32, #tpu.memory_space<vmem>>
      %dma_wait3A_352 = tpu.memref_squeeze %dma_wait3A_351 : memref<1x128xi32, #tpu.memory_space<vmem>> -> memref<128xi32, #tpu.memory_space<vmem>>
      %dma_wait3A_353 = arith.constant 0 : i32
      %dma_wait3A_354 = arith.constant 0 : i32
      %dma_wait3A_355 = tpu.memref_slice %arg8[%dma_wait3A_353, %dma_wait3A_354] : memref<80128x16xf32, #tpu.memory_space<vmem_shared>> -> memref<80128x16xf32, #tpu.memory_space<vmem_shared>>
      %dma_wait3A_356 = tpu.memref_slice %arg14[%dma_wait3A_345] : memref<4x!tpu.dma_semaphore, #tpu.memory_space<semaphore_mem>> -> memref<1x!tpu.dma_semaphore, #tpu.memory_space<semaphore_mem>>
      %dma_wait3A_357 = tpu.memref_squeeze %dma_wait3A_356 : memref<1x!tpu.dma_semaphore, #tpu.memory_space<semaphore_mem>> -> memref<!tpu.dma_semaphore, #tpu.memory_space<semaphore_mem>>
      tpu.wait_indirect_dma semaphore(%dma_wait3A_357 : memref<!tpu.dma_semaphore, #tpu.memory_space<semaphore_mem>>) src(%dma_wait3A_349 : memref<128x16xf32, #tpu.memory_space<vmem>>) dst(%dma_wait3A_355 : memref<80128x16xf32, #tpu.memory_space<vmem_shared>>)
      %dma_wait3A_358 = arith.constant 1 : i32
      %dma_wait3A_359 = arith.constant 1 : i32
      %dma_wait3A_360 = arith.constant 0 : i32
      %dma_wait3A_361 = arith.constant 0 : i32
      %dma_wait3A_362 = tpu.memref_slice %arg11[%dma_wait3A_358, %dma_wait3A_360, %dma_wait3A_361] : memref<4x128x16xf32, #tpu.memory_space<vmem>> -> memref<1x128x16xf32, #tpu.memory_space<vmem>>
      %dma_wait3A_363 = tpu.memref_squeeze %dma_wait3A_362 : memref<1x128x16xf32, #tpu.memory_space<vmem>> -> memref<128x16xf32, #tpu.memory_space<vmem>>
      %dma_wait3A_364 = arith.constant 0 : i32
      %dma_wait3A_365 = tpu.memref_slice %arg9[%add3A_269, %dma_wait3A_364] : memref<160x128xi32, #tpu.memory_space<vmem>> -> memref<1x128xi32, #tpu.memory_space<vmem>>
      %dma_wait3A_366 = tpu.memref_squeeze %dma_wait3A_365 : memref<1x128xi32, #tpu.memory_space<vmem>> -> memref<128xi32, #tpu.memory_space<vmem>>
      %dma_wait3A_367 = arith.constant 0 : i32
      %dma_wait3A_368 = arith.constant 0 : i32
      %dma_wait3A_369 = tpu.memref_slice %arg8[%dma_wait3A_367, %dma_wait3A_368] : memref<80128x16xf32, #tpu.memory_space<vmem_shared>> -> memref<80128x16xf32, #tpu.memory_space<vmem_shared>>
      %dma_wait3A_370 = tpu.memref_slice %arg14[%dma_wait3A_359] : memref<4x!tpu.dma_semaphore, #tpu.memory_space<semaphore_mem>> -> memref<1x!tpu.dma_semaphore, #tpu.memory_space<semaphore_mem>>
      %dma_wait3A_371 = tpu.memref_squeeze %dma_wait3A_370 : memref<1x!tpu.dma_semaphore, #tpu.memory_space<semaphore_mem>> -> memref<!tpu.dma_semaphore, #tpu.memory_space<semaphore_mem>>
      tpu.wait_indirect_dma semaphore(%dma_wait3A_371 : memref<!tpu.dma_semaphore, #tpu.memory_space<semaphore_mem>>) src(%dma_wait3A_363 : memref<128x16xf32, #tpu.memory_space<vmem>>) dst(%dma_wait3A_369 : memref<80128x16xf32, #tpu.memory_space<vmem_shared>>)
      %dma_wait3A_372 = arith.constant 2 : i32
      %dma_wait3A_373 = arith.constant 2 : i32
      %dma_wait3A_374 = arith.constant 0 : i32
      %dma_wait3A_375 = arith.constant 0 : i32
      %dma_wait3A_376 = tpu.memref_slice %arg11[%dma_wait3A_372, %dma_wait3A_374, %dma_wait3A_375] : memref<4x128x16xf32, #tpu.memory_space<vmem>> -> memref<1x128x16xf32, #tpu.memory_space<vmem>>
      %dma_wait3A_377 = tpu.memref_squeeze %dma_wait3A_376 : memref<1x128x16xf32, #tpu.memory_space<vmem>> -> memref<128x16xf32, #tpu.memory_space<vmem>>
      %dma_wait3A_378 = arith.constant 0 : i32
      %dma_wait3A_379 = tpu.memref_slice %arg9[%add3A_299, %dma_wait3A_378] : memref<160x128xi32, #tpu.memory_space<vmem>> -> memref<1x128xi32, #tpu.memory_space<vmem>>
      %dma_wait3A_380 = tpu.memref_squeeze %dma_wait3A_379 : memref<1x128xi32, #tpu.memory_space<vmem>> -> memref<128xi32, #tpu.memory_space<vmem>>
      %dma_wait3A_381 = arith.constant 0 : i32
      %dma_wait3A_382 = arith.constant 0 : i32
      %dma_wait3A_383 = tpu.memref_slice %arg8[%dma_wait3A_381, %dma_wait3A_382] : memref<80128x16xf32, #tpu.memory_space<vmem_shared>> -> memref<80128x16xf32, #tpu.memory_space<vmem_shared>>
      %dma_wait3A_384 = tpu.memref_slice %arg14[%dma_wait3A_373] : memref<4x!tpu.dma_semaphore, #tpu.memory_space<semaphore_mem>> -> memref<1x!tpu.dma_semaphore, #tpu.memory_space<semaphore_mem>>
      %dma_wait3A_385 = tpu.memref_squeeze %dma_wait3A_384 : memref<1x!tpu.dma_semaphore, #tpu.memory_space<semaphore_mem>> -> memref<!tpu.dma_semaphore, #tpu.memory_space<semaphore_mem>>
      tpu.wait_indirect_dma semaphore(%dma_wait3A_385 : memref<!tpu.dma_semaphore, #tpu.memory_space<semaphore_mem>>) src(%dma_wait3A_377 : memref<128x16xf32, #tpu.memory_space<vmem>>) dst(%dma_wait3A_383 : memref<80128x16xf32, #tpu.memory_space<vmem_shared>>)
      %dma_wait3A_386 = arith.constant 3 : i32
      %dma_wait3A_387 = arith.constant 3 : i32
      %dma_wait3A_388 = arith.constant 0 : i32
      %dma_wait3A_389 = arith.constant 0 : i32
      %dma_wait3A_390 = tpu.memref_slice %arg11[%dma_wait3A_386, %dma_wait3A_388, %dma_wait3A_389] : memref<4x128x16xf32, #tpu.memory_space<vmem>> -> memref<1x128x16xf32, #tpu.memory_space<vmem>>
      %dma_wait3A_391 = tpu.memref_squeeze %dma_wait3A_390 : memref<1x128x16xf32, #tpu.memory_space<vmem>> -> memref<128x16xf32, #tpu.memory_space<vmem>>
      %dma_wait3A_392 = arith.constant 0 : i32
      %dma_wait3A_393 = tpu.memref_slice %arg9[%add3A_329, %dma_wait3A_392] : memref<160x128xi32, #tpu.memory_space<vmem>> -> memref<1x128xi32, #tpu.memory_space<vmem>>
      %dma_wait3A_394 = tpu.memref_squeeze %dma_wait3A_393 : memref<1x128xi32, #tpu.memory_space<vmem>> -> memref<128xi32, #tpu.memory_space<vmem>>
      %dma_wait3A_395 = arith.constant 0 : i32
      %dma_wait3A_396 = arith.constant 0 : i32
      %dma_wait3A_397 = tpu.memref_slice %arg8[%dma_wait3A_395, %dma_wait3A_396] : memref<80128x16xf32, #tpu.memory_space<vmem_shared>> -> memref<80128x16xf32, #tpu.memory_space<vmem_shared>>
      %dma_wait3A_398 = tpu.memref_slice %arg14[%dma_wait3A_387] : memref<4x!tpu.dma_semaphore, #tpu.memory_space<semaphore_mem>> -> memref<1x!tpu.dma_semaphore, #tpu.memory_space<semaphore_mem>>
      %dma_wait3A_399 = tpu.memref_squeeze %dma_wait3A_398 : memref<1x!tpu.dma_semaphore, #tpu.memory_space<semaphore_mem>> -> memref<!tpu.dma_semaphore, #tpu.memory_space<semaphore_mem>>
      tpu.wait_indirect_dma semaphore(%dma_wait3A_399 : memref<!tpu.dma_semaphore, #tpu.memory_space<semaphore_mem>>) src(%dma_wait3A_391 : memref<128x16xf32, #tpu.memory_space<vmem>>) dst(%dma_wait3A_397 : memref<80128x16xf32, #tpu.memory_space<vmem_shared>>)
    }
    %scan3A_56 = arith.constant 40 : i32
    %barrier3A_57 = arith.constant 0 : index
    tpu.barrier barrier_id(%barrier3A_57)
    %mul3A_58 = arith.constant 5000 : i32
    %mul3A_59 = arith.muli %arg1, %mul3A_58 : i32
    %mul3A_60 = arith.constant 5000 : i32
    %mul3A_61 = arith.muli %arg1, %mul3A_60 : i32
    %mul3A_62 = arith.constant 4 : i32
    %mul3A_63 = arith.muli %arg0, %mul3A_62 : i32
    %add3A = arith.constant 0 : i32
    %add3A_64 = arith.addi %mul3A_63, %add3A : i32
    %mul3A_65 = arith.constant 16 : i32
    %mul3A_66 = arith.muli %add3A_64, %mul3A_65 : i32
    "tpu.region"() ({
      %run_scoped3A = tpu.sem_alloc : memref<!tpu.dma_semaphore, #tpu.memory_space<semaphore_mem>>
      %dma_start3A = tpu.memref_slice %arg6[%mul3A_61, %mul3A_66] : memref<80000x128xf32, #tpu.memory_space<hbm>> -> memref<5000x16xf32, #tpu.memory_space<hbm>>
      %dma_start3A_157 = arith.constant 0 : i32
      %dma_start3A_158 = tpu.memref_slice %arg8[%mul3A_59, %dma_start3A_157] : memref<80128x16xf32, #tpu.memory_space<vmem_shared>> -> memref<5000x16xf32, #tpu.memory_space<vmem_shared>>
      tpu.enqueue_dma source(%dma_start3A_158 : memref<5000x16xf32, #tpu.memory_space<vmem_shared>>) target(%dma_start3A : memref<5000x16xf32, #tpu.memory_space<hbm>>) target_semaphore(%run_scoped3A : memref<!tpu.dma_semaphore, #tpu.memory_space<semaphore_mem>>)
      %dma_wait3A = tpu.memref_slice %arg6[%mul3A_61, %mul3A_66] : memref<80000x128xf32, #tpu.memory_space<hbm>> -> memref<5000x16xf32, #tpu.memory_space<hbm>>
      %dma_wait3A_159 = arith.constant 0 : i32
      %dma_wait3A_160 = tpu.memref_slice %arg8[%mul3A_59, %dma_wait3A_159] : memref<80128x16xf32, #tpu.memory_space<vmem_shared>> -> memref<5000x16xf32, #tpu.memory_space<vmem_shared>>
      tpu.wait_dma2 semaphore(%run_scoped3A : memref<!tpu.dma_semaphore, #tpu.memory_space<semaphore_mem>>) src(%dma_wait3A_160 : memref<5000x16xf32, #tpu.memory_space<vmem_shared>>) dst(%dma_wait3A : memref<5000x16xf32, #tpu.memory_space<hbm>>)
      tpu.yield
    }) : () -> ()
    %scan3A_67 = arith.constant 0 : i32
    %scan3A_68 = arith.constant 0 : i32
    %scan3A_69 = arith.constant 160 : i32
    %scan3A_70 = arith.addi %scan3A_68, %scan3A_69 : i32
    %scan3A_71 = arith.constant 1 : i32
    scf.for %scan3A_157 = %scan3A_68 to %scan3A_70 step %scan3A_71  : i32 {
      %get3A = arith.index_cast %scan3A_157 : i32 to index
      %get3A_158 = arith.constant 0 : index
      %get3A_159 = tpu.vector_load %arg10[%get3A, %get3A_158] {strides = array<i32>} : memref<160x128xi32, #tpu.memory_space<vmem>>, vector<1x16xi32>,
      %get3A_160 = vector.shape_cast %get3A_159 : vector<1x16xi32> to vector<16xi32>
      %add3A_161 = arith.constant 1 : i32
      %add3A_162 = vector.broadcast %add3A_161 : i32 to vector<16xi32>
      %add3A_163 = arith.addi %get3A_160, %add3A_162 : vector<16xi32>
      %swap3A = arith.index_cast %scan3A_157 : i32 to index
      %swap3A_164 = arith.constant 0 : index
      %swap3A_165 = tpu.vector_load %arg10[%swap3A, %swap3A_164] {strides = array<i32>} : memref<160x128xi32, #tpu.memory_space<vmem>>, vector<1x16xi32>,
      %swap3A_166 = vector.shape_cast %swap3A_165 : vector<1x16xi32> to vector<16xi32>
      %swap3A_167 = vector.shape_cast %add3A_163 : vector<16xi32> to vector<1x16xi32>
      tpu.vector_store %arg10[%swap3A, %swap3A_164], %swap3A_167 {strides = array<i32>} : memref<160x128xi32, #tpu.memory_space<vmem>>, vector<1x16xi32>,
      %get3A_168 = arith.index_cast %scan3A_157 : i32 to index
      %get3A_169 = arith.constant 16 : index
      %get3A_170 = tpu.vector_load %arg10[%get3A_168, %get3A_169] {strides = array<i32>} : memref<160x128xi32, #tpu.memory_space<vmem>>, vector<1x16xi32>,
      %get3A_171 = vector.shape_cast %get3A_170 : vector<1x16xi32> to vector<16xi32>
      %add3A_172 = arith.constant 1 : i32
      %add3A_173 = vector.broadcast %add3A_172 : i32 to vector<16xi32>
      %add3A_174 = arith.addi %get3A_171, %add3A_173 : vector<16xi32>
      %swap3A_175 = arith.index_cast %scan3A_157 : i32 to index
      %swap3A_176 = arith.constant 16 : index
      %swap3A_177 = tpu.vector_load %arg10[%swap3A_175, %swap3A_176] {strides = array<i32>} : memref<160x128xi32, #tpu.memory_space<vmem>>, vector<1x16xi32>,
      %swap3A_178 = vector.shape_cast %swap3A_177 : vector<1x16xi32> to vector<16xi32>
      %swap3A_179 = vector.shape_cast %add3A_174 : vector<16xi32> to vector<1x16xi32>
      tpu.vector_store %arg10[%swap3A_175, %swap3A_176], %swap3A_179 {strides = array<i32>} : memref<160x128xi32, #tpu.memory_space<vmem>>, vector<1x16xi32>,
      %get3A_180 = arith.index_cast %scan3A_157 : i32 to index
      %get3A_181 = arith.constant 32 : index
      %get3A_182 = tpu.vector_load %arg10[%get3A_180, %get3A_181] {strides = array<i32>} : memref<160x128xi32, #tpu.memory_space<vmem>>, vector<1x16xi32>,
      %get3A_183 = vector.shape_cast %get3A_182 : vector<1x16xi32> to vector<16xi32>
      %add3A_184 = arith.constant 1 : i32
      %add3A_185 = vector.broadcast %add3A_184 : i32 to vector<16xi32>
      %add3A_186 = arith.addi %get3A_183, %add3A_185 : vector<16xi32>
      %swap3A_187 = arith.index_cast %scan3A_157 : i32 to index
      %swap3A_188 = arith.constant 32 : index
      %swap3A_189 = tpu.vector_load %arg10[%swap3A_187, %swap3A_188] {strides = array<i32>} : memref<160x128xi32, #tpu.memory_space<vmem>>, vector<1x16xi32>,
      %swap3A_190 = vector.shape_cast %swap3A_189 : vector<1x16xi32> to vector<16xi32>
      %swap3A_191 = vector.shape_cast %add3A_186 : vector<16xi32> to vector<1x16xi32>
      tpu.vector_store %arg10[%swap3A_187, %swap3A_188], %swap3A_191 {strides = array<i32>} : memref<160x128xi32, #tpu.memory_space<vmem>>, vector<1x16xi32>,
      %get3A_192 = arith.index_cast %scan3A_157 : i32 to index
      %get3A_193 = arith.constant 48 : index
      %get3A_194 = tpu.vector_load %arg10[%get3A_192, %get3A_193] {strides = array<i32>} : memref<160x128xi32, #tpu.memory_space<vmem>>, vector<1x16xi32>,
      %get3A_195 = vector.shape_cast %get3A_194 : vector<1x16xi32> to vector<16xi32>
      %add3A_196 = arith.constant 1 : i32
      %add3A_197 = vector.broadcast %add3A_196 : i32 to vector<16xi32>
      %add3A_198 = arith.addi %get3A_195, %add3A_197 : vector<16xi32>
      %swap3A_199 = arith.index_cast %scan3A_157 : i32 to index
      %swap3A_200 = arith.constant 48 : index
      %swap3A_201 = tpu.vector_load %arg10[%swap3A_199, %swap3A_200] {strides = array<i32>} : memref<160x128xi32, #tpu.memory_space<vmem>>, vector<1x16xi32>,
      %swap3A_202 = vector.shape_cast %swap3A_201 : vector<1x16xi32> to vector<16xi32>
      %swap3A_203 = vector.shape_cast %add3A_198 : vector<16xi32> to vector<1x16xi32>
      tpu.vector_store %arg10[%swap3A_199, %swap3A_200], %swap3A_203 {strides = array<i32>} : memref<160x128xi32, #tpu.memory_space<vmem>>, vector<1x16xi32>,
      %get3A_204 = arith.index_cast %scan3A_157 : i32 to index
      %get3A_205 = arith.constant 64 : index
      %get3A_206 = tpu.vector_load %arg10[%get3A_204, %get3A_205] {strides = array<i32>} : memref<160x128xi32, #tpu.memory_space<vmem>>, vector<1x16xi32>,
      %get3A_207 = vector.shape_cast %get3A_206 : vector<1x16xi32> to vector<16xi32>
      %add3A_208 = arith.constant 1 : i32
      %add3A_209 = vector.broadcast %add3A_208 : i32 to vector<16xi32>
      %add3A_210 = arith.addi %get3A_207, %add3A_209 : vector<16xi32>
      %swap3A_211 = arith.index_cast %scan3A_157 : i32 to index
      %swap3A_212 = arith.constant 64 : index
      %swap3A_213 = tpu.vector_load %arg10[%swap3A_211, %swap3A_212] {strides = array<i32>} : memref<160x128xi32, #tpu.memory_space<vmem>>, vector<1x16xi32>,
      %swap3A_214 = vector.shape_cast %swap3A_213 : vector<1x16xi32> to vector<16xi32>
      %swap3A_215 = vector.shape_cast %add3A_210 : vector<16xi32> to vector<1x16xi32>
      tpu.vector_store %arg10[%swap3A_211, %swap3A_212], %swap3A_215 {strides = array<i32>} : memref<160x128xi32, #tpu.memory_space<vmem>>, vector<1x16xi32>,
      %get3A_216 = arith.index_cast %scan3A_157 : i32 to index
      %get3A_217 = arith.constant 80 : index
      %get3A_218 = tpu.vector_load %arg10[%get3A_216, %get3A_217] {strides = array<i32>} : memref<160x128xi32, #tpu.memory_space<vmem>>, vector<1x16xi32>,
      %get3A_219 = vector.shape_cast %get3A_218 : vector<1x16xi32> to vector<16xi32>
      %add3A_220 = arith.constant 1 : i32
      %add3A_221 = vector.broadcast %add3A_220 : i32 to vector<16xi32>
      %add3A_222 = arith.addi %get3A_219, %add3A_221 : vector<16xi32>
      %swap3A_223 = arith.index_cast %scan3A_157 : i32 to index
      %swap3A_224 = arith.constant 80 : index
      %swap3A_225 = tpu.vector_load %arg10[%swap3A_223, %swap3A_224] {strides = array<i32>} : memref<160x128xi32, #tpu.memory_space<vmem>>, vector<1x16xi32>,
      %swap3A_226 = vector.shape_cast %swap3A_225 : vector<1x16xi32> to vector<16xi32>
      %swap3A_227 = vector.shape_cast %add3A_222 : vector<16xi32> to vector<1x16xi32>
      tpu.vector_store %arg10[%swap3A_223, %swap3A_224], %swap3A_227 {strides = array<i32>} : memref<160x128xi32, #tpu.memory_space<vmem>>, vector<1x16xi32>,
      %get3A_228 = arith.index_cast %scan3A_157 : i32 to index
      %get3A_229 = arith.constant 96 : index
      %get3A_230 = tpu.vector_load %arg10[%get3A_228, %get3A_229] {strides = array<i32>} : memref<160x128xi32, #tpu.memory_space<vmem>>, vector<1x16xi32>,
      %get3A_231 = vector.shape_cast %get3A_230 : vector<1x16xi32> to vector<16xi32>
      %add3A_232 = arith.constant 1 : i32
      %add3A_233 = vector.broadcast %add3A_232 : i32 to vector<16xi32>
      %add3A_234 = arith.addi %get3A_231, %add3A_233 : vector<16xi32>
      %swap3A_235 = arith.index_cast %scan3A_157 : i32 to index
      %swap3A_236 = arith.constant 96 : index
      %swap3A_237 = tpu.vector_load %arg10[%swap3A_235, %swap3A_236] {strides = array<i32>} : memref<160x128xi32, #tpu.memory_space<vmem>>, vector<1x16xi32>,
      %swap3A_238 = vector.shape_cast %swap3A_237 : vector<1x16xi32> to vector<16xi32>
      %swap3A_239 = vector.shape_cast %add3A_234 : vector<16xi32> to vector<1x16xi32>
      tpu.vector_store %arg10[%swap3A_235, %swap3A_236], %swap3A_239 {strides = array<i32>} : memref<160x128xi32, #tpu.memory_space<vmem>>, vector<1x16xi32>,
      %get3A_240 = arith.index_cast %scan3A_157 : i32 to index
      %get3A_241 = arith.constant 112 : index
      %get3A_242 = tpu.vector_load %arg10[%get3A_240, %get3A_241] {strides = array<i32>} : memref<160x128xi32, #tpu.memory_space<vmem>>, vector<1x16xi32>,
      %get3A_243 = vector.shape_cast %get3A_242 : vector<1x16xi32> to vector<16xi32>
      %add3A_244 = arith.constant 1 : i32
      %add3A_245 = vector.broadcast %add3A_244 : i32 to vector<16xi32>
      %add3A_246 = arith.addi %get3A_243, %add3A_245 : vector<16xi32>
      %swap3A_247 = arith.index_cast %scan3A_157 : i32 to index
      %swap3A_248 = arith.constant 112 : index
      %swap3A_249 = tpu.vector_load %arg10[%swap3A_247, %swap3A_248] {strides = array<i32>} : memref<160x128xi32, #tpu.memory_space<vmem>>, vector<1x16xi32>,
      %swap3A_250 = vector.shape_cast %swap3A_249 : vector<1x16xi32> to vector<16xi32>
      %swap3A_251 = vector.shape_cast %add3A_246 : vector<16xi32> to vector<1x16xi32>
      tpu.vector_store %arg10[%swap3A_247, %swap3A_248], %swap3A_251 {strides = array<i32>} : memref<160x128xi32, #tpu.memory_space<vmem>>, vector<1x16xi32>,
    }
    %scan3A_72 = arith.constant 160 : i32
    %scan3A_73 = arith.constant 0 : i32
    %scan3A_74 = arith.constant 0 : i32
    %scan3A_75 = arith.constant 125 : i32
    %scan3A_76 = arith.addi %scan3A_74, %scan3A_75 : i32
    %scan3A_77 = arith.constant 1 : i32
    scf.for %scan3A_157 = %scan3A_74 to %scan3A_76 step %scan3A_77  : i32 {
      %mul3A_158 = arith.constant 5000 : i32
      %mul3A_159 = arith.muli %arg1, %mul3A_158 : i32
      %mul3A_160 = arith.constant 40 : i32
      %mul3A_161 = arith.muli %scan3A_157, %mul3A_160 : i32
      %add3A_162 = arith.addi %mul3A_159, %mul3A_161 : i32
      "tpu.region"() ({
        %run_scoped3A = tpu.sem_alloc : memref<!tpu.dma_semaphore, #tpu.memory_space<semaphore_mem>>
        %dma_start3A = arith.constant 0 : i32
        %dma_start3A_163 = tpu.memref_slice %arg8[%add3A_162, %dma_start3A] : memref<80128x16xf32, #tpu.memory_space<vmem_shared>> -> memref<40x16xf32, #tpu.memory_space<vmem_shared>>
        %dma_start3A_164 = arith.constant 0 : i32
        %dma_start3A_165 = tpu.memref_slice %arg8[%add3A_162, %dma_start3A_164] : memref<80128x16xf32, #tpu.memory_space<vmem_shared>> -> memref<40x16xf32, #tpu.memory_space<vmem_shared>>
        tpu.enqueue_dma source(%arg12 : memref<40x16xf32, #tpu.memory_space<vmem>>) target(%dma_start3A_165 : memref<40x16xf32, #tpu.memory_space<vmem_shared>>) target_semaphore(%run_scoped3A : memref<!tpu.dma_semaphore, #tpu.memory_space<semaphore_mem>>)
        %dma_wait3A = arith.constant 0 : i32
        %dma_wait3A_166 = tpu.memref_slice %arg8[%add3A_162, %dma_wait3A] : memref<80128x16xf32, #tpu.memory_space<vmem_shared>> -> memref<40x16xf32, #tpu.memory_space<vmem_shared>>
        %dma_wait3A_167 = arith.constant 0 : i32
        %dma_wait3A_168 = tpu.memref_slice %arg8[%add3A_162, %dma_wait3A_167] : memref<80128x16xf32, #tpu.memory_space<vmem_shared>> -> memref<40x16xf32, #tpu.memory_space<vmem_shared>>
        tpu.wait_dma2 semaphore(%run_scoped3A : memref<!tpu.dma_semaphore, #tpu.memory_space<semaphore_mem>>) src(%arg12 : memref<40x16xf32, #tpu.memory_space<vmem>>) dst(%dma_wait3A_168 : memref<40x16xf32, #tpu.memory_space<vmem_shared>>)
        tpu.yield
      }) : () -> ()
    }
    %scan3A_78 = arith.constant 125 : i32
    %barrier3A_79 = arith.constant 0 : index
    tpu.barrier barrier_id(%barrier3A_79)
    %scan3A_80 = arith.constant 0 : i32
    %scan3A_81 = arith.constant 0 : i32
    %scan3A_82 = arith.constant 40 : i32
    %scan3A_83 = arith.addi %scan3A_81, %scan3A_82 : i32
    %scan3A_84 = arith.constant 1 : i32
    scf.for %scan3A_157 = %scan3A_81 to %scan3A_83 step %scan3A_84  : i32 {
      %mul3A_158 = arith.constant 4 : i32
      %mul3A_159 = arith.muli %scan3A_157, %mul3A_158 : i32
      %mul3A_160 = arith.constant 1 : i32
      %mul3A_161 = arith.muli %mul3A_159, %mul3A_160 : i32
      %add3A_162 = arith.constant 0 : i32
      %add3A_163 = arith.addi %mul3A_161, %add3A_162 : i32
      %dma_start3A = arith.constant 0 : i32
      %dma_start3A_164 = arith.constant 0 : i32
      %dma_start3A_165 = arith.constant 0 : i32
      %dma_start3A_166 = arith.constant 0 : i32
      %dma_start3A_167 = tpu.memref_slice %arg11[%dma_start3A, %dma_start3A_165, %dma_start3A_166] : memref<4x128x16xf32, #tpu.memory_space<vmem>> -> memref<1x128x16xf32, #tpu.memory_space<vmem>>
      %dma_start3A_168 = tpu.memref_squeeze %dma_start3A_167 : memref<1x128x16xf32, #tpu.memory_space<vmem>> -> memref<128x16xf32, #tpu.memory_space<vmem>>
      %dma_start3A_169 = arith.constant 0 : i32
      %dma_start3A_170 = tpu.memref_slice %arg10[%add3A_163, %dma_start3A_169] : memref<160x128xi32, #tpu.memory_space<vmem>> -> memref<1x128xi32, #tpu.memory_space<vmem>>
      %dma_start3A_171 = tpu.memref_squeeze %dma_start3A_170 : memref<1x128xi32, #tpu.memory_space<vmem>> -> memref<128xi32, #tpu.memory_space<vmem>>
      %dma_start3A_172 = arith.constant 0 : i32
      %dma_start3A_173 = arith.constant 0 : i32
      %dma_start3A_174 = tpu.memref_slice %arg2[%dma_start3A_172, %dma_start3A_173] : memref<80000x16xf32, #tpu.memory_space<hbm>> -> memref<80000x16xf32, #tpu.memory_space<hbm>>
      %dma_start3A_175 = tpu.memref_slice %arg13[%dma_start3A_164] : memref<4x!tpu.dma_semaphore, #tpu.memory_space<semaphore_mem>> -> memref<1x!tpu.dma_semaphore, #tpu.memory_space<semaphore_mem>>
      %dma_start3A_176 = tpu.memref_squeeze %dma_start3A_175 : memref<1x!tpu.dma_semaphore, #tpu.memory_space<semaphore_mem>> -> memref<!tpu.dma_semaphore, #tpu.memory_space<semaphore_mem>>
      tpu.enqueue_indirect_dma source(%dma_start3A_174 : memref<80000x16xf32, #tpu.memory_space<hbm>>) target(%dma_start3A_168 : memref<128x16xf32, #tpu.memory_space<vmem>>) offsets(%dma_start3A_171 : memref<128xi32, #tpu.memory_space<vmem>>) semaphore(%dma_start3A_176 : memref<!tpu.dma_semaphore, #tpu.memory_space<semaphore_mem>>)
      %add3A_177 = arith.constant 1 : i32
      %add3A_178 = arith.addi %mul3A_161, %add3A_177 : i32
      %dma_start3A_179 = arith.constant 1 : i32
      %dma_start3A_180 = arith.constant 1 : i32
      %dma_start3A_181 = arith.constant 0 : i32
      %dma_start3A_182 = arith.constant 0 : i32
      %dma_start3A_183 = tpu.memref_slice %arg11[%dma_start3A_179, %dma_start3A_181, %dma_start3A_182] : memref<4x128x16xf32, #tpu.memory_space<vmem>> -> memref<1x128x16xf32, #tpu.memory_space<vmem>>
      %dma_start3A_184 = tpu.memref_squeeze %dma_start3A_183 : memref<1x128x16xf32, #tpu.memory_space<vmem>> -> memref<128x16xf32, #tpu.memory_space<vmem>>
      %dma_start3A_185 = arith.constant 0 : i32
      %dma_start3A_186 = tpu.memref_slice %arg10[%add3A_178, %dma_start3A_185] : memref<160x128xi32, #tpu.memory_space<vmem>> -> memref<1x128xi32, #tpu.memory_space<vmem>>
      %dma_start3A_187 = tpu.memref_squeeze %dma_start3A_186 : memref<1x128xi32, #tpu.memory_space<vmem>> -> memref<128xi32, #tpu.memory_space<vmem>>
      %dma_start3A_188 = arith.constant 0 : i32
      %dma_start3A_189 = arith.constant 0 : i32
      %dma_start3A_190 = tpu.memref_slice %arg2[%dma_start3A_188, %dma_start3A_189] : memref<80000x16xf32, #tpu.memory_space<hbm>> -> memref<80000x16xf32, #tpu.memory_space<hbm>>
      %dma_start3A_191 = tpu.memref_slice %arg13[%dma_start3A_180] : memref<4x!tpu.dma_semaphore, #tpu.memory_space<semaphore_mem>> -> memref<1x!tpu.dma_semaphore, #tpu.memory_space<semaphore_mem>>
      %dma_start3A_192 = tpu.memref_squeeze %dma_start3A_191 : memref<1x!tpu.dma_semaphore, #tpu.memory_space<semaphore_mem>> -> memref<!tpu.dma_semaphore, #tpu.memory_space<semaphore_mem>>
      tpu.enqueue_indirect_dma source(%dma_start3A_190 : memref<80000x16xf32, #tpu.memory_space<hbm>>) target(%dma_start3A_184 : memref<128x16xf32, #tpu.memory_space<vmem>>) offsets(%dma_start3A_187 : memref<128xi32, #tpu.memory_space<vmem>>) semaphore(%dma_start3A_192 : memref<!tpu.dma_semaphore, #tpu.memory_space<semaphore_mem>>)
      %add3A_193 = arith.constant 2 : i32
      %add3A_194 = arith.addi %mul3A_161, %add3A_193 : i32
      %dma_start3A_195 = arith.constant 2 : i32
      %dma_start3A_196 = arith.constant 2 : i32
      %dma_start3A_197 = arith.constant 0 : i32
      %dma_start3A_198 = arith.constant 0 : i32
      %dma_start3A_199 = tpu.memref_slice %arg11[%dma_start3A_195, %dma_start3A_197, %dma_start3A_198] : memref<4x128x16xf32, #tpu.memory_space<vmem>> -> memref<1x128x16xf32, #tpu.memory_space<vmem>>
      %dma_start3A_200 = tpu.memref_squeeze %dma_start3A_199 : memref<1x128x16xf32, #tpu.memory_space<vmem>> -> memref<128x16xf32, #tpu.memory_space<vmem>>
      %dma_start3A_201 = arith.constant 0 : i32
      %dma_start3A_202 = tpu.memref_slice %arg10[%add3A_194, %dma_start3A_201] : memref<160x128xi32, #tpu.memory_space<vmem>> -> memref<1x128xi32, #tpu.memory_space<vmem>>
      %dma_start3A_203 = tpu.memref_squeeze %dma_start3A_202 : memref<1x128xi32, #tpu.memory_space<vmem>> -> memref<128xi32, #tpu.memory_space<vmem>>
      %dma_start3A_204 = arith.constant 0 : i32
      %dma_start3A_205 = arith.constant 0 : i32
      %dma_start3A_206 = tpu.memref_slice %arg2[%dma_start3A_204, %dma_start3A_205] : memref<80000x16xf32, #tpu.memory_space<hbm>> -> memref<80000x16xf32, #tpu.memory_space<hbm>>
      %dma_start3A_207 = tpu.memref_slice %arg13[%dma_start3A_196] : memref<4x!tpu.dma_semaphore, #tpu.memory_space<semaphore_mem>> -> memref<1x!tpu.dma_semaphore, #tpu.memory_space<semaphore_mem>>
      %dma_start3A_208 = tpu.memref_squeeze %dma_start3A_207 : memref<1x!tpu.dma_semaphore, #tpu.memory_space<semaphore_mem>> -> memref<!tpu.dma_semaphore, #tpu.memory_space<semaphore_mem>>
      tpu.enqueue_indirect_dma source(%dma_start3A_206 : memref<80000x16xf32, #tpu.memory_space<hbm>>) target(%dma_start3A_200 : memref<128x16xf32, #tpu.memory_space<vmem>>) offsets(%dma_start3A_203 : memref<128xi32, #tpu.memory_space<vmem>>) semaphore(%dma_start3A_208 : memref<!tpu.dma_semaphore, #tpu.memory_space<semaphore_mem>>)
      %add3A_209 = arith.constant 3 : i32
      %add3A_210 = arith.addi %mul3A_161, %add3A_209 : i32
      %dma_start3A_211 = arith.constant 3 : i32
      %dma_start3A_212 = arith.constant 3 : i32
      %dma_start3A_213 = arith.constant 0 : i32
      %dma_start3A_214 = arith.constant 0 : i32
      %dma_start3A_215 = tpu.memref_slice %arg11[%dma_start3A_211, %dma_start3A_213, %dma_start3A_214] : memref<4x128x16xf32, #tpu.memory_space<vmem>> -> memref<1x128x16xf32, #tpu.memory_space<vmem>>
      %dma_start3A_216 = tpu.memref_squeeze %dma_start3A_215 : memref<1x128x16xf32, #tpu.memory_space<vmem>> -> memref<128x16xf32, #tpu.memory_space<vmem>>
      %dma_start3A_217 = arith.constant 0 : i32
      %dma_start3A_218 = tpu.memref_slice %arg10[%add3A_210, %dma_start3A_217] : memref<160x128xi32, #tpu.memory_space<vmem>> -> memref<1x128xi32, #tpu.memory_space<vmem>>
      %dma_start3A_219 = tpu.memref_squeeze %dma_start3A_218 : memref<1x128xi32, #tpu.memory_space<vmem>> -> memref<128xi32, #tpu.memory_space<vmem>>
      %dma_start3A_220 = arith.constant 0 : i32
      %dma_start3A_221 = arith.constant 0 : i32
      %dma_start3A_222 = tpu.memref_slice %arg2[%dma_start3A_220, %dma_start3A_221] : memref<80000x16xf32, #tpu.memory_space<hbm>> -> memref<80000x16xf32, #tpu.memory_space<hbm>>
      %dma_start3A_223 = tpu.memref_slice %arg13[%dma_start3A_212] : memref<4x!tpu.dma_semaphore, #tpu.memory_space<semaphore_mem>> -> memref<1x!tpu.dma_semaphore, #tpu.memory_space<semaphore_mem>>
      %dma_start3A_224 = tpu.memref_squeeze %dma_start3A_223 : memref<1x!tpu.dma_semaphore, #tpu.memory_space<semaphore_mem>> -> memref<!tpu.dma_semaphore, #tpu.memory_space<semaphore_mem>>
      tpu.enqueue_indirect_dma source(%dma_start3A_222 : memref<80000x16xf32, #tpu.memory_space<hbm>>) target(%dma_start3A_216 : memref<128x16xf32, #tpu.memory_space<vmem>>) offsets(%dma_start3A_219 : memref<128xi32, #tpu.memory_space<vmem>>) semaphore(%dma_start3A_224 : memref<!tpu.dma_semaphore, #tpu.memory_space<semaphore_mem>>)
      %dma_wait3A = arith.constant 0 : i32
      %dma_wait3A_225 = arith.constant 0 : i32
      %dma_wait3A_226 = arith.constant 0 : i32
      %dma_wait3A_227 = arith.constant 0 : i32
      %dma_wait3A_228 = tpu.memref_slice %arg11[%dma_wait3A, %dma_wait3A_226, %dma_wait3A_227] : memref<4x128x16xf32, #tpu.memory_space<vmem>> -> memref<1x128x16xf32, #tpu.memory_space<vmem>>
      %dma_wait3A_229 = tpu.memref_squeeze %dma_wait3A_228 : memref<1x128x16xf32, #tpu.memory_space<vmem>> -> memref<128x16xf32, #tpu.memory_space<vmem>>
      %dma_wait3A_230 = arith.constant 0 : i32
      %dma_wait3A_231 = tpu.memref_slice %arg10[%add3A_163, %dma_wait3A_230] : memref<160x128xi32, #tpu.memory_space<vmem>> -> memref<1x128xi32, #tpu.memory_space<vmem>>
      %dma_wait3A_232 = tpu.memref_squeeze %dma_wait3A_231 : memref<1x128xi32, #tpu.memory_space<vmem>> -> memref<128xi32, #tpu.memory_space<vmem>>
      %dma_wait3A_233 = arith.constant 0 : i32
      %dma_wait3A_234 = arith.constant 0 : i32
      %dma_wait3A_235 = tpu.memref_slice %arg2[%dma_wait3A_233, %dma_wait3A_234] : memref<80000x16xf32, #tpu.memory_space<hbm>> -> memref<80000x16xf32, #tpu.memory_space<hbm>>
      %dma_wait3A_236 = tpu.memref_slice %arg13[%dma_wait3A_225] : memref<4x!tpu.dma_semaphore, #tpu.memory_space<semaphore_mem>> -> memref<1x!tpu.dma_semaphore, #tpu.memory_space<semaphore_mem>>
      %dma_wait3A_237 = tpu.memref_squeeze %dma_wait3A_236 : memref<1x!tpu.dma_semaphore, #tpu.memory_space<semaphore_mem>> -> memref<!tpu.dma_semaphore, #tpu.memory_space<semaphore_mem>>
      tpu.wait_indirect_dma semaphore(%dma_wait3A_237 : memref<!tpu.dma_semaphore, #tpu.memory_space<semaphore_mem>>) src(%dma_wait3A_235 : memref<80000x16xf32, #tpu.memory_space<hbm>>) dst(%dma_wait3A_229 : memref<128x16xf32, #tpu.memory_space<vmem>>)
      %add3A_238 = arith.constant 0 : i32
      %add3A_239 = arith.addi %mul3A_161, %add3A_238 : i32
      %dma_start3A_240 = arith.constant 0 : i32
      %dma_start3A_241 = arith.constant 0 : i32
      %dma_start3A_242 = arith.constant 0 : i32
      %dma_start3A_243 = arith.constant 0 : i32
      %dma_start3A_244 = tpu.memref_slice %arg11[%dma_start3A_240, %dma_start3A_242, %dma_start3A_243] : memref<4x128x16xf32, #tpu.memory_space<vmem>> -> memref<1x128x16xf32, #tpu.memory_space<vmem>>
      %dma_start3A_245 = tpu.memref_squeeze %dma_start3A_244 : memref<1x128x16xf32, #tpu.memory_space<vmem>> -> memref<128x16xf32, #tpu.memory_space<vmem>>
      %dma_start3A_246 = arith.constant 0 : i32
      %dma_start3A_247 = tpu.memref_slice %arg9[%add3A_239, %dma_start3A_246] : memref<160x128xi32, #tpu.memory_space<vmem>> -> memref<1x128xi32, #tpu.memory_space<vmem>>
      %dma_start3A_248 = tpu.memref_squeeze %dma_start3A_247 : memref<1x128xi32, #tpu.memory_space<vmem>> -> memref<128xi32, #tpu.memory_space<vmem>>
      %dma_start3A_249 = arith.constant 0 : i32
      %dma_start3A_250 = arith.constant 0 : i32
      %dma_start3A_251 = tpu.memref_slice %arg8[%dma_start3A_249, %dma_start3A_250] : memref<80128x16xf32, #tpu.memory_space<vmem_shared>> -> memref<80128x16xf32, #tpu.memory_space<vmem_shared>>
      %dma_start3A_252 = tpu.memref_slice %arg14[%dma_start3A_241] : memref<4x!tpu.dma_semaphore, #tpu.memory_space<semaphore_mem>> -> memref<1x!tpu.dma_semaphore, #tpu.memory_space<semaphore_mem>>
      %dma_start3A_253 = tpu.memref_squeeze %dma_start3A_252 : memref<1x!tpu.dma_semaphore, #tpu.memory_space<semaphore_mem>> -> memref<!tpu.dma_semaphore, #tpu.memory_space<semaphore_mem>>
      tpu.enqueue_indirect_dma source(%dma_start3A_245 : memref<128x16xf32, #tpu.memory_space<vmem>>) target(%dma_start3A_251 : memref<80128x16xf32, #tpu.memory_space<vmem_shared>>) offsets(%dma_start3A_248 : memref<128xi32, #tpu.memory_space<vmem>>) semaphore(%dma_start3A_253 : memref<!tpu.dma_semaphore, #tpu.memory_space<semaphore_mem>>) {add = true}
      %dma_wait3A_254 = arith.constant 1 : i32
      %dma_wait3A_255 = arith.constant 1 : i32
      %dma_wait3A_256 = arith.constant 0 : i32
      %dma_wait3A_257 = arith.constant 0 : i32
      %dma_wait3A_258 = tpu.memref_slice %arg11[%dma_wait3A_254, %dma_wait3A_256, %dma_wait3A_257] : memref<4x128x16xf32, #tpu.memory_space<vmem>> -> memref<1x128x16xf32, #tpu.memory_space<vmem>>
      %dma_wait3A_259 = tpu.memref_squeeze %dma_wait3A_258 : memref<1x128x16xf32, #tpu.memory_space<vmem>> -> memref<128x16xf32, #tpu.memory_space<vmem>>
      %dma_wait3A_260 = arith.constant 0 : i32
      %dma_wait3A_261 = tpu.memref_slice %arg10[%add3A_178, %dma_wait3A_260] : memref<160x128xi32, #tpu.memory_space<vmem>> -> memref<1x128xi32, #tpu.memory_space<vmem>>
      %dma_wait3A_262 = tpu.memref_squeeze %dma_wait3A_261 : memref<1x128xi32, #tpu.memory_space<vmem>> -> memref<128xi32, #tpu.memory_space<vmem>>
      %dma_wait3A_263 = arith.constant 0 : i32
      %dma_wait3A_264 = arith.constant 0 : i32
      %dma_wait3A_265 = tpu.memref_slice %arg2[%dma_wait3A_263, %dma_wait3A_264] : memref<80000x16xf32, #tpu.memory_space<hbm>> -> memref<80000x16xf32, #tpu.memory_space<hbm>>
      %dma_wait3A_266 = tpu.memref_slice %arg13[%dma_wait3A_255] : memref<4x!tpu.dma_semaphore, #tpu.memory_space<semaphore_mem>> -> memref<1x!tpu.dma_semaphore, #tpu.memory_space<semaphore_mem>>
      %dma_wait3A_267 = tpu.memref_squeeze %dma_wait3A_266 : memref<1x!tpu.dma_semaphore, #tpu.memory_space<semaphore_mem>> -> memref<!tpu.dma_semaphore, #tpu.memory_space<semaphore_mem>>
      tpu.wait_indirect_dma semaphore(%dma_wait3A_267 : memref<!tpu.dma_semaphore, #tpu.memory_space<semaphore_mem>>) src(%dma_wait3A_265 : memref<80000x16xf32, #tpu.memory_space<hbm>>) dst(%dma_wait3A_259 : memref<128x16xf32, #tpu.memory_space<vmem>>)
      %add3A_268 = arith.constant 1 : i32
      %add3A_269 = arith.addi %mul3A_161, %add3A_268 : i32
      %dma_start3A_270 = arith.constant 1 : i32
      %dma_start3A_271 = arith.constant 1 : i32
      %dma_start3A_272 = arith.constant 0 : i32
      %dma_start3A_273 = arith.constant 0 : i32
      %dma_start3A_274 = tpu.memref_slice %arg11[%dma_start3A_270, %dma_start3A_272, %dma_start3A_273] : memref<4x128x16xf32, #tpu.memory_space<vmem>> -> memref<1x128x16xf32, #tpu.memory_space<vmem>>
      %dma_start3A_275 = tpu.memref_squeeze %dma_start3A_274 : memref<1x128x16xf32, #tpu.memory_space<vmem>> -> memref<128x16xf32, #tpu.memory_space<vmem>>
      %dma_start3A_276 = arith.constant 0 : i32
      %dma_start3A_277 = tpu.memref_slice %arg9[%add3A_269, %dma_start3A_276] : memref<160x128xi32, #tpu.memory_space<vmem>> -> memref<1x128xi32, #tpu.memory_space<vmem>>
      %dma_start3A_278 = tpu.memref_squeeze %dma_start3A_277 : memref<1x128xi32, #tpu.memory_space<vmem>> -> memref<128xi32, #tpu.memory_space<vmem>>
      %dma_start3A_279 = arith.constant 0 : i32
      %dma_start3A_280 = arith.constant 0 : i32
      %dma_start3A_281 = tpu.memref_slice %arg8[%dma_start3A_279, %dma_start3A_280] : memref<80128x16xf32, #tpu.memory_space<vmem_shared>> -> memref<80128x16xf32, #tpu.memory_space<vmem_shared>>
      %dma_start3A_282 = tpu.memref_slice %arg14[%dma_start3A_271] : memref<4x!tpu.dma_semaphore, #tpu.memory_space<semaphore_mem>> -> memref<1x!tpu.dma_semaphore, #tpu.memory_space<semaphore_mem>>
      %dma_start3A_283 = tpu.memref_squeeze %dma_start3A_282 : memref<1x!tpu.dma_semaphore, #tpu.memory_space<semaphore_mem>> -> memref<!tpu.dma_semaphore, #tpu.memory_space<semaphore_mem>>
      tpu.enqueue_indirect_dma source(%dma_start3A_275 : memref<128x16xf32, #tpu.memory_space<vmem>>) target(%dma_start3A_281 : memref<80128x16xf32, #tpu.memory_space<vmem_shared>>) offsets(%dma_start3A_278 : memref<128xi32, #tpu.memory_space<vmem>>) semaphore(%dma_start3A_283 : memref<!tpu.dma_semaphore, #tpu.memory_space<semaphore_mem>>) {add = true}
      %dma_wait3A_284 = arith.constant 2 : i32
      %dma_wait3A_285 = arith.constant 2 : i32
      %dma_wait3A_286 = arith.constant 0 : i32
      %dma_wait3A_287 = arith.constant 0 : i32
      %dma_wait3A_288 = tpu.memref_slice %arg11[%dma_wait3A_284, %dma_wait3A_286, %dma_wait3A_287] : memref<4x128x16xf32, #tpu.memory_space<vmem>> -> memref<1x128x16xf32, #tpu.memory_space<vmem>>
      %dma_wait3A_289 = tpu.memref_squeeze %dma_wait3A_288 : memref<1x128x16xf32, #tpu.memory_space<vmem>> -> memref<128x16xf32, #tpu.memory_space<vmem>>
      %dma_wait3A_290 = arith.constant 0 : i32
      %dma_wait3A_291 = tpu.memref_slice %arg10[%add3A_194, %dma_wait3A_290] : memref<160x128xi32, #tpu.memory_space<vmem>> -> memref<1x128xi32, #tpu.memory_space<vmem>>
      %dma_wait3A_292 = tpu.memref_squeeze %dma_wait3A_291 : memref<1x128xi32, #tpu.memory_space<vmem>> -> memref<128xi32, #tpu.memory_space<vmem>>
      %dma_wait3A_293 = arith.constant 0 : i32
      %dma_wait3A_294 = arith.constant 0 : i32
      %dma_wait3A_295 = tpu.memref_slice %arg2[%dma_wait3A_293, %dma_wait3A_294] : memref<80000x16xf32, #tpu.memory_space<hbm>> -> memref<80000x16xf32, #tpu.memory_space<hbm>>
      %dma_wait3A_296 = tpu.memref_slice %arg13[%dma_wait3A_285] : memref<4x!tpu.dma_semaphore, #tpu.memory_space<semaphore_mem>> -> memref<1x!tpu.dma_semaphore, #tpu.memory_space<semaphore_mem>>
      %dma_wait3A_297 = tpu.memref_squeeze %dma_wait3A_296 : memref<1x!tpu.dma_semaphore, #tpu.memory_space<semaphore_mem>> -> memref<!tpu.dma_semaphore, #tpu.memory_space<semaphore_mem>>
      tpu.wait_indirect_dma semaphore(%dma_wait3A_297 : memref<!tpu.dma_semaphore, #tpu.memory_space<semaphore_mem>>) src(%dma_wait3A_295 : memref<80000x16xf32, #tpu.memory_space<hbm>>) dst(%dma_wait3A_289 : memref<128x16xf32, #tpu.memory_space<vmem>>)
      %add3A_298 = arith.constant 2 : i32
      %add3A_299 = arith.addi %mul3A_161, %add3A_298 : i32
      %dma_start3A_300 = arith.constant 2 : i32
      %dma_start3A_301 = arith.constant 2 : i32
      %dma_start3A_302 = arith.constant 0 : i32
      %dma_start3A_303 = arith.constant 0 : i32
      %dma_start3A_304 = tpu.memref_slice %arg11[%dma_start3A_300, %dma_start3A_302, %dma_start3A_303] : memref<4x128x16xf32, #tpu.memory_space<vmem>> -> memref<1x128x16xf32, #tpu.memory_space<vmem>>
      %dma_start3A_305 = tpu.memref_squeeze %dma_start3A_304 : memref<1x128x16xf32, #tpu.memory_space<vmem>> -> memref<128x16xf32, #tpu.memory_space<vmem>>
      %dma_start3A_306 = arith.constant 0 : i32
      %dma_start3A_307 = tpu.memref_slice %arg9[%add3A_299, %dma_start3A_306] : memref<160x128xi32, #tpu.memory_space<vmem>> -> memref<1x128xi32, #tpu.memory_space<vmem>>
      %dma_start3A_308 = tpu.memref_squeeze %dma_start3A_307 : memref<1x128xi32, #tpu.memory_space<vmem>> -> memref<128xi32, #tpu.memory_space<vmem>>
      %dma_start3A_309 = arith.constant 0 : i32
      %dma_start3A_310 = arith.constant 0 : i32
      %dma_start3A_311 = tpu.memref_slice %arg8[%dma_start3A_309, %dma_start3A_310] : memref<80128x16xf32, #tpu.memory_space<vmem_shared>> -> memref<80128x16xf32, #tpu.memory_space<vmem_shared>>
      %dma_start3A_312 = tpu.memref_slice %arg14[%dma_start3A_301] : memref<4x!tpu.dma_semaphore, #tpu.memory_space<semaphore_mem>> -> memref<1x!tpu.dma_semaphore, #tpu.memory_space<semaphore_mem>>
      %dma_start3A_313 = tpu.memref_squeeze %dma_start3A_312 : memref<1x!tpu.dma_semaphore, #tpu.memory_space<semaphore_mem>> -> memref<!tpu.dma_semaphore, #tpu.memory_space<semaphore_mem>>
      tpu.enqueue_indirect_dma source(%dma_start3A_305 : memref<128x16xf32, #tpu.memory_space<vmem>>) target(%dma_start3A_311 : memref<80128x16xf32, #tpu.memory_space<vmem_shared>>) offsets(%dma_start3A_308 : memref<128xi32, #tpu.memory_space<vmem>>) semaphore(%dma_start3A_313 : memref<!tpu.dma_semaphore, #tpu.memory_space<semaphore_mem>>) {add = true}
      %dma_wait3A_314 = arith.constant 3 : i32
      %dma_wait3A_315 = arith.constant 3 : i32
      %dma_wait3A_316 = arith.constant 0 : i32
      %dma_wait3A_317 = arith.constant 0 : i32
      %dma_wait3A_318 = tpu.memref_slice %arg11[%dma_wait3A_314, %dma_wait3A_316, %dma_wait3A_317] : memref<4x128x16xf32, #tpu.memory_space<vmem>> -> memref<1x128x16xf32, #tpu.memory_space<vmem>>
      %dma_wait3A_319 = tpu.memref_squeeze %dma_wait3A_318 : memref<1x128x16xf32, #tpu.memory_space<vmem>> -> memref<128x16xf32, #tpu.memory_space<vmem>>
      %dma_wait3A_320 = arith.constant 0 : i32
      %dma_wait3A_321 = tpu.memref_slice %arg10[%add3A_210, %dma_wait3A_320] : memref<160x128xi32, #tpu.memory_space<vmem>> -> memref<1x128xi32, #tpu.memory_space<vmem>>
      %dma_wait3A_322 = tpu.memref_squeeze %dma_wait3A_321 : memref<1x128xi32, #tpu.memory_space<vmem>> -> memref<128xi32, #tpu.memory_space<vmem>>
      %dma_wait3A_323 = arith.constant 0 : i32
      %dma_wait3A_324 = arith.constant 0 : i32
      %dma_wait3A_325 = tpu.memref_slice %arg2[%dma_wait3A_323, %dma_wait3A_324] : memref<80000x16xf32, #tpu.memory_space<hbm>> -> memref<80000x16xf32, #tpu.memory_space<hbm>>
      %dma_wait3A_326 = tpu.memref_slice %arg13[%dma_wait3A_315] : memref<4x!tpu.dma_semaphore, #tpu.memory_space<semaphore_mem>> -> memref<1x!tpu.dma_semaphore, #tpu.memory_space<semaphore_mem>>
      %dma_wait3A_327 = tpu.memref_squeeze %dma_wait3A_326 : memref<1x!tpu.dma_semaphore, #tpu.memory_space<semaphore_mem>> -> memref<!tpu.dma_semaphore, #tpu.memory_space<semaphore_mem>>
      tpu.wait_indirect_dma semaphore(%dma_wait3A_327 : memref<!tpu.dma_semaphore, #tpu.memory_space<semaphore_mem>>) src(%dma_wait3A_325 : memref<80000x16xf32, #tpu.memory_space<hbm>>) dst(%dma_wait3A_319 : memref<128x16xf32, #tpu.memory_space<vmem>>)
      %add3A_328 = arith.constant 3 : i32
      %add3A_329 = arith.addi %mul3A_161, %add3A_328 : i32
      %dma_start3A_330 = arith.constant 3 : i32
      %dma_start3A_331 = arith.constant 3 : i32
      %dma_start3A_332 = arith.constant 0 : i32
      %dma_start3A_333 = arith.constant 0 : i32
      %dma_start3A_334 = tpu.memref_slice %arg11[%dma_start3A_330, %dma_start3A_332, %dma_start3A_333] : memref<4x128x16xf32, #tpu.memory_space<vmem>> -> memref<1x128x16xf32, #tpu.memory_space<vmem>>
      %dma_start3A_335 = tpu.memref_squeeze %dma_start3A_334 : memref<1x128x16xf32, #tpu.memory_space<vmem>> -> memref<128x16xf32, #tpu.memory_space<vmem>>
      %dma_start3A_336 = arith.constant 0 : i32
      %dma_start3A_337 = tpu.memref_slice %arg9[%add3A_329, %dma_start3A_336] : memref<160x128xi32, #tpu.memory_space<vmem>> -> memref<1x128xi32, #tpu.memory_space<vmem>>
      %dma_start3A_338 = tpu.memref_squeeze %dma_start3A_337 : memref<1x128xi32, #tpu.memory_space<vmem>> -> memref<128xi32, #tpu.memory_space<vmem>>
      %dma_start3A_339 = arith.constant 0 : i32
      %dma_start3A_340 = arith.constant 0 : i32
      %dma_start3A_341 = tpu.memref_slice %arg8[%dma_start3A_339, %dma_start3A_340] : memref<80128x16xf32, #tpu.memory_space<vmem_shared>> -> memref<80128x16xf32, #tpu.memory_space<vmem_shared>>
      %dma_start3A_342 = tpu.memref_slice %arg14[%dma_start3A_331] : memref<4x!tpu.dma_semaphore, #tpu.memory_space<semaphore_mem>> -> memref<1x!tpu.dma_semaphore, #tpu.memory_space<semaphore_mem>>
      %dma_start3A_343 = tpu.memref_squeeze %dma_start3A_342 : memref<1x!tpu.dma_semaphore, #tpu.memory_space<semaphore_mem>> -> memref<!tpu.dma_semaphore, #tpu.memory_space<semaphore_mem>>
      tpu.enqueue_indirect_dma source(%dma_start3A_335 : memref<128x16xf32, #tpu.memory_space<vmem>>) target(%dma_start3A_341 : memref<80128x16xf32, #tpu.memory_space<vmem_shared>>) offsets(%dma_start3A_338 : memref<128xi32, #tpu.memory_space<vmem>>) semaphore(%dma_start3A_343 : memref<!tpu.dma_semaphore, #tpu.memory_space<semaphore_mem>>) {add = true}
      %dma_wait3A_344 = arith.constant 0 : i32
      %dma_wait3A_345 = arith.constant 0 : i32
      %dma_wait3A_346 = arith.constant 0 : i32
      %dma_wait3A_347 = arith.constant 0 : i32
      %dma_wait3A_348 = tpu.memref_slice %arg11[%dma_wait3A_344, %dma_wait3A_346, %dma_wait3A_347] : memref<4x128x16xf32, #tpu.memory_space<vmem>> -> memref<1x128x16xf32, #tpu.memory_space<vmem>>
      %dma_wait3A_349 = tpu.memref_squeeze %dma_wait3A_348 : memref<1x128x16xf32, #tpu.memory_space<vmem>> -> memref<128x16xf32, #tpu.memory_space<vmem>>
      %dma_wait3A_350 = arith.constant 0 : i32
      %dma_wait3A_351 = tpu.memref_slice %arg9[%add3A_239, %dma_wait3A_350] : memref<160x128xi32, #tpu.memory_space<vmem>> -> memref<1x128xi32, #tpu.memory_space<vmem>>
      %dma_wait3A_352 = tpu.memref_squeeze %dma_wait3A_351 : memref<1x128xi32, #tpu.memory_space<vmem>> -> memref<128xi32, #tpu.memory_space<vmem>>
      %dma_wait3A_353 = arith.constant 0 : i32
      %dma_wait3A_354 = arith.constant 0 : i32
      %dma_wait3A_355 = tpu.memref_slice %arg8[%dma_wait3A_353, %dma_wait3A_354] : memref<80128x16xf32, #tpu.memory_space<vmem_shared>> -> memref<80128x16xf32, #tpu.memory_space<vmem_shared>>
      %dma_wait3A_356 = tpu.memref_slice %arg14[%dma_wait3A_345] : memref<4x!tpu.dma_semaphore, #tpu.memory_space<semaphore_mem>> -> memref<1x!tpu.dma_semaphore, #tpu.memory_space<semaphore_mem>>
      %dma_wait3A_357 = tpu.memref_squeeze %dma_wait3A_356 : memref<1x!tpu.dma_semaphore, #tpu.memory_space<semaphore_mem>> -> memref<!tpu.dma_semaphore, #tpu.memory_space<semaphore_mem>>
      tpu.wait_indirect_dma semaphore(%dma_wait3A_357 : memref<!tpu.dma_semaphore, #tpu.memory_space<semaphore_mem>>) src(%dma_wait3A_349 : memref<128x16xf32, #tpu.memory_space<vmem>>) dst(%dma_wait3A_355 : memref<80128x16xf32, #tpu.memory_space<vmem_shared>>)
      %dma_wait3A_358 = arith.constant 1 : i32
      %dma_wait3A_359 = arith.constant 1 : i32
      %dma_wait3A_360 = arith.constant 0 : i32
      %dma_wait3A_361 = arith.constant 0 : i32
      %dma_wait3A_362 = tpu.memref_slice %arg11[%dma_wait3A_358, %dma_wait3A_360, %dma_wait3A_361] : memref<4x128x16xf32, #tpu.memory_space<vmem>> -> memref<1x128x16xf32, #tpu.memory_space<vmem>>
      %dma_wait3A_363 = tpu.memref_squeeze %dma_wait3A_362 : memref<1x128x16xf32, #tpu.memory_space<vmem>> -> memref<128x16xf32, #tpu.memory_space<vmem>>
      %dma_wait3A_364 = arith.constant 0 : i32
      %dma_wait3A_365 = tpu.memref_slice %arg9[%add3A_269, %dma_wait3A_364] : memref<160x128xi32, #tpu.memory_space<vmem>> -> memref<1x128xi32, #tpu.memory_space<vmem>>
      %dma_wait3A_366 = tpu.memref_squeeze %dma_wait3A_365 : memref<1x128xi32, #tpu.memory_space<vmem>> -> memref<128xi32, #tpu.memory_space<vmem>>
      %dma_wait3A_367 = arith.constant 0 : i32
      %dma_wait3A_368 = arith.constant 0 : i32
      %dma_wait3A_369 = tpu.memref_slice %arg8[%dma_wait3A_367, %dma_wait3A_368] : memref<80128x16xf32, #tpu.memory_space<vmem_shared>> -> memref<80128x16xf32, #tpu.memory_space<vmem_shared>>
      %dma_wait3A_370 = tpu.memref_slice %arg14[%dma_wait3A_359] : memref<4x!tpu.dma_semaphore, #tpu.memory_space<semaphore_mem>> -> memref<1x!tpu.dma_semaphore, #tpu.memory_space<semaphore_mem>>
      %dma_wait3A_371 = tpu.memref_squeeze %dma_wait3A_370 : memref<1x!tpu.dma_semaphore, #tpu.memory_space<semaphore_mem>> -> memref<!tpu.dma_semaphore, #tpu.memory_space<semaphore_mem>>
      tpu.wait_indirect_dma semaphore(%dma_wait3A_371 : memref<!tpu.dma_semaphore, #tpu.memory_space<semaphore_mem>>) src(%dma_wait3A_363 : memref<128x16xf32, #tpu.memory_space<vmem>>) dst(%dma_wait3A_369 : memref<80128x16xf32, #tpu.memory_space<vmem_shared>>)
      %dma_wait3A_372 = arith.constant 2 : i32
      %dma_wait3A_373 = arith.constant 2 : i32
      %dma_wait3A_374 = arith.constant 0 : i32
      %dma_wait3A_375 = arith.constant 0 : i32
      %dma_wait3A_376 = tpu.memref_slice %arg11[%dma_wait3A_372, %dma_wait3A_374, %dma_wait3A_375] : memref<4x128x16xf32, #tpu.memory_space<vmem>> -> memref<1x128x16xf32, #tpu.memory_space<vmem>>
      %dma_wait3A_377 = tpu.memref_squeeze %dma_wait3A_376 : memref<1x128x16xf32, #tpu.memory_space<vmem>> -> memref<128x16xf32, #tpu.memory_space<vmem>>
      %dma_wait3A_378 = arith.constant 0 : i32
      %dma_wait3A_379 = tpu.memref_slice %arg9[%add3A_299, %dma_wait3A_378] : memref<160x128xi32, #tpu.memory_space<vmem>> -> memref<1x128xi32, #tpu.memory_space<vmem>>
      %dma_wait3A_380 = tpu.memref_squeeze %dma_wait3A_379 : memref<1x128xi32, #tpu.memory_space<vmem>> -> memref<128xi32, #tpu.memory_space<vmem>>
      %dma_wait3A_381 = arith.constant 0 : i32
      %dma_wait3A_382 = arith.constant 0 : i32
      %dma_wait3A_383 = tpu.memref_slice %arg8[%dma_wait3A_381, %dma_wait3A_382] : memref<80128x16xf32, #tpu.memory_space<vmem_shared>> -> memref<80128x16xf32, #tpu.memory_space<vmem_shared>>
      %dma_wait3A_384 = tpu.memref_slice %arg14[%dma_wait3A_373] : memref<4x!tpu.dma_semaphore, #tpu.memory_space<semaphore_mem>> -> memref<1x!tpu.dma_semaphore, #tpu.memory_space<semaphore_mem>>
      %dma_wait3A_385 = tpu.memref_squeeze %dma_wait3A_384 : memref<1x!tpu.dma_semaphore, #tpu.memory_space<semaphore_mem>> -> memref<!tpu.dma_semaphore, #tpu.memory_space<semaphore_mem>>
      tpu.wait_indirect_dma semaphore(%dma_wait3A_385 : memref<!tpu.dma_semaphore, #tpu.memory_space<semaphore_mem>>) src(%dma_wait3A_377 : memref<128x16xf32, #tpu.memory_space<vmem>>) dst(%dma_wait3A_383 : memref<80128x16xf32, #tpu.memory_space<vmem_shared>>)
      %dma_wait3A_386 = arith.constant 3 : i32
      %dma_wait3A_387 = arith.constant 3 : i32
      %dma_wait3A_388 = arith.constant 0 : i32
      %dma_wait3A_389 = arith.constant 0 : i32
      %dma_wait3A_390 = tpu.memref_slice %arg11[%dma_wait3A_386, %dma_wait3A_388, %dma_wait3A_389] : memref<4x128x16xf32, #tpu.memory_space<vmem>> -> memref<1x128x16xf32, #tpu.memory_space<vmem>>
      %dma_wait3A_391 = tpu.memref_squeeze %dma_wait3A_390 : memref<1x128x16xf32, #tpu.memory_space<vmem>> -> memref<128x16xf32, #tpu.memory_space<vmem>>
      %dma_wait3A_392 = arith.constant 0 : i32
      %dma_wait3A_393 = tpu.memref_slice %arg9[%add3A_329, %dma_wait3A_392] : memref<160x128xi32, #tpu.memory_space<vmem>> -> memref<1x128xi32, #tpu.memory_space<vmem>>
      %dma_wait3A_394 = tpu.memref_squeeze %dma_wait3A_393 : memref<1x128xi32, #tpu.memory_space<vmem>> -> memref<128xi32, #tpu.memory_space<vmem>>
      %dma_wait3A_395 = arith.constant 0 : i32
      %dma_wait3A_396 = arith.constant 0 : i32
      %dma_wait3A_397 = tpu.memref_slice %arg8[%dma_wait3A_395, %dma_wait3A_396] : memref<80128x16xf32, #tpu.memory_space<vmem_shared>> -> memref<80128x16xf32, #tpu.memory_space<vmem_shared>>
      %dma_wait3A_398 = tpu.memref_slice %arg14[%dma_wait3A_387] : memref<4x!tpu.dma_semaphore, #tpu.memory_space<semaphore_mem>> -> memref<1x!tpu.dma_semaphore, #tpu.memory_space<semaphore_mem>>
      %dma_wait3A_399 = tpu.memref_squeeze %dma_wait3A_398 : memref<1x!tpu.dma_semaphore, #tpu.memory_space<semaphore_mem>> -> memref<!tpu.dma_semaphore, #tpu.memory_space<semaphore_mem>>
      tpu.wait_indirect_dma semaphore(%dma_wait3A_399 : memref<!tpu.dma_semaphore, #tpu.memory_space<semaphore_mem>>) src(%dma_wait3A_391 : memref<128x16xf32, #tpu.memory_space<vmem>>) dst(%dma_wait3A_397 : memref<80128x16xf32, #tpu.memory_space<vmem_shared>>)
    }
    %scan3A_85 = arith.constant 40 : i32
    %barrier3A_86 = arith.constant 0 : index
    tpu.barrier barrier_id(%barrier3A_86)
    %mul3A_87 = arith.constant 5000 : i32
    %mul3A_88 = arith.muli %arg1, %mul3A_87 : i32
    %mul3A_89 = arith.constant 5000 : i32
    %mul3A_90 = arith.muli %arg1, %mul3A_89 : i32
    %mul3A_91 = arith.constant 4 : i32
    %mul3A_92 = arith.muli %arg0, %mul3A_91 : i32
    %add3A_93 = arith.constant 1 : i32
    %add3A_94 = arith.addi %mul3A_92, %add3A_93 : i32
    %mul3A_95 = arith.constant 16 : i32
    %mul3A_96 = arith.muli %add3A_94, %mul3A_95 : i32
    "tpu.region"() ({
      %run_scoped3A = tpu.sem_alloc : memref<!tpu.dma_semaphore, #tpu.memory_space<semaphore_mem>>
      %dma_start3A = tpu.memref_slice %arg6[%mul3A_90, %mul3A_96] : memref<80000x128xf32, #tpu.memory_space<hbm>> -> memref<5000x16xf32, #tpu.memory_space<hbm>>
      %dma_start3A_157 = arith.constant 0 : i32
      %dma_start3A_158 = tpu.memref_slice %arg8[%mul3A_88, %dma_start3A_157] : memref<80128x16xf32, #tpu.memory_space<vmem_shared>> -> memref<5000x16xf32, #tpu.memory_space<vmem_shared>>
      tpu.enqueue_dma source(%dma_start3A_158 : memref<5000x16xf32, #tpu.memory_space<vmem_shared>>) target(%dma_start3A : memref<5000x16xf32, #tpu.memory_space<hbm>>) target_semaphore(%run_scoped3A : memref<!tpu.dma_semaphore, #tpu.memory_space<semaphore_mem>>)
      %dma_wait3A = tpu.memref_slice %arg6[%mul3A_90, %mul3A_96] : memref<80000x128xf32, #tpu.memory_space<hbm>> -> memref<5000x16xf32, #tpu.memory_space<hbm>>
      %dma_wait3A_159 = arith.constant 0 : i32
      %dma_wait3A_160 = tpu.memref_slice %arg8[%mul3A_88, %dma_wait3A_159] : memref<80128x16xf32, #tpu.memory_space<vmem_shared>> -> memref<5000x16xf32, #tpu.memory_space<vmem_shared>>
      tpu.wait_dma2 semaphore(%run_scoped3A : memref<!tpu.dma_semaphore, #tpu.memory_space<semaphore_mem>>) src(%dma_wait3A_160 : memref<5000x16xf32, #tpu.memory_space<vmem_shared>>) dst(%dma_wait3A : memref<5000x16xf32, #tpu.memory_space<hbm>>)
      tpu.yield
    }) : () -> ()
    %scan3A_97 = arith.constant 0 : i32
    %scan3A_98 = arith.constant 0 : i32
    %scan3A_99 = arith.constant 160 : i32
    %scan3A_100 = arith.addi %scan3A_98, %scan3A_99 : i32
    %scan3A_101 = arith.constant 1 : i32
    scf.for %scan3A_157 = %scan3A_98 to %scan3A_100 step %scan3A_101  : i32 {
      %get3A = arith.index_cast %scan3A_157 : i32 to index
      %get3A_158 = arith.constant 0 : index
      %get3A_159 = tpu.vector_load %arg10[%get3A, %get3A_158] {strides = array<i32>} : memref<160x128xi32, #tpu.memory_space<vmem>>, vector<1x16xi32>,
      %get3A_160 = vector.shape_cast %get3A_159 : vector<1x16xi32> to vector<16xi32>
      %add3A_161 = arith.constant 1 : i32
      %add3A_162 = vector.broadcast %add3A_161 : i32 to vector<16xi32>
      %add3A_163 = arith.addi %get3A_160, %add3A_162 : vector<16xi32>
      %swap3A = arith.index_cast %scan3A_157 : i32 to index
      %swap3A_164 = arith.constant 0 : index
      %swap3A_165 = tpu.vector_load %arg10[%swap3A, %swap3A_164] {strides = array<i32>} : memref<160x128xi32, #tpu.memory_space<vmem>>, vector<1x16xi32>,
      %swap3A_166 = vector.shape_cast %swap3A_165 : vector<1x16xi32> to vector<16xi32>
      %swap3A_167 = vector.shape_cast %add3A_163 : vector<16xi32> to vector<1x16xi32>
      tpu.vector_store %arg10[%swap3A, %swap3A_164], %swap3A_167 {strides = array<i32>} : memref<160x128xi32, #tpu.memory_space<vmem>>, vector<1x16xi32>,
      %get3A_168 = arith.index_cast %scan3A_157 : i32 to index
      %get3A_169 = arith.constant 16 : index
      %get3A_170 = tpu.vector_load %arg10[%get3A_168, %get3A_169] {strides = array<i32>} : memref<160x128xi32, #tpu.memory_space<vmem>>, vector<1x16xi32>,
      %get3A_171 = vector.shape_cast %get3A_170 : vector<1x16xi32> to vector<16xi32>
      %add3A_172 = arith.constant 1 : i32
      %add3A_173 = vector.broadcast %add3A_172 : i32 to vector<16xi32>
      %add3A_174 = arith.addi %get3A_171, %add3A_173 : vector<16xi32>
      %swap3A_175 = arith.index_cast %scan3A_157 : i32 to index
      %swap3A_176 = arith.constant 16 : index
      %swap3A_177 = tpu.vector_load %arg10[%swap3A_175, %swap3A_176] {strides = array<i32>} : memref<160x128xi32, #tpu.memory_space<vmem>>, vector<1x16xi32>,
      %swap3A_178 = vector.shape_cast %swap3A_177 : vector<1x16xi32> to vector<16xi32>
      %swap3A_179 = vector.shape_cast %add3A_174 : vector<16xi32> to vector<1x16xi32>
      tpu.vector_store %arg10[%swap3A_175, %swap3A_176], %swap3A_179 {strides = array<i32>} : memref<160x128xi32, #tpu.memory_space<vmem>>, vector<1x16xi32>,
      %get3A_180 = arith.index_cast %scan3A_157 : i32 to index
      %get3A_181 = arith.constant 32 : index
      %get3A_182 = tpu.vector_load %arg10[%get3A_180, %get3A_181] {strides = array<i32>} : memref<160x128xi32, #tpu.memory_space<vmem>>, vector<1x16xi32>,
      %get3A_183 = vector.shape_cast %get3A_182 : vector<1x16xi32> to vector<16xi32>
      %add3A_184 = arith.constant 1 : i32
      %add3A_185 = vector.broadcast %add3A_184 : i32 to vector<16xi32>
      %add3A_186 = arith.addi %get3A_183, %add3A_185 : vector<16xi32>
      %swap3A_187 = arith.index_cast %scan3A_157 : i32 to index
      %swap3A_188 = arith.constant 32 : index
      %swap3A_189 = tpu.vector_load %arg10[%swap3A_187, %swap3A_188] {strides = array<i32>} : memref<160x128xi32, #tpu.memory_space<vmem>>, vector<1x16xi32>,
      %swap3A_190 = vector.shape_cast %swap3A_189 : vector<1x16xi32> to vector<16xi32>
      %swap3A_191 = vector.shape_cast %add3A_186 : vector<16xi32> to vector<1x16xi32>
      tpu.vector_store %arg10[%swap3A_187, %swap3A_188], %swap3A_191 {strides = array<i32>} : memref<160x128xi32, #tpu.memory_space<vmem>>, vector<1x16xi32>,
      %get3A_192 = arith.index_cast %scan3A_157 : i32 to index
      %get3A_193 = arith.constant 48 : index
      %get3A_194 = tpu.vector_load %arg10[%get3A_192, %get3A_193] {strides = array<i32>} : memref<160x128xi32, #tpu.memory_space<vmem>>, vector<1x16xi32>,
      %get3A_195 = vector.shape_cast %get3A_194 : vector<1x16xi32> to vector<16xi32>
      %add3A_196 = arith.constant 1 : i32
      %add3A_197 = vector.broadcast %add3A_196 : i32 to vector<16xi32>
      %add3A_198 = arith.addi %get3A_195, %add3A_197 : vector<16xi32>
      %swap3A_199 = arith.index_cast %scan3A_157 : i32 to index
      %swap3A_200 = arith.constant 48 : index
      %swap3A_201 = tpu.vector_load %arg10[%swap3A_199, %swap3A_200] {strides = array<i32>} : memref<160x128xi32, #tpu.memory_space<vmem>>, vector<1x16xi32>,
      %swap3A_202 = vector.shape_cast %swap3A_201 : vector<1x16xi32> to vector<16xi32>
      %swap3A_203 = vector.shape_cast %add3A_198 : vector<16xi32> to vector<1x16xi32>
      tpu.vector_store %arg10[%swap3A_199, %swap3A_200], %swap3A_203 {strides = array<i32>} : memref<160x128xi32, #tpu.memory_space<vmem>>, vector<1x16xi32>,
      %get3A_204 = arith.index_cast %scan3A_157 : i32 to index
      %get3A_205 = arith.constant 64 : index
      %get3A_206 = tpu.vector_load %arg10[%get3A_204, %get3A_205] {strides = array<i32>} : memref<160x128xi32, #tpu.memory_space<vmem>>, vector<1x16xi32>,
      %get3A_207 = vector.shape_cast %get3A_206 : vector<1x16xi32> to vector<16xi32>
      %add3A_208 = arith.constant 1 : i32
      %add3A_209 = vector.broadcast %add3A_208 : i32 to vector<16xi32>
      %add3A_210 = arith.addi %get3A_207, %add3A_209 : vector<16xi32>
      %swap3A_211 = arith.index_cast %scan3A_157 : i32 to index
      %swap3A_212 = arith.constant 64 : index
      %swap3A_213 = tpu.vector_load %arg10[%swap3A_211, %swap3A_212] {strides = array<i32>} : memref<160x128xi32, #tpu.memory_space<vmem>>, vector<1x16xi32>,
      %swap3A_214 = vector.shape_cast %swap3A_213 : vector<1x16xi32> to vector<16xi32>
      %swap3A_215 = vector.shape_cast %add3A_210 : vector<16xi32> to vector<1x16xi32>
      tpu.vector_store %arg10[%swap3A_211, %swap3A_212], %swap3A_215 {strides = array<i32>} : memref<160x128xi32, #tpu.memory_space<vmem>>, vector<1x16xi32>,
      %get3A_216 = arith.index_cast %scan3A_157 : i32 to index
      %get3A_217 = arith.constant 80 : index
      %get3A_218 = tpu.vector_load %arg10[%get3A_216, %get3A_217] {strides = array<i32>} : memref<160x128xi32, #tpu.memory_space<vmem>>, vector<1x16xi32>,
      %get3A_219 = vector.shape_cast %get3A_218 : vector<1x16xi32> to vector<16xi32>
      %add3A_220 = arith.constant 1 : i32
      %add3A_221 = vector.broadcast %add3A_220 : i32 to vector<16xi32>
      %add3A_222 = arith.addi %get3A_219, %add3A_221 : vector<16xi32>
      %swap3A_223 = arith.index_cast %scan3A_157 : i32 to index
      %swap3A_224 = arith.constant 80 : index
      %swap3A_225 = tpu.vector_load %arg10[%swap3A_223, %swap3A_224] {strides = array<i32>} : memref<160x128xi32, #tpu.memory_space<vmem>>, vector<1x16xi32>,
      %swap3A_226 = vector.shape_cast %swap3A_225 : vector<1x16xi32> to vector<16xi32>
      %swap3A_227 = vector.shape_cast %add3A_222 : vector<16xi32> to vector<1x16xi32>
      tpu.vector_store %arg10[%swap3A_223, %swap3A_224], %swap3A_227 {strides = array<i32>} : memref<160x128xi32, #tpu.memory_space<vmem>>, vector<1x16xi32>,
      %get3A_228 = arith.index_cast %scan3A_157 : i32 to index
      %get3A_229 = arith.constant 96 : index
      %get3A_230 = tpu.vector_load %arg10[%get3A_228, %get3A_229] {strides = array<i32>} : memref<160x128xi32, #tpu.memory_space<vmem>>, vector<1x16xi32>,
      %get3A_231 = vector.shape_cast %get3A_230 : vector<1x16xi32> to vector<16xi32>
      %add3A_232 = arith.constant 1 : i32
      %add3A_233 = vector.broadcast %add3A_232 : i32 to vector<16xi32>
      %add3A_234 = arith.addi %get3A_231, %add3A_233 : vector<16xi32>
      %swap3A_235 = arith.index_cast %scan3A_157 : i32 to index
      %swap3A_236 = arith.constant 96 : index
      %swap3A_237 = tpu.vector_load %arg10[%swap3A_235, %swap3A_236] {strides = array<i32>} : memref<160x128xi32, #tpu.memory_space<vmem>>, vector<1x16xi32>,
      %swap3A_238 = vector.shape_cast %swap3A_237 : vector<1x16xi32> to vector<16xi32>
      %swap3A_239 = vector.shape_cast %add3A_234 : vector<16xi32> to vector<1x16xi32>
      tpu.vector_store %arg10[%swap3A_235, %swap3A_236], %swap3A_239 {strides = array<i32>} : memref<160x128xi32, #tpu.memory_space<vmem>>, vector<1x16xi32>,
      %get3A_240 = arith.index_cast %scan3A_157 : i32 to index
      %get3A_241 = arith.constant 112 : index
      %get3A_242 = tpu.vector_load %arg10[%get3A_240, %get3A_241] {strides = array<i32>} : memref<160x128xi32, #tpu.memory_space<vmem>>, vector<1x16xi32>,
      %get3A_243 = vector.shape_cast %get3A_242 : vector<1x16xi32> to vector<16xi32>
      %add3A_244 = arith.constant 1 : i32
      %add3A_245 = vector.broadcast %add3A_244 : i32 to vector<16xi32>
      %add3A_246 = arith.addi %get3A_243, %add3A_245 : vector<16xi32>
      %swap3A_247 = arith.index_cast %scan3A_157 : i32 to index
      %swap3A_248 = arith.constant 112 : index
      %swap3A_249 = tpu.vector_load %arg10[%swap3A_247, %swap3A_248] {strides = array<i32>} : memref<160x128xi32, #tpu.memory_space<vmem>>, vector<1x16xi32>,
      %swap3A_250 = vector.shape_cast %swap3A_249 : vector<1x16xi32> to vector<16xi32>
      %swap3A_251 = vector.shape_cast %add3A_246 : vector<16xi32> to vector<1x16xi32>
      tpu.vector_store %arg10[%swap3A_247, %swap3A_248], %swap3A_251 {strides = array<i32>} : memref<160x128xi32, #tpu.memory_space<vmem>>, vector<1x16xi32>,
    }
    %scan3A_102 = arith.constant 160 : i32
    %scan3A_103 = arith.constant 0 : i32
    %scan3A_104 = arith.constant 0 : i32
    %scan3A_105 = arith.constant 125 : i32
    %scan3A_106 = arith.addi %scan3A_104, %scan3A_105 : i32
    %scan3A_107 = arith.constant 1 : i32
    scf.for %scan3A_157 = %scan3A_104 to %scan3A_106 step %scan3A_107  : i32 {
      %mul3A_158 = arith.constant 5000 : i32
      %mul3A_159 = arith.muli %arg1, %mul3A_158 : i32
      %mul3A_160 = arith.constant 40 : i32
      %mul3A_161 = arith.muli %scan3A_157, %mul3A_160 : i32
      %add3A_162 = arith.addi %mul3A_159, %mul3A_161 : i32
      "tpu.region"() ({
        %run_scoped3A = tpu.sem_alloc : memref<!tpu.dma_semaphore, #tpu.memory_space<semaphore_mem>>
        %dma_start3A = arith.constant 0 : i32
        %dma_start3A_163 = tpu.memref_slice %arg8[%add3A_162, %dma_start3A] : memref<80128x16xf32, #tpu.memory_space<vmem_shared>> -> memref<40x16xf32, #tpu.memory_space<vmem_shared>>
        %dma_start3A_164 = arith.constant 0 : i32
        %dma_start3A_165 = tpu.memref_slice %arg8[%add3A_162, %dma_start3A_164] : memref<80128x16xf32, #tpu.memory_space<vmem_shared>> -> memref<40x16xf32, #tpu.memory_space<vmem_shared>>
        tpu.enqueue_dma source(%arg12 : memref<40x16xf32, #tpu.memory_space<vmem>>) target(%dma_start3A_165 : memref<40x16xf32, #tpu.memory_space<vmem_shared>>) target_semaphore(%run_scoped3A : memref<!tpu.dma_semaphore, #tpu.memory_space<semaphore_mem>>)
        %dma_wait3A = arith.constant 0 : i32
        %dma_wait3A_166 = tpu.memref_slice %arg8[%add3A_162, %dma_wait3A] : memref<80128x16xf32, #tpu.memory_space<vmem_shared>> -> memref<40x16xf32, #tpu.memory_space<vmem_shared>>
        %dma_wait3A_167 = arith.constant 0 : i32
        %dma_wait3A_168 = tpu.memref_slice %arg8[%add3A_162, %dma_wait3A_167] : memref<80128x16xf32, #tpu.memory_space<vmem_shared>> -> memref<40x16xf32, #tpu.memory_space<vmem_shared>>
        tpu.wait_dma2 semaphore(%run_scoped3A : memref<!tpu.dma_semaphore, #tpu.memory_space<semaphore_mem>>) src(%arg12 : memref<40x16xf32, #tpu.memory_space<vmem>>) dst(%dma_wait3A_168 : memref<40x16xf32, #tpu.memory_space<vmem_shared>>)
        tpu.yield
      }) : () -> ()
    }
    %scan3A_108 = arith.constant 125 : i32
    %barrier3A_109 = arith.constant 0 : index
    tpu.barrier barrier_id(%barrier3A_109)
    %scan3A_110 = arith.constant 0 : i32
    %scan3A_111 = arith.constant 0 : i32
    %scan3A_112 = arith.constant 40 : i32
    %scan3A_113 = arith.addi %scan3A_111, %scan3A_112 : i32
    %scan3A_114 = arith.constant 1 : i32
    scf.for %scan3A_157 = %scan3A_111 to %scan3A_113 step %scan3A_114  : i32 {
      %mul3A_158 = arith.constant 4 : i32
      %mul3A_159 = arith.muli %scan3A_157, %mul3A_158 : i32
      %mul3A_160 = arith.constant 1 : i32
      %mul3A_161 = arith.muli %mul3A_159, %mul3A_160 : i32
      %add3A_162 = arith.constant 0 : i32
      %add3A_163 = arith.addi %mul3A_161, %add3A_162 : i32
      %dma_start3A = arith.constant 0 : i32
      %dma_start3A_164 = arith.constant 0 : i32
      %dma_start3A_165 = arith.constant 0 : i32
      %dma_start3A_166 = arith.constant 0 : i32
      %dma_start3A_167 = tpu.memref_slice %arg11[%dma_start3A, %dma_start3A_165, %dma_start3A_166] : memref<4x128x16xf32, #tpu.memory_space<vmem>> -> memref<1x128x16xf32, #tpu.memory_space<vmem>>
      %dma_start3A_168 = tpu.memref_squeeze %dma_start3A_167 : memref<1x128x16xf32, #tpu.memory_space<vmem>> -> memref<128x16xf32, #tpu.memory_space<vmem>>
      %dma_start3A_169 = arith.constant 0 : i32
      %dma_start3A_170 = tpu.memref_slice %arg10[%add3A_163, %dma_start3A_169] : memref<160x128xi32, #tpu.memory_space<vmem>> -> memref<1x128xi32, #tpu.memory_space<vmem>>
      %dma_start3A_171 = tpu.memref_squeeze %dma_start3A_170 : memref<1x128xi32, #tpu.memory_space<vmem>> -> memref<128xi32, #tpu.memory_space<vmem>>
      %dma_start3A_172 = arith.constant 0 : i32
      %dma_start3A_173 = arith.constant 0 : i32
      %dma_start3A_174 = tpu.memref_slice %arg2[%dma_start3A_172, %dma_start3A_173] : memref<80000x16xf32, #tpu.memory_space<hbm>> -> memref<80000x16xf32, #tpu.memory_space<hbm>>
      %dma_start3A_175 = tpu.memref_slice %arg13[%dma_start3A_164] : memref<4x!tpu.dma_semaphore, #tpu.memory_space<semaphore_mem>> -> memref<1x!tpu.dma_semaphore, #tpu.memory_space<semaphore_mem>>
      %dma_start3A_176 = tpu.memref_squeeze %dma_start3A_175 : memref<1x!tpu.dma_semaphore, #tpu.memory_space<semaphore_mem>> -> memref<!tpu.dma_semaphore, #tpu.memory_space<semaphore_mem>>
      tpu.enqueue_indirect_dma source(%dma_start3A_174 : memref<80000x16xf32, #tpu.memory_space<hbm>>) target(%dma_start3A_168 : memref<128x16xf32, #tpu.memory_space<vmem>>) offsets(%dma_start3A_171 : memref<128xi32, #tpu.memory_space<vmem>>) semaphore(%dma_start3A_176 : memref<!tpu.dma_semaphore, #tpu.memory_space<semaphore_mem>>)
      %add3A_177 = arith.constant 1 : i32
      %add3A_178 = arith.addi %mul3A_161, %add3A_177 : i32
      %dma_start3A_179 = arith.constant 1 : i32
      %dma_start3A_180 = arith.constant 1 : i32
      %dma_start3A_181 = arith.constant 0 : i32
      %dma_start3A_182 = arith.constant 0 : i32
      %dma_start3A_183 = tpu.memref_slice %arg11[%dma_start3A_179, %dma_start3A_181, %dma_start3A_182] : memref<4x128x16xf32, #tpu.memory_space<vmem>> -> memref<1x128x16xf32, #tpu.memory_space<vmem>>
      %dma_start3A_184 = tpu.memref_squeeze %dma_start3A_183 : memref<1x128x16xf32, #tpu.memory_space<vmem>> -> memref<128x16xf32, #tpu.memory_space<vmem>>
      %dma_start3A_185 = arith.constant 0 : i32
      %dma_start3A_186 = tpu.memref_slice %arg10[%add3A_178, %dma_start3A_185] : memref<160x128xi32, #tpu.memory_space<vmem>> -> memref<1x128xi32, #tpu.memory_space<vmem>>
      %dma_start3A_187 = tpu.memref_squeeze %dma_start3A_186 : memref<1x128xi32, #tpu.memory_space<vmem>> -> memref<128xi32, #tpu.memory_space<vmem>>
      %dma_start3A_188 = arith.constant 0 : i32
      %dma_start3A_189 = arith.constant 0 : i32
      %dma_start3A_190 = tpu.memref_slice %arg2[%dma_start3A_188, %dma_start3A_189] : memref<80000x16xf32, #tpu.memory_space<hbm>> -> memref<80000x16xf32, #tpu.memory_space<hbm>>
      %dma_start3A_191 = tpu.memref_slice %arg13[%dma_start3A_180] : memref<4x!tpu.dma_semaphore, #tpu.memory_space<semaphore_mem>> -> memref<1x!tpu.dma_semaphore, #tpu.memory_space<semaphore_mem>>
      %dma_start3A_192 = tpu.memref_squeeze %dma_start3A_191 : memref<1x!tpu.dma_semaphore, #tpu.memory_space<semaphore_mem>> -> memref<!tpu.dma_semaphore, #tpu.memory_space<semaphore_mem>>
      tpu.enqueue_indirect_dma source(%dma_start3A_190 : memref<80000x16xf32, #tpu.memory_space<hbm>>) target(%dma_start3A_184 : memref<128x16xf32, #tpu.memory_space<vmem>>) offsets(%dma_start3A_187 : memref<128xi32, #tpu.memory_space<vmem>>) semaphore(%dma_start3A_192 : memref<!tpu.dma_semaphore, #tpu.memory_space<semaphore_mem>>)
      %add3A_193 = arith.constant 2 : i32
      %add3A_194 = arith.addi %mul3A_161, %add3A_193 : i32
      %dma_start3A_195 = arith.constant 2 : i32
      %dma_start3A_196 = arith.constant 2 : i32
      %dma_start3A_197 = arith.constant 0 : i32
      %dma_start3A_198 = arith.constant 0 : i32
      %dma_start3A_199 = tpu.memref_slice %arg11[%dma_start3A_195, %dma_start3A_197, %dma_start3A_198] : memref<4x128x16xf32, #tpu.memory_space<vmem>> -> memref<1x128x16xf32, #tpu.memory_space<vmem>>
      %dma_start3A_200 = tpu.memref_squeeze %dma_start3A_199 : memref<1x128x16xf32, #tpu.memory_space<vmem>> -> memref<128x16xf32, #tpu.memory_space<vmem>>
      %dma_start3A_201 = arith.constant 0 : i32
      %dma_start3A_202 = tpu.memref_slice %arg10[%add3A_194, %dma_start3A_201] : memref<160x128xi32, #tpu.memory_space<vmem>> -> memref<1x128xi32, #tpu.memory_space<vmem>>
      %dma_start3A_203 = tpu.memref_squeeze %dma_start3A_202 : memref<1x128xi32, #tpu.memory_space<vmem>> -> memref<128xi32, #tpu.memory_space<vmem>>
      %dma_start3A_204 = arith.constant 0 : i32
      %dma_start3A_205 = arith.constant 0 : i32
      %dma_start3A_206 = tpu.memref_slice %arg2[%dma_start3A_204, %dma_start3A_205] : memref<80000x16xf32, #tpu.memory_space<hbm>> -> memref<80000x16xf32, #tpu.memory_space<hbm>>
      %dma_start3A_207 = tpu.memref_slice %arg13[%dma_start3A_196] : memref<4x!tpu.dma_semaphore, #tpu.memory_space<semaphore_mem>> -> memref<1x!tpu.dma_semaphore, #tpu.memory_space<semaphore_mem>>
      %dma_start3A_208 = tpu.memref_squeeze %dma_start3A_207 : memref<1x!tpu.dma_semaphore, #tpu.memory_space<semaphore_mem>> -> memref<!tpu.dma_semaphore, #tpu.memory_space<semaphore_mem>>
      tpu.enqueue_indirect_dma source(%dma_start3A_206 : memref<80000x16xf32, #tpu.memory_space<hbm>>) target(%dma_start3A_200 : memref<128x16xf32, #tpu.memory_space<vmem>>) offsets(%dma_start3A_203 : memref<128xi32, #tpu.memory_space<vmem>>) semaphore(%dma_start3A_208 : memref<!tpu.dma_semaphore, #tpu.memory_space<semaphore_mem>>)
      %add3A_209 = arith.constant 3 : i32
      %add3A_210 = arith.addi %mul3A_161, %add3A_209 : i32
      %dma_start3A_211 = arith.constant 3 : i32
      %dma_start3A_212 = arith.constant 3 : i32
      %dma_start3A_213 = arith.constant 0 : i32
      %dma_start3A_214 = arith.constant 0 : i32
      %dma_start3A_215 = tpu.memref_slice %arg11[%dma_start3A_211, %dma_start3A_213, %dma_start3A_214] : memref<4x128x16xf32, #tpu.memory_space<vmem>> -> memref<1x128x16xf32, #tpu.memory_space<vmem>>
      %dma_start3A_216 = tpu.memref_squeeze %dma_start3A_215 : memref<1x128x16xf32, #tpu.memory_space<vmem>> -> memref<128x16xf32, #tpu.memory_space<vmem>>
      %dma_start3A_217 = arith.constant 0 : i32
      %dma_start3A_218 = tpu.memref_slice %arg10[%add3A_210, %dma_start3A_217] : memref<160x128xi32, #tpu.memory_space<vmem>> -> memref<1x128xi32, #tpu.memory_space<vmem>>
      %dma_start3A_219 = tpu.memref_squeeze %dma_start3A_218 : memref<1x128xi32, #tpu.memory_space<vmem>> -> memref<128xi32, #tpu.memory_space<vmem>>
      %dma_start3A_220 = arith.constant 0 : i32
      %dma_start3A_221 = arith.constant 0 : i32
      %dma_start3A_222 = tpu.memref_slice %arg2[%dma_start3A_220, %dma_start3A_221] : memref<80000x16xf32, #tpu.memory_space<hbm>> -> memref<80000x16xf32, #tpu.memory_space<hbm>>
      %dma_start3A_223 = tpu.memref_slice %arg13[%dma_start3A_212] : memref<4x!tpu.dma_semaphore, #tpu.memory_space<semaphore_mem>> -> memref<1x!tpu.dma_semaphore, #tpu.memory_space<semaphore_mem>>
      %dma_start3A_224 = tpu.memref_squeeze %dma_start3A_223 : memref<1x!tpu.dma_semaphore, #tpu.memory_space<semaphore_mem>> -> memref<!tpu.dma_semaphore, #tpu.memory_space<semaphore_mem>>
      tpu.enqueue_indirect_dma source(%dma_start3A_222 : memref<80000x16xf32, #tpu.memory_space<hbm>>) target(%dma_start3A_216 : memref<128x16xf32, #tpu.memory_space<vmem>>) offsets(%dma_start3A_219 : memref<128xi32, #tpu.memory_space<vmem>>) semaphore(%dma_start3A_224 : memref<!tpu.dma_semaphore, #tpu.memory_space<semaphore_mem>>)
      %dma_wait3A = arith.constant 0 : i32
      %dma_wait3A_225 = arith.constant 0 : i32
      %dma_wait3A_226 = arith.constant 0 : i32
      %dma_wait3A_227 = arith.constant 0 : i32
      %dma_wait3A_228 = tpu.memref_slice %arg11[%dma_wait3A, %dma_wait3A_226, %dma_wait3A_227] : memref<4x128x16xf32, #tpu.memory_space<vmem>> -> memref<1x128x16xf32, #tpu.memory_space<vmem>>
      %dma_wait3A_229 = tpu.memref_squeeze %dma_wait3A_228 : memref<1x128x16xf32, #tpu.memory_space<vmem>> -> memref<128x16xf32, #tpu.memory_space<vmem>>
      %dma_wait3A_230 = arith.constant 0 : i32
      %dma_wait3A_231 = tpu.memref_slice %arg10[%add3A_163, %dma_wait3A_230] : memref<160x128xi32, #tpu.memory_space<vmem>> -> memref<1x128xi32, #tpu.memory_space<vmem>>
      %dma_wait3A_232 = tpu.memref_squeeze %dma_wait3A_231 : memref<1x128xi32, #tpu.memory_space<vmem>> -> memref<128xi32, #tpu.memory_space<vmem>>
      %dma_wait3A_233 = arith.constant 0 : i32
      %dma_wait3A_234 = arith.constant 0 : i32
      %dma_wait3A_235 = tpu.memref_slice %arg2[%dma_wait3A_233, %dma_wait3A_234] : memref<80000x16xf32, #tpu.memory_space<hbm>> -> memref<80000x16xf32, #tpu.memory_space<hbm>>
      %dma_wait3A_236 = tpu.memref_slice %arg13[%dma_wait3A_225] : memref<4x!tpu.dma_semaphore, #tpu.memory_space<semaphore_mem>> -> memref<1x!tpu.dma_semaphore, #tpu.memory_space<semaphore_mem>>
      %dma_wait3A_237 = tpu.memref_squeeze %dma_wait3A_236 : memref<1x!tpu.dma_semaphore, #tpu.memory_space<semaphore_mem>> -> memref<!tpu.dma_semaphore, #tpu.memory_space<semaphore_mem>>
      tpu.wait_indirect_dma semaphore(%dma_wait3A_237 : memref<!tpu.dma_semaphore, #tpu.memory_space<semaphore_mem>>) src(%dma_wait3A_235 : memref<80000x16xf32, #tpu.memory_space<hbm>>) dst(%dma_wait3A_229 : memref<128x16xf32, #tpu.memory_space<vmem>>)
      %add3A_238 = arith.constant 0 : i32
      %add3A_239 = arith.addi %mul3A_161, %add3A_238 : i32
      %dma_start3A_240 = arith.constant 0 : i32
      %dma_start3A_241 = arith.constant 0 : i32
      %dma_start3A_242 = arith.constant 0 : i32
      %dma_start3A_243 = arith.constant 0 : i32
      %dma_start3A_244 = tpu.memref_slice %arg11[%dma_start3A_240, %dma_start3A_242, %dma_start3A_243] : memref<4x128x16xf32, #tpu.memory_space<vmem>> -> memref<1x128x16xf32, #tpu.memory_space<vmem>>
      %dma_start3A_245 = tpu.memref_squeeze %dma_start3A_244 : memref<1x128x16xf32, #tpu.memory_space<vmem>> -> memref<128x16xf32, #tpu.memory_space<vmem>>
      %dma_start3A_246 = arith.constant 0 : i32
      %dma_start3A_247 = tpu.memref_slice %arg9[%add3A_239, %dma_start3A_246] : memref<160x128xi32, #tpu.memory_space<vmem>> -> memref<1x128xi32, #tpu.memory_space<vmem>>
      %dma_start3A_248 = tpu.memref_squeeze %dma_start3A_247 : memref<1x128xi32, #tpu.memory_space<vmem>> -> memref<128xi32, #tpu.memory_space<vmem>>
      %dma_start3A_249 = arith.constant 0 : i32
      %dma_start3A_250 = arith.constant 0 : i32
      %dma_start3A_251 = tpu.memref_slice %arg8[%dma_start3A_249, %dma_start3A_250] : memref<80128x16xf32, #tpu.memory_space<vmem_shared>> -> memref<80128x16xf32, #tpu.memory_space<vmem_shared>>
      %dma_start3A_252 = tpu.memref_slice %arg14[%dma_start3A_241] : memref<4x!tpu.dma_semaphore, #tpu.memory_space<semaphore_mem>> -> memref<1x!tpu.dma_semaphore, #tpu.memory_space<semaphore_mem>>
      %dma_start3A_253 = tpu.memref_squeeze %dma_start3A_252 : memref<1x!tpu.dma_semaphore, #tpu.memory_space<semaphore_mem>> -> memref<!tpu.dma_semaphore, #tpu.memory_space<semaphore_mem>>
      tpu.enqueue_indirect_dma source(%dma_start3A_245 : memref<128x16xf32, #tpu.memory_space<vmem>>) target(%dma_start3A_251 : memref<80128x16xf32, #tpu.memory_space<vmem_shared>>) offsets(%dma_start3A_248 : memref<128xi32, #tpu.memory_space<vmem>>) semaphore(%dma_start3A_253 : memref<!tpu.dma_semaphore, #tpu.memory_space<semaphore_mem>>) {add = true}
      %dma_wait3A_254 = arith.constant 1 : i32
      %dma_wait3A_255 = arith.constant 1 : i32
      %dma_wait3A_256 = arith.constant 0 : i32
      %dma_wait3A_257 = arith.constant 0 : i32
      %dma_wait3A_258 = tpu.memref_slice %arg11[%dma_wait3A_254, %dma_wait3A_256, %dma_wait3A_257] : memref<4x128x16xf32, #tpu.memory_space<vmem>> -> memref<1x128x16xf32, #tpu.memory_space<vmem>>
      %dma_wait3A_259 = tpu.memref_squeeze %dma_wait3A_258 : memref<1x128x16xf32, #tpu.memory_space<vmem>> -> memref<128x16xf32, #tpu.memory_space<vmem>>
      %dma_wait3A_260 = arith.constant 0 : i32
      %dma_wait3A_261 = tpu.memref_slice %arg10[%add3A_178, %dma_wait3A_260] : memref<160x128xi32, #tpu.memory_space<vmem>> -> memref<1x128xi32, #tpu.memory_space<vmem>>
      %dma_wait3A_262 = tpu.memref_squeeze %dma_wait3A_261 : memref<1x128xi32, #tpu.memory_space<vmem>> -> memref<128xi32, #tpu.memory_space<vmem>>
      %dma_wait3A_263 = arith.constant 0 : i32
      %dma_wait3A_264 = arith.constant 0 : i32
      %dma_wait3A_265 = tpu.memref_slice %arg2[%dma_wait3A_263, %dma_wait3A_264] : memref<80000x16xf32, #tpu.memory_space<hbm>> -> memref<80000x16xf32, #tpu.memory_space<hbm>>
      %dma_wait3A_266 = tpu.memref_slice %arg13[%dma_wait3A_255] : memref<4x!tpu.dma_semaphore, #tpu.memory_space<semaphore_mem>> -> memref<1x!tpu.dma_semaphore, #tpu.memory_space<semaphore_mem>>
      %dma_wait3A_267 = tpu.memref_squeeze %dma_wait3A_266 : memref<1x!tpu.dma_semaphore, #tpu.memory_space<semaphore_mem>> -> memref<!tpu.dma_semaphore, #tpu.memory_space<semaphore_mem>>
      tpu.wait_indirect_dma semaphore(%dma_wait3A_267 : memref<!tpu.dma_semaphore, #tpu.memory_space<semaphore_mem>>) src(%dma_wait3A_265 : memref<80000x16xf32, #tpu.memory_space<hbm>>) dst(%dma_wait3A_259 : memref<128x16xf32, #tpu.memory_space<vmem>>)
      %add3A_268 = arith.constant 1 : i32
      %add3A_269 = arith.addi %mul3A_161, %add3A_268 : i32
      %dma_start3A_270 = arith.constant 1 : i32
      %dma_start3A_271 = arith.constant 1 : i32
      %dma_start3A_272 = arith.constant 0 : i32
      %dma_start3A_273 = arith.constant 0 : i32
      %dma_start3A_274 = tpu.memref_slice %arg11[%dma_start3A_270, %dma_start3A_272, %dma_start3A_273] : memref<4x128x16xf32, #tpu.memory_space<vmem>> -> memref<1x128x16xf32, #tpu.memory_space<vmem>>
      %dma_start3A_275 = tpu.memref_squeeze %dma_start3A_274 : memref<1x128x16xf32, #tpu.memory_space<vmem>> -> memref<128x16xf32, #tpu.memory_space<vmem>>
      %dma_start3A_276 = arith.constant 0 : i32
      %dma_start3A_277 = tpu.memref_slice %arg9[%add3A_269, %dma_start3A_276] : memref<160x128xi32, #tpu.memory_space<vmem>> -> memref<1x128xi32, #tpu.memory_space<vmem>>
      %dma_start3A_278 = tpu.memref_squeeze %dma_start3A_277 : memref<1x128xi32, #tpu.memory_space<vmem>> -> memref<128xi32, #tpu.memory_space<vmem>>
      %dma_start3A_279 = arith.constant 0 : i32
      %dma_start3A_280 = arith.constant 0 : i32
      %dma_start3A_281 = tpu.memref_slice %arg8[%dma_start3A_279, %dma_start3A_280] : memref<80128x16xf32, #tpu.memory_space<vmem_shared>> -> memref<80128x16xf32, #tpu.memory_space<vmem_shared>>
      %dma_start3A_282 = tpu.memref_slice %arg14[%dma_start3A_271] : memref<4x!tpu.dma_semaphore, #tpu.memory_space<semaphore_mem>> -> memref<1x!tpu.dma_semaphore, #tpu.memory_space<semaphore_mem>>
      %dma_start3A_283 = tpu.memref_squeeze %dma_start3A_282 : memref<1x!tpu.dma_semaphore, #tpu.memory_space<semaphore_mem>> -> memref<!tpu.dma_semaphore, #tpu.memory_space<semaphore_mem>>
      tpu.enqueue_indirect_dma source(%dma_start3A_275 : memref<128x16xf32, #tpu.memory_space<vmem>>) target(%dma_start3A_281 : memref<80128x16xf32, #tpu.memory_space<vmem_shared>>) offsets(%dma_start3A_278 : memref<128xi32, #tpu.memory_space<vmem>>) semaphore(%dma_start3A_283 : memref<!tpu.dma_semaphore, #tpu.memory_space<semaphore_mem>>) {add = true}
      %dma_wait3A_284 = arith.constant 2 : i32
      %dma_wait3A_285 = arith.constant 2 : i32
      %dma_wait3A_286 = arith.constant 0 : i32
      %dma_wait3A_287 = arith.constant 0 : i32
      %dma_wait3A_288 = tpu.memref_slice %arg11[%dma_wait3A_284, %dma_wait3A_286, %dma_wait3A_287] : memref<4x128x16xf32, #tpu.memory_space<vmem>> -> memref<1x128x16xf32, #tpu.memory_space<vmem>>
      %dma_wait3A_289 = tpu.memref_squeeze %dma_wait3A_288 : memref<1x128x16xf32, #tpu.memory_space<vmem>> -> memref<128x16xf32, #tpu.memory_space<vmem>>
      %dma_wait3A_290 = arith.constant 0 : i32
      %dma_wait3A_291 = tpu.memref_slice %arg10[%add3A_194, %dma_wait3A_290] : memref<160x128xi32, #tpu.memory_space<vmem>> -> memref<1x128xi32, #tpu.memory_space<vmem>>
      %dma_wait3A_292 = tpu.memref_squeeze %dma_wait3A_291 : memref<1x128xi32, #tpu.memory_space<vmem>> -> memref<128xi32, #tpu.memory_space<vmem>>
      %dma_wait3A_293 = arith.constant 0 : i32
      %dma_wait3A_294 = arith.constant 0 : i32
      %dma_wait3A_295 = tpu.memref_slice %arg2[%dma_wait3A_293, %dma_wait3A_294] : memref<80000x16xf32, #tpu.memory_space<hbm>> -> memref<80000x16xf32, #tpu.memory_space<hbm>>
      %dma_wait3A_296 = tpu.memref_slice %arg13[%dma_wait3A_285] : memref<4x!tpu.dma_semaphore, #tpu.memory_space<semaphore_mem>> -> memref<1x!tpu.dma_semaphore, #tpu.memory_space<semaphore_mem>>
      %dma_wait3A_297 = tpu.memref_squeeze %dma_wait3A_296 : memref<1x!tpu.dma_semaphore, #tpu.memory_space<semaphore_mem>> -> memref<!tpu.dma_semaphore, #tpu.memory_space<semaphore_mem>>
      tpu.wait_indirect_dma semaphore(%dma_wait3A_297 : memref<!tpu.dma_semaphore, #tpu.memory_space<semaphore_mem>>) src(%dma_wait3A_295 : memref<80000x16xf32, #tpu.memory_space<hbm>>) dst(%dma_wait3A_289 : memref<128x16xf32, #tpu.memory_space<vmem>>)
      %add3A_298 = arith.constant 2 : i32
      %add3A_299 = arith.addi %mul3A_161, %add3A_298 : i32
      %dma_start3A_300 = arith.constant 2 : i32
      %dma_start3A_301 = arith.constant 2 : i32
      %dma_start3A_302 = arith.constant 0 : i32
      %dma_start3A_303 = arith.constant 0 : i32
      %dma_start3A_304 = tpu.memref_slice %arg11[%dma_start3A_300, %dma_start3A_302, %dma_start3A_303] : memref<4x128x16xf32, #tpu.memory_space<vmem>> -> memref<1x128x16xf32, #tpu.memory_space<vmem>>
      %dma_start3A_305 = tpu.memref_squeeze %dma_start3A_304 : memref<1x128x16xf32, #tpu.memory_space<vmem>> -> memref<128x16xf32, #tpu.memory_space<vmem>>
      %dma_start3A_306 = arith.constant 0 : i32
      %dma_start3A_307 = tpu.memref_slice %arg9[%add3A_299, %dma_start3A_306] : memref<160x128xi32, #tpu.memory_space<vmem>> -> memref<1x128xi32, #tpu.memory_space<vmem>>
      %dma_start3A_308 = tpu.memref_squeeze %dma_start3A_307 : memref<1x128xi32, #tpu.memory_space<vmem>> -> memref<128xi32, #tpu.memory_space<vmem>>
      %dma_start3A_309 = arith.constant 0 : i32
      %dma_start3A_310 = arith.constant 0 : i32
      %dma_start3A_311 = tpu.memref_slice %arg8[%dma_start3A_309, %dma_start3A_310] : memref<80128x16xf32, #tpu.memory_space<vmem_shared>> -> memref<80128x16xf32, #tpu.memory_space<vmem_shared>>
      %dma_start3A_312 = tpu.memref_slice %arg14[%dma_start3A_301] : memref<4x!tpu.dma_semaphore, #tpu.memory_space<semaphore_mem>> -> memref<1x!tpu.dma_semaphore, #tpu.memory_space<semaphore_mem>>
      %dma_start3A_313 = tpu.memref_squeeze %dma_start3A_312 : memref<1x!tpu.dma_semaphore, #tpu.memory_space<semaphore_mem>> -> memref<!tpu.dma_semaphore, #tpu.memory_space<semaphore_mem>>
      tpu.enqueue_indirect_dma source(%dma_start3A_305 : memref<128x16xf32, #tpu.memory_space<vmem>>) target(%dma_start3A_311 : memref<80128x16xf32, #tpu.memory_space<vmem_shared>>) offsets(%dma_start3A_308 : memref<128xi32, #tpu.memory_space<vmem>>) semaphore(%dma_start3A_313 : memref<!tpu.dma_semaphore, #tpu.memory_space<semaphore_mem>>) {add = true}
      %dma_wait3A_314 = arith.constant 3 : i32
      %dma_wait3A_315 = arith.constant 3 : i32
      %dma_wait3A_316 = arith.constant 0 : i32
      %dma_wait3A_317 = arith.constant 0 : i32
      %dma_wait3A_318 = tpu.memref_slice %arg11[%dma_wait3A_314, %dma_wait3A_316, %dma_wait3A_317] : memref<4x128x16xf32, #tpu.memory_space<vmem>> -> memref<1x128x16xf32, #tpu.memory_space<vmem>>
      %dma_wait3A_319 = tpu.memref_squeeze %dma_wait3A_318 : memref<1x128x16xf32, #tpu.memory_space<vmem>> -> memref<128x16xf32, #tpu.memory_space<vmem>>
      %dma_wait3A_320 = arith.constant 0 : i32
      %dma_wait3A_321 = tpu.memref_slice %arg10[%add3A_210, %dma_wait3A_320] : memref<160x128xi32, #tpu.memory_space<vmem>> -> memref<1x128xi32, #tpu.memory_space<vmem>>
      %dma_wait3A_322 = tpu.memref_squeeze %dma_wait3A_321 : memref<1x128xi32, #tpu.memory_space<vmem>> -> memref<128xi32, #tpu.memory_space<vmem>>
      %dma_wait3A_323 = arith.constant 0 : i32
      %dma_wait3A_324 = arith.constant 0 : i32
      %dma_wait3A_325 = tpu.memref_slice %arg2[%dma_wait3A_323, %dma_wait3A_324] : memref<80000x16xf32, #tpu.memory_space<hbm>> -> memref<80000x16xf32, #tpu.memory_space<hbm>>
      %dma_wait3A_326 = tpu.memref_slice %arg13[%dma_wait3A_315] : memref<4x!tpu.dma_semaphore, #tpu.memory_space<semaphore_mem>> -> memref<1x!tpu.dma_semaphore, #tpu.memory_space<semaphore_mem>>
      %dma_wait3A_327 = tpu.memref_squeeze %dma_wait3A_326 : memref<1x!tpu.dma_semaphore, #tpu.memory_space<semaphore_mem>> -> memref<!tpu.dma_semaphore, #tpu.memory_space<semaphore_mem>>
      tpu.wait_indirect_dma semaphore(%dma_wait3A_327 : memref<!tpu.dma_semaphore, #tpu.memory_space<semaphore_mem>>) src(%dma_wait3A_325 : memref<80000x16xf32, #tpu.memory_space<hbm>>) dst(%dma_wait3A_319 : memref<128x16xf32, #tpu.memory_space<vmem>>)
      %add3A_328 = arith.constant 3 : i32
      %add3A_329 = arith.addi %mul3A_161, %add3A_328 : i32
      %dma_start3A_330 = arith.constant 3 : i32
      %dma_start3A_331 = arith.constant 3 : i32
      %dma_start3A_332 = arith.constant 0 : i32
      %dma_start3A_333 = arith.constant 0 : i32
      %dma_start3A_334 = tpu.memref_slice %arg11[%dma_start3A_330, %dma_start3A_332, %dma_start3A_333] : memref<4x128x16xf32, #tpu.memory_space<vmem>> -> memref<1x128x16xf32, #tpu.memory_space<vmem>>
      %dma_start3A_335 = tpu.memref_squeeze %dma_start3A_334 : memref<1x128x16xf32, #tpu.memory_space<vmem>> -> memref<128x16xf32, #tpu.memory_space<vmem>>
      %dma_start3A_336 = arith.constant 0 : i32
      %dma_start3A_337 = tpu.memref_slice %arg9[%add3A_329, %dma_start3A_336] : memref<160x128xi32, #tpu.memory_space<vmem>> -> memref<1x128xi32, #tpu.memory_space<vmem>>
      %dma_start3A_338 = tpu.memref_squeeze %dma_start3A_337 : memref<1x128xi32, #tpu.memory_space<vmem>> -> memref<128xi32, #tpu.memory_space<vmem>>
      %dma_start3A_339 = arith.constant 0 : i32
      %dma_start3A_340 = arith.constant 0 : i32
      %dma_start3A_341 = tpu.memref_slice %arg8[%dma_start3A_339, %dma_start3A_340] : memref<80128x16xf32, #tpu.memory_space<vmem_shared>> -> memref<80128x16xf32, #tpu.memory_space<vmem_shared>>
      %dma_start3A_342 = tpu.memref_slice %arg14[%dma_start3A_331] : memref<4x!tpu.dma_semaphore, #tpu.memory_space<semaphore_mem>> -> memref<1x!tpu.dma_semaphore, #tpu.memory_space<semaphore_mem>>
      %dma_start3A_343 = tpu.memref_squeeze %dma_start3A_342 : memref<1x!tpu.dma_semaphore, #tpu.memory_space<semaphore_mem>> -> memref<!tpu.dma_semaphore, #tpu.memory_space<semaphore_mem>>
      tpu.enqueue_indirect_dma source(%dma_start3A_335 : memref<128x16xf32, #tpu.memory_space<vmem>>) target(%dma_start3A_341 : memref<80128x16xf32, #tpu.memory_space<vmem_shared>>) offsets(%dma_start3A_338 : memref<128xi32, #tpu.memory_space<vmem>>) semaphore(%dma_start3A_343 : memref<!tpu.dma_semaphore, #tpu.memory_space<semaphore_mem>>) {add = true}
      %dma_wait3A_344 = arith.constant 0 : i32
      %dma_wait3A_345 = arith.constant 0 : i32
      %dma_wait3A_346 = arith.constant 0 : i32
      %dma_wait3A_347 = arith.constant 0 : i32
      %dma_wait3A_348 = tpu.memref_slice %arg11[%dma_wait3A_344, %dma_wait3A_346, %dma_wait3A_347] : memref<4x128x16xf32, #tpu.memory_space<vmem>> -> memref<1x128x16xf32, #tpu.memory_space<vmem>>
      %dma_wait3A_349 = tpu.memref_squeeze %dma_wait3A_348 : memref<1x128x16xf32, #tpu.memory_space<vmem>> -> memref<128x16xf32, #tpu.memory_space<vmem>>
      %dma_wait3A_350 = arith.constant 0 : i32
      %dma_wait3A_351 = tpu.memref_slice %arg9[%add3A_239, %dma_wait3A_350] : memref<160x128xi32, #tpu.memory_space<vmem>> -> memref<1x128xi32, #tpu.memory_space<vmem>>
      %dma_wait3A_352 = tpu.memref_squeeze %dma_wait3A_351 : memref<1x128xi32, #tpu.memory_space<vmem>> -> memref<128xi32, #tpu.memory_space<vmem>>
      %dma_wait3A_353 = arith.constant 0 : i32
      %dma_wait3A_354 = arith.constant 0 : i32
      %dma_wait3A_355 = tpu.memref_slice %arg8[%dma_wait3A_353, %dma_wait3A_354] : memref<80128x16xf32, #tpu.memory_space<vmem_shared>> -> memref<80128x16xf32, #tpu.memory_space<vmem_shared>>
      %dma_wait3A_356 = tpu.memref_slice %arg14[%dma_wait3A_345] : memref<4x!tpu.dma_semaphore, #tpu.memory_space<semaphore_mem>> -> memref<1x!tpu.dma_semaphore, #tpu.memory_space<semaphore_mem>>
      %dma_wait3A_357 = tpu.memref_squeeze %dma_wait3A_356 : memref<1x!tpu.dma_semaphore, #tpu.memory_space<semaphore_mem>> -> memref<!tpu.dma_semaphore, #tpu.memory_space<semaphore_mem>>
      tpu.wait_indirect_dma semaphore(%dma_wait3A_357 : memref<!tpu.dma_semaphore, #tpu.memory_space<semaphore_mem>>) src(%dma_wait3A_349 : memref<128x16xf32, #tpu.memory_space<vmem>>) dst(%dma_wait3A_355 : memref<80128x16xf32, #tpu.memory_space<vmem_shared>>)
      %dma_wait3A_358 = arith.constant 1 : i32
      %dma_wait3A_359 = arith.constant 1 : i32
      %dma_wait3A_360 = arith.constant 0 : i32
      %dma_wait3A_361 = arith.constant 0 : i32
      %dma_wait3A_362 = tpu.memref_slice %arg11[%dma_wait3A_358, %dma_wait3A_360, %dma_wait3A_361] : memref<4x128x16xf32, #tpu.memory_space<vmem>> -> memref<1x128x16xf32, #tpu.memory_space<vmem>>
      %dma_wait3A_363 = tpu.memref_squeeze %dma_wait3A_362 : memref<1x128x16xf32, #tpu.memory_space<vmem>> -> memref<128x16xf32, #tpu.memory_space<vmem>>
      %dma_wait3A_364 = arith.constant 0 : i32
      %dma_wait3A_365 = tpu.memref_slice %arg9[%add3A_269, %dma_wait3A_364] : memref<160x128xi32, #tpu.memory_space<vmem>> -> memref<1x128xi32, #tpu.memory_space<vmem>>
      %dma_wait3A_366 = tpu.memref_squeeze %dma_wait3A_365 : memref<1x128xi32, #tpu.memory_space<vmem>> -> memref<128xi32, #tpu.memory_space<vmem>>
      %dma_wait3A_367 = arith.constant 0 : i32
      %dma_wait3A_368 = arith.constant 0 : i32
      %dma_wait3A_369 = tpu.memref_slice %arg8[%dma_wait3A_367, %dma_wait3A_368] : memref<80128x16xf32, #tpu.memory_space<vmem_shared>> -> memref<80128x16xf32, #tpu.memory_space<vmem_shared>>
      %dma_wait3A_370 = tpu.memref_slice %arg14[%dma_wait3A_359] : memref<4x!tpu.dma_semaphore, #tpu.memory_space<semaphore_mem>> -> memref<1x!tpu.dma_semaphore, #tpu.memory_space<semaphore_mem>>
      %dma_wait3A_371 = tpu.memref_squeeze %dma_wait3A_370 : memref<1x!tpu.dma_semaphore, #tpu.memory_space<semaphore_mem>> -> memref<!tpu.dma_semaphore, #tpu.memory_space<semaphore_mem>>
      tpu.wait_indirect_dma semaphore(%dma_wait3A_371 : memref<!tpu.dma_semaphore, #tpu.memory_space<semaphore_mem>>) src(%dma_wait3A_363 : memref<128x16xf32, #tpu.memory_space<vmem>>) dst(%dma_wait3A_369 : memref<80128x16xf32, #tpu.memory_space<vmem_shared>>)
      %dma_wait3A_372 = arith.constant 2 : i32
      %dma_wait3A_373 = arith.constant 2 : i32
      %dma_wait3A_374 = arith.constant 0 : i32
      %dma_wait3A_375 = arith.constant 0 : i32
      %dma_wait3A_376 = tpu.memref_slice %arg11[%dma_wait3A_372, %dma_wait3A_374, %dma_wait3A_375] : memref<4x128x16xf32, #tpu.memory_space<vmem>> -> memref<1x128x16xf32, #tpu.memory_space<vmem>>
      %dma_wait3A_377 = tpu.memref_squeeze %dma_wait3A_376 : memref<1x128x16xf32, #tpu.memory_space<vmem>> -> memref<128x16xf32, #tpu.memory_space<vmem>>
      %dma_wait3A_378 = arith.constant 0 : i32
      %dma_wait3A_379 = tpu.memref_slice %arg9[%add3A_299, %dma_wait3A_378] : memref<160x128xi32, #tpu.memory_space<vmem>> -> memref<1x128xi32, #tpu.memory_space<vmem>>
      %dma_wait3A_380 = tpu.memref_squeeze %dma_wait3A_379 : memref<1x128xi32, #tpu.memory_space<vmem>> -> memref<128xi32, #tpu.memory_space<vmem>>
      %dma_wait3A_381 = arith.constant 0 : i32
      %dma_wait3A_382 = arith.constant 0 : i32
      %dma_wait3A_383 = tpu.memref_slice %arg8[%dma_wait3A_381, %dma_wait3A_382] : memref<80128x16xf32, #tpu.memory_space<vmem_shared>> -> memref<80128x16xf32, #tpu.memory_space<vmem_shared>>
      %dma_wait3A_384 = tpu.memref_slice %arg14[%dma_wait3A_373] : memref<4x!tpu.dma_semaphore, #tpu.memory_space<semaphore_mem>> -> memref<1x!tpu.dma_semaphore, #tpu.memory_space<semaphore_mem>>
      %dma_wait3A_385 = tpu.memref_squeeze %dma_wait3A_384 : memref<1x!tpu.dma_semaphore, #tpu.memory_space<semaphore_mem>> -> memref<!tpu.dma_semaphore, #tpu.memory_space<semaphore_mem>>
      tpu.wait_indirect_dma semaphore(%dma_wait3A_385 : memref<!tpu.dma_semaphore, #tpu.memory_space<semaphore_mem>>) src(%dma_wait3A_377 : memref<128x16xf32, #tpu.memory_space<vmem>>) dst(%dma_wait3A_383 : memref<80128x16xf32, #tpu.memory_space<vmem_shared>>)
      %dma_wait3A_386 = arith.constant 3 : i32
      %dma_wait3A_387 = arith.constant 3 : i32
      %dma_wait3A_388 = arith.constant 0 : i32
      %dma_wait3A_389 = arith.constant 0 : i32
      %dma_wait3A_390 = tpu.memref_slice %arg11[%dma_wait3A_386, %dma_wait3A_388, %dma_wait3A_389] : memref<4x128x16xf32, #tpu.memory_space<vmem>> -> memref<1x128x16xf32, #tpu.memory_space<vmem>>
      %dma_wait3A_391 = tpu.memref_squeeze %dma_wait3A_390 : memref<1x128x16xf32, #tpu.memory_space<vmem>> -> memref<128x16xf32, #tpu.memory_space<vmem>>
      %dma_wait3A_392 = arith.constant 0 : i32
      %dma_wait3A_393 = tpu.memref_slice %arg9[%add3A_329, %dma_wait3A_392] : memref<160x128xi32, #tpu.memory_space<vmem>> -> memref<1x128xi32, #tpu.memory_space<vmem>>
      %dma_wait3A_394 = tpu.memref_squeeze %dma_wait3A_393 : memref<1x128xi32, #tpu.memory_space<vmem>> -> memref<128xi32, #tpu.memory_space<vmem>>
      %dma_wait3A_395 = arith.constant 0 : i32
      %dma_wait3A_396 = arith.constant 0 : i32
      %dma_wait3A_397 = tpu.memref_slice %arg8[%dma_wait3A_395, %dma_wait3A_396] : memref<80128x16xf32, #tpu.memory_space<vmem_shared>> -> memref<80128x16xf32, #tpu.memory_space<vmem_shared>>
      %dma_wait3A_398 = tpu.memref_slice %arg14[%dma_wait3A_387] : memref<4x!tpu.dma_semaphore, #tpu.memory_space<semaphore_mem>> -> memref<1x!tpu.dma_semaphore, #tpu.memory_space<semaphore_mem>>
      %dma_wait3A_399 = tpu.memref_squeeze %dma_wait3A_398 : memref<1x!tpu.dma_semaphore, #tpu.memory_space<semaphore_mem>> -> memref<!tpu.dma_semaphore, #tpu.memory_space<semaphore_mem>>
      tpu.wait_indirect_dma semaphore(%dma_wait3A_399 : memref<!tpu.dma_semaphore, #tpu.memory_space<semaphore_mem>>) src(%dma_wait3A_391 : memref<128x16xf32, #tpu.memory_space<vmem>>) dst(%dma_wait3A_397 : memref<80128x16xf32, #tpu.memory_space<vmem_shared>>)
    }
    %scan3A_115 = arith.constant 40 : i32
    %barrier3A_116 = arith.constant 0 : index
    tpu.barrier barrier_id(%barrier3A_116)
    %mul3A_117 = arith.constant 5000 : i32
    %mul3A_118 = arith.muli %arg1, %mul3A_117 : i32
    %mul3A_119 = arith.constant 5000 : i32
    %mul3A_120 = arith.muli %arg1, %mul3A_119 : i32
    %mul3A_121 = arith.constant 4 : i32
    %mul3A_122 = arith.muli %arg0, %mul3A_121 : i32
    %add3A_123 = arith.constant 2 : i32
    %add3A_124 = arith.addi %mul3A_122, %add3A_123 : i32
    %mul3A_125 = arith.constant 16 : i32
    %mul3A_126 = arith.muli %add3A_124, %mul3A_125 : i32
    "tpu.region"() ({
      %run_scoped3A = tpu.sem_alloc : memref<!tpu.dma_semaphore, #tpu.memory_space<semaphore_mem>>
      %dma_start3A = tpu.memref_slice %arg6[%mul3A_120, %mul3A_126] : memref<80000x128xf32, #tpu.memory_space<hbm>> -> memref<5000x16xf32, #tpu.memory_space<hbm>>
      %dma_start3A_157 = arith.constant 0 : i32
      %dma_start3A_158 = tpu.memref_slice %arg8[%mul3A_118, %dma_start3A_157] : memref<80128x16xf32, #tpu.memory_space<vmem_shared>> -> memref<5000x16xf32, #tpu.memory_space<vmem_shared>>
      tpu.enqueue_dma source(%dma_start3A_158 : memref<5000x16xf32, #tpu.memory_space<vmem_shared>>) target(%dma_start3A : memref<5000x16xf32, #tpu.memory_space<hbm>>) target_semaphore(%run_scoped3A : memref<!tpu.dma_semaphore, #tpu.memory_space<semaphore_mem>>)
      %dma_wait3A = tpu.memref_slice %arg6[%mul3A_120, %mul3A_126] : memref<80000x128xf32, #tpu.memory_space<hbm>> -> memref<5000x16xf32, #tpu.memory_space<hbm>>
      %dma_wait3A_159 = arith.constant 0 : i32
      %dma_wait3A_160 = tpu.memref_slice %arg8[%mul3A_118, %dma_wait3A_159] : memref<80128x16xf32, #tpu.memory_space<vmem_shared>> -> memref<5000x16xf32, #tpu.memory_space<vmem_shared>>
      tpu.wait_dma2 semaphore(%run_scoped3A : memref<!tpu.dma_semaphore, #tpu.memory_space<semaphore_mem>>) src(%dma_wait3A_160 : memref<5000x16xf32, #tpu.memory_space<vmem_shared>>) dst(%dma_wait3A : memref<5000x16xf32, #tpu.memory_space<hbm>>)
      tpu.yield
    }) : () -> ()
    %scan3A_127 = arith.constant 0 : i32
    %scan3A_128 = arith.constant 0 : i32
    %scan3A_129 = arith.constant 160 : i32
    %scan3A_130 = arith.addi %scan3A_128, %scan3A_129 : i32
    %scan3A_131 = arith.constant 1 : i32
    scf.for %scan3A_157 = %scan3A_128 to %scan3A_130 step %scan3A_131  : i32 {
      %get3A = arith.index_cast %scan3A_157 : i32 to index
      %get3A_158 = arith.constant 0 : index
      %get3A_159 = tpu.vector_load %arg10[%get3A, %get3A_158] {strides = array<i32>} : memref<160x128xi32, #tpu.memory_space<vmem>>, vector<1x16xi32>,
      %get3A_160 = vector.shape_cast %get3A_159 : vector<1x16xi32> to vector<16xi32>
      %add3A_161 = arith.constant 1 : i32
      %add3A_162 = vector.broadcast %add3A_161 : i32 to vector<16xi32>
      %add3A_163 = arith.addi %get3A_160, %add3A_162 : vector<16xi32>
      %swap3A = arith.index_cast %scan3A_157 : i32 to index
      %swap3A_164 = arith.constant 0 : index
      %swap3A_165 = tpu.vector_load %arg10[%swap3A, %swap3A_164] {strides = array<i32>} : memref<160x128xi32, #tpu.memory_space<vmem>>, vector<1x16xi32>,
      %swap3A_166 = vector.shape_cast %swap3A_165 : vector<1x16xi32> to vector<16xi32>
      %swap3A_167 = vector.shape_cast %add3A_163 : vector<16xi32> to vector<1x16xi32>
      tpu.vector_store %arg10[%swap3A, %swap3A_164], %swap3A_167 {strides = array<i32>} : memref<160x128xi32, #tpu.memory_space<vmem>>, vector<1x16xi32>,
      %get3A_168 = arith.index_cast %scan3A_157 : i32 to index
      %get3A_169 = arith.constant 16 : index
      %get3A_170 = tpu.vector_load %arg10[%get3A_168, %get3A_169] {strides = array<i32>} : memref<160x128xi32, #tpu.memory_space<vmem>>, vector<1x16xi32>,
      %get3A_171 = vector.shape_cast %get3A_170 : vector<1x16xi32> to vector<16xi32>
      %add3A_172 = arith.constant 1 : i32
      %add3A_173 = vector.broadcast %add3A_172 : i32 to vector<16xi32>
      %add3A_174 = arith.addi %get3A_171, %add3A_173 : vector<16xi32>
      %swap3A_175 = arith.index_cast %scan3A_157 : i32 to index
      %swap3A_176 = arith.constant 16 : index
      %swap3A_177 = tpu.vector_load %arg10[%swap3A_175, %swap3A_176] {strides = array<i32>} : memref<160x128xi32, #tpu.memory_space<vmem>>, vector<1x16xi32>,
      %swap3A_178 = vector.shape_cast %swap3A_177 : vector<1x16xi32> to vector<16xi32>
      %swap3A_179 = vector.shape_cast %add3A_174 : vector<16xi32> to vector<1x16xi32>
      tpu.vector_store %arg10[%swap3A_175, %swap3A_176], %swap3A_179 {strides = array<i32>} : memref<160x128xi32, #tpu.memory_space<vmem>>, vector<1x16xi32>,
      %get3A_180 = arith.index_cast %scan3A_157 : i32 to index
      %get3A_181 = arith.constant 32 : index
      %get3A_182 = tpu.vector_load %arg10[%get3A_180, %get3A_181] {strides = array<i32>} : memref<160x128xi32, #tpu.memory_space<vmem>>, vector<1x16xi32>,
      %get3A_183 = vector.shape_cast %get3A_182 : vector<1x16xi32> to vector<16xi32>
      %add3A_184 = arith.constant 1 : i32
      %add3A_185 = vector.broadcast %add3A_184 : i32 to vector<16xi32>
      %add3A_186 = arith.addi %get3A_183, %add3A_185 : vector<16xi32>
      %swap3A_187 = arith.index_cast %scan3A_157 : i32 to index
      %swap3A_188 = arith.constant 32 : index
      %swap3A_189 = tpu.vector_load %arg10[%swap3A_187, %swap3A_188] {strides = array<i32>} : memref<160x128xi32, #tpu.memory_space<vmem>>, vector<1x16xi32>,
      %swap3A_190 = vector.shape_cast %swap3A_189 : vector<1x16xi32> to vector<16xi32>
      %swap3A_191 = vector.shape_cast %add3A_186 : vector<16xi32> to vector<1x16xi32>
      tpu.vector_store %arg10[%swap3A_187, %swap3A_188], %swap3A_191 {strides = array<i32>} : memref<160x128xi32, #tpu.memory_space<vmem>>, vector<1x16xi32>,
      %get3A_192 = arith.index_cast %scan3A_157 : i32 to index
      %get3A_193 = arith.constant 48 : index
      %get3A_194 = tpu.vector_load %arg10[%get3A_192, %get3A_193] {strides = array<i32>} : memref<160x128xi32, #tpu.memory_space<vmem>>, vector<1x16xi32>,
      %get3A_195 = vector.shape_cast %get3A_194 : vector<1x16xi32> to vector<16xi32>
      %add3A_196 = arith.constant 1 : i32
      %add3A_197 = vector.broadcast %add3A_196 : i32 to vector<16xi32>
      %add3A_198 = arith.addi %get3A_195, %add3A_197 : vector<16xi32>
      %swap3A_199 = arith.index_cast %scan3A_157 : i32 to index
      %swap3A_200 = arith.constant 48 : index
      %swap3A_201 = tpu.vector_load %arg10[%swap3A_199, %swap3A_200] {strides = array<i32>} : memref<160x128xi32, #tpu.memory_space<vmem>>, vector<1x16xi32>,
      %swap3A_202 = vector.shape_cast %swap3A_201 : vector<1x16xi32> to vector<16xi32>
      %swap3A_203 = vector.shape_cast %add3A_198 : vector<16xi32> to vector<1x16xi32>
      tpu.vector_store %arg10[%swap3A_199, %swap3A_200], %swap3A_203 {strides = array<i32>} : memref<160x128xi32, #tpu.memory_space<vmem>>, vector<1x16xi32>,
      %get3A_204 = arith.index_cast %scan3A_157 : i32 to index
      %get3A_205 = arith.constant 64 : index
      %get3A_206 = tpu.vector_load %arg10[%get3A_204, %get3A_205] {strides = array<i32>} : memref<160x128xi32, #tpu.memory_space<vmem>>, vector<1x16xi32>,
      %get3A_207 = vector.shape_cast %get3A_206 : vector<1x16xi32> to vector<16xi32>
      %add3A_208 = arith.constant 1 : i32
      %add3A_209 = vector.broadcast %add3A_208 : i32 to vector<16xi32>
      %add3A_210 = arith.addi %get3A_207, %add3A_209 : vector<16xi32>
      %swap3A_211 = arith.index_cast %scan3A_157 : i32 to index
      %swap3A_212 = arith.constant 64 : index
      %swap3A_213 = tpu.vector_load %arg10[%swap3A_211, %swap3A_212] {strides = array<i32>} : memref<160x128xi32, #tpu.memory_space<vmem>>, vector<1x16xi32>,
      %swap3A_214 = vector.shape_cast %swap3A_213 : vector<1x16xi32> to vector<16xi32>
      %swap3A_215 = vector.shape_cast %add3A_210 : vector<16xi32> to vector<1x16xi32>
      tpu.vector_store %arg10[%swap3A_211, %swap3A_212], %swap3A_215 {strides = array<i32>} : memref<160x128xi32, #tpu.memory_space<vmem>>, vector<1x16xi32>,
      %get3A_216 = arith.index_cast %scan3A_157 : i32 to index
      %get3A_217 = arith.constant 80 : index
      %get3A_218 = tpu.vector_load %arg10[%get3A_216, %get3A_217] {strides = array<i32>} : memref<160x128xi32, #tpu.memory_space<vmem>>, vector<1x16xi32>,
      %get3A_219 = vector.shape_cast %get3A_218 : vector<1x16xi32> to vector<16xi32>
      %add3A_220 = arith.constant 1 : i32
      %add3A_221 = vector.broadcast %add3A_220 : i32 to vector<16xi32>
      %add3A_222 = arith.addi %get3A_219, %add3A_221 : vector<16xi32>
      %swap3A_223 = arith.index_cast %scan3A_157 : i32 to index
      %swap3A_224 = arith.constant 80 : index
      %swap3A_225 = tpu.vector_load %arg10[%swap3A_223, %swap3A_224] {strides = array<i32>} : memref<160x128xi32, #tpu.memory_space<vmem>>, vector<1x16xi32>,
      %swap3A_226 = vector.shape_cast %swap3A_225 : vector<1x16xi32> to vector<16xi32>
      %swap3A_227 = vector.shape_cast %add3A_222 : vector<16xi32> to vector<1x16xi32>
      tpu.vector_store %arg10[%swap3A_223, %swap3A_224], %swap3A_227 {strides = array<i32>} : memref<160x128xi32, #tpu.memory_space<vmem>>, vector<1x16xi32>,
      %get3A_228 = arith.index_cast %scan3A_157 : i32 to index
      %get3A_229 = arith.constant 96 : index
      %get3A_230 = tpu.vector_load %arg10[%get3A_228, %get3A_229] {strides = array<i32>} : memref<160x128xi32, #tpu.memory_space<vmem>>, vector<1x16xi32>,
      %get3A_231 = vector.shape_cast %get3A_230 : vector<1x16xi32> to vector<16xi32>
      %add3A_232 = arith.constant 1 : i32
      %add3A_233 = vector.broadcast %add3A_232 : i32 to vector<16xi32>
      %add3A_234 = arith.addi %get3A_231, %add3A_233 : vector<16xi32>
      %swap3A_235 = arith.index_cast %scan3A_157 : i32 to index
      %swap3A_236 = arith.constant 96 : index
      %swap3A_237 = tpu.vector_load %arg10[%swap3A_235, %swap3A_236] {strides = array<i32>} : memref<160x128xi32, #tpu.memory_space<vmem>>, vector<1x16xi32>,
      %swap3A_238 = vector.shape_cast %swap3A_237 : vector<1x16xi32> to vector<16xi32>
      %swap3A_239 = vector.shape_cast %add3A_234 : vector<16xi32> to vector<1x16xi32>
      tpu.vector_store %arg10[%swap3A_235, %swap3A_236], %swap3A_239 {strides = array<i32>} : memref<160x128xi32, #tpu.memory_space<vmem>>, vector<1x16xi32>,
      %get3A_240 = arith.index_cast %scan3A_157 : i32 to index
      %get3A_241 = arith.constant 112 : index
      %get3A_242 = tpu.vector_load %arg10[%get3A_240, %get3A_241] {strides = array<i32>} : memref<160x128xi32, #tpu.memory_space<vmem>>, vector<1x16xi32>,
      %get3A_243 = vector.shape_cast %get3A_242 : vector<1x16xi32> to vector<16xi32>
      %add3A_244 = arith.constant 1 : i32
      %add3A_245 = vector.broadcast %add3A_244 : i32 to vector<16xi32>
      %add3A_246 = arith.addi %get3A_243, %add3A_245 : vector<16xi32>
      %swap3A_247 = arith.index_cast %scan3A_157 : i32 to index
      %swap3A_248 = arith.constant 112 : index
      %swap3A_249 = tpu.vector_load %arg10[%swap3A_247, %swap3A_248] {strides = array<i32>} : memref<160x128xi32, #tpu.memory_space<vmem>>, vector<1x16xi32>,
      %swap3A_250 = vector.shape_cast %swap3A_249 : vector<1x16xi32> to vector<16xi32>
      %swap3A_251 = vector.shape_cast %add3A_246 : vector<16xi32> to vector<1x16xi32>
      tpu.vector_store %arg10[%swap3A_247, %swap3A_248], %swap3A_251 {strides = array<i32>} : memref<160x128xi32, #tpu.memory_space<vmem>>, vector<1x16xi32>,
    }
    %scan3A_132 = arith.constant 160 : i32
    %scan3A_133 = arith.constant 0 : i32
    %scan3A_134 = arith.constant 0 : i32
    %scan3A_135 = arith.constant 125 : i32
    %scan3A_136 = arith.addi %scan3A_134, %scan3A_135 : i32
    %scan3A_137 = arith.constant 1 : i32
    scf.for %scan3A_157 = %scan3A_134 to %scan3A_136 step %scan3A_137  : i32 {
      %mul3A_158 = arith.constant 5000 : i32
      %mul3A_159 = arith.muli %arg1, %mul3A_158 : i32
      %mul3A_160 = arith.constant 40 : i32
      %mul3A_161 = arith.muli %scan3A_157, %mul3A_160 : i32
      %add3A_162 = arith.addi %mul3A_159, %mul3A_161 : i32
      "tpu.region"() ({
        %run_scoped3A = tpu.sem_alloc : memref<!tpu.dma_semaphore, #tpu.memory_space<semaphore_mem>>
        %dma_start3A = arith.constant 0 : i32
        %dma_start3A_163 = tpu.memref_slice %arg8[%add3A_162, %dma_start3A] : memref<80128x16xf32, #tpu.memory_space<vmem_shared>> -> memref<40x16xf32, #tpu.memory_space<vmem_shared>>
        %dma_start3A_164 = arith.constant 0 : i32
        %dma_start3A_165 = tpu.memref_slice %arg8[%add3A_162, %dma_start3A_164] : memref<80128x16xf32, #tpu.memory_space<vmem_shared>> -> memref<40x16xf32, #tpu.memory_space<vmem_shared>>
        tpu.enqueue_dma source(%arg12 : memref<40x16xf32, #tpu.memory_space<vmem>>) target(%dma_start3A_165 : memref<40x16xf32, #tpu.memory_space<vmem_shared>>) target_semaphore(%run_scoped3A : memref<!tpu.dma_semaphore, #tpu.memory_space<semaphore_mem>>)
        %dma_wait3A = arith.constant 0 : i32
        %dma_wait3A_166 = tpu.memref_slice %arg8[%add3A_162, %dma_wait3A] : memref<80128x16xf32, #tpu.memory_space<vmem_shared>> -> memref<40x16xf32, #tpu.memory_space<vmem_shared>>
        %dma_wait3A_167 = arith.constant 0 : i32
        %dma_wait3A_168 = tpu.memref_slice %arg8[%add3A_162, %dma_wait3A_167] : memref<80128x16xf32, #tpu.memory_space<vmem_shared>> -> memref<40x16xf32, #tpu.memory_space<vmem_shared>>
        tpu.wait_dma2 semaphore(%run_scoped3A : memref<!tpu.dma_semaphore, #tpu.memory_space<semaphore_mem>>) src(%arg12 : memref<40x16xf32, #tpu.memory_space<vmem>>) dst(%dma_wait3A_168 : memref<40x16xf32, #tpu.memory_space<vmem_shared>>)
        tpu.yield
      }) : () -> ()
    }
    %scan3A_138 = arith.constant 125 : i32
    %barrier3A_139 = arith.constant 0 : index
    tpu.barrier barrier_id(%barrier3A_139)
    %scan3A_140 = arith.constant 0 : i32
    %scan3A_141 = arith.constant 0 : i32
    %scan3A_142 = arith.constant 40 : i32
    %scan3A_143 = arith.addi %scan3A_141, %scan3A_142 : i32
    %scan3A_144 = arith.constant 1 : i32
    scf.for %scan3A_157 = %scan3A_141 to %scan3A_143 step %scan3A_144  : i32 {
      %mul3A_158 = arith.constant 4 : i32
      %mul3A_159 = arith.muli %scan3A_157, %mul3A_158 : i32
      %mul3A_160 = arith.constant 1 : i32
      %mul3A_161 = arith.muli %mul3A_159, %mul3A_160 : i32
      %add3A_162 = arith.constant 0 : i32
      %add3A_163 = arith.addi %mul3A_161, %add3A_162 : i32
      %dma_start3A = arith.constant 0 : i32
      %dma_start3A_164 = arith.constant 0 : i32
      %dma_start3A_165 = arith.constant 0 : i32
      %dma_start3A_166 = arith.constant 0 : i32
      %dma_start3A_167 = tpu.memref_slice %arg11[%dma_start3A, %dma_start3A_165, %dma_start3A_166] : memref<4x128x16xf32, #tpu.memory_space<vmem>> -> memref<1x128x16xf32, #tpu.memory_space<vmem>>
      %dma_start3A_168 = tpu.memref_squeeze %dma_start3A_167 : memref<1x128x16xf32, #tpu.memory_space<vmem>> -> memref<128x16xf32, #tpu.memory_space<vmem>>
      %dma_start3A_169 = arith.constant 0 : i32
      %dma_start3A_170 = tpu.memref_slice %arg10[%add3A_163, %dma_start3A_169] : memref<160x128xi32, #tpu.memory_space<vmem>> -> memref<1x128xi32, #tpu.memory_space<vmem>>
      %dma_start3A_171 = tpu.memref_squeeze %dma_start3A_170 : memref<1x128xi32, #tpu.memory_space<vmem>> -> memref<128xi32, #tpu.memory_space<vmem>>
      %dma_start3A_172 = arith.constant 0 : i32
      %dma_start3A_173 = arith.constant 0 : i32
      %dma_start3A_174 = tpu.memref_slice %arg2[%dma_start3A_172, %dma_start3A_173] : memref<80000x16xf32, #tpu.memory_space<hbm>> -> memref<80000x16xf32, #tpu.memory_space<hbm>>
      %dma_start3A_175 = tpu.memref_slice %arg13[%dma_start3A_164] : memref<4x!tpu.dma_semaphore, #tpu.memory_space<semaphore_mem>> -> memref<1x!tpu.dma_semaphore, #tpu.memory_space<semaphore_mem>>
      %dma_start3A_176 = tpu.memref_squeeze %dma_start3A_175 : memref<1x!tpu.dma_semaphore, #tpu.memory_space<semaphore_mem>> -> memref<!tpu.dma_semaphore, #tpu.memory_space<semaphore_mem>>
      tpu.enqueue_indirect_dma source(%dma_start3A_174 : memref<80000x16xf32, #tpu.memory_space<hbm>>) target(%dma_start3A_168 : memref<128x16xf32, #tpu.memory_space<vmem>>) offsets(%dma_start3A_171 : memref<128xi32, #tpu.memory_space<vmem>>) semaphore(%dma_start3A_176 : memref<!tpu.dma_semaphore, #tpu.memory_space<semaphore_mem>>)
      %add3A_177 = arith.constant 1 : i32
      %add3A_178 = arith.addi %mul3A_161, %add3A_177 : i32
      %dma_start3A_179 = arith.constant 1 : i32
      %dma_start3A_180 = arith.constant 1 : i32
      %dma_start3A_181 = arith.constant 0 : i32
      %dma_start3A_182 = arith.constant 0 : i32
      %dma_start3A_183 = tpu.memref_slice %arg11[%dma_start3A_179, %dma_start3A_181, %dma_start3A_182] : memref<4x128x16xf32, #tpu.memory_space<vmem>> -> memref<1x128x16xf32, #tpu.memory_space<vmem>>
      %dma_start3A_184 = tpu.memref_squeeze %dma_start3A_183 : memref<1x128x16xf32, #tpu.memory_space<vmem>> -> memref<128x16xf32, #tpu.memory_space<vmem>>
      %dma_start3A_185 = arith.constant 0 : i32
      %dma_start3A_186 = tpu.memref_slice %arg10[%add3A_178, %dma_start3A_185] : memref<160x128xi32, #tpu.memory_space<vmem>> -> memref<1x128xi32, #tpu.memory_space<vmem>>
      %dma_start3A_187 = tpu.memref_squeeze %dma_start3A_186 : memref<1x128xi32, #tpu.memory_space<vmem>> -> memref<128xi32, #tpu.memory_space<vmem>>
      %dma_start3A_188 = arith.constant 0 : i32
      %dma_start3A_189 = arith.constant 0 : i32
      %dma_start3A_190 = tpu.memref_slice %arg2[%dma_start3A_188, %dma_start3A_189] : memref<80000x16xf32, #tpu.memory_space<hbm>> -> memref<80000x16xf32, #tpu.memory_space<hbm>>
      %dma_start3A_191 = tpu.memref_slice %arg13[%dma_start3A_180] : memref<4x!tpu.dma_semaphore, #tpu.memory_space<semaphore_mem>> -> memref<1x!tpu.dma_semaphore, #tpu.memory_space<semaphore_mem>>
      %dma_start3A_192 = tpu.memref_squeeze %dma_start3A_191 : memref<1x!tpu.dma_semaphore, #tpu.memory_space<semaphore_mem>> -> memref<!tpu.dma_semaphore, #tpu.memory_space<semaphore_mem>>
      tpu.enqueue_indirect_dma source(%dma_start3A_190 : memref<80000x16xf32, #tpu.memory_space<hbm>>) target(%dma_start3A_184 : memref<128x16xf32, #tpu.memory_space<vmem>>) offsets(%dma_start3A_187 : memref<128xi32, #tpu.memory_space<vmem>>) semaphore(%dma_start3A_192 : memref<!tpu.dma_semaphore, #tpu.memory_space<semaphore_mem>>)
      %add3A_193 = arith.constant 2 : i32
      %add3A_194 = arith.addi %mul3A_161, %add3A_193 : i32
      %dma_start3A_195 = arith.constant 2 : i32
      %dma_start3A_196 = arith.constant 2 : i32
      %dma_start3A_197 = arith.constant 0 : i32
      %dma_start3A_198 = arith.constant 0 : i32
      %dma_start3A_199 = tpu.memref_slice %arg11[%dma_start3A_195, %dma_start3A_197, %dma_start3A_198] : memref<4x128x16xf32, #tpu.memory_space<vmem>> -> memref<1x128x16xf32, #tpu.memory_space<vmem>>
      %dma_start3A_200 = tpu.memref_squeeze %dma_start3A_199 : memref<1x128x16xf32, #tpu.memory_space<vmem>> -> memref<128x16xf32, #tpu.memory_space<vmem>>
      %dma_start3A_201 = arith.constant 0 : i32
      %dma_start3A_202 = tpu.memref_slice %arg10[%add3A_194, %dma_start3A_201] : memref<160x128xi32, #tpu.memory_space<vmem>> -> memref<1x128xi32, #tpu.memory_space<vmem>>
      %dma_start3A_203 = tpu.memref_squeeze %dma_start3A_202 : memref<1x128xi32, #tpu.memory_space<vmem>> -> memref<128xi32, #tpu.memory_space<vmem>>
      %dma_start3A_204 = arith.constant 0 : i32
      %dma_start3A_205 = arith.constant 0 : i32
      %dma_start3A_206 = tpu.memref_slice %arg2[%dma_start3A_204, %dma_start3A_205] : memref<80000x16xf32, #tpu.memory_space<hbm>> -> memref<80000x16xf32, #tpu.memory_space<hbm>>
      %dma_start3A_207 = tpu.memref_slice %arg13[%dma_start3A_196] : memref<4x!tpu.dma_semaphore, #tpu.memory_space<semaphore_mem>> -> memref<1x!tpu.dma_semaphore, #tpu.memory_space<semaphore_mem>>
      %dma_start3A_208 = tpu.memref_squeeze %dma_start3A_207 : memref<1x!tpu.dma_semaphore, #tpu.memory_space<semaphore_mem>> -> memref<!tpu.dma_semaphore, #tpu.memory_space<semaphore_mem>>
      tpu.enqueue_indirect_dma source(%dma_start3A_206 : memref<80000x16xf32, #tpu.memory_space<hbm>>) target(%dma_start3A_200 : memref<128x16xf32, #tpu.memory_space<vmem>>) offsets(%dma_start3A_203 : memref<128xi32, #tpu.memory_space<vmem>>) semaphore(%dma_start3A_208 : memref<!tpu.dma_semaphore, #tpu.memory_space<semaphore_mem>>)
      %add3A_209 = arith.constant 3 : i32
      %add3A_210 = arith.addi %mul3A_161, %add3A_209 : i32
      %dma_start3A_211 = arith.constant 3 : i32
      %dma_start3A_212 = arith.constant 3 : i32
      %dma_start3A_213 = arith.constant 0 : i32
      %dma_start3A_214 = arith.constant 0 : i32
      %dma_start3A_215 = tpu.memref_slice %arg11[%dma_start3A_211, %dma_start3A_213, %dma_start3A_214] : memref<4x128x16xf32, #tpu.memory_space<vmem>> -> memref<1x128x16xf32, #tpu.memory_space<vmem>>
      %dma_start3A_216 = tpu.memref_squeeze %dma_start3A_215 : memref<1x128x16xf32, #tpu.memory_space<vmem>> -> memref<128x16xf32, #tpu.memory_space<vmem>>
      %dma_start3A_217 = arith.constant 0 : i32
      %dma_start3A_218 = tpu.memref_slice %arg10[%add3A_210, %dma_start3A_217] : memref<160x128xi32, #tpu.memory_space<vmem>> -> memref<1x128xi32, #tpu.memory_space<vmem>>
      %dma_start3A_219 = tpu.memref_squeeze %dma_start3A_218 : memref<1x128xi32, #tpu.memory_space<vmem>> -> memref<128xi32, #tpu.memory_space<vmem>>
      %dma_start3A_220 = arith.constant 0 : i32
      %dma_start3A_221 = arith.constant 0 : i32
      %dma_start3A_222 = tpu.memref_slice %arg2[%dma_start3A_220, %dma_start3A_221] : memref<80000x16xf32, #tpu.memory_space<hbm>> -> memref<80000x16xf32, #tpu.memory_space<hbm>>
      %dma_start3A_223 = tpu.memref_slice %arg13[%dma_start3A_212] : memref<4x!tpu.dma_semaphore, #tpu.memory_space<semaphore_mem>> -> memref<1x!tpu.dma_semaphore, #tpu.memory_space<semaphore_mem>>
      %dma_start3A_224 = tpu.memref_squeeze %dma_start3A_223 : memref<1x!tpu.dma_semaphore, #tpu.memory_space<semaphore_mem>> -> memref<!tpu.dma_semaphore, #tpu.memory_space<semaphore_mem>>
      tpu.enqueue_indirect_dma source(%dma_start3A_222 : memref<80000x16xf32, #tpu.memory_space<hbm>>) target(%dma_start3A_216 : memref<128x16xf32, #tpu.memory_space<vmem>>) offsets(%dma_start3A_219 : memref<128xi32, #tpu.memory_space<vmem>>) semaphore(%dma_start3A_224 : memref<!tpu.dma_semaphore, #tpu.memory_space<semaphore_mem>>)
      %dma_wait3A = arith.constant 0 : i32
      %dma_wait3A_225 = arith.constant 0 : i32
      %dma_wait3A_226 = arith.constant 0 : i32
      %dma_wait3A_227 = arith.constant 0 : i32
      %dma_wait3A_228 = tpu.memref_slice %arg11[%dma_wait3A, %dma_wait3A_226, %dma_wait3A_227] : memref<4x128x16xf32, #tpu.memory_space<vmem>> -> memref<1x128x16xf32, #tpu.memory_space<vmem>>
      %dma_wait3A_229 = tpu.memref_squeeze %dma_wait3A_228 : memref<1x128x16xf32, #tpu.memory_space<vmem>> -> memref<128x16xf32, #tpu.memory_space<vmem>>
      %dma_wait3A_230 = arith.constant 0 : i32
      %dma_wait3A_231 = tpu.memref_slice %arg10[%add3A_163, %dma_wait3A_230] : memref<160x128xi32, #tpu.memory_space<vmem>> -> memref<1x128xi32, #tpu.memory_space<vmem>>
      %dma_wait3A_232 = tpu.memref_squeeze %dma_wait3A_231 : memref<1x128xi32, #tpu.memory_space<vmem>> -> memref<128xi32, #tpu.memory_space<vmem>>
      %dma_wait3A_233 = arith.constant 0 : i32
      %dma_wait3A_234 = arith.constant 0 : i32
      %dma_wait3A_235 = tpu.memref_slice %arg2[%dma_wait3A_233, %dma_wait3A_234] : memref<80000x16xf32, #tpu.memory_space<hbm>> -> memref<80000x16xf32, #tpu.memory_space<hbm>>
      %dma_wait3A_236 = tpu.memref_slice %arg13[%dma_wait3A_225] : memref<4x!tpu.dma_semaphore, #tpu.memory_space<semaphore_mem>> -> memref<1x!tpu.dma_semaphore, #tpu.memory_space<semaphore_mem>>
      %dma_wait3A_237 = tpu.memref_squeeze %dma_wait3A_236 : memref<1x!tpu.dma_semaphore, #tpu.memory_space<semaphore_mem>> -> memref<!tpu.dma_semaphore, #tpu.memory_space<semaphore_mem>>
      tpu.wait_indirect_dma semaphore(%dma_wait3A_237 : memref<!tpu.dma_semaphore, #tpu.memory_space<semaphore_mem>>) src(%dma_wait3A_235 : memref<80000x16xf32, #tpu.memory_space<hbm>>) dst(%dma_wait3A_229 : memref<128x16xf32, #tpu.memory_space<vmem>>)
      %add3A_238 = arith.constant 0 : i32
      %add3A_239 = arith.addi %mul3A_161, %add3A_238 : i32
      %dma_start3A_240 = arith.constant 0 : i32
      %dma_start3A_241 = arith.constant 0 : i32
      %dma_start3A_242 = arith.constant 0 : i32
      %dma_start3A_243 = arith.constant 0 : i32
      %dma_start3A_244 = tpu.memref_slice %arg11[%dma_start3A_240, %dma_start3A_242, %dma_start3A_243] : memref<4x128x16xf32, #tpu.memory_space<vmem>> -> memref<1x128x16xf32, #tpu.memory_space<vmem>>
      %dma_start3A_245 = tpu.memref_squeeze %dma_start3A_244 : memref<1x128x16xf32, #tpu.memory_space<vmem>> -> memref<128x16xf32, #tpu.memory_space<vmem>>
      %dma_start3A_246 = arith.constant 0 : i32
      %dma_start3A_247 = tpu.memref_slice %arg9[%add3A_239, %dma_start3A_246] : memref<160x128xi32, #tpu.memory_space<vmem>> -> memref<1x128xi32, #tpu.memory_space<vmem>>
      %dma_start3A_248 = tpu.memref_squeeze %dma_start3A_247 : memref<1x128xi32, #tpu.memory_space<vmem>> -> memref<128xi32, #tpu.memory_space<vmem>>
      %dma_start3A_249 = arith.constant 0 : i32
      %dma_start3A_250 = arith.constant 0 : i32
      %dma_start3A_251 = tpu.memref_slice %arg8[%dma_start3A_249, %dma_start3A_250] : memref<80128x16xf32, #tpu.memory_space<vmem_shared>> -> memref<80128x16xf32, #tpu.memory_space<vmem_shared>>
      %dma_start3A_252 = tpu.memref_slice %arg14[%dma_start3A_241] : memref<4x!tpu.dma_semaphore, #tpu.memory_space<semaphore_mem>> -> memref<1x!tpu.dma_semaphore, #tpu.memory_space<semaphore_mem>>
      %dma_start3A_253 = tpu.memref_squeeze %dma_start3A_252 : memref<1x!tpu.dma_semaphore, #tpu.memory_space<semaphore_mem>> -> memref<!tpu.dma_semaphore, #tpu.memory_space<semaphore_mem>>
      tpu.enqueue_indirect_dma source(%dma_start3A_245 : memref<128x16xf32, #tpu.memory_space<vmem>>) target(%dma_start3A_251 : memref<80128x16xf32, #tpu.memory_space<vmem_shared>>) offsets(%dma_start3A_248 : memref<128xi32, #tpu.memory_space<vmem>>) semaphore(%dma_start3A_253 : memref<!tpu.dma_semaphore, #tpu.memory_space<semaphore_mem>>) {add = true}
      %dma_wait3A_254 = arith.constant 1 : i32
      %dma_wait3A_255 = arith.constant 1 : i32
      %dma_wait3A_256 = arith.constant 0 : i32
      %dma_wait3A_257 = arith.constant 0 : i32
      %dma_wait3A_258 = tpu.memref_slice %arg11[%dma_wait3A_254, %dma_wait3A_256, %dma_wait3A_257] : memref<4x128x16xf32, #tpu.memory_space<vmem>> -> memref<1x128x16xf32, #tpu.memory_space<vmem>>
      %dma_wait3A_259 = tpu.memref_squeeze %dma_wait3A_258 : memref<1x128x16xf32, #tpu.memory_space<vmem>> -> memref<128x16xf32, #tpu.memory_space<vmem>>
      %dma_wait3A_260 = arith.constant 0 : i32
      %dma_wait3A_261 = tpu.memref_slice %arg10[%add3A_178, %dma_wait3A_260] : memref<160x128xi32, #tpu.memory_space<vmem>> -> memref<1x128xi32, #tpu.memory_space<vmem>>
      %dma_wait3A_262 = tpu.memref_squeeze %dma_wait3A_261 : memref<1x128xi32, #tpu.memory_space<vmem>> -> memref<128xi32, #tpu.memory_space<vmem>>
      %dma_wait3A_263 = arith.constant 0 : i32
      %dma_wait3A_264 = arith.constant 0 : i32
      %dma_wait3A_265 = tpu.memref_slice %arg2[%dma_wait3A_263, %dma_wait3A_264] : memref<80000x16xf32, #tpu.memory_space<hbm>> -> memref<80000x16xf32, #tpu.memory_space<hbm>>
      %dma_wait3A_266 = tpu.memref_slice %arg13[%dma_wait3A_255] : memref<4x!tpu.dma_semaphore, #tpu.memory_space<semaphore_mem>> -> memref<1x!tpu.dma_semaphore, #tpu.memory_space<semaphore_mem>>
      %dma_wait3A_267 = tpu.memref_squeeze %dma_wait3A_266 : memref<1x!tpu.dma_semaphore, #tpu.memory_space<semaphore_mem>> -> memref<!tpu.dma_semaphore, #tpu.memory_space<semaphore_mem>>
      tpu.wait_indirect_dma semaphore(%dma_wait3A_267 : memref<!tpu.dma_semaphore, #tpu.memory_space<semaphore_mem>>) src(%dma_wait3A_265 : memref<80000x16xf32, #tpu.memory_space<hbm>>) dst(%dma_wait3A_259 : memref<128x16xf32, #tpu.memory_space<vmem>>)
      %add3A_268 = arith.constant 1 : i32
      %add3A_269 = arith.addi %mul3A_161, %add3A_268 : i32
      %dma_start3A_270 = arith.constant 1 : i32
      %dma_start3A_271 = arith.constant 1 : i32
      %dma_start3A_272 = arith.constant 0 : i32
      %dma_start3A_273 = arith.constant 0 : i32
      %dma_start3A_274 = tpu.memref_slice %arg11[%dma_start3A_270, %dma_start3A_272, %dma_start3A_273] : memref<4x128x16xf32, #tpu.memory_space<vmem>> -> memref<1x128x16xf32, #tpu.memory_space<vmem>>
      %dma_start3A_275 = tpu.memref_squeeze %dma_start3A_274 : memref<1x128x16xf32, #tpu.memory_space<vmem>> -> memref<128x16xf32, #tpu.memory_space<vmem>>
      %dma_start3A_276 = arith.constant 0 : i32
      %dma_start3A_277 = tpu.memref_slice %arg9[%add3A_269, %dma_start3A_276] : memref<160x128xi32, #tpu.memory_space<vmem>> -> memref<1x128xi32, #tpu.memory_space<vmem>>
      %dma_start3A_278 = tpu.memref_squeeze %dma_start3A_277 : memref<1x128xi32, #tpu.memory_space<vmem>> -> memref<128xi32, #tpu.memory_space<vmem>>
      %dma_start3A_279 = arith.constant 0 : i32
      %dma_start3A_280 = arith.constant 0 : i32
      %dma_start3A_281 = tpu.memref_slice %arg8[%dma_start3A_279, %dma_start3A_280] : memref<80128x16xf32, #tpu.memory_space<vmem_shared>> -> memref<80128x16xf32, #tpu.memory_space<vmem_shared>>
      %dma_start3A_282 = tpu.memref_slice %arg14[%dma_start3A_271] : memref<4x!tpu.dma_semaphore, #tpu.memory_space<semaphore_mem>> -> memref<1x!tpu.dma_semaphore, #tpu.memory_space<semaphore_mem>>
      %dma_start3A_283 = tpu.memref_squeeze %dma_start3A_282 : memref<1x!tpu.dma_semaphore, #tpu.memory_space<semaphore_mem>> -> memref<!tpu.dma_semaphore, #tpu.memory_space<semaphore_mem>>
      tpu.enqueue_indirect_dma source(%dma_start3A_275 : memref<128x16xf32, #tpu.memory_space<vmem>>) target(%dma_start3A_281 : memref<80128x16xf32, #tpu.memory_space<vmem_shared>>) offsets(%dma_start3A_278 : memref<128xi32, #tpu.memory_space<vmem>>) semaphore(%dma_start3A_283 : memref<!tpu.dma_semaphore, #tpu.memory_space<semaphore_mem>>) {add = true}
      %dma_wait3A_284 = arith.constant 2 : i32
      %dma_wait3A_285 = arith.constant 2 : i32
      %dma_wait3A_286 = arith.constant 0 : i32
      %dma_wait3A_287 = arith.constant 0 : i32
      %dma_wait3A_288 = tpu.memref_slice %arg11[%dma_wait3A_284, %dma_wait3A_286, %dma_wait3A_287] : memref<4x128x16xf32, #tpu.memory_space<vmem>> -> memref<1x128x16xf32, #tpu.memory_space<vmem>>
      %dma_wait3A_289 = tpu.memref_squeeze %dma_wait3A_288 : memref<1x128x16xf32, #tpu.memory_space<vmem>> -> memref<128x16xf32, #tpu.memory_space<vmem>>
      %dma_wait3A_290 = arith.constant 0 : i32
      %dma_wait3A_291 = tpu.memref_slice %arg10[%add3A_194, %dma_wait3A_290] : memref<160x128xi32, #tpu.memory_space<vmem>> -> memref<1x128xi32, #tpu.memory_space<vmem>>
      %dma_wait3A_292 = tpu.memref_squeeze %dma_wait3A_291 : memref<1x128xi32, #tpu.memory_space<vmem>> -> memref<128xi32, #tpu.memory_space<vmem>>
      %dma_wait3A_293 = arith.constant 0 : i32
      %dma_wait3A_294 = arith.constant 0 : i32
      %dma_wait3A_295 = tpu.memref_slice %arg2[%dma_wait3A_293, %dma_wait3A_294] : memref<80000x16xf32, #tpu.memory_space<hbm>> -> memref<80000x16xf32, #tpu.memory_space<hbm>>
      %dma_wait3A_296 = tpu.memref_slice %arg13[%dma_wait3A_285] : memref<4x!tpu.dma_semaphore, #tpu.memory_space<semaphore_mem>> -> memref<1x!tpu.dma_semaphore, #tpu.memory_space<semaphore_mem>>
      %dma_wait3A_297 = tpu.memref_squeeze %dma_wait3A_296 : memref<1x!tpu.dma_semaphore, #tpu.memory_space<semaphore_mem>> -> memref<!tpu.dma_semaphore, #tpu.memory_space<semaphore_mem>>
      tpu.wait_indirect_dma semaphore(%dma_wait3A_297 : memref<!tpu.dma_semaphore, #tpu.memory_space<semaphore_mem>>) src(%dma_wait3A_295 : memref<80000x16xf32, #tpu.memory_space<hbm>>) dst(%dma_wait3A_289 : memref<128x16xf32, #tpu.memory_space<vmem>>)
      %add3A_298 = arith.constant 2 : i32
      %add3A_299 = arith.addi %mul3A_161, %add3A_298 : i32
      %dma_start3A_300 = arith.constant 2 : i32
      %dma_start3A_301 = arith.constant 2 : i32
      %dma_start3A_302 = arith.constant 0 : i32
      %dma_start3A_303 = arith.constant 0 : i32
      %dma_start3A_304 = tpu.memref_slice %arg11[%dma_start3A_300, %dma_start3A_302, %dma_start3A_303] : memref<4x128x16xf32, #tpu.memory_space<vmem>> -> memref<1x128x16xf32, #tpu.memory_space<vmem>>
      %dma_start3A_305 = tpu.memref_squeeze %dma_start3A_304 : memref<1x128x16xf32, #tpu.memory_space<vmem>> -> memref<128x16xf32, #tpu.memory_space<vmem>>
      %dma_start3A_306 = arith.constant 0 : i32
      %dma_start3A_307 = tpu.memref_slice %arg9[%add3A_299, %dma_start3A_306] : memref<160x128xi32, #tpu.memory_space<vmem>> -> memref<1x128xi32, #tpu.memory_space<vmem>>
      %dma_start3A_308 = tpu.memref_squeeze %dma_start3A_307 : memref<1x128xi32, #tpu.memory_space<vmem>> -> memref<128xi32, #tpu.memory_space<vmem>>
      %dma_start3A_309 = arith.constant 0 : i32
      %dma_start3A_310 = arith.constant 0 : i32
      %dma_start3A_311 = tpu.memref_slice %arg8[%dma_start3A_309, %dma_start3A_310] : memref<80128x16xf32, #tpu.memory_space<vmem_shared>> -> memref<80128x16xf32, #tpu.memory_space<vmem_shared>>
      %dma_start3A_312 = tpu.memref_slice %arg14[%dma_start3A_301] : memref<4x!tpu.dma_semaphore, #tpu.memory_space<semaphore_mem>> -> memref<1x!tpu.dma_semaphore, #tpu.memory_space<semaphore_mem>>
      %dma_start3A_313 = tpu.memref_squeeze %dma_start3A_312 : memref<1x!tpu.dma_semaphore, #tpu.memory_space<semaphore_mem>> -> memref<!tpu.dma_semaphore, #tpu.memory_space<semaphore_mem>>
      tpu.enqueue_indirect_dma source(%dma_start3A_305 : memref<128x16xf32, #tpu.memory_space<vmem>>) target(%dma_start3A_311 : memref<80128x16xf32, #tpu.memory_space<vmem_shared>>) offsets(%dma_start3A_308 : memref<128xi32, #tpu.memory_space<vmem>>) semaphore(%dma_start3A_313 : memref<!tpu.dma_semaphore, #tpu.memory_space<semaphore_mem>>) {add = true}
      %dma_wait3A_314 = arith.constant 3 : i32
      %dma_wait3A_315 = arith.constant 3 : i32
      %dma_wait3A_316 = arith.constant 0 : i32
      %dma_wait3A_317 = arith.constant 0 : i32
      %dma_wait3A_318 = tpu.memref_slice %arg11[%dma_wait3A_314, %dma_wait3A_316, %dma_wait3A_317] : memref<4x128x16xf32, #tpu.memory_space<vmem>> -> memref<1x128x16xf32, #tpu.memory_space<vmem>>
      %dma_wait3A_319 = tpu.memref_squeeze %dma_wait3A_318 : memref<1x128x16xf32, #tpu.memory_space<vmem>> -> memref<128x16xf32, #tpu.memory_space<vmem>>
      %dma_wait3A_320 = arith.constant 0 : i32
      %dma_wait3A_321 = tpu.memref_slice %arg10[%add3A_210, %dma_wait3A_320] : memref<160x128xi32, #tpu.memory_space<vmem>> -> memref<1x128xi32, #tpu.memory_space<vmem>>
      %dma_wait3A_322 = tpu.memref_squeeze %dma_wait3A_321 : memref<1x128xi32, #tpu.memory_space<vmem>> -> memref<128xi32, #tpu.memory_space<vmem>>
      %dma_wait3A_323 = arith.constant 0 : i32
      %dma_wait3A_324 = arith.constant 0 : i32
      %dma_wait3A_325 = tpu.memref_slice %arg2[%dma_wait3A_323, %dma_wait3A_324] : memref<80000x16xf32, #tpu.memory_space<hbm>> -> memref<80000x16xf32, #tpu.memory_space<hbm>>
      %dma_wait3A_326 = tpu.memref_slice %arg13[%dma_wait3A_315] : memref<4x!tpu.dma_semaphore, #tpu.memory_space<semaphore_mem>> -> memref<1x!tpu.dma_semaphore, #tpu.memory_space<semaphore_mem>>
      %dma_wait3A_327 = tpu.memref_squeeze %dma_wait3A_326 : memref<1x!tpu.dma_semaphore, #tpu.memory_space<semaphore_mem>> -> memref<!tpu.dma_semaphore, #tpu.memory_space<semaphore_mem>>
      tpu.wait_indirect_dma semaphore(%dma_wait3A_327 : memref<!tpu.dma_semaphore, #tpu.memory_space<semaphore_mem>>) src(%dma_wait3A_325 : memref<80000x16xf32, #tpu.memory_space<hbm>>) dst(%dma_wait3A_319 : memref<128x16xf32, #tpu.memory_space<vmem>>)
      %add3A_328 = arith.constant 3 : i32
      %add3A_329 = arith.addi %mul3A_161, %add3A_328 : i32
      %dma_start3A_330 = arith.constant 3 : i32
      %dma_start3A_331 = arith.constant 3 : i32
      %dma_start3A_332 = arith.constant 0 : i32
      %dma_start3A_333 = arith.constant 0 : i32
      %dma_start3A_334 = tpu.memref_slice %arg11[%dma_start3A_330, %dma_start3A_332, %dma_start3A_333] : memref<4x128x16xf32, #tpu.memory_space<vmem>> -> memref<1x128x16xf32, #tpu.memory_space<vmem>>
      %dma_start3A_335 = tpu.memref_squeeze %dma_start3A_334 : memref<1x128x16xf32, #tpu.memory_space<vmem>> -> memref<128x16xf32, #tpu.memory_space<vmem>>
      %dma_start3A_336 = arith.constant 0 : i32
      %dma_start3A_337 = tpu.memref_slice %arg9[%add3A_329, %dma_start3A_336] : memref<160x128xi32, #tpu.memory_space<vmem>> -> memref<1x128xi32, #tpu.memory_space<vmem>>
      %dma_start3A_338 = tpu.memref_squeeze %dma_start3A_337 : memref<1x128xi32, #tpu.memory_space<vmem>> -> memref<128xi32, #tpu.memory_space<vmem>>
      %dma_start3A_339 = arith.constant 0 : i32
      %dma_start3A_340 = arith.constant 0 : i32
      %dma_start3A_341 = tpu.memref_slice %arg8[%dma_start3A_339, %dma_start3A_340] : memref<80128x16xf32, #tpu.memory_space<vmem_shared>> -> memref<80128x16xf32, #tpu.memory_space<vmem_shared>>
      %dma_start3A_342 = tpu.memref_slice %arg14[%dma_start3A_331] : memref<4x!tpu.dma_semaphore, #tpu.memory_space<semaphore_mem>> -> memref<1x!tpu.dma_semaphore, #tpu.memory_space<semaphore_mem>>
      %dma_start3A_343 = tpu.memref_squeeze %dma_start3A_342 : memref<1x!tpu.dma_semaphore, #tpu.memory_space<semaphore_mem>> -> memref<!tpu.dma_semaphore, #tpu.memory_space<semaphore_mem>>
      tpu.enqueue_indirect_dma source(%dma_start3A_335 : memref<128x16xf32, #tpu.memory_space<vmem>>) target(%dma_start3A_341 : memref<80128x16xf32, #tpu.memory_space<vmem_shared>>) offsets(%dma_start3A_338 : memref<128xi32, #tpu.memory_space<vmem>>) semaphore(%dma_start3A_343 : memref<!tpu.dma_semaphore, #tpu.memory_space<semaphore_mem>>) {add = true}
      %dma_wait3A_344 = arith.constant 0 : i32
      %dma_wait3A_345 = arith.constant 0 : i32
      %dma_wait3A_346 = arith.constant 0 : i32
      %dma_wait3A_347 = arith.constant 0 : i32
      %dma_wait3A_348 = tpu.memref_slice %arg11[%dma_wait3A_344, %dma_wait3A_346, %dma_wait3A_347] : memref<4x128x16xf32, #tpu.memory_space<vmem>> -> memref<1x128x16xf32, #tpu.memory_space<vmem>>
      %dma_wait3A_349 = tpu.memref_squeeze %dma_wait3A_348 : memref<1x128x16xf32, #tpu.memory_space<vmem>> -> memref<128x16xf32, #tpu.memory_space<vmem>>
      %dma_wait3A_350 = arith.constant 0 : i32
      %dma_wait3A_351 = tpu.memref_slice %arg9[%add3A_239, %dma_wait3A_350] : memref<160x128xi32, #tpu.memory_space<vmem>> -> memref<1x128xi32, #tpu.memory_space<vmem>>
      %dma_wait3A_352 = tpu.memref_squeeze %dma_wait3A_351 : memref<1x128xi32, #tpu.memory_space<vmem>> -> memref<128xi32, #tpu.memory_space<vmem>>
      %dma_wait3A_353 = arith.constant 0 : i32
      %dma_wait3A_354 = arith.constant 0 : i32
      %dma_wait3A_355 = tpu.memref_slice %arg8[%dma_wait3A_353, %dma_wait3A_354] : memref<80128x16xf32, #tpu.memory_space<vmem_shared>> -> memref<80128x16xf32, #tpu.memory_space<vmem_shared>>
      %dma_wait3A_356 = tpu.memref_slice %arg14[%dma_wait3A_345] : memref<4x!tpu.dma_semaphore, #tpu.memory_space<semaphore_mem>> -> memref<1x!tpu.dma_semaphore, #tpu.memory_space<semaphore_mem>>
      %dma_wait3A_357 = tpu.memref_squeeze %dma_wait3A_356 : memref<1x!tpu.dma_semaphore, #tpu.memory_space<semaphore_mem>> -> memref<!tpu.dma_semaphore, #tpu.memory_space<semaphore_mem>>
      tpu.wait_indirect_dma semaphore(%dma_wait3A_357 : memref<!tpu.dma_semaphore, #tpu.memory_space<semaphore_mem>>) src(%dma_wait3A_349 : memref<128x16xf32, #tpu.memory_space<vmem>>) dst(%dma_wait3A_355 : memref<80128x16xf32, #tpu.memory_space<vmem_shared>>)
      %dma_wait3A_358 = arith.constant 1 : i32
      %dma_wait3A_359 = arith.constant 1 : i32
      %dma_wait3A_360 = arith.constant 0 : i32
      %dma_wait3A_361 = arith.constant 0 : i32
      %dma_wait3A_362 = tpu.memref_slice %arg11[%dma_wait3A_358, %dma_wait3A_360, %dma_wait3A_361] : memref<4x128x16xf32, #tpu.memory_space<vmem>> -> memref<1x128x16xf32, #tpu.memory_space<vmem>>
      %dma_wait3A_363 = tpu.memref_squeeze %dma_wait3A_362 : memref<1x128x16xf32, #tpu.memory_space<vmem>> -> memref<128x16xf32, #tpu.memory_space<vmem>>
      %dma_wait3A_364 = arith.constant 0 : i32
      %dma_wait3A_365 = tpu.memref_slice %arg9[%add3A_269, %dma_wait3A_364] : memref<160x128xi32, #tpu.memory_space<vmem>> -> memref<1x128xi32, #tpu.memory_space<vmem>>
      %dma_wait3A_366 = tpu.memref_squeeze %dma_wait3A_365 : memref<1x128xi32, #tpu.memory_space<vmem>> -> memref<128xi32, #tpu.memory_space<vmem>>
      %dma_wait3A_367 = arith.constant 0 : i32
      %dma_wait3A_368 = arith.constant 0 : i32
      %dma_wait3A_369 = tpu.memref_slice %arg8[%dma_wait3A_367, %dma_wait3A_368] : memref<80128x16xf32, #tpu.memory_space<vmem_shared>> -> memref<80128x16xf32, #tpu.memory_space<vmem_shared>>
      %dma_wait3A_370 = tpu.memref_slice %arg14[%dma_wait3A_359] : memref<4x!tpu.dma_semaphore, #tpu.memory_space<semaphore_mem>> -> memref<1x!tpu.dma_semaphore, #tpu.memory_space<semaphore_mem>>
      %dma_wait3A_371 = tpu.memref_squeeze %dma_wait3A_370 : memref<1x!tpu.dma_semaphore, #tpu.memory_space<semaphore_mem>> -> memref<!tpu.dma_semaphore, #tpu.memory_space<semaphore_mem>>
      tpu.wait_indirect_dma semaphore(%dma_wait3A_371 : memref<!tpu.dma_semaphore, #tpu.memory_space<semaphore_mem>>) src(%dma_wait3A_363 : memref<128x16xf32, #tpu.memory_space<vmem>>) dst(%dma_wait3A_369 : memref<80128x16xf32, #tpu.memory_space<vmem_shared>>)
      %dma_wait3A_372 = arith.constant 2 : i32
      %dma_wait3A_373 = arith.constant 2 : i32
      %dma_wait3A_374 = arith.constant 0 : i32
      %dma_wait3A_375 = arith.constant 0 : i32
      %dma_wait3A_376 = tpu.memref_slice %arg11[%dma_wait3A_372, %dma_wait3A_374, %dma_wait3A_375] : memref<4x128x16xf32, #tpu.memory_space<vmem>> -> memref<1x128x16xf32, #tpu.memory_space<vmem>>
      %dma_wait3A_377 = tpu.memref_squeeze %dma_wait3A_376 : memref<1x128x16xf32, #tpu.memory_space<vmem>> -> memref<128x16xf32, #tpu.memory_space<vmem>>
      %dma_wait3A_378 = arith.constant 0 : i32
      %dma_wait3A_379 = tpu.memref_slice %arg9[%add3A_299, %dma_wait3A_378] : memref<160x128xi32, #tpu.memory_space<vmem>> -> memref<1x128xi32, #tpu.memory_space<vmem>>
      %dma_wait3A_380 = tpu.memref_squeeze %dma_wait3A_379 : memref<1x128xi32, #tpu.memory_space<vmem>> -> memref<128xi32, #tpu.memory_space<vmem>>
      %dma_wait3A_381 = arith.constant 0 : i32
      %dma_wait3A_382 = arith.constant 0 : i32
      %dma_wait3A_383 = tpu.memref_slice %arg8[%dma_wait3A_381, %dma_wait3A_382] : memref<80128x16xf32, #tpu.memory_space<vmem_shared>> -> memref<80128x16xf32, #tpu.memory_space<vmem_shared>>
      %dma_wait3A_384 = tpu.memref_slice %arg14[%dma_wait3A_373] : memref<4x!tpu.dma_semaphore, #tpu.memory_space<semaphore_mem>> -> memref<1x!tpu.dma_semaphore, #tpu.memory_space<semaphore_mem>>
      %dma_wait3A_385 = tpu.memref_squeeze %dma_wait3A_384 : memref<1x!tpu.dma_semaphore, #tpu.memory_space<semaphore_mem>> -> memref<!tpu.dma_semaphore, #tpu.memory_space<semaphore_mem>>
      tpu.wait_indirect_dma semaphore(%dma_wait3A_385 : memref<!tpu.dma_semaphore, #tpu.memory_space<semaphore_mem>>) src(%dma_wait3A_377 : memref<128x16xf32, #tpu.memory_space<vmem>>) dst(%dma_wait3A_383 : memref<80128x16xf32, #tpu.memory_space<vmem_shared>>)
      %dma_wait3A_386 = arith.constant 3 : i32
      %dma_wait3A_387 = arith.constant 3 : i32
      %dma_wait3A_388 = arith.constant 0 : i32
      %dma_wait3A_389 = arith.constant 0 : i32
      %dma_wait3A_390 = tpu.memref_slice %arg11[%dma_wait3A_386, %dma_wait3A_388, %dma_wait3A_389] : memref<4x128x16xf32, #tpu.memory_space<vmem>> -> memref<1x128x16xf32, #tpu.memory_space<vmem>>
      %dma_wait3A_391 = tpu.memref_squeeze %dma_wait3A_390 : memref<1x128x16xf32, #tpu.memory_space<vmem>> -> memref<128x16xf32, #tpu.memory_space<vmem>>
      %dma_wait3A_392 = arith.constant 0 : i32
      %dma_wait3A_393 = tpu.memref_slice %arg9[%add3A_329, %dma_wait3A_392] : memref<160x128xi32, #tpu.memory_space<vmem>> -> memref<1x128xi32, #tpu.memory_space<vmem>>
      %dma_wait3A_394 = tpu.memref_squeeze %dma_wait3A_393 : memref<1x128xi32, #tpu.memory_space<vmem>> -> memref<128xi32, #tpu.memory_space<vmem>>
      %dma_wait3A_395 = arith.constant 0 : i32
      %dma_wait3A_396 = arith.constant 0 : i32
      %dma_wait3A_397 = tpu.memref_slice %arg8[%dma_wait3A_395, %dma_wait3A_396] : memref<80128x16xf32, #tpu.memory_space<vmem_shared>> -> memref<80128x16xf32, #tpu.memory_space<vmem_shared>>
      %dma_wait3A_398 = tpu.memref_slice %arg14[%dma_wait3A_387] : memref<4x!tpu.dma_semaphore, #tpu.memory_space<semaphore_mem>> -> memref<1x!tpu.dma_semaphore, #tpu.memory_space<semaphore_mem>>
      %dma_wait3A_399 = tpu.memref_squeeze %dma_wait3A_398 : memref<1x!tpu.dma_semaphore, #tpu.memory_space<semaphore_mem>> -> memref<!tpu.dma_semaphore, #tpu.memory_space<semaphore_mem>>
      tpu.wait_indirect_dma semaphore(%dma_wait3A_399 : memref<!tpu.dma_semaphore, #tpu.memory_space<semaphore_mem>>) src(%dma_wait3A_391 : memref<128x16xf32, #tpu.memory_space<vmem>>) dst(%dma_wait3A_397 : memref<80128x16xf32, #tpu.memory_space<vmem_shared>>)
    }
    %scan3A_145 = arith.constant 40 : i32
    %barrier3A_146 = arith.constant 0 : index
    tpu.barrier barrier_id(%barrier3A_146)
    %mul3A_147 = arith.constant 5000 : i32
    %mul3A_148 = arith.muli %arg1, %mul3A_147 : i32
    %mul3A_149 = arith.constant 5000 : i32
    %mul3A_150 = arith.muli %arg1, %mul3A_149 : i32
    %mul3A_151 = arith.constant 4 : i32
    %mul3A_152 = arith.muli %arg0, %mul3A_151 : i32
    %add3A_153 = arith.constant 3 : i32
    %add3A_154 = arith.addi %mul3A_152, %add3A_153 : i32
    %mul3A_155 = arith.constant 16 : i32
    %mul3A_156 = arith.muli %add3A_154, %mul3A_155 : i32
    "tpu.region"() ({
      %run_scoped3A = tpu.sem_alloc : memref<!tpu.dma_semaphore, #tpu.memory_space<semaphore_mem>>
      %dma_start3A = tpu.memref_slice %arg6[%mul3A_150, %mul3A_156] : memref<80000x128xf32, #tpu.memory_space<hbm>> -> memref<5000x16xf32, #tpu.memory_space<hbm>>
      %dma_start3A_157 = arith.constant 0 : i32
      %dma_start3A_158 = tpu.memref_slice %arg8[%mul3A_148, %dma_start3A_157] : memref<80128x16xf32, #tpu.memory_space<vmem_shared>> -> memref<5000x16xf32, #tpu.memory_space<vmem_shared>>
      tpu.enqueue_dma source(%dma_start3A_158 : memref<5000x16xf32, #tpu.memory_space<vmem_shared>>) target(%dma_start3A : memref<5000x16xf32, #tpu.memory_space<hbm>>) target_semaphore(%run_scoped3A : memref<!tpu.dma_semaphore, #tpu.memory_space<semaphore_mem>>)
      %dma_wait3A = tpu.memref_slice %arg6[%mul3A_150, %mul3A_156] : memref<80000x128xf32, #tpu.memory_space<hbm>> -> memref<5000x16xf32, #tpu.memory_space<hbm>>
      %dma_wait3A_159 = arith.constant 0 : i32
      %dma_wait3A_160 = tpu.memref_slice %arg8[%mul3A_148, %dma_wait3A_159] : memref<80128x16xf32, #tpu.memory_space<vmem_shared>> -> memref<5000x16xf32, #tpu.memory_space<vmem_shared>>
      tpu.wait_dma2 semaphore(%run_scoped3A : memref<!tpu.dma_semaphore, #tpu.memory_space<semaphore_mem>>) src(%dma_wait3A_160 : memref<5000x16xf32, #tpu.memory_space<vmem_shared>>) dst(%dma_wait3A : memref<5000x16xf32, #tpu.memory_space<hbm>>)
      tpu.yield
    }) : () -> ()
    return
  }
}

module attributes {stable_mosaic.version = 14 : i64} {
  func.func @_tc_body(%arg0: i32, %arg1: memref<1000x128xf32, #tpu.memory_space<vmem>>, %arg2: memref<8x1000x128xf32, #tpu.memory_space<vmem>>, %arg3: memref<2x8x1000x16xf32, #tpu.memory_space<vmem>>, %arg4: memref<4x128x128xf32, #tpu.memory_space<vmem>>, %arg5: memref<8x4xf32, #tpu.memory_space<smem>>, %arg6: memref<128x128xf32, #tpu.memory_space<vmem>>, %arg7: memref<1x128xf32, #tpu.memory_space<vmem>>, %arg8: memref<1000x128xf32, #tpu.memory_space<vmem>>) attributes {dimension_semantics = [#tpu.dimension_semantics<arbitrary>], iteration_bounds = array<i64: 10>, scalar_prefetch = 0 : i64, scratch_operands = 0 : i64, tpu.core_type = #tpu.core_type<tc>, window_params = [{transform_indices = @transform_0, window_bounds = array<i64: 1000, 128>}, {transform_indices = @transform_1, window_bounds = array<i64: 8, 1000, 128>}, {transform_indices = @transform_2, window_bounds = array<i64: 2, 8, 1000, 16>}, {pipeline_mode = #tpu.pipeline_mode<synchronous>, transform_indices = @transform_3, window_bounds = array<i64: 4, 128, 128>}, {transform_indices = @transform_4, window_bounds = array<i64: 8, 4>}, {pipeline_mode = #tpu.pipeline_mode<synchronous>, transform_indices = @transform_5, window_bounds = array<i64: 128, 128>}, {pipeline_mode = #tpu.pipeline_mode<synchronous>, transform_indices = @transform_6, window_bounds = array<i64: 1, 128>}, {transform_indices = @transform_7, window_bounds = array<i64: 1000, 128>}]} {
    %get3A = arith.constant 0 : index
    %get3A_0 = arith.constant 0 : index
    %get3A_1 = arith.constant 0 : index
    %get3A_2 = arith.constant 0 : index
    %get3A_3 = vector.load %arg3[%get3A, %get3A_0, %get3A_1, %get3A_2] : memref<2x8x1000x16xf32, #tpu.memory_space<vmem>>, vector<1x8x1000x1xf32>
    %get3A_4 = vector.shape_cast %get3A_3 : vector<1x8x1000x1xf32> to vector<8x1000xf32>
    %get3A_5 = arith.constant 1 : index
    %get3A_6 = arith.constant 0 : index
    %get3A_7 = arith.constant 0 : index
    %get3A_8 = arith.constant 0 : index
    %get3A_9 = vector.load %arg3[%get3A_5, %get3A_6, %get3A_7, %get3A_8] : memref<2x8x1000x16xf32, #tpu.memory_space<vmem>>, vector<1x8x1000x1xf32>
    %get3A_10 = vector.shape_cast %get3A_9 : vector<1x8x1000x1xf32> to vector<8x1000xf32>
    %add3A = arith.addf %get3A_4, %get3A_10 : vector<8x1000xf32>
    %max3A = arith.constant 1.000000e+00 : f32
    %max3A_11 = vector.broadcast %max3A : f32 to vector<8x1000xf32>
    %max3A_12 = arith.maximumf %add3A, %max3A_11 : vector<8x1000xf32>
    %div3A = arith.constant 1.000000e+00 : f32
    %div3A_13 = vector.broadcast %div3A : f32 to vector<8x1000xf32>
    %div3A_14 = arith.divf %div3A_13, %max3A_12 : vector<8x1000xf32>
    %get3A_15 = arith.constant 0 : index
    %get3A_16 = arith.constant 0 : index
    %get3A_17 = vector.load %arg1[%get3A_15, %get3A_16] : memref<1000x128xf32, #tpu.memory_space<vmem>>, vector<1000x128xf32>
    %get3A_18 = arith.constant 0 : index
    %get3A_19 = arith.constant 0 : index
    %get3A_20 = vector.load %arg6[%get3A_18, %get3A_19] : memref<128x128xf32, #tpu.memory_space<vmem>>, vector<128x128xf32>
    %dot_general3A = arith.constant dense<0.000000e+00> : vector<1000x128xf32>
    %dot_general3A_21 = tpu.matmul %get3A_17, %get3A_20, %dot_general3A {dimension_numbers = #tpu.dot_dimension_numbers<[1], [0], [0], [1], [0, 0, 1, 1], [], []>, transpose_lhs_hint = false} : vector<1000x128xf32>, vector<128x128xf32>, vector<1000x128xf32> -> vector<1000x128xf32>
    %get3A_22 = arith.constant 0 : index
    %get3A_23 = arith.constant 0 : index
    %get3A_24 = arith.constant 0 : index
    %get3A_25 = vector.load %arg2[%get3A_22, %get3A_23, %get3A_24] : memref<8x1000x128xf32, #tpu.memory_space<vmem>>, vector<1x1000x128xf32>
    %get3A_26 = vector.shape_cast %get3A_25 : vector<1x1000x128xf32> to vector<1000x128xf32>
    %slice3A = vector.extract_strided_slice %div3A_14 {offsets = [0, 0], sizes = [1, 1000], strides = [1, 1]} : vector<8x1000xf32> to vector<1x1000xf32>
    %squeeze3A = vector.shape_cast %slice3A : vector<1x1000xf32> to vector<1000xf32>
    %broadcast_in_dim3A = vector.shape_cast %squeeze3A : vector<1000xf32> to vector<1000x1xf32>
    %mul3A = vector.broadcast %broadcast_in_dim3A : vector<1000x1xf32> to vector<1000x128xf32>
    %mul3A_27 = arith.mulf %get3A_26, %mul3A : vector<1000x128xf32>
    %get3A_28 = arith.constant 0 : index
    %get3A_29 = arith.constant 0 : index
    %get3A_30 = memref.load %arg5[%get3A_28, %get3A_29] : memref<8x4xf32, #tpu.memory_space<smem>>
    %mul3A_31 = vector.broadcast %get3A_30 : f32 to vector<1000x128xf32>
    %mul3A_32 = arith.mulf %mul3A_31, %mul3A_27 : vector<1000x128xf32>
    %get3A_33 = arith.constant 0 : index
    %get3A_34 = arith.constant 1 : index
    %get3A_35 = memref.load %arg5[%get3A_33, %get3A_34] : memref<8x4xf32, #tpu.memory_space<smem>>
    %mul3A_36 = vector.broadcast %get3A_35 : f32 to vector<1000x128xf32>
    %mul3A_37 = arith.mulf %mul3A_36, %mul3A_27 : vector<1000x128xf32>
    %get3A_38 = arith.constant 0 : index
    %get3A_39 = arith.constant 2 : index
    %get3A_40 = memref.load %arg5[%get3A_38, %get3A_39] : memref<8x4xf32, #tpu.memory_space<smem>>
    %mul3A_41 = vector.broadcast %get3A_40 : f32 to vector<1000x128xf32>
    %mul3A_42 = arith.mulf %mul3A_41, %mul3A_27 : vector<1000x128xf32>
    %get3A_43 = arith.constant 0 : index
    %get3A_44 = arith.constant 3 : index
    %get3A_45 = memref.load %arg5[%get3A_43, %get3A_44] : memref<8x4xf32, #tpu.memory_space<smem>>
    %mul3A_46 = vector.broadcast %get3A_45 : f32 to vector<1000x128xf32>
    %mul3A_47 = arith.mulf %mul3A_46, %mul3A_27 : vector<1000x128xf32>
    %get3A_48 = arith.constant 1 : index
    %get3A_49 = arith.constant 0 : index
    %get3A_50 = arith.constant 0 : index
    %get3A_51 = vector.load %arg2[%get3A_48, %get3A_49, %get3A_50] : memref<8x1000x128xf32, #tpu.memory_space<vmem>>, vector<1x1000x128xf32>
    %get3A_52 = vector.shape_cast %get3A_51 : vector<1x1000x128xf32> to vector<1000x128xf32>
    %slice3A_53 = vector.extract_strided_slice %div3A_14 {offsets = [1, 0], sizes = [1, 1000], strides = [1, 1]} : vector<8x1000xf32> to vector<1x1000xf32>
    %squeeze3A_54 = vector.shape_cast %slice3A_53 : vector<1x1000xf32> to vector<1000xf32>
    %broadcast_in_dim3A_55 = vector.shape_cast %squeeze3A_54 : vector<1000xf32> to vector<1000x1xf32>
    %mul3A_56 = vector.broadcast %broadcast_in_dim3A_55 : vector<1000x1xf32> to vector<1000x128xf32>
    %mul3A_57 = arith.mulf %get3A_52, %mul3A_56 : vector<1000x128xf32>
    %get3A_58 = arith.constant 1 : index
    %get3A_59 = arith.constant 0 : index
    %get3A_60 = memref.load %arg5[%get3A_58, %get3A_59] : memref<8x4xf32, #tpu.memory_space<smem>>
    %mul3A_61 = vector.broadcast %get3A_60 : f32 to vector<1000x128xf32>
    %mul3A_62 = arith.mulf %mul3A_61, %mul3A_57 : vector<1000x128xf32>
    %add3A_63 = arith.addf %mul3A_32, %mul3A_62 : vector<1000x128xf32>
    %get3A_64 = arith.constant 1 : index
    %get3A_65 = arith.constant 1 : index
    %get3A_66 = memref.load %arg5[%get3A_64, %get3A_65] : memref<8x4xf32, #tpu.memory_space<smem>>
    %mul3A_67 = vector.broadcast %get3A_66 : f32 to vector<1000x128xf32>
    %mul3A_68 = arith.mulf %mul3A_67, %mul3A_57 : vector<1000x128xf32>
    %add3A_69 = arith.addf %mul3A_37, %mul3A_68 : vector<1000x128xf32>
    %get3A_70 = arith.constant 1 : index
    %get3A_71 = arith.constant 2 : index
    %get3A_72 = memref.load %arg5[%get3A_70, %get3A_71] : memref<8x4xf32, #tpu.memory_space<smem>>
    %mul3A_73 = vector.broadcast %get3A_72 : f32 to vector<1000x128xf32>
    %mul3A_74 = arith.mulf %mul3A_73, %mul3A_57 : vector<1000x128xf32>
    %add3A_75 = arith.addf %mul3A_42, %mul3A_74 : vector<1000x128xf32>
    %get3A_76 = arith.constant 1 : index
    %get3A_77 = arith.constant 3 : index
    %get3A_78 = memref.load %arg5[%get3A_76, %get3A_77] : memref<8x4xf32, #tpu.memory_space<smem>>
    %mul3A_79 = vector.broadcast %get3A_78 : f32 to vector<1000x128xf32>
    %mul3A_80 = arith.mulf %mul3A_79, %mul3A_57 : vector<1000x128xf32>
    %add3A_81 = arith.addf %mul3A_47, %mul3A_80 : vector<1000x128xf32>
    %get3A_82 = arith.constant 2 : index
    %get3A_83 = arith.constant 0 : index
    %get3A_84 = arith.constant 0 : index
    %get3A_85 = vector.load %arg2[%get3A_82, %get3A_83, %get3A_84] : memref<8x1000x128xf32, #tpu.memory_space<vmem>>, vector<1x1000x128xf32>
    %get3A_86 = vector.shape_cast %get3A_85 : vector<1x1000x128xf32> to vector<1000x128xf32>
    %slice3A_87 = vector.extract_strided_slice %div3A_14 {offsets = [2, 0], sizes = [1, 1000], strides = [1, 1]} : vector<8x1000xf32> to vector<1x1000xf32>
    %squeeze3A_88 = vector.shape_cast %slice3A_87 : vector<1x1000xf32> to vector<1000xf32>
    %broadcast_in_dim3A_89 = vector.shape_cast %squeeze3A_88 : vector<1000xf32> to vector<1000x1xf32>
    %mul3A_90 = vector.broadcast %broadcast_in_dim3A_89 : vector<1000x1xf32> to vector<1000x128xf32>
    %mul3A_91 = arith.mulf %get3A_86, %mul3A_90 : vector<1000x128xf32>
    %get3A_92 = arith.constant 2 : index
    %get3A_93 = arith.constant 0 : index
    %get3A_94 = memref.load %arg5[%get3A_92, %get3A_93] : memref<8x4xf32, #tpu.memory_space<smem>>
    %mul3A_95 = vector.broadcast %get3A_94 : f32 to vector<1000x128xf32>
    %mul3A_96 = arith.mulf %mul3A_95, %mul3A_91 : vector<1000x128xf32>
    %add3A_97 = arith.addf %add3A_63, %mul3A_96 : vector<1000x128xf32>
    %get3A_98 = arith.constant 2 : index
    %get3A_99 = arith.constant 1 : index
    %get3A_100 = memref.load %arg5[%get3A_98, %get3A_99] : memref<8x4xf32, #tpu.memory_space<smem>>
    %mul3A_101 = vector.broadcast %get3A_100 : f32 to vector<1000x128xf32>
    %mul3A_102 = arith.mulf %mul3A_101, %mul3A_91 : vector<1000x128xf32>
    %add3A_103 = arith.addf %add3A_69, %mul3A_102 : vector<1000x128xf32>
    %get3A_104 = arith.constant 2 : index
    %get3A_105 = arith.constant 2 : index
    %get3A_106 = memref.load %arg5[%get3A_104, %get3A_105] : memref<8x4xf32, #tpu.memory_space<smem>>
    %mul3A_107 = vector.broadcast %get3A_106 : f32 to vector<1000x128xf32>
    %mul3A_108 = arith.mulf %mul3A_107, %mul3A_91 : vector<1000x128xf32>
    %add3A_109 = arith.addf %add3A_75, %mul3A_108 : vector<1000x128xf32>
    %get3A_110 = arith.constant 2 : index
    %get3A_111 = arith.constant 3 : index
    %get3A_112 = memref.load %arg5[%get3A_110, %get3A_111] : memref<8x4xf32, #tpu.memory_space<smem>>
    %mul3A_113 = vector.broadcast %get3A_112 : f32 to vector<1000x128xf32>
    %mul3A_114 = arith.mulf %mul3A_113, %mul3A_91 : vector<1000x128xf32>
    %add3A_115 = arith.addf %add3A_81, %mul3A_114 : vector<1000x128xf32>
    %get3A_116 = arith.constant 3 : index
    %get3A_117 = arith.constant 0 : index
    %get3A_118 = arith.constant 0 : index
    %get3A_119 = vector.load %arg2[%get3A_116, %get3A_117, %get3A_118] : memref<8x1000x128xf32, #tpu.memory_space<vmem>>, vector<1x1000x128xf32>
    %get3A_120 = vector.shape_cast %get3A_119 : vector<1x1000x128xf32> to vector<1000x128xf32>
    %slice3A_121 = vector.extract_strided_slice %div3A_14 {offsets = [3, 0], sizes = [1, 1000], strides = [1, 1]} : vector<8x1000xf32> to vector<1x1000xf32>
    %squeeze3A_122 = vector.shape_cast %slice3A_121 : vector<1x1000xf32> to vector<1000xf32>
    %broadcast_in_dim3A_123 = vector.shape_cast %squeeze3A_122 : vector<1000xf32> to vector<1000x1xf32>
    %mul3A_124 = vector.broadcast %broadcast_in_dim3A_123 : vector<1000x1xf32> to vector<1000x128xf32>
    %mul3A_125 = arith.mulf %get3A_120, %mul3A_124 : vector<1000x128xf32>
    %get3A_126 = arith.constant 3 : index
    %get3A_127 = arith.constant 0 : index
    %get3A_128 = memref.load %arg5[%get3A_126, %get3A_127] : memref<8x4xf32, #tpu.memory_space<smem>>
    %mul3A_129 = vector.broadcast %get3A_128 : f32 to vector<1000x128xf32>
    %mul3A_130 = arith.mulf %mul3A_129, %mul3A_125 : vector<1000x128xf32>
    %add3A_131 = arith.addf %add3A_97, %mul3A_130 : vector<1000x128xf32>
    %get3A_132 = arith.constant 3 : index
    %get3A_133 = arith.constant 1 : index
    %get3A_134 = memref.load %arg5[%get3A_132, %get3A_133] : memref<8x4xf32, #tpu.memory_space<smem>>
    %mul3A_135 = vector.broadcast %get3A_134 : f32 to vector<1000x128xf32>
    %mul3A_136 = arith.mulf %mul3A_135, %mul3A_125 : vector<1000x128xf32>
    %add3A_137 = arith.addf %add3A_103, %mul3A_136 : vector<1000x128xf32>
    %get3A_138 = arith.constant 3 : index
    %get3A_139 = arith.constant 2 : index
    %get3A_140 = memref.load %arg5[%get3A_138, %get3A_139] : memref<8x4xf32, #tpu.memory_space<smem>>
    %mul3A_141 = vector.broadcast %get3A_140 : f32 to vector<1000x128xf32>
    %mul3A_142 = arith.mulf %mul3A_141, %mul3A_125 : vector<1000x128xf32>
    %add3A_143 = arith.addf %add3A_109, %mul3A_142 : vector<1000x128xf32>
    %get3A_144 = arith.constant 3 : index
    %get3A_145 = arith.constant 3 : index
    %get3A_146 = memref.load %arg5[%get3A_144, %get3A_145] : memref<8x4xf32, #tpu.memory_space<smem>>
    %mul3A_147 = vector.broadcast %get3A_146 : f32 to vector<1000x128xf32>
    %mul3A_148 = arith.mulf %mul3A_147, %mul3A_125 : vector<1000x128xf32>
    %add3A_149 = arith.addf %add3A_115, %mul3A_148 : vector<1000x128xf32>
    %get3A_150 = arith.constant 4 : index
    %get3A_151 = arith.constant 0 : index
    %get3A_152 = arith.constant 0 : index
    %get3A_153 = vector.load %arg2[%get3A_150, %get3A_151, %get3A_152] : memref<8x1000x128xf32, #tpu.memory_space<vmem>>, vector<1x1000x128xf32>
    %get3A_154 = vector.shape_cast %get3A_153 : vector<1x1000x128xf32> to vector<1000x128xf32>
    %slice3A_155 = vector.extract_strided_slice %div3A_14 {offsets = [4, 0], sizes = [1, 1000], strides = [1, 1]} : vector<8x1000xf32> to vector<1x1000xf32>
    %squeeze3A_156 = vector.shape_cast %slice3A_155 : vector<1x1000xf32> to vector<1000xf32>
    %broadcast_in_dim3A_157 = vector.shape_cast %squeeze3A_156 : vector<1000xf32> to vector<1000x1xf32>
    %mul3A_158 = vector.broadcast %broadcast_in_dim3A_157 : vector<1000x1xf32> to vector<1000x128xf32>
    %mul3A_159 = arith.mulf %get3A_154, %mul3A_158 : vector<1000x128xf32>
    %get3A_160 = arith.constant 4 : index
    %get3A_161 = arith.constant 0 : index
    %get3A_162 = memref.load %arg5[%get3A_160, %get3A_161] : memref<8x4xf32, #tpu.memory_space<smem>>
    %mul3A_163 = vector.broadcast %get3A_162 : f32 to vector<1000x128xf32>
    %mul3A_164 = arith.mulf %mul3A_163, %mul3A_159 : vector<1000x128xf32>
    %add3A_165 = arith.addf %add3A_131, %mul3A_164 : vector<1000x128xf32>
    %get3A_166 = arith.constant 4 : index
    %get3A_167 = arith.constant 1 : index
    %get3A_168 = memref.load %arg5[%get3A_166, %get3A_167] : memref<8x4xf32, #tpu.memory_space<smem>>
    %mul3A_169 = vector.broadcast %get3A_168 : f32 to vector<1000x128xf32>
    %mul3A_170 = arith.mulf %mul3A_169, %mul3A_159 : vector<1000x128xf32>
    %add3A_171 = arith.addf %add3A_137, %mul3A_170 : vector<1000x128xf32>
    %get3A_172 = arith.constant 4 : index
    %get3A_173 = arith.constant 2 : index
    %get3A_174 = memref.load %arg5[%get3A_172, %get3A_173] : memref<8x4xf32, #tpu.memory_space<smem>>
    %mul3A_175 = vector.broadcast %get3A_174 : f32 to vector<1000x128xf32>
    %mul3A_176 = arith.mulf %mul3A_175, %mul3A_159 : vector<1000x128xf32>
    %add3A_177 = arith.addf %add3A_143, %mul3A_176 : vector<1000x128xf32>
    %get3A_178 = arith.constant 4 : index
    %get3A_179 = arith.constant 3 : index
    %get3A_180 = memref.load %arg5[%get3A_178, %get3A_179] : memref<8x4xf32, #tpu.memory_space<smem>>
    %mul3A_181 = vector.broadcast %get3A_180 : f32 to vector<1000x128xf32>
    %mul3A_182 = arith.mulf %mul3A_181, %mul3A_159 : vector<1000x128xf32>
    %add3A_183 = arith.addf %add3A_149, %mul3A_182 : vector<1000x128xf32>
    %get3A_184 = arith.constant 5 : index
    %get3A_185 = arith.constant 0 : index
    %get3A_186 = arith.constant 0 : index
    %get3A_187 = vector.load %arg2[%get3A_184, %get3A_185, %get3A_186] : memref<8x1000x128xf32, #tpu.memory_space<vmem>>, vector<1x1000x128xf32>
    %get3A_188 = vector.shape_cast %get3A_187 : vector<1x1000x128xf32> to vector<1000x128xf32>
    %slice3A_189 = vector.extract_strided_slice %div3A_14 {offsets = [5, 0], sizes = [1, 1000], strides = [1, 1]} : vector<8x1000xf32> to vector<1x1000xf32>
    %squeeze3A_190 = vector.shape_cast %slice3A_189 : vector<1x1000xf32> to vector<1000xf32>
    %broadcast_in_dim3A_191 = vector.shape_cast %squeeze3A_190 : vector<1000xf32> to vector<1000x1xf32>
    %mul3A_192 = vector.broadcast %broadcast_in_dim3A_191 : vector<1000x1xf32> to vector<1000x128xf32>
    %mul3A_193 = arith.mulf %get3A_188, %mul3A_192 : vector<1000x128xf32>
    %get3A_194 = arith.constant 5 : index
    %get3A_195 = arith.constant 0 : index
    %get3A_196 = memref.load %arg5[%get3A_194, %get3A_195] : memref<8x4xf32, #tpu.memory_space<smem>>
    %mul3A_197 = vector.broadcast %get3A_196 : f32 to vector<1000x128xf32>
    %mul3A_198 = arith.mulf %mul3A_197, %mul3A_193 : vector<1000x128xf32>
    %add3A_199 = arith.addf %add3A_165, %mul3A_198 : vector<1000x128xf32>
    %get3A_200 = arith.constant 5 : index
    %get3A_201 = arith.constant 1 : index
    %get3A_202 = memref.load %arg5[%get3A_200, %get3A_201] : memref<8x4xf32, #tpu.memory_space<smem>>
    %mul3A_203 = vector.broadcast %get3A_202 : f32 to vector<1000x128xf32>
    %mul3A_204 = arith.mulf %mul3A_203, %mul3A_193 : vector<1000x128xf32>
    %add3A_205 = arith.addf %add3A_171, %mul3A_204 : vector<1000x128xf32>
    %get3A_206 = arith.constant 5 : index
    %get3A_207 = arith.constant 2 : index
    %get3A_208 = memref.load %arg5[%get3A_206, %get3A_207] : memref<8x4xf32, #tpu.memory_space<smem>>
    %mul3A_209 = vector.broadcast %get3A_208 : f32 to vector<1000x128xf32>
    %mul3A_210 = arith.mulf %mul3A_209, %mul3A_193 : vector<1000x128xf32>
    %add3A_211 = arith.addf %add3A_177, %mul3A_210 : vector<1000x128xf32>
    %get3A_212 = arith.constant 5 : index
    %get3A_213 = arith.constant 3 : index
    %get3A_214 = memref.load %arg5[%get3A_212, %get3A_213] : memref<8x4xf32, #tpu.memory_space<smem>>
    %mul3A_215 = vector.broadcast %get3A_214 : f32 to vector<1000x128xf32>
    %mul3A_216 = arith.mulf %mul3A_215, %mul3A_193 : vector<1000x128xf32>
    %add3A_217 = arith.addf %add3A_183, %mul3A_216 : vector<1000x128xf32>
    %get3A_218 = arith.constant 6 : index
    %get3A_219 = arith.constant 0 : index
    %get3A_220 = arith.constant 0 : index
    %get3A_221 = vector.load %arg2[%get3A_218, %get3A_219, %get3A_220] : memref<8x1000x128xf32, #tpu.memory_space<vmem>>, vector<1x1000x128xf32>
    %get3A_222 = vector.shape_cast %get3A_221 : vector<1x1000x128xf32> to vector<1000x128xf32>
    %slice3A_223 = vector.extract_strided_slice %div3A_14 {offsets = [6, 0], sizes = [1, 1000], strides = [1, 1]} : vector<8x1000xf32> to vector<1x1000xf32>
    %squeeze3A_224 = vector.shape_cast %slice3A_223 : vector<1x1000xf32> to vector<1000xf32>
    %broadcast_in_dim3A_225 = vector.shape_cast %squeeze3A_224 : vector<1000xf32> to vector<1000x1xf32>
    %mul3A_226 = vector.broadcast %broadcast_in_dim3A_225 : vector<1000x1xf32> to vector<1000x128xf32>
    %mul3A_227 = arith.mulf %get3A_222, %mul3A_226 : vector<1000x128xf32>
    %get3A_228 = arith.constant 6 : index
    %get3A_229 = arith.constant 0 : index
    %get3A_230 = memref.load %arg5[%get3A_228, %get3A_229] : memref<8x4xf32, #tpu.memory_space<smem>>
    %mul3A_231 = vector.broadcast %get3A_230 : f32 to vector<1000x128xf32>
    %mul3A_232 = arith.mulf %mul3A_231, %mul3A_227 : vector<1000x128xf32>
    %add3A_233 = arith.addf %add3A_199, %mul3A_232 : vector<1000x128xf32>
    %get3A_234 = arith.constant 6 : index
    %get3A_235 = arith.constant 1 : index
    %get3A_236 = memref.load %arg5[%get3A_234, %get3A_235] : memref<8x4xf32, #tpu.memory_space<smem>>
    %mul3A_237 = vector.broadcast %get3A_236 : f32 to vector<1000x128xf32>
    %mul3A_238 = arith.mulf %mul3A_237, %mul3A_227 : vector<1000x128xf32>
    %add3A_239 = arith.addf %add3A_205, %mul3A_238 : vector<1000x128xf32>
    %get3A_240 = arith.constant 6 : index
    %get3A_241 = arith.constant 2 : index
    %get3A_242 = memref.load %arg5[%get3A_240, %get3A_241] : memref<8x4xf32, #tpu.memory_space<smem>>
    %mul3A_243 = vector.broadcast %get3A_242 : f32 to vector<1000x128xf32>
    %mul3A_244 = arith.mulf %mul3A_243, %mul3A_227 : vector<1000x128xf32>
    %add3A_245 = arith.addf %add3A_211, %mul3A_244 : vector<1000x128xf32>
    %get3A_246 = arith.constant 6 : index
    %get3A_247 = arith.constant 3 : index
    %get3A_248 = memref.load %arg5[%get3A_246, %get3A_247] : memref<8x4xf32, #tpu.memory_space<smem>>
    %mul3A_249 = vector.broadcast %get3A_248 : f32 to vector<1000x128xf32>
    %mul3A_250 = arith.mulf %mul3A_249, %mul3A_227 : vector<1000x128xf32>
    %add3A_251 = arith.addf %add3A_217, %mul3A_250 : vector<1000x128xf32>
    %get3A_252 = arith.constant 7 : index
    %get3A_253 = arith.constant 0 : index
    %get3A_254 = arith.constant 0 : index
    %get3A_255 = vector.load %arg2[%get3A_252, %get3A_253, %get3A_254] : memref<8x1000x128xf32, #tpu.memory_space<vmem>>, vector<1x1000x128xf32>
    %get3A_256 = vector.shape_cast %get3A_255 : vector<1x1000x128xf32> to vector<1000x128xf32>
    %slice3A_257 = vector.extract_strided_slice %div3A_14 {offsets = [7, 0], sizes = [1, 1000], strides = [1, 1]} : vector<8x1000xf32> to vector<1x1000xf32>
    %squeeze3A_258 = vector.shape_cast %slice3A_257 : vector<1x1000xf32> to vector<1000xf32>
    %broadcast_in_dim3A_259 = vector.shape_cast %squeeze3A_258 : vector<1000xf32> to vector<1000x1xf32>
    %mul3A_260 = vector.broadcast %broadcast_in_dim3A_259 : vector<1000x1xf32> to vector<1000x128xf32>
    %mul3A_261 = arith.mulf %get3A_256, %mul3A_260 : vector<1000x128xf32>
    %get3A_262 = arith.constant 7 : index
    %get3A_263 = arith.constant 0 : index
    %get3A_264 = memref.load %arg5[%get3A_262, %get3A_263] : memref<8x4xf32, #tpu.memory_space<smem>>
    %mul3A_265 = vector.broadcast %get3A_264 : f32 to vector<1000x128xf32>
    %mul3A_266 = arith.mulf %mul3A_265, %mul3A_261 : vector<1000x128xf32>
    %add3A_267 = arith.addf %add3A_233, %mul3A_266 : vector<1000x128xf32>
    %get3A_268 = arith.constant 7 : index
    %get3A_269 = arith.constant 1 : index
    %get3A_270 = memref.load %arg5[%get3A_268, %get3A_269] : memref<8x4xf32, #tpu.memory_space<smem>>
    %mul3A_271 = vector.broadcast %get3A_270 : f32 to vector<1000x128xf32>
    %mul3A_272 = arith.mulf %mul3A_271, %mul3A_261 : vector<1000x128xf32>
    %add3A_273 = arith.addf %add3A_239, %mul3A_272 : vector<1000x128xf32>
    %get3A_274 = arith.constant 7 : index
    %get3A_275 = arith.constant 2 : index
    %get3A_276 = memref.load %arg5[%get3A_274, %get3A_275] : memref<8x4xf32, #tpu.memory_space<smem>>
    %mul3A_277 = vector.broadcast %get3A_276 : f32 to vector<1000x128xf32>
    %mul3A_278 = arith.mulf %mul3A_277, %mul3A_261 : vector<1000x128xf32>
    %add3A_279 = arith.addf %add3A_245, %mul3A_278 : vector<1000x128xf32>
    %get3A_280 = arith.constant 7 : index
    %get3A_281 = arith.constant 3 : index
    %get3A_282 = memref.load %arg5[%get3A_280, %get3A_281] : memref<8x4xf32, #tpu.memory_space<smem>>
    %mul3A_283 = vector.broadcast %get3A_282 : f32 to vector<1000x128xf32>
    %mul3A_284 = arith.mulf %mul3A_283, %mul3A_261 : vector<1000x128xf32>
    %add3A_285 = arith.addf %add3A_251, %mul3A_284 : vector<1000x128xf32>
    %get3A_286 = arith.constant 0 : index
    %get3A_287 = arith.constant 0 : index
    %get3A_288 = arith.constant 0 : index
    %get3A_289 = vector.load %arg4[%get3A_286, %get3A_287, %get3A_288] : memref<4x128x128xf32, #tpu.memory_space<vmem>>, vector<1x128x128xf32>
    %get3A_290 = vector.shape_cast %get3A_289 : vector<1x128x128xf32> to vector<128x128xf32>
    %dot_general3A_291 = arith.constant dense<0.000000e+00> : vector<1000x128xf32>
    %dot_general3A_292 = tpu.matmul %add3A_267, %get3A_290, %dot_general3A_291 {dimension_numbers = #tpu.dot_dimension_numbers<[1], [0], [0], [1], [0, 0, 1, 1], [], []>, transpose_lhs_hint = false} : vector<1000x128xf32>, vector<128x128xf32>, vector<1000x128xf32> -> vector<1000x128xf32>
    %add3A_293 = arith.addf %dot_general3A_21, %dot_general3A_292 : vector<1000x128xf32>
    %get3A_294 = arith.constant 1 : index
    %get3A_295 = arith.constant 0 : index
    %get3A_296 = arith.constant 0 : index
    %get3A_297 = vector.load %arg4[%get3A_294, %get3A_295, %get3A_296] : memref<4x128x128xf32, #tpu.memory_space<vmem>>, vector<1x128x128xf32>
    %get3A_298 = vector.shape_cast %get3A_297 : vector<1x128x128xf32> to vector<128x128xf32>
    %dot_general3A_299 = arith.constant dense<0.000000e+00> : vector<1000x128xf32>
    %dot_general3A_300 = tpu.matmul %add3A_273, %get3A_298, %dot_general3A_299 {dimension_numbers = #tpu.dot_dimension_numbers<[1], [0], [0], [1], [0, 0, 1, 1], [], []>, transpose_lhs_hint = false} : vector<1000x128xf32>, vector<128x128xf32>, vector<1000x128xf32> -> vector<1000x128xf32>
    %add3A_301 = arith.addf %add3A_293, %dot_general3A_300 : vector<1000x128xf32>
    %get3A_302 = arith.constant 2 : index
    %get3A_303 = arith.constant 0 : index
    %get3A_304 = arith.constant 0 : index
    %get3A_305 = vector.load %arg4[%get3A_302, %get3A_303, %get3A_304] : memref<4x128x128xf32, #tpu.memory_space<vmem>>, vector<1x128x128xf32>
    %get3A_306 = vector.shape_cast %get3A_305 : vector<1x128x128xf32> to vector<128x128xf32>
    %dot_general3A_307 = arith.constant dense<0.000000e+00> : vector<1000x128xf32>
    %dot_general3A_308 = tpu.matmul %add3A_279, %get3A_306, %dot_general3A_307 {dimension_numbers = #tpu.dot_dimension_numbers<[1], [0], [0], [1], [0, 0, 1, 1], [], []>, transpose_lhs_hint = false} : vector<1000x128xf32>, vector<128x128xf32>, vector<1000x128xf32> -> vector<1000x128xf32>
    %add3A_309 = arith.addf %add3A_301, %dot_general3A_308 : vector<1000x128xf32>
    %get3A_310 = arith.constant 3 : index
    %get3A_311 = arith.constant 0 : index
    %get3A_312 = arith.constant 0 : index
    %get3A_313 = vector.load %arg4[%get3A_310, %get3A_311, %get3A_312] : memref<4x128x128xf32, #tpu.memory_space<vmem>>, vector<1x128x128xf32>
    %get3A_314 = vector.shape_cast %get3A_313 : vector<1x128x128xf32> to vector<128x128xf32>
    %dot_general3A_315 = arith.constant dense<0.000000e+00> : vector<1000x128xf32>
    %dot_general3A_316 = tpu.matmul %add3A_285, %get3A_314, %dot_general3A_315 {dimension_numbers = #tpu.dot_dimension_numbers<[1], [0], [0], [1], [0, 0, 1, 1], [], []>, transpose_lhs_hint = false} : vector<1000x128xf32>, vector<128x128xf32>, vector<1000x128xf32> -> vector<1000x128xf32>
    %add3A_317 = arith.addf %add3A_309, %dot_general3A_316 : vector<1000x128xf32>
    %get3A_318 = arith.constant 0 : index
    %get3A_319 = arith.constant 0 : index
    %get3A_320 = vector.load %arg7[%get3A_318, %get3A_319] : memref<1x128xf32, #tpu.memory_space<vmem>>, vector<1x128xf32>
    %add3A_321 = vector.broadcast %get3A_320 : vector<1x128xf32> to vector<1000x128xf32>
    %add3A_322 = arith.addf %add3A_317, %add3A_321 : vector<1000x128xf32>
    %swap3A = arith.constant 0 : index
    %swap3A_323 = arith.constant 0 : index
    %swap3A_324 = vector.load %arg8[%swap3A, %swap3A_323] : memref<1000x128xf32, #tpu.memory_space<vmem>>, vector<1000x128xf32>
    tpu.vector_store %arg8[%swap3A, %swap3A_323], %add3A_322 {strides = array<i32>} : memref<1000x128xf32, #tpu.memory_space<vmem>>, vector<1000x128xf32>,
    return
  }
  func.func @transform_0(%arg0: i32) -> (i32, i32) {
    %c0_i32 = arith.constant 0 : i32
    %c0_i32_0 = arith.constant 0 : i32
    return %arg0, %c0_i32 : i32, i32
  }
  func.func @transform_1(%arg0: i32) -> (i32, i32, i32) {
    %c0_i32 = arith.constant 0 : i32
    %c0_i32_0 = arith.constant 0 : i32
    %c0_i32_1 = arith.constant 0 : i32
    return %c0_i32, %arg0, %c0_i32_0 : i32, i32, i32
  }
  func.func @transform_2(%arg0: i32) -> (i32, i32, i32, i32) {
    %c0_i32 = arith.constant 0 : i32
    %c0_i32_0 = arith.constant 0 : i32
    %c0_i32_1 = arith.constant 0 : i32
    %c0_i32_2 = arith.constant 0 : i32
    return %c0_i32, %c0_i32_0, %arg0, %c0_i32_1 : i32, i32, i32, i32
  }
  func.func @transform_3(%arg0: i32) -> (i32, i32, i32) {
    %c0_i32 = arith.constant 0 : i32
    %c0_i32_0 = arith.constant 0 : i32
    %c0_i32_1 = arith.constant 0 : i32
    %c0_i32_2 = arith.constant 0 : i32
    return %c0_i32, %c0_i32_0, %c0_i32_1 : i32, i32, i32
  }
  func.func @transform_4(%arg0: i32) -> (i32, i32) {
    %c0_i32 = arith.constant 0 : i32
    %c0_i32_0 = arith.constant 0 : i32
    %c0_i32_1 = arith.constant 0 : i32
    return %c0_i32, %c0_i32_0 : i32, i32
  }
  func.func @transform_5(%arg0: i32) -> (i32, i32) {
    %c0_i32 = arith.constant 0 : i32
    %c0_i32_0 = arith.constant 0 : i32
    %c0_i32_1 = arith.constant 0 : i32
    return %c0_i32, %c0_i32_0 : i32, i32
  }
  func.func @transform_6(%arg0: i32) -> (i32, i32) {
    %c0_i32 = arith.constant 0 : i32
    %c0_i32_0 = arith.constant 0 : i32
    %c0_i32_1 = arith.constant 0 : i32
    return %c0_i32, %c0_i32_0 : i32, i32
  }
  func.func @transform_7(%arg0: i32) -> (i32, i32) {
    %c0_i32 = arith.constant 0 : i32
    %c0_i32_0 = arith.constant 0 : i32
    return %arg0, %c0_i32 : i32, i32
  }
}

</mosaic_0001>

<sc_bundles>
// kernel: kernel.4.cloned.1.call-start
scs
__scs_entry_jumppad:
0x0: {  	(pc) =	sbr.rel $0x88, $3  }
0x1: {  	(tag) =	ssettag $0x0;
	lr =	simm.s32 $0x1  }
0x2: {  	[smem:$0x3F9A] =	sst lr;
	_ =	strace $0xD0000000  }
0x3: {  	_ = 	snop  }
0x4: {  	_ = 	snop  }
0x5: {  	_ = 	snop  }
0x6: {  	_ = 	snop  }
0x7: {  	_ = 	snop  }
__scs_overlays_trampoline_lowered:
0x8: {  	[smem:$0x3FA9] =	sst s0  }
0x9: {  	[smem:$0x3FAA] =	sst s1  }
0xa: {  	[smem:$0x3FAB] =	sst s2  }
0xb: {  	[smem:$0x3FAC] =	sst s3  }
0xc: {  	[smem:$0x3FAD] =	sst s4  }
0xd: {  	[smem:$0x3FAE] =	sst s5  }
0xe: {  	[smem:$0x3FAF] =	sst s6  }
0xf: {  	[smem:$0x3FB0] =	sst s7  }
0x10: {  	[smem:$0x3FB1] =	sst s8  }
0x11: {  	[smem:$0x3FB2] =	sst s9;
	s0 =	simm.s32 @!p0 $0x0  }
0x12: {  	s1 =	sld [smem:$0x3F98];
	s0 =	simm.s32 @p0 $0x1  }
0x13: {  	[smem:$0x3FB3] =	sst s0;
	s0 =	simm.s32 @!p1 $0x0  }
0x14: {  	s2 =	sld [smem:$0x3F97];
	s0 =	simm.s32 @p1 $0x1  }
0x15: {  	[smem:$0x3FB4] =	sst s0;
	s0 =	simm.s32 @!p2 $0x0  }
0x16: {  	s3 =	sld [smem:$0x3FDB];
	s0 =	simm.s32 @p2 $0x1  }
0x17: {  	s4 =	simm.s32 $0x1BF5;
	[smem:$0x3FB6] =	sst s0  }
0x18: {  	s0 =	sld [smem:$0x3F99];
	_ =	swait.ge [sflag:s4], $0x0  }
0x19: {  	s7 =	sld [smem:$0x3F9A]  }
0x1a: {  	s8 =	sadd.s32 $0xFFFFE003, lr  }
0x1b: {  	s9 =	sadd.s32 $0xFFFFFEF7, lr;
	s5 =	simm.s32 $0xFFFFFFFF;
	p2 =	slt.u32 s8, $0xFFFFF086  }
0x1c: {  	p1 =	slt.u32 s9, $0xF7A;
	s5 =	simm.s32 @!p2 $0x0  }
0x1d: {  	s5 =	simm.s32 @p1 $0x1;
	p0 =	seq.s32 s7, s2  }
0x1e: {  	s7 =	smul.u32 @!p0 $0xF7A, s2;
	p2 =	seq.s32 @!p0 s5, $0x0  }
0x1f: {  	s9 =	smul.u32 $0xF7A, s1;
	s8 =	simm.s32 @!p0 $0x1BF5;
	p2 =	por !p2, p0  }
0x20: {  	[sflag:s8] =	ssyncset.s32 @!p0 $0xFFFFF086;
	s6 =	sadd.s32 @!p0 s3, s7;
	s7 =	simm.s32 @!p0 $0x108  }
0x21: {  	s3 =	sadd.s32 s3, s9;
	s6 =	sadd.s32 @!p0 $0x88, s6;
	s7 =	simm.s32 @p2 $0x1082  }
0x22: {  	[simem:s7], [sflag:s8] =	dma.local @!p0 [hbm:s6], $0xF7A  }
0x23: {  	s9 =	sor.u32 $0xD0000000, s2;
	s6 =	simm.s32 $0x108;
	_ =	swait.ge @!p0 [sflag:s8], $0x0  }
0x24: {  	s3 =	sadd.s32 $0x88, s3;
	s6 =	simm.s32 @!p1 $0x1082;
	[sflag:s4] =	ssyncset.s32 $0xFFFFF086  }
0x25: {  	[simem:s6], [sflag:s4] =	dma.local [hbm:s3], $0xF7A  }
0x26: {  	[smem:$0x3F9A] =	sst s1;
	(tag) =	ssettag s2;
	_ =	strace s9  }
0x27: {  	s1 =	sld [smem:$0x3FAA]  }
0x28: {  	s2 =	sld [smem:$0x3FAB]  }
0x29: {  	s4 =	sld [smem:$0x3FAD]  }
0x2a: {  	p0 =	seq.s32 s5, $0x0;
	s5 =	sld [smem:$0x3FAE]  }
0x2b: {  	s6 =	sld [smem:$0x3FAF]  }
0x2c: {  	s7 =	sld [smem:$0x3FB0]  }
0x2d: {  	s3 =	simm.s32 $0x108;
	s8 =	sld [smem:$0x3FB1]  }
0x2e: {  	s3 =	simm.s32 @!p0 $0x1082;
	s9 =	sld [smem:$0x3FB2]  }
0x2f: {  	lr =	sadd.s32 s0, s3;
	s0 =	sld [smem:$0x3FA9]  }
0x30: {  	s3 =	sld [smem:$0x3FAC]  }
0x31: {  	[smem:$0x3FB5] =	sst s10  }
0x32: {  	s10 =	sld [smem:$0x3FB3];
	_ =	sdelay $0x3  }
0x33: {  	p0 =	seq.s32 s10, $0x1;
	s10 =	sld [smem:$0x3FB5];
	_ =	sdelay $0x3  }
0x34: {  	[smem:$0x3FB5] =	sst s10  }
0x35: {  	s10 =	sld [smem:$0x3FB4];
	_ =	sdelay $0x3  }
0x36: {  	p1 =	seq.s32 s10, $0x1;
	s10 =	sld [smem:$0x3FB5];
	_ =	sdelay $0x3  }
0x37: {  	[smem:$0x3FB5] =	sst s10  }
0x38: {  	s10 =	sld [smem:$0x3FB6]  }
0x39: {  	_ = 	snop;
	(pc) =	sbr.ind lr, $3  }
0x3a: {  	_ = 	snop  }
0x3b: {  	_ = 	snop  }
0x3c: {  	p2 =	seq.s32 s10, $0x1;
	s10 =	sld [smem:$0x3FB5]  }
0x3d: {  	_ =	shalt  }
0x3e: {  	_ =	shalt  }
0x3f: {  	_ =	shalt  }
0x40: {  	_ =	shalt  }
0x41: {  	_ =	shalt  }
0x42: {  	_ =	shalt  }
0x43: {  	_ =	shalt  }
0x44: {  	_ =	shalt  }
0x45: {  	_ =	shalt  }
0x46: {  	_ =	shalt  }
0x47: {  	_ =	shalt  }
0x48: {  	_ =	shalt  }
0x49: {  	_ =	shalt  }
0x4a: {  	_ =	shalt  }
0x4b: {  	_ =	shalt  }
0x4c: {  	_ =	shalt  }
0x4d: {  	_ =	shalt  }
0x4e: {  	_ =	shalt  }
0x4f: {  	_ =	shalt  }
0x50: {  	_ =	shalt  }
0x51: {  	_ =	shalt  }
0x52: {  	_ =	shalt  }
0x53: {  	_ =	shalt  }
0x54: {  	_ =	shalt  }
0x55: {  	_ =	shalt  }
0x56: {  	_ =	shalt  }
0x57: {  	_ =	shalt  }
0x58: {  	_ =	shalt  }
0x59: {  	_ =	shalt  }
0x5a: {  	_ =	shalt  }
0x5b: {  	_ =	shalt  }
0x5c: {  	_ =	shalt  }
0x5d: {  	_ =	shalt  }
0x5e: {  	_ =	shalt  }
0x5f: {  	_ =	shalt  }
0x60: {  	_ =	shalt  }
0x61: {  	_ =	shalt  }
0x62: {  	_ =	shalt  }
0x63: {  	_ =	shalt  }
0x64: {  	_ =	shalt  }
0x65: {  	_ =	shalt  }
0x66: {  	_ =	shalt  }
0x67: {  	_ =	shalt  }
0x68: {  	_ =	shalt  }
0x69: {  	_ =	shalt  }
0x6a: {  	_ =	shalt  }
0x6b: {  	_ =	shalt  }
0x6c: {  	_ =	shalt  }
0x6d: {  	_ =	shalt  }
0x6e: {  	_ =	shalt  }
0x6f: {  	_ =	shalt  }
0x70: {  	_ =	shalt  }
0x71: {  	_ =	shalt  }
0x72: {  	_ =	shalt  }
0x73: {  	_ =	shalt  }
0x74: {  	_ =	shalt  }
0x75: {  	_ =	shalt  }
0x76: {  	_ =	shalt  }
0x77: {  	_ =	shalt  }
0x78: {  	_ =	shalt  }
0x79: {  	_ =	shalt  }
0x7a: {  	_ =	shalt  }
0x7b: {  	_ =	shalt  }
0x7c: {  	_ =	shalt  }
0x7d: {  	_ =	shalt  }
0x7e: {  	_ =	shalt  }
0x7f: {  	_ =	shalt  }
0x80: {  	_ =	shalt  }
0x81: {  	_ =	shalt  }
0x82: {  	_ =	shalt  }
0x83: {  	_ =	shalt  }
0x84: {  	_ =	shalt  }
0x85: {  	_ =	shalt  }
0x86: {  	_ =	shalt  }
0x87: {  	_ =	shalt  }
.Lfunc_end0:
.L_simem_size_0:
called_computation_lowered:
.L_overlay_start_0:
0x88: {  	s2 =	sld [smem:$0x3FD9]  }
0x89: {  	s3 =	sld [smem:$0x3FFE];
	_ =	sdelay $0x1  }
0x8a: {  	s1 =	srdreg.scid  }
0x8b: {  	s0 =	sand.u32 $0x1, s1  }
0x8c: {  	s17 =	sshll.u32 s0, $0xA;
	s2 =	sadd.s32 s3, s2  }
0x8d: {  	s2 =	sadd.s32 s2, s17  }
0x8e: {  	[smem:$0x3FC1] =	sst s2  }
0x8f: {  	_ = 	snop  }
0x90: {  	s2 =	sld [smem:$0x3FC9]  }
0x91: {  	s18 =	sld [smem:$0x3FD0];
	(tm) =	ssettm $0x1  }
0x92: {  	s4 =	sld [smem:$0x3FFB];
	_ =	sdelay $0x3  }
0x93: {  	_ =	strace s4  }
0x94: {  	s4 =	sld [smem:$0x3FFC];
	_ =	sdelay $0x3  }
0x95: {  	_ =	strace s4  }
0x96: {  	s4 =	sld [smem:$0x3FFD];
	_ =	sdelay $0x3  }
0x97: {  	_ =	strace s4  }
0x98: {  	_ =	strace $0x8FFFFFFF  }
0x99: {  	s19 =	sld [smem:$0x3FDB];
	_ =	sdelay $0x1  }
0x9a: {  	s5 =	simm.s32 $_scs_section_size  }
0x9b: {  	s6 =	simm.s32 $_size__tile_overlayer_lowered;
	s7 =	simm.s32 $_tile_overlayer_lowered  }
0x9c: {  	s22 =	simm.s32 $0x1BFF;
	s21 =	sshll.u32 s7, $0x1;
	s4 =	sadd.s32 s5, s19  }
0x9d: {  	s8 =	simm.s32 $0x0;
	s20 =	sshll.u32 s6, $0x1;
	s6 =	sadd.s32 s21, s4  }
0x9e: {  	[timem:s8], [sflag:s22] =	dma.local [hbm:s6], s20  }
0x9f: {  	_ =	swait.ge [sflag:s22], s20  }
0xa0: {  	s5 =	ssub.s32 $0x0, s20;
	[sflag:s22] =	ssyncset.done $0x0  }
0xa1: {  	[sflag:s22] =	ssyncadd.s32 s5;
	_ =	sdelay $0x1  }
0xa2: {  	s23 =	simm.s32 $0x1B8B  }
0xa3: {  	_ =	swait.ge [sflag:s23], $0x1  }
0xa4: {  	[sflag:s23] =	ssyncset.done $0x0  }
0xa5: {  	s25 =	simm.s32 $0x1B8E;
	s24 =	sld [smem:$0x3FFE];
	[sflag:s23] =	ssyncadd.s32 $0xFFFFFFFF  }
0xa6: {  	s26 =	simm.s32 $execute0_lowered;
	[smem:$0x3FD2] =	sst s25  }
0xa7: {  	s6 =	sshll.u32 s26, $0x1;
	_ =	strace $0x80000046;
	[dreg:$0x1] =	wrdreg $0xFFFFFFFF  }
0xa8: {  	s28 =	simm.s32 $_size_execute0_lowered;
	s4 =	sadd.s32 s4, s6;
	[dreg:$0x0] =	wrdreg $0x0  }
0xa9: {  	s6 =	sshll.u32 s28, $0x1;
	[dreg:$0x2] =	wrdreg s4  }
0xaa: {  	[dreg:$0x3] =	wrdreg s6  }
0xab: {  	[dreg:$0x4] =	wrdreg $0xC0  }
0xac: {  	_ =	task [dreg:s8], $0x5FFFF  }
0xad: {  	[dreg:$0x1] =	wrdreg $0xFFFFFFFF  }
0xae: {  	[dreg:$0x0] =	wrdreg $0x60  }
0xaf: {  	[dreg:$0x2] =	wrdreg s2  }
0xb0: {  	[dreg:$0x3] =	wrdreg s18  }
0xb1: {  	[dreg:$0x4] =	wrdreg s24  }
0xb2: {  	[dreg:$0x5] =	wrdreg $0x0  }
0xb3: {  	[dreg:$0x6] =	wrdreg $0x9  }
0xb4: {  	_ =	task.clear_ibuf [dreg:s8], $0x7FFFF;
	_ =	strace $0x90000046  }
0xb5: {  	s29 =	simm.s32 $0x9;
	_ =	strace $0x80000048  }
0xb6: {  	_ =	swait.ge [sflag:s29], $0x1  }
0xb7: {  	[sflag:s29] =	ssyncadd.s32 $0xFFFFFFFF  }
0xb8: {  	_ =	strace $0x90000048  }
0xb9: {  	_ =	sfence  }
0xba: {  	s30 =	sld [smem:$0x0];
	_ =	sdelay $0x2  }
0xbb: {  	s31 =	sshll.u32 s1, $0xD;
	s1 =	sshrl.u32 s1, $0x2  }
0xbc: {  	s3 =	sand.u32 $0x4000, s31;
	s1 =	sadd.s32 s1, s30  }
0xbd: {  	s0 =	sor.u32 s3, s0;
	s1 =	sshll.u32 s1, $0x11  }
0xbe: {  	s0 =	sor.u32 s1, s0  }
0xbf: {  	s0 =	sadd.s32 $0x8F2B, s0  }
0xc0: {  	[sflag:s0] =	ssyncadd.remote.s32 $0x1  }
0xc1: {  	_ =	sfence.sel $0xFFFF  }
0xc2: {  	[dreg:$0x0] =	wrdreg $0xFFFFFFFF;
	(pc) =	sbr.abs _section_cstart, $3  }
0xc3: {  	[dreg:$0x1] =	wrdreg $0xFFFFFFFF  }
0xc4: {  	_ =	task.clear_ibuf [dreg:s8], $0x2FFFF;
	_ =	strace $0x9FFFFFFF  }
0xc5: {  	(tm) =	ssettm $0x7FFFFFFF  }
tec
execute0_lowered:
.L_overlay_start_1:
0x0: {  	(tag) =	ssettag $0x1  }
0x1: {  	s1 =	rddreg [dreg:$0x0]  }
0x2: {  	s0 =	rddreg [dreg:$0x1]  }
0x3: {  	s2 =	rddreg [dreg:$0x2];
	s12 =	stileid.u32  }
0x4: {  	s5 =	srdreg.scid;
	s3 =	rddreg [dreg:$0x3];
	s8 =	simm.s32 $0x0  }
0x5: {  	s20 =	simm.s32 $0x1F900;
	s21 =	simm.s32 $0x80;
	s22 =	simm.s32 $0x1D900  }
0x6: {  	s23 =	simm.s32 $0x1E100;
	s28 =	simm.s32 $0x2;
	s4 =	smul.u32 $0xA00, s12  }
0x7: {  	s29 =	simm.s32 $0x3;
	s30 =	simm.s32 $0x4;
	s6 =	smul.u32 $0x9C400, s12  }
0x8: {  	s31 =	simm.s32 $0x5;
	s5 =	sand.u32 $0x1, s5;
	s26 =	smul.u32 $0x13880, s12  }
0x9: {  	[smem:$0x7FF] =	sst s8;
	s18 =	smul.u32 $0x4E200, s12;
	s8 =	simm.s32 $0x18900  }
0xa: {  	s7 =	smul.u32 $0x138800, s5;
	_ =	strace $0x80000047;
	s10 =	sshll.u32 s5, $0x6  }
0xb: {  	s13 =	ssub.s32 $0x2, s5;
	s19 =	sshll.u32 s5, $0x2;
	s25 =	smul.u32 $0xA000, s5  }
0xc: {  	s9 =	sadd.s32 s4, s2;
	s6 =	sor.u32 s10, s6;
	s11 =	sshrl.u32 s13, $0x1  }
0xd: {  	s0 =	sadd.s32 s0, s4;
	s17 =	sadd.s32 s26, s3;
	s4 =	simm.s32 $0x10  }
0xe: {  	v0 =	vmov s19;
	s19 =	simm.s32 $0x0;
	s7 =	sadd.s32 s26, s7;
	s6 =	sshrl.u32 s6, $0x3  }
0xf: {  	s14 =	ssub.s32 s13, s11;
	s15 =	sadd.s32 $0xB400, s9;
	[dreg:$0x7] =	wrdreg s0  }
0x10: {  	s9 =	sadd.s32 $0x1400, s9;
	[dreg:$0x9] =	wrdreg s17;
	s0 =	sshrl.u32 s18, $0x2  }
0x11: {  	s18 =	simm.s32 $0x9;
	s17 =	simm.s32 $0x7;
	[dreg:$0x5] =	wrdreg s15  }
0x12: {  	s7 =	sshrl.u32 s7, $0x3;
	s6 =	sadd.s32 s6, s2;
	[dreg:$0x6] =	wrdreg s9  }
0x13: {  	s14 =	smax.u32 s14, $0x1;
	s15 =	sadd.s32 s0, s3;
	s0 =	simm.s32 $0x8  }
0x14: {  	s2 =	sadd.s32 s7, s2;
	s24 =	sadd.s32 $0x63600, s6;
	s26 =	sadd.s32 $0x63602, s6  }
0x15: {  	s12 =	sadd.s32 $0x63604, s6;
	s13 =	sadd.s32 $0x63606, s6;
	[dreg:$0xa] =	wrdreg s24  }
0x16: {  	s16 =	sadd.s32 $0x15400, s2;
	[dreg:$0xb] =	wrdreg s26;
	s2 =	sshrl.u32 s25, $0x2  }
0x17: {  	s24 =	simm.s32 $0x1E900;
	s25 =	simm.s32 $0x1F100;
	s26 =	simm.s32 $0x1  }
0x18: {  	v1 =	vimm.f32 $0.0e+00;
	v2 =	vimm.f32 $1.000000000e+00;
	[dreg:$0x8] =	wrdreg s16;
	s16 =	sadd.s32 $0x13900, s2;
	s2 =	simm.s32 $0x6  }
.LBB2_1:
0x19: {  	s5 =	simm.s32 $0x0;
	s6 =	rddreg [dreg:$0x5];
	s7 =	simm.s32 $0x13900  }
0x1a: {  	[tilespmem:s7], [sflag:$0x9] =	stream.linear.gather [hbm4b:s6+s5], $0x5000, $0x38;
	[tilespmem:$0x1FB80] =	vst v63  }
0x1b: {  	_ =	swait.ge [sflag:s18], $0x5000  }
0x1c: {  	[sflag:s18] =	ssyncset.done $0x0  }
0x1d: {  	s11 =	rddreg [dreg:$0x6];
	[sflag:s18] =	ssyncadd.s32 $0xFFFFB000  }
0x1e: {  	[tilespmem:s8], [sflag:$0x9] =	stream.linear.gather [hbm4b:s11+s5], $0x5000, $0x38;
	[tilespmem:$0x1FB80] =	vst v63  }
0x1f: {  	_ =	swait.ge [sflag:s18], $0x5000  }
0x20: {  	[sflag:s18] =	ssyncset.done $0x0  }
0x21: {  	s5 =	simm.s32 $0x0;
	[sflag:s18] =	ssyncadd.s32 $0xFFFFB000  }
0x22: {  	v9 =	vld [tilespmem:s5+$0x18900]  }
0x23: {  	v14 =	vld [tilespmem:s5+$0x18910]  }
0x24: {  	v8 =	vld [tilespmem:s5+$0x18920]  }
0x25: {  	v7 =	vld [tilespmem:s5+$0x18930]  }
0x26: {  	v6 =	vld [tilespmem:s5+$0x18940]  }
0x27: {  	v5 =	vld [tilespmem:s5+$0x18950]  }
0x28: {  	v4 =	vld [tilespmem:s5+$0x18960]  }
0x29: {  	v3 =	vld [tilespmem:s5+$0x18970]  }
0x2a: {  	v13 =	vld [tilespmem:s5+$0x13900]  }
0x2b: {  	v12 =	vld [tilespmem:s5+$0x13910]  }
0x2c: {  	v11 =	vld [tilespmem:s5+$0x13920]  }
0x2d: {  	v10 =	vld [tilespmem:s5+$0x13930];
	v15 =	vmul.u32 $0x2710, v9  }
0x2e: {  	s6 =	simm.s32 $0x200;
	v14 =	vmul.u32 $0x2710, v14;
	v9 =	vld [tilespmem:s5+$0x13940]  }
.LBB2_2:
0x2f: {  	p0 =	sne.s32 s6, $0x13E00;
	v13 =	vadd.s32 v13, v15;
	v8 =	vmul.u32 $0x2710, v8;
	v15 =	vld [tilespmem:s5+$0x13950]  }
0x30: {  	v7 =	vmul.u32 $0x2710, v7;
	[tilespmem:s5+$0x13900] =	vst v13;
	v12 =	vadd.s32 v12, v14;
	v13 =	vld [tilespmem:s5+$0x13960]  }
0x31: {  	s7 =	sshra.s32 s6, $0x2;
	v6 =	vmul.u32 $0x2710, v6;
	[tilespmem:s5+$0x13910] =	vst v12;
	v8 =	vadd.s32 v11, v8;
	v11 =	vld [tilespmem:s5+$0x13970]  }
0x32: {  	v5 =	vmul.u32 $0x2710, v5;
	v14 =	vld [tilespmem:s7+$0x18900];
	[tilespmem:s5+$0x13920] =	vst v8;
	v7 =	vadd.s32 v10, v7  }
0x33: {  	v4 =	vmul.u32 $0x2710, v4;
	v16 =	vld [tilespmem:s7+$0x18910];
	[tilespmem:s5+$0x13930] =	vst v7;
	v6 =	vadd.s32 v9, v6  }
0x34: {  	v3 =	vmul.u32 $0x2710, v3;
	v8 =	vld [tilespmem:s7+$0x18920];
	[tilespmem:s5+$0x13940] =	vst v6;
	v5 =	vadd.s32 v15, v5  }
0x35: {  	v7 =	vld [tilespmem:s7+$0x18930];
	[tilespmem:s5+$0x13950] =	vst v5;
	v4 =	vadd.s32 v13, v4  }
0x36: {  	v6 =	vld [tilespmem:s7+$0x18940];
	[tilespmem:s5+$0x13960] =	vst v4;
	v3 =	vadd.s32 v11, v3  }
0x37: {  	v5 =	vld [tilespmem:s7+$0x18950];
	[tilespmem:s5+$0x13970] =	vst v3;
	s5 =	smov.u32 s7  }
0x38: {  	v4 =	vld [tilespmem:s5+$0x18960]  }
0x39: {  	v3 =	vld [tilespmem:s5+$0x18970]  }
.Ltmp0:
0x3a: {  	v13 =	vld [tilespmem:s5+$0x13900];
	(pc) =	sbr.rel @p0 .LBB2_2-.Ltmp0, $4  }
0x3b: {  	v12 =	vld [tilespmem:s5+$0x13910]  }
0x3c: {  	v11 =	vld [tilespmem:s5+$0x13920]  }
0x3d: {  	v15 =	vmul.u32 $0x2710, v14;
	v10 =	vld [tilespmem:s5+$0x13930]  }
0x3e: {  	s6 =	sadd.s32 $0x200, s6;
	v14 =	vmul.u32 $0x2710, v16;
	v9 =	vld [tilespmem:s5+$0x13940]  }
0x3f: {  	v13 =	vadd.s32 v13, v15;
	v61 =	vld [tilespmem:s5+$0x13950];
	v8 =	vmul.u32 $0x2710, v8  }
0x40: {  	v62 =	vld [tilespmem:s5+$0x13960];
	v7 =	vmul.u32 $0x2710, v7;
	[tilespmem:s5+$0x13900] =	vst v13;
	v12 =	vadd.s32 v12, v14  }
0x41: {  	v6 =	vmul.u32 $0x2710, v6;
	v63 =	vld [tilespmem:s5+$0x13970];
	[tilespmem:s5+$0x13910] =	vst v12;
	v8 =	vadd.s32 v11, v8  }
0x42: {  	v5 =	vmul.u32 $0x2710, v5;
	[tilespmem:s5+$0x13920] =	vst v8;
	v7 =	vadd.s32 v10, v7  }
0x43: {  	v4 =	vmul.u32 $0x2710, v4;
	[tilespmem:s5+$0x13930] =	vst v7;
	v6 =	vadd.s32 v9, v6  }
0x44: {  	v3 =	vmul.u32 $0x2710, v3;
	[tilespmem:s5+$0x13940] =	vst v6;
	v5 =	vadd.s32 v61, v5  }
0x45: {  	v4 =	vadd.s32 v62, v4;
	[tilespmem:s5+$0x13950] =	vst v5  }
0x46: {  	v3 =	vadd.s32 v63, v3;
	[tilespmem:s5+$0x13960] =	vst v4  }
0x47: {  	s11 =	simm.s32 $0x0;
	s6 =	rddreg [dreg:$0x7];
	[tilespmem:s5+$0x13970] =	vst v3  }
0x48: {  	[tilespmem:s8], [sflag:$0x9] =	stream.linear.gather [hbm4b:s6+s11], $0x5000, $0x38;
	[tilespmem:$0x1FB80] =	vst v63  }
0x49: {  	_ =	swait.ge [sflag:s18], $0x5000  }
0x4a: {  	[sflag:s18] =	ssyncset.done $0x0  }
0x4b: {  	[sflag:s18] =	ssyncadd.s32 $0xFFFFB000  }
0x4c: {  	[tilespmem:$0x1F900] =	vst v1  }
0x4d: {  	[tilespmem:$0x1F910] =	vst v1  }
0x4e: {  	[tilespmem:$0x1F920] =	vst v1  }
0x4f: {  	[tilespmem:$0x1F930] =	vst v1  }
0x50: {  	[tilespmem:$0x1F940] =	vst v1  }
0x51: {  	[tilespmem:$0x1F950] =	vst v1  }
0x52: {  	[tilespmem:$0x1F960] =	vst v1  }
0x53: {  	[tilespmem:$0x1F970] =	vst v1  }
0x54: {  	[tilespmem:$0x1F980] =	vst v1  }
0x55: {  	[tilespmem:$0x1F990] =	vst v1  }
0x56: {  	[tilespmem:$0x1F9A0] =	vst v1  }
0x57: {  	[tilespmem:$0x1F9B0] =	vst v1  }
0x58: {  	[tilespmem:$0x1F9C0] =	vst v1  }
0x59: {  	[tilespmem:$0x1F9D0] =	vst v1  }
0x5a: {  	[tilespmem:$0x1F9E0] =	vst v1  }
0x5b: {  	[tilespmem:$0x1F9F0] =	vst v1  }
0x5c: {  	[tilespmem:$0x1FA00] =	vst v1  }
0x5d: {  	[tilespmem:$0x1FA10] =	vst v1  }
0x5e: {  	[tilespmem:$0x1FA20] =	vst v1  }
0x5f: {  	[tilespmem:$0x1FA30] =	vst v1  }
0x60: {  	[tilespmem:$0x1FA40] =	vst v1  }
0x61: {  	[tilespmem:$0x1FA50] =	vst v1  }
0x62: {  	[tilespmem:$0x1FA60] =	vst v1  }
0x63: {  	[tilespmem:$0x1FA70] =	vst v1  }
0x64: {  	[tilespmem:$0x1FA80] =	vst v1  }
0x65: {  	[tilespmem:$0x1FA90] =	vst v1  }
0x66: {  	[tilespmem:$0x1FAA0] =	vst v1  }
0x67: {  	[tilespmem:$0x1FAB0] =	vst v1  }
0x68: {  	[tilespmem:$0x1FAC0] =	vst v1  }
0x69: {  	[tilespmem:$0x1FAD0] =	vst v1  }
0x6a: {  	[tilespmem:$0x1FAE0] =	vst v1  }
0x6b: {  	[tilespmem:$0x1FAF0] =	vst v1  }
0x6c: {  	[tilespmem:$0x1FB00] =	vst v1  }
0x6d: {  	[tilespmem:$0x1FB10] =	vst v1  }
0x6e: {  	[tilespmem:$0x1FB20] =	vst v1  }
0x6f: {  	[tilespmem:$0x1FB30] =	vst v1  }
0x70: {  	[tilespmem:$0x1FB40] =	vst v1  }
0x71: {  	[tilespmem:$0x1FB50] =	vst v1  }
0x72: {  	[tilespmem:$0x1FB60] =	vst v1  }
0x73: {  	s5 =	simm.s32 $0x40;
	s6 =	simm.s32 $0x0;
	[tilespmem:$0x1FB70] =	vst v1  }
.LBB2_4:
0x74: {  	p0 =	sne.s32 s5, $0x1FC0;
	[tilespmem:s6+$0x1D900] =	vst v2;
	s6 =	smov.u32 s5;
	s5 =	sadd.s32 $0x40, s5  }
.Ltmp1:
0x75: {  	(pc) =	sbr.rel @p0 .LBB2_4-.Ltmp1, $2  }
0x76: {  	_ =	sdelay $0x2  }
0x77: {  	s6 =	sshra.s32 s6, $0x2  }
0x78: {  	[tilespmem:s6+$0x1D900] =	vst v2;
	s5 =	sadd.s32 $0x0, s15  }
0x79: {  	[spmem:s5] =	stream.linear.scatter [tilespmem:s20], [sflag:$0x9], $0x280, $0x38;
	[tilespmem:$0x1FB80] =	vst v63  }
0x7a: {  	s5 =	simm.s32 $0xA00;
	_ =	swait.ge [sflag:s18], $0x280  }
.LBB2_6:
0x7b: {  	s6 =	sshra.s32 s5, $0x2;
	[sflag:s18] =	ssyncset.done $0x0;
	p0 =	sne.s32 s5, $0x4D800  }
.Ltmp2:
0x7c: {  	s6 =	sadd.s32 s6, s15;
	[sflag:s18] =	ssyncadd.s32 $0xFFFFFD80;
	(pc) =	sbr.rel @p0 .LBB2_6-.Ltmp2, $3  }
0x7d: {  	[spmem:s6] =	stream.linear.scatter [tilespmem:s20], [sflag:$0x9], $0x280, $0x38;
	[tilespmem:$0x1FB80] =	vst v63  }
0x7e: {  	s5 =	sadd.s32 $0xA00, s5;
	_ =	sdelay $0x1  }
0x7f: {  	_ =	swait.ge [sflag:s18], $0x280  }
0x80: {  	[sflag:s18] =	ssyncset.done $0x0  }
0x81: {  	[sflag:s18] =	ssyncadd.s32 $0xFFFFFD80  }
0x82: {  	s5 =	sadd.s32 $0x0, s16;
	[bflag:$0x0] =	sbarrier.arrive $0xFFFF  }
0x83: {  	[spmem:s3] =	stream.indirect.scatter.add.f32 [tilespmem:s22], [sflag:$0x9], $0x10, s5, s21, $0xb8;
	[tilespmem:$0x1FB80] =	vst v63  }
0x84: {  	s5 =	simm.s32 $0x200;
	_ =	swait.ge [sflag:s18], $0x800  }
.LBB2_8:
0x85: {  	s6 =	sshra.s32 s5, $0x2;
	[sflag:s18] =	ssyncset.done $0x0;
	p0 =	sne.s32 s5, $0x9E00  }
.Ltmp3:
0x86: {  	s6 =	sadd.s32 s6, s16;
	[sflag:s18] =	ssyncadd.s32 $0xFFFFF800;
	(pc) =	sbr.rel @p0 .LBB2_8-.Ltmp3, $3  }
0x87: {  	[spmem:s3] =	stream.indirect.scatter.add.f32 [tilespmem:s22], [sflag:$0x9], $0x10, s6, s21, $0xb8;
	[tilespmem:$0x1FB80] =	vst v63  }
0x88: {  	s5 =	sadd.s32 $0x200, s5;
	_ =	sdelay $0x1  }
0x89: {  	_ =	swait.ge [sflag:s18], $0x800  }
0x8a: {  	[sflag:s18] =	ssyncset.done $0x0  }
0x8b: {  	[sflag:s18] =	ssyncadd.s32 $0xFFFFF800  }
0x8c: {  	s5 =	stileid.u32;
	[bflag:$0x0] =	sbarrier.arrive $0xFFFF  }
0x8d: {  	s5 =	sshll.u32 s5, $0x6;
	s6 =	rddreg [dreg:$0x9]  }
0x8e: {  	s5 =	sor.u32 $0x1C09, s5;
	s7 =	rddreg [dreg:$0x8];
	s6 =	sshrl.u32 s6, $0x3  }
0x8f: {  	[hbm:s7], [sflag:s5] =	dma.local [spmem:s6], $0x2710  }
0x90: {  	_ =	swait.ge [sflag:s18], $0x2710  }
0x91: {  	[sflag:s18] =	ssyncset.done $0x0  }
0x92: {  	s7 =	simm.s32 $0x0;
	[sflag:s18] =	ssyncadd.s32 $0xFFFFD8F0  }
0x93: {  	v4 =	vld [tilespmem:s7+$0x18900]  }
0x94: {  	v5 =	vld [tilespmem:s7+$0x18910]  }
0x95: {  	v7 =	vld [tilespmem:s7+$0x18920]  }
0x96: {  	v6 =	vld [tilespmem:s7+$0x18930]  }
0x97: {  	v3 =	vld [tilespmem:s7+$0x18940]  }
0x98: {  	v8 =	vshll.u32 v4, $0x3;
	v4 =	vld [tilespmem:s7+$0x18950]  }
0x99: {  	s8 =	simm.s32 $0x200;
	v9 =	vshll.u32 v5, $0x3;
	v5 =	vld [tilespmem:s7+$0x18960];
	v8 =	vor.u32 v0, v8  }
.LBB2_10:
0x9a: {  	s9 =	sshra.s32 s8, $0x2;
	p0 =	sne.s32 s8, $0x13E00;
	[tilespmem:s7+$0x18900] =	vst v8;
	v8 =	vor.u32 v0, v9;
	v7 =	vshll.u32 v7, $0x3;
	v9 =	vld [tilespmem:s7+$0x18970]  }
0x9b: {  	v10 =	vld [tilespmem:s9+$0x18900];
	[tilespmem:s7+$0x18910] =	vst v8;
	v7 =	vor.u32 v0, v7;
	v6 =	vshll.u32 v6, $0x3  }
0x9c: {  	v11 =	vld [tilespmem:s9+$0x18910];
	[tilespmem:s7+$0x18920] =	vst v7;
	v6 =	vor.u32 v0, v6;
	v3 =	vshll.u32 v3, $0x3  }
.Ltmp4:
0x9d: {  	v7 =	vld [tilespmem:s9+$0x18920];
	[tilespmem:s7+$0x18930] =	vst v6;
	v3 =	vor.u32 v0, v3;
	v4 =	vshll.u32 v4, $0x3;
	(pc) =	sbr.rel @p0 .LBB2_10-.Ltmp4, $4  }
0x9e: {  	v6 =	vld [tilespmem:s9+$0x18930];
	[tilespmem:s7+$0x18940] =	vst v3;
	v4 =	vor.u32 v0, v4;
	v5 =	vshll.u32 v5, $0x3  }
0x9f: {  	v3 =	vld [tilespmem:s9+$0x18940];
	[tilespmem:s7+$0x18950] =	vst v4;
	v5 =	vor.u32 v0, v5;
	v8 =	vshll.u32 v9, $0x3  }
0xa0: {  	v9 =	vshll.u32 v10, $0x3;
	v4 =	vld [tilespmem:s9+$0x18950];
	[tilespmem:s7+$0x18960] =	vst v5;
	v10 =	vor.u32 v0, v8  }
0xa1: {  	s8 =	sadd.s32 $0x200, s8;
	v8 =	vor.u32 v0, v9;
	v9 =	vshll.u32 v11, $0x3;
	v5 =	vld [tilespmem:s9+$0x18960];
	[tilespmem:s7+$0x18970] =	vst v10;
	s7 =	smov.u32 s9  }
0xa2: {  	[tilespmem:s7+$0x18900] =	vst v8;
	v60 =	vor.u32 v0, v9;
	v7 =	vshll.u32 v7, $0x3;
	v61 =	vld [tilespmem:s7+$0x18970]  }
0xa3: {  	[tilespmem:s7+$0x18910] =	vst v60;
	v7 =	vor.u32 v0, v7;
	v6 =	vshll.u32 v6, $0x3  }
0xa4: {  	[tilespmem:s7+$0x18920] =	vst v7;
	v6 =	vor.u32 v0, v6;
	v3 =	vshll.u32 v3, $0x3  }
0xa5: {  	[tilespmem:s7+$0x18930] =	vst v6;
	v3 =	vor.u32 v0, v3;
	v4 =	vshll.u32 v4, $0x3  }
0xa6: {  	[tilespmem:s7+$0x18940] =	vst v3;
	v3 =	vor.u32 v0, v4;
	v62 =	vshll.u32 v5, $0x3  }
0xa7: {  	[tilespmem:s7+$0x18950] =	vst v3;
	v3 =	vor.u32 v0, v62;
	v63 =	vshll.u32 v61, $0x3  }
0xa8: {  	[tilespmem:s7+$0x18960] =	vst v3;
	v3 =	vor.u32 v0, v63  }
0xa9: {  	s11 =	sadd.s32 $0x0, s15;
	[tilespmem:s7+$0x18970] =	vst v3  }
0xaa: {  	[spmem:s11] =	stream.linear.scatter [tilespmem:s20], [sflag:$0x9], $0x280, $0x38;
	[tilespmem:$0x1FB80] =	vst v63  }
0xab: {  	s7 =	simm.s32 $0xA00;
	_ =	swait.ge [sflag:s18], $0x280  }
.LBB2_12:
0xac: {  	s8 =	sshra.s32 s7, $0x2;
	[sflag:s18] =	ssyncset.done $0x0;
	p0 =	sne.s32 s7, $0x4D800  }
.Ltmp5:
0xad: {  	s8 =	sadd.s32 s8, s15;
	[sflag:s18] =	ssyncadd.s32 $0xFFFFFD80;
	(pc) =	sbr.rel @p0 .LBB2_12-.Ltmp5, $3  }
0xae: {  	[spmem:s8] =	stream.linear.scatter [tilespmem:s20], [sflag:$0x9], $0x280, $0x38;
	[tilespmem:$0x1FB80] =	vst v63  }
0xaf: {  	s7 =	sadd.s32 $0xA00, s7;
	_ =	sdelay $0x1  }
0xb0: {  	_ =	swait.ge [sflag:s18], $0x280  }
0xb1: {  	[sflag:s18] =	ssyncset.done $0x0  }
0xb2: {  	[sflag:s18] =	ssyncadd.s32 $0xFFFFFD80  }
0xb3: {  	s7 =	simm.s32 $0x18900;
	[bflag:$0x0] =	sbarrier.arrive $0xFFFF  }
0xb4: {  	[tilespmem:s22], [sflag:$0x1] =	stream.indirect.gather [hbm4b:s1+s21], $0x10, s7, s21, $0xb8;
	[tilespmem:$0x1FB80] =	vst v63  }
0xb5: {  	s9 =	simm.s32 $0x18980  }
0xb6: {  	[tilespmem:s23], [sflag:$0x2] =	stream.indirect.gather [hbm4b:s1+s21], $0x10, s9, s21, $0xb8;
	[tilespmem:$0x1FB80] =	vst v63  }
0xb7: {  	s10 =	simm.s32 $0x18A00  }
0xb8: {  	[tilespmem:s24], [sflag:$0x3] =	stream.indirect.gather [hbm4b:s1+s21], $0x10, s10, s21, $0xb8;
	[tilespmem:$0x1FB80] =	vst v63  }
0xb9: {  	s11 =	simm.s32 $0x18A80  }
0xba: {  	[tilespmem:s25], [sflag:$0x4] =	stream.indirect.gather [hbm4b:s1+s21], $0x10, s11, s21, $0xb8;
	[tilespmem:$0x1FB80] =	vst v63  }
0xbb: {  	_ =	swait.ge [sflag:s26], $0x800  }
0xbc: {  	[sflag:s26] =	ssyncset.done $0x0  }
0xbd: {  	s8 =	simm.s32 $0x13900;
	[sflag:s26] =	ssyncadd.s32 $0xFFFFF800  }
0xbe: {  	[spmem:s3] =	stream.indirect.scatter.add.f32 [tilespmem:s22], [sflag:$0x5], $0x10, s8, s21, $0xb8;
	[tilespmem:$0x1FB80] =	vst v63  }
0xbf: {  	_ =	swait.ge [sflag:s28], $0x800  }
0xc0: {  	[sflag:s28] =	ssyncset.done $0x0  }
0xc1: {  	s9 =	simm.s32 $0x13980;
	[sflag:s28] =	ssyncadd.s32 $0xFFFFF800  }
0xc2: {  	[spmem:s3] =	stream.indirect.scatter.add.f32 [tilespmem:s23], [sflag:$0x6], $0x10, s9, s21, $0xb8;
	[tilespmem:$0x1FB80] =	vst v63  }
0xc3: {  	_ =	swait.ge [sflag:s29], $0x800  }
0xc4: {  	[sflag:s29] =	ssyncset.done $0x0  }
0xc5: {  	s10 =	simm.s32 $0x13A00;
	[sflag:s29] =	ssyncadd.s32 $0xFFFFF800  }
0xc6: {  	[spmem:s3] =	stream.indirect.scatter.add.f32 [tilespmem:s24], [sflag:$0x7], $0x10, s10, s21, $0xb8;
	[tilespmem:$0x1FB80] =	vst v63  }
0xc7: {  	_ =	swait.ge [sflag:s30], $0x800  }
0xc8: {  	[sflag:s30] =	ssyncset.done $0x0  }
0xc9: {  	s11 =	simm.s32 $0x13A80;
	[sflag:s30] =	ssyncadd.s32 $0xFFFFF800  }
0xca: {  	[spmem:s3] =	stream.indirect.scatter.add.f32 [tilespmem:s25], [sflag:$0x8], $0x10, s11, s21, $0xb8;
	[tilespmem:$0x1FB80] =	vst v63  }
0xcb: {  	_ =	swait.ge [sflag:s31], $0x800  }
0xcc: {  	[sflag:s31] =	ssyncset.done $0x0  }
0xcd: {  	[sflag:s31] =	ssyncadd.s32 $0xFFFFF800  }
0xce: {  	_ =	swait.ge [sflag:s2], $0x800  }
0xcf: {  	[sflag:s2] =	ssyncset.done $0x0  }
0xd0: {  	[sflag:s2] =	ssyncadd.s32 $0xFFFFF800  }
0xd1: {  	_ =	swait.ge [sflag:s17], $0x800  }
0xd2: {  	[sflag:s17] =	ssyncset.done $0x0  }
0xd3: {  	[sflag:s17] =	ssyncadd.s32 $0xFFFFF800  }
0xd4: {  	_ =	swait.ge [sflag:s0], $0x800  }
0xd5: {  	s7 =	simm.s32 $0x200;
	s8 =	simm.s32 $0x1000;
	[sflag:s0] =	ssyncset.done $0x0  }
.LBB2_14:
0xd6: {  	s11 =	sadd.s32 $0x18900, s7  }
0xd7: {  	[sflag:s0] =	ssyncadd.s32 $0xFFFFF800;
	s9 =	smov.u32 s8;
	s10 =	sadd.s32 $0x800, s8  }
0xd8: {  	[tilespmem:s22], [sflag:$0x1] =	stream.indirect.gather [hbm4b:s1+s21], $0x10, s11, s21, $0xb8;
	[tilespmem:$0x1FB80] =	vst v63  }
0xd9: {  	p0 =	sne.s32 s8, $0x13800;
	s8 =	sadd.s32 $0x18980, s7  }
0xda: {  	[tilespmem:s23], [sflag:$0x2] =	stream.indirect.gather [hbm4b:s1+s21], $0x10, s8, s21, $0xb8;
	[tilespmem:$0x1FB80] =	vst v63  }
0xdb: {  	s8 =	sadd.s32 $0x18A00, s7  }
0xdc: {  	[tilespmem:s24], [sflag:$0x3] =	stream.indirect.gather [hbm4b:s1+s21], $0x10, s8, s21, $0xb8;
	[tilespmem:$0x1FB80] =	vst v63  }
0xdd: {  	s8 =	sadd.s32 $0x18A80, s7  }
0xde: {  	[tilespmem:s25], [sflag:$0x4] =	stream.indirect.gather [hbm4b:s1+s21], $0x10, s8, s21, $0xb8;
	[tilespmem:$0x1FB80] =	vst v63  }
0xdf: {  	_ =	swait.ge [sflag:s26], $0x800  }
0xe0: {  	[sflag:s26] =	ssyncset.done $0x0  }
0xe1: {  	s8 =	sadd.s32 $0x13900, s7;
	[sflag:s26] =	ssyncadd.s32 $0xFFFFF800  }
0xe2: {  	[spmem:s3] =	stream.indirect.scatter.add.f32 [tilespmem:s22], [sflag:$0x5], $0x10, s8, s21, $0xb8;
	[tilespmem:$0x1FB80] =	vst v63  }
0xe3: {  	_ =	swait.ge [sflag:s28], $0x800  }
0xe4: {  	[sflag:s28] =	ssyncset.done $0x0  }
0xe5: {  	s8 =	sadd.s32 $0x13980, s7;
	[sflag:s28] =	ssyncadd.s32 $0xFFFFF800  }
0xe6: {  	[spmem:s3] =	stream.indirect.scatter.add.f32 [tilespmem:s23], [sflag:$0x6], $0x10, s8, s21, $0xb8;
	[tilespmem:$0x1FB80] =	vst v63  }
0xe7: {  	_ =	swait.ge [sflag:s29], $0x800  }
0xe8: {  	[sflag:s29] =	ssyncset.done $0x0  }
0xe9: {  	s8 =	sadd.s32 $0x13A00, s7;
	[sflag:s29] =	ssyncadd.s32 $0xFFFFF800  }
0xea: {  	[spmem:s3] =	stream.indirect.scatter.add.f32 [tilespmem:s24], [sflag:$0x7], $0x10, s8, s21, $0xb8;
	[tilespmem:$0x1FB80] =	vst v63  }
0xeb: {  	_ =	swait.ge [sflag:s30], $0x800  }
0xec: {  	[sflag:s30] =	ssyncset.done $0x0  }
0xed: {  	s7 =	sadd.s32 $0x13A80, s7;
	[sflag:s30] =	ssyncadd.s32 $0xFFFFF800  }
0xee: {  	[spmem:s3] =	stream.indirect.scatter.add.f32 [tilespmem:s25], [sflag:$0x8], $0x10, s7, s21, $0xb8;
	[tilespmem:$0x1FB80] =	vst v63  }
0xef: {  	_ =	swait.ge [sflag:s31], $0x800  }
0xf0: {  	[sflag:s31] =	ssyncset.done $0x0  }
0xf1: {  	[sflag:s31] =	ssyncadd.s32 $0xFFFFF800  }
0xf2: {  	_ =	swait.ge [sflag:s2], $0x800  }
0xf3: {  	[sflag:s2] =	ssyncset.done $0x0  }
0xf4: {  	[sflag:s2] =	ssyncadd.s32 $0xFFFFF800  }
.Ltmp6:
0xf5: {  	_ =	swait.ge [sflag:s17], $0x800;
	(pc) =	sbr.rel @p0 .LBB2_14-.Ltmp6, $4  }
0xf6: {  	[sflag:s17] =	ssyncset.done $0x0  }
0xf7: {  	[sflag:s17] =	ssyncadd.s32 $0xFFFFF800  }
0xf8: {  	_ =	swait.ge [sflag:s0], $0x800  }
0xf9: {  	s8 =	smov.u32 s10;
	s7 =	sshra.s32 s9, $0x2;
	[sflag:s0] =	ssyncset.done $0x0  }
0xfa: {  	s8 =	sadd.s32 $0x18900, s7;
	[sflag:s0] =	ssyncadd.s32 $0xFFFFF800  }
0xfb: {  	[tilespmem:s22], [sflag:$0x1] =	stream.indirect.gather [hbm4b:s1+s21], $0x10, s8, s21, $0xb8;
	[tilespmem:$0x1FB80] =	vst v63  }
0xfc: {  	s10 =	sadd.s32 $0x18980, s7  }
0xfd: {  	[tilespmem:s23], [sflag:$0x2] =	stream.indirect.gather [hbm4b:s1+s21], $0x10, s10, s21, $0xb8;
	[tilespmem:$0x1FB80] =	vst v63  }
0xfe: {  	s11 =	sadd.s32 $0x18A00, s7  }
0xff: {  	[tilespmem:s24], [sflag:$0x3] =	stream.indirect.gather [hbm4b:s1+s21], $0x10, s11, s21, $0xb8;
	[tilespmem:$0x1FB80] =	vst v63  }
0x100: {  	s9 =	sadd.s32 $0x18A80, s7  }
0x101: {  	[tilespmem:s25], [sflag:$0x4] =	stream.indirect.gather [hbm4b:s1+s21], $0x10, s9, s21, $0xb8;
	[tilespmem:$0x1FB80] =	vst v63  }
0x102: {  	_ =	swait.ge [sflag:s26], $0x800  }
0x103: {  	[sflag:s26] =	ssyncset.done $0x0  }
0x104: {  	s10 =	sadd.s32 $0x13900, s7;
	[sflag:s26] =	ssyncadd.s32 $0xFFFFF800  }
0x105: {  	[spmem:s3] =	stream.indirect.scatter.add.f32 [tilespmem:s22], [sflag:$0x5], $0x10, s10, s21, $0xb8;
	[tilespmem:$0x1FB80] =	vst v63  }
0x106: {  	_ =	swait.ge [sflag:s28], $0x800  }
0x107: {  	[sflag:s28] =	ssyncset.done $0x0  }
0x108: {  	s11 =	sadd.s32 $0x13980, s7;
	[sflag:s28] =	ssyncadd.s32 $0xFFFFF800  }
0x109: {  	[spmem:s3] =	stream.indirect.scatter.add.f32 [tilespmem:s23], [sflag:$0x6], $0x10, s11, s21, $0xb8;
	[tilespmem:$0x1FB80] =	vst v63  }
0x10a: {  	_ =	swait.ge [sflag:s29], $0x800  }
0x10b: {  	[sflag:s29] =	ssyncset.done $0x0  }
0x10c: {  	s9 =	sadd.s32 $0x13A00, s7;
	[sflag:s29] =	ssyncadd.s32 $0xFFFFF800  }
0x10d: {  	[spmem:s3] =	stream.indirect.scatter.add.f32 [tilespmem:s24], [sflag:$0x7], $0x10, s9, s21, $0xb8;
	[tilespmem:$0x1FB80] =	vst v63  }
0x10e: {  	_ =	swait.ge [sflag:s30], $0x800  }
0x10f: {  	[sflag:s30] =	ssyncset.done $0x0  }
0x110: {  	s10 =	sadd.s32 $0x13A80, s7;
	[sflag:s30] =	ssyncadd.s32 $0xFFFFF800  }
0x111: {  	[spmem:s3] =	stream.indirect.scatter.add.f32 [tilespmem:s25], [sflag:$0x8], $0x10, s10, s21, $0xb8;
	[tilespmem:$0x1FB80] =	vst v63  }
0x112: {  	_ =	swait.ge [sflag:s31], $0x800  }
0x113: {  	[sflag:s31] =	ssyncset.done $0x0  }
0x114: {  	[sflag:s31] =	ssyncadd.s32 $0xFFFFF800  }
0x115: {  	_ =	swait.ge [sflag:s2], $0x800  }
0x116: {  	[sflag:s2] =	ssyncset.done $0x0  }
0x117: {  	[sflag:s2] =	ssyncadd.s32 $0xFFFFF800  }
0x118: {  	_ =	swait.ge [sflag:s17], $0x800  }
0x119: {  	[sflag:s17] =	ssyncset.done $0x0  }
0x11a: {  	[sflag:s17] =	ssyncadd.s32 $0xFFFFF800  }
0x11b: {  	_ =	swait.ge [sflag:s0], $0x800  }
0x11c: {  	[sflag:s0] =	ssyncset.done $0x0  }
0x11d: {  	[sflag:s0] =	ssyncadd.s32 $0xFFFFF800  }
0x11e: {  	[bflag:$0x0] =	sbarrier.arrive $0xFFFF  }
0x11f: {  	s11 =	rddreg [dreg:$0xa]  }
0x120: {  	[hbm:s11@s4], [sflag:s5] =	dma.strided [spmem:s6@s28], $0x2710, s26, $0x2   }
0x121: {  	_ =	swait.ge [sflag:s18], $0x2710  }
0x122: {  	[sflag:s18] =	ssyncset.done $0x0  }
0x123: {  	s7 =	simm.s32 $0x0;
	[sflag:s18] =	ssyncadd.s32 $0xFFFFD8F0  }
0x124: {  	v5 =	vld [tilespmem:s7+$0x18900]  }
0x125: {  	v7 =	vld [tilespmem:s7+$0x18910]  }
0x126: {  	v6 =	vld [tilespmem:s7+$0x18920]  }
0x127: {  	v4 =	vld [tilespmem:s7+$0x18930]  }
0x128: {  	v3 =	vld [tilespmem:s7+$0x18940]  }
0x129: {  	v8 =	vadd.s32 $0x1, v5;
	v5 =	vld [tilespmem:s7+$0x18950]  }
0x12a: {  	s8 =	simm.s32 $0x200;
	[tilespmem:s7+$0x18900] =	vst v8;
	v8 =	vadd.s32 $0x1, v7;
	v7 =	vld [tilespmem:s7+$0x18960]  }
.LBB2_16:
0x12b: {  	s9 =	sshra.s32 s8, $0x2;
	p0 =	sne.s32 s8, $0x13E00;
	[tilespmem:s7+$0x18910] =	vst v8;
	v6 =	vadd.s32 $0x1, v6;
	v8 =	vld [tilespmem:s7+$0x18970]  }
0x12c: {  	v9 =	vld [tilespmem:s9+$0x18900];
	[tilespmem:s7+$0x18920] =	vst v6;
	v4 =	vadd.s32 $0x1, v4  }
0x12d: {  	v10 =	vld [tilespmem:s9+$0x18910];
	[tilespmem:s7+$0x18930] =	vst v4;
	v3 =	vadd.s32 $0x1, v3  }
.Ltmp7:
0x12e: {  	v6 =	vld [tilespmem:s9+$0x18920];
	[tilespmem:s7+$0x18940] =	vst v3;
	v3 =	vadd.s32 $0x1, v5;
	(pc) =	sbr.rel @p0 .LBB2_16-.Ltmp7, $4  }
0x12f: {  	v4 =	vld [tilespmem:s9+$0x18930];
	[tilespmem:s7+$0x18950] =	vst v3;
	v5 =	vadd.s32 $0x1, v7  }
0x130: {  	v3 =	vld [tilespmem:s9+$0x18940];
	[tilespmem:s7+$0x18960] =	vst v5;
	v7 =	vadd.s32 $0x1, v8  }
0x131: {  	v8 =	vadd.s32 $0x1, v9;
	v5 =	vld [tilespmem:s9+$0x18950];
	[tilespmem:s7+$0x18970] =	vst v7;
	s7 =	smov.u32 s9  }
0x132: {  	s8 =	sadd.s32 $0x200, s8;
	[tilespmem:s7+$0x18900] =	vst v8;
	v8 =	vadd.s32 $0x1, v10;
	v7 =	vld [tilespmem:s7+$0x18960]  }
0x133: {  	[tilespmem:s7+$0x18910] =	vst v8;
	v6 =	vadd.s32 $0x1, v6;
	v63 =	vld [tilespmem:s7+$0x18970]  }
0x134: {  	[tilespmem:s7+$0x18920] =	vst v6;
	v4 =	vadd.s32 $0x1, v4  }
0x135: {  	[tilespmem:s7+$0x18930] =	vst v4;
	v3 =	vadd.s32 $0x1, v3  }
0x136: {  	[tilespmem:s7+$0x18940] =	vst v3;
	v3 =	vadd.s32 $0x1, v5  }
0x137: {  	[tilespmem:s7+$0x18950] =	vst v3;
	v3 =	vadd.s32 $0x1, v7  }
0x138: {  	[tilespmem:s7+$0x18960] =	vst v3;
	v3 =	vadd.s32 $0x1, v63  }
0x139: {  	s11 =	sadd.s32 $0x0, s15;
	[tilespmem:s7+$0x18970] =	vst v3  }
0x13a: {  	[spmem:s11] =	stream.linear.scatter [tilespmem:s20], [sflag:$0x9], $0x280, $0x38;
	[tilespmem:$0x1FB80] =	vst v63  }
0x13b: {  	s7 =	simm.s32 $0xA00;
	_ =	swait.ge [sflag:s18], $0x280  }
.LBB2_18:
0x13c: {  	s8 =	sshra.s32 s7, $0x2;
	[sflag:s18] =	ssyncset.done $0x0;
	p0 =	sne.s32 s7, $0x4D800  }
.Ltmp8:
0x13d: {  	s8 =	sadd.s32 s8, s15;
	[sflag:s18] =	ssyncadd.s32 $0xFFFFFD80;
	(pc) =	sbr.rel @p0 .LBB2_18-.Ltmp8, $3  }
0x13e: {  	[spmem:s8] =	stream.linear.scatter [tilespmem:s20], [sflag:$0x9], $0x280, $0x38;
	[tilespmem:$0x1FB80] =	vst v63  }
0x13f: {  	s7 =	sadd.s32 $0xA00, s7;
	_ =	sdelay $0x1  }
0x140: {  	_ =	swait.ge [sflag:s18], $0x280  }
0x141: {  	[sflag:s18] =	ssyncset.done $0x0  }
0x142: {  	[sflag:s18] =	ssyncadd.s32 $0xFFFFFD80  }
0x143: {  	s7 =	simm.s32 $0x18900;
	[bflag:$0x0] =	sbarrier.arrive $0xFFFF  }
0x144: {  	[tilespmem:s22], [sflag:$0x1] =	stream.indirect.gather [hbm4b:s1+s21], $0x10, s7, s21, $0xb8;
	[tilespmem:$0x1FB80] =	vst v63  }
0x145: {  	s9 =	simm.s32 $0x18980  }
0x146: {  	[tilespmem:s23], [sflag:$0x2] =	stream.indirect.gather [hbm4b:s1+s21], $0x10, s9, s21, $0xb8;
	[tilespmem:$0x1FB80] =	vst v63  }
0x147: {  	s10 =	simm.s32 $0x18A00  }
0x148: {  	[tilespmem:s24], [sflag:$0x3] =	stream.indirect.gather [hbm4b:s1+s21], $0x10, s10, s21, $0xb8;
	[tilespmem:$0x1FB80] =	vst v63  }
0x149: {  	s11 =	simm.s32 $0x18A80  }
0x14a: {  	[tilespmem:s25], [sflag:$0x4] =	stream.indirect.gather [hbm4b:s1+s21], $0x10, s11, s21, $0xb8;
	[tilespmem:$0x1FB80] =	vst v63  }
0x14b: {  	_ =	swait.ge [sflag:s26], $0x800  }
0x14c: {  	[sflag:s26] =	ssyncset.done $0x0  }
0x14d: {  	s8 =	simm.s32 $0x13900;
	[sflag:s26] =	ssyncadd.s32 $0xFFFFF800  }
0x14e: {  	[spmem:s3] =	stream.indirect.scatter.add.f32 [tilespmem:s22], [sflag:$0x5], $0x10, s8, s21, $0xb8;
	[tilespmem:$0x1FB80] =	vst v63  }
0x14f: {  	_ =	swait.ge [sflag:s28], $0x800  }
0x150: {  	[sflag:s28] =	ssyncset.done $0x0  }
0x151: {  	s9 =	simm.s32 $0x13980;
	[sflag:s28] =	ssyncadd.s32 $0xFFFFF800  }
0x152: {  	[spmem:s3] =	stream.indirect.scatter.add.f32 [tilespmem:s23], [sflag:$0x6], $0x10, s9, s21, $0xb8;
	[tilespmem:$0x1FB80] =	vst v63  }
0x153: {  	_ =	swait.ge [sflag:s29], $0x800  }
0x154: {  	[sflag:s29] =	ssyncset.done $0x0  }
0x155: {  	s10 =	simm.s32 $0x13A00;
	[sflag:s29] =	ssyncadd.s32 $0xFFFFF800  }
0x156: {  	[spmem:s3] =	stream.indirect.scatter.add.f32 [tilespmem:s24], [sflag:$0x7], $0x10, s10, s21, $0xb8;
	[tilespmem:$0x1FB80] =	vst v63  }
0x157: {  	_ =	swait.ge [sflag:s30], $0x800  }
0x158: {  	[sflag:s30] =	ssyncset.done $0x0  }
0x159: {  	s11 =	simm.s32 $0x13A80;
	[sflag:s30] =	ssyncadd.s32 $0xFFFFF800  }
0x15a: {  	[spmem:s3] =	stream.indirect.scatter.add.f32 [tilespmem:s25], [sflag:$0x8], $0x10, s11, s21, $0xb8;
	[tilespmem:$0x1FB80] =	vst v63  }
0x15b: {  	_ =	swait.ge [sflag:s31], $0x800  }
0x15c: {  	[sflag:s31] =	ssyncset.done $0x0  }
0x15d: {  	[sflag:s31] =	ssyncadd.s32 $0xFFFFF800  }
0x15e: {  	_ =	swait.ge [sflag:s2], $0x800  }
0x15f: {  	[sflag:s2] =	ssyncset.done $0x0  }
0x160: {  	[sflag:s2] =	ssyncadd.s32 $0xFFFFF800  }
0x161: {  	_ =	swait.ge [sflag:s17], $0x800  }
0x162: {  	[sflag:s17] =	ssyncset.done $0x0  }
0x163: {  	[sflag:s17] =	ssyncadd.s32 $0xFFFFF800  }
0x164: {  	_ =	swait.ge [sflag:s0], $0x800  }
0x165: {  	s7 =	simm.s32 $0x200;
	s10 =	simm.s32 $0x1000;
	[sflag:s0] =	ssyncset.done $0x0  }
.LBB2_20:
0x166: {  	s11 =	sadd.s32 $0x18900, s7  }
0x167: {  	[sflag:s0] =	ssyncadd.s32 $0xFFFFF800;
	s9 =	smov.u32 s10;
	s8 =	sadd.s32 $0x800, s10  }
0x168: {  	[tilespmem:s22], [sflag:$0x1] =	stream.indirect.gather [hbm4b:s1+s21], $0x10, s11, s21, $0xb8;
	[tilespmem:$0x1FB80] =	vst v63  }
0x169: {  	p0 =	sne.s32 s10, $0x13800;
	s10 =	sadd.s32 $0x18980, s7  }
0x16a: {  	[tilespmem:s23], [sflag:$0x2] =	stream.indirect.gather [hbm4b:s1+s21], $0x10, s10, s21, $0xb8;
	[tilespmem:$0x1FB80] =	vst v63  }
0x16b: {  	s10 =	sadd.s32 $0x18A00, s7  }
0x16c: {  	[tilespmem:s24], [sflag:$0x3] =	stream.indirect.gather [hbm4b:s1+s21], $0x10, s10, s21, $0xb8;
	[tilespmem:$0x1FB80] =	vst v63  }
0x16d: {  	s10 =	sadd.s32 $0x18A80, s7  }
0x16e: {  	[tilespmem:s25], [sflag:$0x4] =	stream.indirect.gather [hbm4b:s1+s21], $0x10, s10, s21, $0xb8;
	[tilespmem:$0x1FB80] =	vst v63  }
0x16f: {  	_ =	swait.ge [sflag:s26], $0x800  }
0x170: {  	[sflag:s26] =	ssyncset.done $0x0  }
0x171: {  	s10 =	sadd.s32 $0x13900, s7;
	[sflag:s26] =	ssyncadd.s32 $0xFFFFF800  }
0x172: {  	[spmem:s3] =	stream.indirect.scatter.add.f32 [tilespmem:s22], [sflag:$0x5], $0x10, s10, s21, $0xb8;
	[tilespmem:$0x1FB80] =	vst v63  }
0x173: {  	_ =	swait.ge [sflag:s28], $0x800  }
0x174: {  	[sflag:s28] =	ssyncset.done $0x0  }
0x175: {  	s10 =	sadd.s32 $0x13980, s7;
	[sflag:s28] =	ssyncadd.s32 $0xFFFFF800  }
0x176: {  	[spmem:s3] =	stream.indirect.scatter.add.f32 [tilespmem:s23], [sflag:$0x6], $0x10, s10, s21, $0xb8;
	[tilespmem:$0x1FB80] =	vst v63  }
0x177: {  	_ =	swait.ge [sflag:s29], $0x800  }
0x178: {  	[sflag:s29] =	ssyncset.done $0x0  }
0x179: {  	s10 =	sadd.s32 $0x13A00, s7;
	[sflag:s29] =	ssyncadd.s32 $0xFFFFF800  }
0x17a: {  	[spmem:s3] =	stream.indirect.scatter.add.f32 [tilespmem:s24], [sflag:$0x7], $0x10, s10, s21, $0xb8;
	[tilespmem:$0x1FB80] =	vst v63  }
0x17b: {  	_ =	swait.ge [sflag:s30], $0x800  }
0x17c: {  	[sflag:s30] =	ssyncset.done $0x0  }
0x17d: {  	s7 =	sadd.s32 $0x13A80, s7;
	[sflag:s30] =	ssyncadd.s32 $0xFFFFF800  }
0x17e: {  	[spmem:s3] =	stream.indirect.scatter.add.f32 [tilespmem:s25], [sflag:$0x8], $0x10, s7, s21, $0xb8;
	[tilespmem:$0x1FB80] =	vst v63  }
0x17f: {  	_ =	swait.ge [sflag:s31], $0x800  }
0x180: {  	[sflag:s31] =	ssyncset.done $0x0  }
0x181: {  	[sflag:s31] =	ssyncadd.s32 $0xFFFFF800  }
0x182: {  	_ =	swait.ge [sflag:s2], $0x800  }
0x183: {  	[sflag:s2] =	ssyncset.done $0x0  }
0x184: {  	[sflag:s2] =	ssyncadd.s32 $0xFFFFF800  }
.Ltmp9:
0x185: {  	_ =	swait.ge [sflag:s17], $0x800;
	(pc) =	sbr.rel @p0 .LBB2_20-.Ltmp9, $4  }
0x186: {  	[sflag:s17] =	ssyncset.done $0x0  }
0x187: {  	[sflag:s17] =	ssyncadd.s32 $0xFFFFF800  }
0x188: {  	_ =	swait.ge [sflag:s0], $0x800  }
0x189: {  	s10 =	smov.u32 s8;
	s7 =	sshra.s32 s9, $0x2;
	[sflag:s0] =	ssyncset.done $0x0  }
0x18a: {  	s8 =	sadd.s32 $0x18900, s7;
	[sflag:s0] =	ssyncadd.s32 $0xFFFFF800  }
0x18b: {  	[tilespmem:s22], [sflag:$0x1] =	stream.indirect.gather [hbm4b:s1+s21], $0x10, s8, s21, $0xb8;
	[tilespmem:$0x1FB80] =	vst v63  }
0x18c: {  	s10 =	sadd.s32 $0x18980, s7  }
0x18d: {  	[tilespmem:s23], [sflag:$0x2] =	stream.indirect.gather [hbm4b:s1+s21], $0x10, s10, s21, $0xb8;
	[tilespmem:$0x1FB80] =	vst v63  }
0x18e: {  	s11 =	sadd.s32 $0x18A00, s7  }
0x18f: {  	[tilespmem:s24], [sflag:$0x3] =	stream.indirect.gather [hbm4b:s1+s21], $0x10, s11, s21, $0xb8;
	[tilespmem:$0x1FB80] =	vst v63  }
0x190: {  	s9 =	sadd.s32 $0x18A80, s7  }
0x191: {  	[tilespmem:s25], [sflag:$0x4] =	stream.indirect.gather [hbm4b:s1+s21], $0x10, s9, s21, $0xb8;
	[tilespmem:$0x1FB80] =	vst v63  }
0x192: {  	_ =	swait.ge [sflag:s26], $0x800  }
0x193: {  	[sflag:s26] =	ssyncset.done $0x0  }
0x194: {  	s10 =	sadd.s32 $0x13900, s7;
	[sflag:s26] =	ssyncadd.s32 $0xFFFFF800  }
0x195: {  	[spmem:s3] =	stream.indirect.scatter.add.f32 [tilespmem:s22], [sflag:$0x5], $0x10, s10, s21, $0xb8;
	[tilespmem:$0x1FB80] =	vst v63  }
0x196: {  	_ =	swait.ge [sflag:s28], $0x800  }
0x197: {  	[sflag:s28] =	ssyncset.done $0x0  }
0x198: {  	s11 =	sadd.s32 $0x13980, s7;
	[sflag:s28] =	ssyncadd.s32 $0xFFFFF800  }
0x199: {  	[spmem:s3] =	stream.indirect.scatter.add.f32 [tilespmem:s23], [sflag:$0x6], $0x10, s11, s21, $0xb8;
	[tilespmem:$0x1FB80] =	vst v63  }
0x19a: {  	_ =	swait.ge [sflag:s29], $0x800  }
0x19b: {  	[sflag:s29] =	ssyncset.done $0x0  }
0x19c: {  	s9 =	sadd.s32 $0x13A00, s7;
	[sflag:s29] =	ssyncadd.s32 $0xFFFFF800  }
0x19d: {  	[spmem:s3] =	stream.indirect.scatter.add.f32 [tilespmem:s24], [sflag:$0x7], $0x10, s9, s21, $0xb8;
	[tilespmem:$0x1FB80] =	vst v63  }
0x19e: {  	_ =	swait.ge [sflag:s30], $0x800  }
0x19f: {  	[sflag:s30] =	ssyncset.done $0x0  }
0x1a0: {  	s10 =	sadd.s32 $0x13A80, s7;
	[sflag:s30] =	ssyncadd.s32 $0xFFFFF800  }
0x1a1: {  	[spmem:s3] =	stream.indirect.scatter.add.f32 [tilespmem:s25], [sflag:$0x8], $0x10, s10, s21, $0xb8;
	[tilespmem:$0x1FB80] =	vst v63  }
0x1a2: {  	_ =	swait.ge [sflag:s31], $0x800  }
0x1a3: {  	[sflag:s31] =	ssyncset.done $0x0  }
0x1a4: {  	[sflag:s31] =	ssyncadd.s32 $0xFFFFF800  }
0x1a5: {  	_ =	swait.ge [sflag:s2], $0x800  }
0x1a6: {  	[sflag:s2] =	ssyncset.done $0x0  }
0x1a7: {  	[sflag:s2] =	ssyncadd.s32 $0xFFFFF800  }
0x1a8: {  	_ =	swait.ge [sflag:s17], $0x800  }
0x1a9: {  	[sflag:s17] =	ssyncset.done $0x0  }
0x1aa: {  	[sflag:s17] =	ssyncadd.s32 $0xFFFFF800  }
0x1ab: {  	_ =	swait.ge [sflag:s0], $0x800  }
0x1ac: {  	[sflag:s0] =	ssyncset.done $0x0  }
0x1ad: {  	[sflag:s0] =	ssyncadd.s32 $0xFFFFF800  }
0x1ae: {  	[bflag:$0x0] =	sbarrier.arrive $0xFFFF  }
0x1af: {  	s11 =	rddreg [dreg:$0xb]  }
0x1b0: {  	[hbm:s11@s4], [sflag:s5] =	dma.strided [spmem:s6@s28], $0x2710, s26, $0x2   }
0x1b1: {  	_ =	swait.ge [sflag:s18], $0x2710  }
0x1b2: {  	[sflag:s18] =	ssyncset.done $0x0  }
0x1b3: {  	s7 =	simm.s32 $0x0;
	[sflag:s18] =	ssyncadd.s32 $0xFFFFD8F0  }
0x1b4: {  	v5 =	vld [tilespmem:s7+$0x18900]  }
0x1b5: {  	v7 =	vld [tilespmem:s7+$0x18910]  }
0x1b6: {  	v6 =	vld [tilespmem:s7+$0x18920]  }
0x1b7: {  	v4 =	vld [tilespmem:s7+$0x18930]  }
0x1b8: {  	v3 =	vld [tilespmem:s7+$0x18940]  }
0x1b9: {  	v8 =	vadd.s32 $0x1, v5;
	v5 =	vld [tilespmem:s7+$0x18950]  }
0x1ba: {  	s8 =	simm.s32 $0x200;
	[tilespmem:s7+$0x18900] =	vst v8;
	v8 =	vadd.s32 $0x1, v7;
	v7 =	vld [tilespmem:s7+$0x18960]  }
.LBB2_22:
0x1bb: {  	s9 =	sshra.s32 s8, $0x2;
	p0 =	sne.s32 s8, $0x13E00;
	[tilespmem:s7+$0x18910] =	vst v8;
	v6 =	vadd.s32 $0x1, v6;
	v8 =	vld [tilespmem:s7+$0x18970]  }
0x1bc: {  	v9 =	vld [tilespmem:s9+$0x18900];
	[tilespmem:s7+$0x18920] =	vst v6;
	v4 =	vadd.s32 $0x1, v4  }
0x1bd: {  	v10 =	vld [tilespmem:s9+$0x18910];
	[tilespmem:s7+$0x18930] =	vst v4;
	v3 =	vadd.s32 $0x1, v3  }
.Ltmp10:
0x1be: {  	v6 =	vld [tilespmem:s9+$0x18920];
	[tilespmem:s7+$0x18940] =	vst v3;
	v3 =	vadd.s32 $0x1, v5;
	(pc) =	sbr.rel @p0 .LBB2_22-.Ltmp10, $4  }
0x1bf: {  	v4 =	vld [tilespmem:s9+$0x18930];
	[tilespmem:s7+$0x18950] =	vst v3;
	v5 =	vadd.s32 $0x1, v7  }
0x1c0: {  	v3 =	vld [tilespmem:s9+$0x18940];
	[tilespmem:s7+$0x18960] =	vst v5;
	v7 =	vadd.s32 $0x1, v8  }
0x1c1: {  	v8 =	vadd.s32 $0x1, v9;
	v5 =	vld [tilespmem:s9+$0x18950];
	[tilespmem:s7+$0x18970] =	vst v7;
	s7 =	smov.u32 s9  }
0x1c2: {  	s8 =	sadd.s32 $0x200, s8;
	[tilespmem:s7+$0x18900] =	vst v8;
	v8 =	vadd.s32 $0x1, v10;
	v7 =	vld [tilespmem:s7+$0x18960]  }
0x1c3: {  	[tilespmem:s7+$0x18910] =	vst v8;
	v6 =	vadd.s32 $0x1, v6;
	v63 =	vld [tilespmem:s7+$0x18970]  }
0x1c4: {  	[tilespmem:s7+$0x18920] =	vst v6;
	v4 =	vadd.s32 $0x1, v4  }
0x1c5: {  	[tilespmem:s7+$0x18930] =	vst v4;
	v3 =	vadd.s32 $0x1, v3  }
0x1c6: {  	[tilespmem:s7+$0x18940] =	vst v3;
	v3 =	vadd.s32 $0x1, v5  }
0x1c7: {  	[tilespmem:s7+$0x18950] =	vst v3;
	v3 =	vadd.s32 $0x1, v7  }
0x1c8: {  	[tilespmem:s7+$0x18960] =	vst v3;
	v3 =	vadd.s32 $0x1, v63  }
0x1c9: {  	s11 =	sadd.s32 $0x0, s15;
	[tilespmem:s7+$0x18970] =	vst v3  }
0x1ca: {  	[spmem:s11] =	stream.linear.scatter [tilespmem:s20], [sflag:$0x9], $0x280, $0x38;
	[tilespmem:$0x1FB80] =	vst v63  }
0x1cb: {  	s7 =	simm.s32 $0xA00;
	_ =	swait.ge [sflag:s18], $0x280  }
.LBB2_24:
0x1cc: {  	s8 =	sshra.s32 s7, $0x2;
	[sflag:s18] =	ssyncset.done $0x0;
	p0 =	sne.s32 s7, $0x4D800  }
.Ltmp11:
0x1cd: {  	s8 =	sadd.s32 s8, s15;
	[sflag:s18] =	ssyncadd.s32 $0xFFFFFD80;
	(pc) =	sbr.rel @p0 .LBB2_24-.Ltmp11, $3  }
0x1ce: {  	[spmem:s8] =	stream.linear.scatter [tilespmem:s20], [sflag:$0x9], $0x280, $0x38;
	[tilespmem:$0x1FB80] =	vst v63  }
0x1cf: {  	s7 =	sadd.s32 $0xA00, s7;
	_ =	sdelay $0x1  }
0x1d0: {  	_ =	swait.ge [sflag:s18], $0x280  }
0x1d1: {  	[sflag:s18] =	ssyncset.done $0x0  }
0x1d2: {  	[sflag:s18] =	ssyncadd.s32 $0xFFFFFD80  }
0x1d3: {  	s7 =	simm.s32 $0x18900;
	[bflag:$0x0] =	sbarrier.arrive $0xFFFF  }
0x1d4: {  	[tilespmem:s22], [sflag:$0x1] =	stream.indirect.gather [hbm4b:s1+s21], $0x10, s7, s21, $0xb8;
	[tilespmem:$0x1FB80] =	vst v63  }
0x1d5: {  	s9 =	simm.s32 $0x18980  }
0x1d6: {  	[tilespmem:s23], [sflag:$0x2] =	stream.indirect.gather [hbm4b:s1+s21], $0x10, s9, s21, $0xb8;
	[tilespmem:$0x1FB80] =	vst v63  }
0x1d7: {  	s10 =	simm.s32 $0x18A00  }
0x1d8: {  	[tilespmem:s24], [sflag:$0x3] =	stream.indirect.gather [hbm4b:s1+s21], $0x10, s10, s21, $0xb8;
	[tilespmem:$0x1FB80] =	vst v63  }
0x1d9: {  	s11 =	simm.s32 $0x18A80  }
0x1da: {  	[tilespmem:s25], [sflag:$0x4] =	stream.indirect.gather [hbm4b:s1+s21], $0x10, s11, s21, $0xb8;
	[tilespmem:$0x1FB80] =	vst v63  }
0x1db: {  	_ =	swait.ge [sflag:s26], $0x800  }
0x1dc: {  	[sflag:s26] =	ssyncset.done $0x0  }
0x1dd: {  	s8 =	simm.s32 $0x13900;
	[sflag:s26] =	ssyncadd.s32 $0xFFFFF800  }
0x1de: {  	[spmem:s3] =	stream.indirect.scatter.add.f32 [tilespmem:s22], [sflag:$0x5], $0x10, s8, s21, $0xb8;
	[tilespmem:$0x1FB80] =	vst v63  }
0x1df: {  	_ =	swait.ge [sflag:s28], $0x800  }
0x1e0: {  	[sflag:s28] =	ssyncset.done $0x0  }
0x1e1: {  	s9 =	simm.s32 $0x13980;
	[sflag:s28] =	ssyncadd.s32 $0xFFFFF800  }
0x1e2: {  	[spmem:s3] =	stream.indirect.scatter.add.f32 [tilespmem:s23], [sflag:$0x6], $0x10, s9, s21, $0xb8;
	[tilespmem:$0x1FB80] =	vst v63  }
0x1e3: {  	_ =	swait.ge [sflag:s29], $0x800  }
0x1e4: {  	[sflag:s29] =	ssyncset.done $0x0  }
0x1e5: {  	s10 =	simm.s32 $0x13A00;
	[sflag:s29] =	ssyncadd.s32 $0xFFFFF800  }
0x1e6: {  	[spmem:s3] =	stream.indirect.scatter.add.f32 [tilespmem:s24], [sflag:$0x7], $0x10, s10, s21, $0xb8;
	[tilespmem:$0x1FB80] =	vst v63  }
0x1e7: {  	_ =	swait.ge [sflag:s30], $0x800  }
0x1e8: {  	[sflag:s30] =	ssyncset.done $0x0  }
0x1e9: {  	s11 =	simm.s32 $0x13A80;
	[sflag:s30] =	ssyncadd.s32 $0xFFFFF800  }
0x1ea: {  	[spmem:s3] =	stream.indirect.scatter.add.f32 [tilespmem:s25], [sflag:$0x8], $0x10, s11, s21, $0xb8;
	[tilespmem:$0x1FB80] =	vst v63  }
0x1eb: {  	_ =	swait.ge [sflag:s31], $0x800  }
0x1ec: {  	[sflag:s31] =	ssyncset.done $0x0  }
0x1ed: {  	[sflag:s31] =	ssyncadd.s32 $0xFFFFF800  }
0x1ee: {  	_ =	swait.ge [sflag:s2], $0x800  }
0x1ef: {  	[sflag:s2] =	ssyncset.done $0x0  }
0x1f0: {  	[sflag:s2] =	ssyncadd.s32 $0xFFFFF800  }
0x1f1: {  	_ =	swait.ge [sflag:s17], $0x800  }
0x1f2: {  	[sflag:s17] =	ssyncset.done $0x0  }
0x1f3: {  	[sflag:s17] =	ssyncadd.s32 $0xFFFFF800  }
0x1f4: {  	_ =	swait.ge [sflag:s0], $0x800  }
0x1f5: {  	s7 =	simm.s32 $0x200;
	s10 =	simm.s32 $0x1000;
	[sflag:s0] =	ssyncset.done $0x0  }
.LBB2_26:
0x1f6: {  	s11 =	sadd.s32 $0x18900, s7  }
0x1f7: {  	[sflag:s0] =	ssyncadd.s32 $0xFFFFF800;
	s9 =	smov.u32 s10;
	s8 =	sadd.s32 $0x800, s10  }
0x1f8: {  	[tilespmem:s22], [sflag:$0x1] =	stream.indirect.gather [hbm4b:s1+s21], $0x10, s11, s21, $0xb8;
	[tilespmem:$0x1FB80] =	vst v63  }
0x1f9: {  	p0 =	sne.s32 s10, $0x13800;
	s10 =	sadd.s32 $0x18980, s7  }
0x1fa: {  	[tilespmem:s23], [sflag:$0x2] =	stream.indirect.gather [hbm4b:s1+s21], $0x10, s10, s21, $0xb8;
	[tilespmem:$0x1FB80] =	vst v63  }
0x1fb: {  	s10 =	sadd.s32 $0x18A00, s7  }
0x1fc: {  	[tilespmem:s24], [sflag:$0x3] =	stream.indirect.gather [hbm4b:s1+s21], $0x10, s10, s21, $0xb8;
	[tilespmem:$0x1FB80] =	vst v63  }
0x1fd: {  	s10 =	sadd.s32 $0x18A80, s7  }
0x1fe: {  	[tilespmem:s25], [sflag:$0x4] =	stream.indirect.gather [hbm4b:s1+s21], $0x10, s10, s21, $0xb8;
	[tilespmem:$0x1FB80] =	vst v63  }
0x1ff: {  	_ =	swait.ge [sflag:s26], $0x800  }
0x200: {  	[sflag:s26] =	ssyncset.done $0x0  }
0x201: {  	s10 =	sadd.s32 $0x13900, s7;
	[sflag:s26] =	ssyncadd.s32 $0xFFFFF800  }
0x202: {  	[spmem:s3] =	stream.indirect.scatter.add.f32 [tilespmem:s22], [sflag:$0x5], $0x10, s10, s21, $0xb8;
	[tilespmem:$0x1FB80] =	vst v63  }
0x203: {  	_ =	swait.ge [sflag:s28], $0x800  }
0x204: {  	[sflag:s28] =	ssyncset.done $0x0  }
0x205: {  	s10 =	sadd.s32 $0x13980, s7;
	[sflag:s28] =	ssyncadd.s32 $0xFFFFF800  }
0x206: {  	[spmem:s3] =	stream.indirect.scatter.add.f32 [tilespmem:s23], [sflag:$0x6], $0x10, s10, s21, $0xb8;
	[tilespmem:$0x1FB80] =	vst v63  }
0x207: {  	_ =	swait.ge [sflag:s29], $0x800  }
0x208: {  	[sflag:s29] =	ssyncset.done $0x0  }
0x209: {  	s10 =	sadd.s32 $0x13A00, s7;
	[sflag:s29] =	ssyncadd.s32 $0xFFFFF800  }
0x20a: {  	[spmem:s3] =	stream.indirect.scatter.add.f32 [tilespmem:s24], [sflag:$0x7], $0x10, s10, s21, $0xb8;
	[tilespmem:$0x1FB80] =	vst v63  }
0x20b: {  	_ =	swait.ge [sflag:s30], $0x800  }
0x20c: {  	[sflag:s30] =	ssyncset.done $0x0  }
0x20d: {  	s7 =	sadd.s32 $0x13A80, s7;
	[sflag:s30] =	ssyncadd.s32 $0xFFFFF800  }
0x20e: {  	[spmem:s3] =	stream.indirect.scatter.add.f32 [tilespmem:s25], [sflag:$0x8], $0x10, s7, s21, $0xb8;
	[tilespmem:$0x1FB80] =	vst v63  }
0x20f: {  	_ =	swait.ge [sflag:s31], $0x800  }
0x210: {  	[sflag:s31] =	ssyncset.done $0x0  }
0x211: {  	[sflag:s31] =	ssyncadd.s32 $0xFFFFF800  }
0x212: {  	_ =	swait.ge [sflag:s2], $0x800  }
0x213: {  	[sflag:s2] =	ssyncset.done $0x0  }
0x214: {  	[sflag:s2] =	ssyncadd.s32 $0xFFFFF800  }
.Ltmp12:
0x215: {  	_ =	swait.ge [sflag:s17], $0x800;
	(pc) =	sbr.rel @p0 .LBB2_26-.Ltmp12, $4  }
0x216: {  	[sflag:s17] =	ssyncset.done $0x0  }
0x217: {  	[sflag:s17] =	ssyncadd.s32 $0xFFFFF800  }
0x218: {  	_ =	swait.ge [sflag:s0], $0x800  }
0x219: {  	s10 =	smov.u32 s8;
	s7 =	sshra.s32 s9, $0x2;
	[sflag:s0] =	ssyncset.done $0x0  }
0x21a: {  	s8 =	sadd.s32 $0x18900, s7;
	[sflag:s0] =	ssyncadd.s32 $0xFFFFF800  }
0x21b: {  	[tilespmem:s22], [sflag:$0x1] =	stream.indirect.gather [hbm4b:s1+s21], $0x10, s8, s21, $0xb8;
	[tilespmem:$0x1FB80] =	vst v63  }
0x21c: {  	s11 =	sadd.s32 $0x18980, s7  }
0x21d: {  	[tilespmem:s23], [sflag:$0x2] =	stream.indirect.gather [hbm4b:s1+s21], $0x10, s11, s21, $0xb8;
	[tilespmem:$0x1FB80] =	vst v63  }
0x21e: {  	s9 =	sadd.s32 $0x18A00, s7  }
0x21f: {  	[tilespmem:s24], [sflag:$0x3] =	stream.indirect.gather [hbm4b:s1+s21], $0x10, s9, s21, $0xb8;
	[tilespmem:$0x1FB80] =	vst v63  }
0x220: {  	s10 =	sadd.s32 $0x18A80, s7  }
0x221: {  	[tilespmem:s25], [sflag:$0x4] =	stream.indirect.gather [hbm4b:s1+s21], $0x10, s10, s21, $0xb8;
	[tilespmem:$0x1FB80] =	vst v63  }
0x222: {  	_ =	swait.ge [sflag:s26], $0x800  }
0x223: {  	[sflag:s26] =	ssyncset.done $0x0  }
0x224: {  	s11 =	sadd.s32 $0x13900, s7;
	[sflag:s26] =	ssyncadd.s32 $0xFFFFF800  }
0x225: {  	[spmem:s3] =	stream.indirect.scatter.add.f32 [tilespmem:s22], [sflag:$0x5], $0x10, s11, s21, $0xb8;
	[tilespmem:$0x1FB80] =	vst v63  }
0x226: {  	_ =	swait.ge [sflag:s28], $0x800  }
0x227: {  	[sflag:s28] =	ssyncset.done $0x0  }
0x228: {  	s9 =	sadd.s32 $0x13980, s7;
	[sflag:s28] =	ssyncadd.s32 $0xFFFFF800  }
0x229: {  	[spmem:s3] =	stream.indirect.scatter.add.f32 [tilespmem:s23], [sflag:$0x6], $0x10, s9, s21, $0xb8;
	[tilespmem:$0x1FB80] =	vst v63  }
0x22a: {  	_ =	swait.ge [sflag:s29], $0x800  }
0x22b: {  	[sflag:s29] =	ssyncset.done $0x0  }
0x22c: {  	s10 =	sadd.s32 $0x13A00, s7;
	[sflag:s29] =	ssyncadd.s32 $0xFFFFF800  }
0x22d: {  	[spmem:s3] =	stream.indirect.scatter.add.f32 [tilespmem:s24], [sflag:$0x7], $0x10, s10, s21, $0xb8;
	[tilespmem:$0x1FB80] =	vst v63  }
0x22e: {  	_ =	swait.ge [sflag:s30], $0x800  }
0x22f: {  	[sflag:s30] =	ssyncset.done $0x0  }
0x230: {  	s11 =	sadd.s32 $0x13A80, s7;
	[sflag:s30] =	ssyncadd.s32 $0xFFFFF800  }
0x231: {  	[spmem:s3] =	stream.indirect.scatter.add.f32 [tilespmem:s25], [sflag:$0x8], $0x10, s11, s21, $0xb8;
	[tilespmem:$0x1FB80] =	vst v63  }
0x232: {  	_ =	swait.ge [sflag:s31], $0x800  }
0x233: {  	[sflag:s31] =	ssyncset.done $0x0  }
0x234: {  	[sflag:s31] =	ssyncadd.s32 $0xFFFFF800  }
0x235: {  	_ =	swait.ge [sflag:s2], $0x800  }
0x236: {  	[sflag:s2] =	ssyncset.done $0x0  }
0x237: {  	[sflag:s2] =	ssyncadd.s32 $0xFFFFF800  }
0x238: {  	_ =	swait.ge [sflag:s17], $0x800  }
0x239: {  	[sflag:s17] =	ssyncset.done $0x0  }
0x23a: {  	[sflag:s17] =	ssyncadd.s32 $0xFFFFF800  }
0x23b: {  	_ =	swait.ge [sflag:s0], $0x800  }
0x23c: {  	[sflag:s0] =	ssyncset.done $0x0  }
0x23d: {  	[sflag:s0] =	ssyncadd.s32 $0xFFFFF800  }
0x23e: {  	[bflag:$0x0] =	sbarrier.arrive $0xFFFF  }
0x23f: {  	[hbm:s12@s4], [sflag:s5] =	dma.strided [spmem:s6@s28], $0x2710, s26, $0x2   }
0x240: {  	_ =	swait.ge [sflag:s18], $0x2710  }
0x241: {  	[sflag:s18] =	ssyncset.done $0x0  }
0x242: {  	s7 =	simm.s32 $0x0;
	[sflag:s18] =	ssyncadd.s32 $0xFFFFD8F0  }
0x243: {  	v5 =	vld [tilespmem:s7+$0x18900]  }
0x244: {  	v7 =	vld [tilespmem:s7+$0x18910]  }
0x245: {  	v6 =	vld [tilespmem:s7+$0x18920]  }
0x246: {  	v4 =	vld [tilespmem:s7+$0x18930]  }
0x247: {  	v3 =	vld [tilespmem:s7+$0x18940]  }
0x248: {  	v8 =	vadd.s32 $0x1, v5;
	v5 =	vld [tilespmem:s7+$0x18950]  }
0x249: {  	s8 =	simm.s32 $0x200;
	[tilespmem:s7+$0x18900] =	vst v8;
	v8 =	vadd.s32 $0x1, v7;
	v7 =	vld [tilespmem:s7+$0x18960]  }
.LBB2_28:
0x24a: {  	s9 =	sshra.s32 s8, $0x2;
	p0 =	sne.s32 s8, $0x13E00;
	[tilespmem:s7+$0x18910] =	vst v8;
	v6 =	vadd.s32 $0x1, v6;
	v8 =	vld [tilespmem:s7+$0x18970]  }
0x24b: {  	v9 =	vld [tilespmem:s9+$0x18900];
	[tilespmem:s7+$0x18920] =	vst v6;
	v4 =	vadd.s32 $0x1, v4  }
0x24c: {  	v10 =	vld [tilespmem:s9+$0x18910];
	[tilespmem:s7+$0x18930] =	vst v4;
	v3 =	vadd.s32 $0x1, v3  }
.Ltmp13:
0x24d: {  	v6 =	vld [tilespmem:s9+$0x18920];
	[tilespmem:s7+$0x18940] =	vst v3;
	v3 =	vadd.s32 $0x1, v5;
	(pc) =	sbr.rel @p0 .LBB2_28-.Ltmp13, $4  }
0x24e: {  	v4 =	vld [tilespmem:s9+$0x18930];
	[tilespmem:s7+$0x18950] =	vst v3;
	v5 =	vadd.s32 $0x1, v7  }
0x24f: {  	v3 =	vld [tilespmem:s9+$0x18940];
	[tilespmem:s7+$0x18960] =	vst v5;
	v7 =	vadd.s32 $0x1, v8  }
0x250: {  	v8 =	vadd.s32 $0x1, v9;
	v5 =	vld [tilespmem:s9+$0x18950];
	[tilespmem:s7+$0x18970] =	vst v7;
	s7 =	smov.u32 s9  }
0x251: {  	s8 =	sadd.s32 $0x200, s8;
	[tilespmem:s7+$0x18900] =	vst v8;
	v8 =	vadd.s32 $0x1, v10;
	v7 =	vld [tilespmem:s7+$0x18960]  }
0x252: {  	[tilespmem:s7+$0x18910] =	vst v8;
	v6 =	vadd.s32 $0x1, v6;
	v63 =	vld [tilespmem:s7+$0x18970]  }
0x253: {  	[tilespmem:s7+$0x18920] =	vst v6;
	v4 =	vadd.s32 $0x1, v4  }
0x254: {  	[tilespmem:s7+$0x18930] =	vst v4;
	v3 =	vadd.s32 $0x1, v3  }
0x255: {  	[tilespmem:s7+$0x18940] =	vst v3;
	v3 =	vadd.s32 $0x1, v5  }
0x256: {  	[tilespmem:s7+$0x18950] =	vst v3;
	v3 =	vadd.s32 $0x1, v7  }
0x257: {  	[tilespmem:s7+$0x18960] =	vst v3;
	v3 =	vadd.s32 $0x1, v63  }
0x258: {  	s11 =	sadd.s32 $0x0, s15;
	[tilespmem:s7+$0x18970] =	vst v3  }
0x259: {  	[spmem:s11] =	stream.linear.scatter [tilespmem:s20], [sflag:$0x9], $0x280, $0x38;
	[tilespmem:$0x1FB80] =	vst v63  }
0x25a: {  	s7 =	simm.s32 $0xA00;
	_ =	swait.ge [sflag:s18], $0x280  }
.LBB2_30:
0x25b: {  	s8 =	sshra.s32 s7, $0x2;
	[sflag:s18] =	ssyncset.done $0x0;
	p0 =	sne.s32 s7, $0x4D800  }
.Ltmp14:
0x25c: {  	s8 =	sadd.s32 s8, s15;
	[sflag:s18] =	ssyncadd.s32 $0xFFFFFD80;
	(pc) =	sbr.rel @p0 .LBB2_30-.Ltmp14, $3  }
0x25d: {  	[spmem:s8] =	stream.linear.scatter [tilespmem:s20], [sflag:$0x9], $0x280, $0x38;
	[tilespmem:$0x1FB80] =	vst v63  }
0x25e: {  	s7 =	sadd.s32 $0xA00, s7;
	_ =	sdelay $0x1  }
0x25f: {  	_ =	swait.ge [sflag:s18], $0x280  }
0x260: {  	[sflag:s18] =	ssyncset.done $0x0  }
0x261: {  	[sflag:s18] =	ssyncadd.s32 $0xFFFFFD80  }
0x262: {  	s7 =	simm.s32 $0x18900;
	[bflag:$0x0] =	sbarrier.arrive $0xFFFF  }
0x263: {  	[tilespmem:s22], [sflag:$0x1] =	stream.indirect.gather [hbm4b:s1+s21], $0x10, s7, s21, $0xb8;
	[tilespmem:$0x1FB80] =	vst v63  }
0x264: {  	s9 =	simm.s32 $0x18980  }
0x265: {  	[tilespmem:s23], [sflag:$0x2] =	stream.indirect.gather [hbm4b:s1+s21], $0x10, s9, s21, $0xb8;
	[tilespmem:$0x1FB80] =	vst v63  }
0x266: {  	s10 =	simm.s32 $0x18A00  }
0x267: {  	[tilespmem:s24], [sflag:$0x3] =	stream.indirect.gather [hbm4b:s1+s21], $0x10, s10, s21, $0xb8;
	[tilespmem:$0x1FB80] =	vst v63  }
0x268: {  	s11 =	simm.s32 $0x18A80  }
0x269: {  	[tilespmem:s25], [sflag:$0x4] =	stream.indirect.gather [hbm4b:s1+s21], $0x10, s11, s21, $0xb8;
	[tilespmem:$0x1FB80] =	vst v63  }
0x26a: {  	_ =	swait.ge [sflag:s26], $0x800  }
0x26b: {  	[sflag:s26] =	ssyncset.done $0x0  }
0x26c: {  	s8 =	simm.s32 $0x13900;
	[sflag:s26] =	ssyncadd.s32 $0xFFFFF800  }
0x26d: {  	[spmem:s3] =	stream.indirect.scatter.add.f32 [tilespmem:s22], [sflag:$0x5], $0x10, s8, s21, $0xb8;
	[tilespmem:$0x1FB80] =	vst v63  }
0x26e: {  	_ =	swait.ge [sflag:s28], $0x800  }
0x26f: {  	[sflag:s28] =	ssyncset.done $0x0  }
0x270: {  	s9 =	simm.s32 $0x13980;
	[sflag:s28] =	ssyncadd.s32 $0xFFFFF800  }
0x271: {  	[spmem:s3] =	stream.indirect.scatter.add.f32 [tilespmem:s23], [sflag:$0x6], $0x10, s9, s21, $0xb8;
	[tilespmem:$0x1FB80] =	vst v63  }
0x272: {  	_ =	swait.ge [sflag:s29], $0x800  }
0x273: {  	[sflag:s29] =	ssyncset.done $0x0  }
0x274: {  	s10 =	simm.s32 $0x13A00;
	[sflag:s29] =	ssyncadd.s32 $0xFFFFF800  }
0x275: {  	[spmem:s3] =	stream.indirect.scatter.add.f32 [tilespmem:s24], [sflag:$0x7], $0x10, s10, s21, $0xb8;
	[tilespmem:$0x1FB80] =	vst v63  }
0x276: {  	_ =	swait.ge [sflag:s30], $0x800  }
0x277: {  	[sflag:s30] =	ssyncset.done $0x0  }
0x278: {  	s11 =	simm.s32 $0x13A80;
	[sflag:s30] =	ssyncadd.s32 $0xFFFFF800  }
0x279: {  	[spmem:s3] =	stream.indirect.scatter.add.f32 [tilespmem:s25], [sflag:$0x8], $0x10, s11, s21, $0xb8;
	[tilespmem:$0x1FB80] =	vst v63  }
0x27a: {  	_ =	swait.ge [sflag:s31], $0x800  }
0x27b: {  	[sflag:s31] =	ssyncset.done $0x0  }
0x27c: {  	[sflag:s31] =	ssyncadd.s32 $0xFFFFF800  }
0x27d: {  	_ =	swait.ge [sflag:s2], $0x800  }
0x27e: {  	[sflag:s2] =	ssyncset.done $0x0  }
0x27f: {  	[sflag:s2] =	ssyncadd.s32 $0xFFFFF800  }
0x280: {  	_ =	swait.ge [sflag:s17], $0x800  }
0x281: {  	[sflag:s17] =	ssyncset.done $0x0  }
0x282: {  	[sflag:s17] =	ssyncadd.s32 $0xFFFFF800  }
0x283: {  	_ =	swait.ge [sflag:s0], $0x800  }
0x284: {  	s7 =	simm.s32 $0x200;
	s10 =	simm.s32 $0x1000;
	[sflag:s0] =	ssyncset.done $0x0  }
.LBB2_32:
0x285: {  	s11 =	sadd.s32 $0x18900, s7  }
0x286: {  	[sflag:s0] =	ssyncadd.s32 $0xFFFFF800;
	s9 =	smov.u32 s10;
	s8 =	sadd.s32 $0x800, s10  }
0x287: {  	[tilespmem:s22], [sflag:$0x1] =	stream.indirect.gather [hbm4b:s1+s21], $0x10, s11, s21, $0xb8;
	[tilespmem:$0x1FB80] =	vst v63  }
0x288: {  	p0 =	sne.s32 s10, $0x13800;
	s10 =	sadd.s32 $0x18980, s7  }
0x289: {  	[tilespmem:s23], [sflag:$0x2] =	stream.indirect.gather [hbm4b:s1+s21], $0x10, s10, s21, $0xb8;
	[tilespmem:$0x1FB80] =	vst v63  }
0x28a: {  	s10 =	sadd.s32 $0x18A00, s7  }
0x28b: {  	[tilespmem:s24], [sflag:$0x3] =	stream.indirect.gather [hbm4b:s1+s21], $0x10, s10, s21, $0xb8;
	[tilespmem:$0x1FB80] =	vst v63  }
0x28c: {  	s10 =	sadd.s32 $0x18A80, s7  }
0x28d: {  	[tilespmem:s25], [sflag:$0x4] =	stream.indirect.gather [hbm4b:s1+s21], $0x10, s10, s21, $0xb8;
	[tilespmem:$0x1FB80] =	vst v63  }
0x28e: {  	_ =	swait.ge [sflag:s26], $0x800  }
0x28f: {  	[sflag:s26] =	ssyncset.done $0x0  }
0x290: {  	s10 =	sadd.s32 $0x13900, s7;
	[sflag:s26] =	ssyncadd.s32 $0xFFFFF800  }
0x291: {  	[spmem:s3] =	stream.indirect.scatter.add.f32 [tilespmem:s22], [sflag:$0x5], $0x10, s10, s21, $0xb8;
	[tilespmem:$0x1FB80] =	vst v63  }
0x292: {  	_ =	swait.ge [sflag:s28], $0x800  }
0x293: {  	[sflag:s28] =	ssyncset.done $0x0  }
0x294: {  	s10 =	sadd.s32 $0x13980, s7;
	[sflag:s28] =	ssyncadd.s32 $0xFFFFF800  }
0x295: {  	[spmem:s3] =	stream.indirect.scatter.add.f32 [tilespmem:s23], [sflag:$0x6], $0x10, s10, s21, $0xb8;
	[tilespmem:$0x1FB80] =	vst v63  }
0x296: {  	_ =	swait.ge [sflag:s29], $0x800  }
0x297: {  	[sflag:s29] =	ssyncset.done $0x0  }
0x298: {  	s10 =	sadd.s32 $0x13A00, s7;
	[sflag:s29] =	ssyncadd.s32 $0xFFFFF800  }
0x299: {  	[spmem:s3] =	stream.indirect.scatter.add.f32 [tilespmem:s24], [sflag:$0x7], $0x10, s10, s21, $0xb8;
	[tilespmem:$0x1FB80] =	vst v63  }
0x29a: {  	_ =	swait.ge [sflag:s30], $0x800  }
0x29b: {  	[sflag:s30] =	ssyncset.done $0x0  }
0x29c: {  	s7 =	sadd.s32 $0x13A80, s7;
	[sflag:s30] =	ssyncadd.s32 $0xFFFFF800  }
0x29d: {  	[spmem:s3] =	stream.indirect.scatter.add.f32 [tilespmem:s25], [sflag:$0x8], $0x10, s7, s21, $0xb8;
	[tilespmem:$0x1FB80] =	vst v63  }
0x29e: {  	_ =	swait.ge [sflag:s31], $0x800  }
0x29f: {  	[sflag:s31] =	ssyncset.done $0x0  }
0x2a0: {  	[sflag:s31] =	ssyncadd.s32 $0xFFFFF800  }
0x2a1: {  	_ =	swait.ge [sflag:s2], $0x800  }
0x2a2: {  	[sflag:s2] =	ssyncset.done $0x0  }
0x2a3: {  	[sflag:s2] =	ssyncadd.s32 $0xFFFFF800  }
.Ltmp15:
0x2a4: {  	_ =	swait.ge [sflag:s17], $0x800;
	(pc) =	sbr.rel @p0 .LBB2_32-.Ltmp15, $4  }
0x2a5: {  	[sflag:s17] =	ssyncset.done $0x0  }
0x2a6: {  	[sflag:s17] =	ssyncadd.s32 $0xFFFFF800  }
0x2a7: {  	_ =	swait.ge [sflag:s0], $0x800  }
0x2a8: {  	s10 =	smov.u32 s8;
	s7 =	sshra.s32 s9, $0x2;
	[sflag:s0] =	ssyncset.done $0x0  }
0x2a9: {  	s8 =	sadd.s32 $0x18900, s7;
	[sflag:s0] =	ssyncadd.s32 $0xFFFFF800  }
0x2aa: {  	[tilespmem:s22], [sflag:$0x1] =	stream.indirect.gather [hbm4b:s1+s21], $0x10, s8, s21, $0xb8;
	[tilespmem:$0x1FB80] =	vst v63  }
0x2ab: {  	s11 =	sadd.s32 $0x18980, s7  }
0x2ac: {  	[tilespmem:s23], [sflag:$0x2] =	stream.indirect.gather [hbm4b:s1+s21], $0x10, s11, s21, $0xb8;
	[tilespmem:$0x1FB80] =	vst v63  }
0x2ad: {  	s9 =	sadd.s32 $0x18A00, s7  }
0x2ae: {  	[tilespmem:s24], [sflag:$0x3] =	stream.indirect.gather [hbm4b:s1+s21], $0x10, s9, s21, $0xb8;
	[tilespmem:$0x1FB80] =	vst v63  }
0x2af: {  	s10 =	sadd.s32 $0x18A80, s7  }
0x2b0: {  	[tilespmem:s25], [sflag:$0x4] =	stream.indirect.gather [hbm4b:s1+s21], $0x10, s10, s21, $0xb8;
	[tilespmem:$0x1FB80] =	vst v63  }
0x2b1: {  	_ =	swait.ge [sflag:s26], $0x800  }
0x2b2: {  	[sflag:s26] =	ssyncset.done $0x0  }
0x2b3: {  	s11 =	sadd.s32 $0x13900, s7;
	[sflag:s26] =	ssyncadd.s32 $0xFFFFF800  }
0x2b4: {  	[spmem:s3] =	stream.indirect.scatter.add.f32 [tilespmem:s22], [sflag:$0x5], $0x10, s11, s21, $0xb8;
	[tilespmem:$0x1FB80] =	vst v63  }
0x2b5: {  	_ =	swait.ge [sflag:s28], $0x800  }
0x2b6: {  	[sflag:s28] =	ssyncset.done $0x0  }
0x2b7: {  	s9 =	sadd.s32 $0x13980, s7;
	[sflag:s28] =	ssyncadd.s32 $0xFFFFF800  }
0x2b8: {  	[spmem:s3] =	stream.indirect.scatter.add.f32 [tilespmem:s23], [sflag:$0x6], $0x10, s9, s21, $0xb8;
	[tilespmem:$0x1FB80] =	vst v63  }
0x2b9: {  	_ =	swait.ge [sflag:s29], $0x800  }
0x2ba: {  	[sflag:s29] =	ssyncset.done $0x0  }
0x2bb: {  	s10 =	sadd.s32 $0x13A00, s7;
	[sflag:s29] =	ssyncadd.s32 $0xFFFFF800  }
0x2bc: {  	[spmem:s3] =	stream.indirect.scatter.add.f32 [tilespmem:s24], [sflag:$0x7], $0x10, s10, s21, $0xb8;
	[tilespmem:$0x1FB80] =	vst v63  }
0x2bd: {  	_ =	swait.ge [sflag:s30], $0x800  }
0x2be: {  	[sflag:s30] =	ssyncset.done $0x0  }
0x2bf: {  	s11 =	sadd.s32 $0x13A80, s7;
	[sflag:s30] =	ssyncadd.s32 $0xFFFFF800  }
0x2c0: {  	[spmem:s3] =	stream.indirect.scatter.add.f32 [tilespmem:s25], [sflag:$0x8], $0x10, s11, s21, $0xb8;
	[tilespmem:$0x1FB80] =	vst v63  }
0x2c1: {  	_ =	swait.ge [sflag:s31], $0x800  }
0x2c2: {  	[sflag:s31] =	ssyncset.done $0x0  }
0x2c3: {  	[sflag:s31] =	ssyncadd.s32 $0xFFFFF800  }
0x2c4: {  	_ =	swait.ge [sflag:s2], $0x800  }
0x2c5: {  	[sflag:s2] =	ssyncset.done $0x0  }
0x2c6: {  	[sflag:s2] =	ssyncadd.s32 $0xFFFFF800  }
0x2c7: {  	_ =	swait.ge [sflag:s17], $0x800  }
0x2c8: {  	[sflag:s17] =	ssyncset.done $0x0  }
0x2c9: {  	[sflag:s17] =	ssyncadd.s32 $0xFFFFF800  }
0x2ca: {  	_ =	swait.ge [sflag:s0], $0x800  }
0x2cb: {  	s19 =	sadd.s32 $0x1, s19;
	[sflag:s0] =	ssyncset.done $0x0  }
0x2cc: {  	p0 =	sne.s32 s19, s14;
	[sflag:s0] =	ssyncadd.s32 $0xFFFFF800  }
.Ltmp16:
0x2cd: {  	[bflag:$0x0] =	sbarrier.arrive $0xFFFF;
	(pc) =	sbr.rel @p0 .LBB2_1-.Ltmp16, $4  }
0x2ce: {  	[hbm:s13@s4], [sflag:s5] =	dma.strided [spmem:s6@s28], $0x2710, s26, $0x2   }
0x2cf: {  	_ =	swait.ge [sflag:s18], $0x2710  }
0x2d0: {  	[sflag:s18] =	ssyncset.done $0x0  }
0x2d1: {  	s8 =	simm.s32 $0x18900;
	[sflag:s18] =	ssyncadd.s32 $0xFFFFD8F0  }
0x2d2: {  	_ =	sfence.sel $0x180000  }
0x2d3: {  	[bflag:$0x0] =	sbarrier.arrive $0xFFFF  }
0x2d4: {  	_ =	strace $0x90000047  }
0x2d5: {  	s0 =	stileid.u32;
	[bflag:$0x2] =	sbarrier.arrive $0xFFFF  }
0x2d6: {  	p0 =	sne.s32 s0, $0x0;
	s0 =	rddreg [dreg:$0x4]  }
0x2d7: {  	s0 =	sadd.s32 @!p0 $0x100000, s0  }
0x2d8: {  	[sflag:s0] =	ssyncadd.tile.s32 @!p0 $0x1;
	_ =	shalt  }
.Lfunc_end2:
_tile_overlayer_lowered:
.L_overlay_start_2:
0x2d9: {  	(tag) =	ssettag $0x2  }
0x2da: {  	s0 =	rddreg [dreg:$0x0];
	s2 =	stileid.u32  }
0x2db: {  	s1 =	rddreg [dreg:$0x1];
	p0 =	sne.s32 s2, $0x0  }
0x2dc: {  	s3 =	rddreg [dreg:$0x2];
	[bflag:$0x3] =	sbarrier.arrive $0xFFFF;
	s2 =	simm.s32 @!p0 $0x1C09  }
0x2dd: {  	[timem:s3], [sflag:s2] =	dma.local @!p0 [hbm:s0], s1  }
0x2de: {  	s0 =	simm.s32 @!p0 $0x9  }
0x2df: {  	_ =	swait.ge @!p0 [sflag:s0], s1  }
0x2e0: {  	s1 =	ssub.s32 @!p0 $0x0, s1;
	[sflag:s0] =	ssyncset.done @!p0 $0x0  }
0x2e1: {  	[sflag:s0] =	ssyncadd.s32 @!p0 s1  }
0x2e2: {  	[bflag:$0x3] =	sbarrier.arrive $0xFFFF  }
0x2e3: {  	_ =	shalt  }

</sc_bundles>
